<compile_context>
chip_gen: v7x
topology: tpu7x:2x2x1
jax: 0.10.2.dev20260603
libtpu: 0.0.44.dev20260713+nightly
codegen_flags: <defaults>
</compile_context>

<pallas_src>
import functools
import numpy as np
import jax
import jax.numpy as jnp
from jax import lax
from jax.experimental import pallas as pl
from jax.experimental.pallas import tpu as pltpu
from jax.experimental.pallas import tpu_sc as plsc

_N, _LQ, _C, _L, _M, _P = 4, 2048, 256, 4, 8, 4
_D = _C // _M
_LENS = (2048, 1024, 512, 256)
_LV = sum(_LENS)
_STARTS = (0, 2048, 3072, 3584)
_LP = _L * _P
_QC = 64
_QB = 512

_T_LANE = np.tile(np.repeat(np.array(_LENS, np.float32), _P), _M).reshape(1, 128)
_S_LANE = np.tile(np.repeat(np.array(_STARTS, np.int32), _P), _M).reshape(1, 128)
_SEL = np.zeros((_L, 128), np.float32)
for _lane in range(128):
    _SEL[(_lane % _LP) // _P, _lane] = 1.0


_RB = _LV // (_LQ // _QB)


def _out_kernel(h_ref, w_ref, b_ref, o_ref):
    h2 = jnp.concatenate([h_ref[0, m] for m in range(_M)], axis=-1)
    o_ref[0] = jnp.dot(h2, w_ref[...], preferred_element_type=jnp.float32,
                       precision=lax.Precision.HIGHEST) + b_ref[...]


def _out_proj(heads, wT, b, rb):
    return pl.pallas_call(
        _out_kernel,
        grid=(_N, _LQ // rb),
        in_specs=[
            pl.BlockSpec((1, _M, rb, _D), lambda n, i: (n, 0, i, 0)),
            pl.BlockSpec((_C, _C), lambda n, i: (0, 0)),
            pl.BlockSpec((1, _C), lambda n, i: (0, 0)),
        ],
        out_specs=pl.BlockSpec((1, rb, _C), lambda n, i: (n, i, 0)),
        out_shape=jax.ShapeDtypeStruct((_N, _LQ, _C), jnp.float32),
    )(heads, wT, b.reshape(1, _C))


def _prep_kernel(xf_ref, wvT_ref, bv_ref, q_ref, rp_ref, woffT_ref, boff_ref,
                 wattnT_ref, battn_ref, tlane_ref, slane_ref, sel_ref,
                 val_ref, loc_ref, aw_ref, p0_ref, p1_ref):
    y = jnp.dot(xf_ref[0], wvT_ref[...], preferred_element_type=jnp.float32,
                precision=lax.Precision.HIGHEST) + bv_ref[...]
    for m in range(_M):
        val_ref[0, m] = y[:, m * _D:(m + 1) * _D]

    q = q_ref[0]
    qb = q.shape[0]
    off = jnp.dot(q, woffT_ref[...], preferred_element_type=jnp.float32, precision=lax.Precision.HIGHEST) + boff_ref[...]
    a = jnp.dot(q, wattnT_ref[...], preferred_element_type=jnp.float32, precision=lax.Precision.HIGHEST) + battn_ref[...]
    a3 = a.reshape(qb, _M, _LP)
    amax = jnp.max(a3, axis=-1, keepdims=True)
    e = jnp.exp(a3 - amax)
    rs = 1.0 / jnp.sum(e, axis=-1, keepdims=True)
    aw = (e * rs).reshape(qb, 128)
    aw_ref[0] = aw

    t_lane = tlane_ref[...]
    ref_lane = jnp.dot(rp_ref[0], sel_ref[...],
                       preferred_element_type=jnp.float32, precision=lax.Precision.HIGHEST)
    loc = ref_lane + off / t_lane
    loc_ref[0] = loc

    xg = 2.0 * loc - 1.0
    x = ((xg + 1.0) * t_lane - 1.0) * 0.5
    x0 = jnp.floor(x)
    w1 = x - x0
    w0 = 1.0 - w1
    x0i = x0.astype(jnp.int32)
    x1i = x0i + 1
    tl_i = t_lane.astype(jnp.int32)
    s_lane = slane_ref[...]
    v0 = ((x0i >= 0) & (x0i < tl_i)).astype(jnp.float32)
    v1 = ((x1i >= 0) & (x1i < tl_i)).astype(jnp.float32)
    r0 = jnp.clip(x0i, 0, tl_i - 1) + s_lane
    r1 = jnp.clip(x1i, 0, tl_i - 1) + s_lane
    ww0 = aw * w0 * v0
    ww1 = aw * w1 * v1
    b0 = (lax.bitcast_convert_type(ww0, jnp.int32) + 0x8000) >> 16
    b1 = (lax.bitcast_convert_type(ww1, jnp.int32) + 0x8000) >> 16
    p0 = (r0 << 16) | (b0 & 0xFFFF)
    p1 = (r1 << 16) | (b1 & 0xFFFF)
    for m in range(_M):
        p0_ref[0, m] = p0[:, m * _LP:(m + 1) * _LP]
        p1_ref[0, m] = p1[:, m * _LP:(m + 1) * _LP]


def _prep(input_flatten, WvT, bv, query, refp, WoffT, boff, WattnT, battn):
    f32 = jnp.float32
    out_shapes = [
        jax.ShapeDtypeStruct((_N, _M, _LV, _D), f32),
        jax.ShapeDtypeStruct((_N, _LQ, 128), f32),
        jax.ShapeDtypeStruct((_N, _LQ, 128), f32),
        jax.ShapeDtypeStruct((_N, _M, _LQ, _LP), jnp.int32),
        jax.ShapeDtypeStruct((_N, _M, _LQ, _LP), jnp.int32),
    ]
    val_spec = pl.BlockSpec((1, _M, _RB, _D), lambda n, i: (n, 0, i, 0))
    vec_spec = pl.BlockSpec((1, _QB, 128), lambda n, i: (n, i, 0))
    hm_spec = pl.BlockSpec((1, _M, _QB, _LP), lambda n, i: (n, 0, i, 0))
    return pl.pallas_call(
        _prep_kernel,
        grid=(_N, _LQ // _QB),
        in_specs=[
            pl.BlockSpec((1, _RB, _C), lambda n, i: (n, i, 0)),
            pl.BlockSpec((_C, _C), lambda n, i: (0, 0)),
            pl.BlockSpec((1, _C), lambda n, i: (0, 0)),
            pl.BlockSpec((1, _QB, _C), lambda n, i: (n, i, 0)),
            pl.BlockSpec((1, _QB, _L), lambda n, i: (n, i, 0)),
            pl.BlockSpec((_C, 128), lambda n, i: (0, 0)),
            pl.BlockSpec((1, 128), lambda n, i: (0, 0)),
            pl.BlockSpec((_C, 128), lambda n, i: (0, 0)),
            pl.BlockSpec((1, 128), lambda n, i: (0, 0)),
            pl.BlockSpec((1, 128), lambda n, i: (0, 0)),
            pl.BlockSpec((1, 128), lambda n, i: (0, 0)),
            pl.BlockSpec((_L, 128), lambda n, i: (0, 0)),
        ],
        out_specs=[val_spec, vec_spec, vec_spec, hm_spec, hm_spec],
        out_shape=out_shapes,
    )(input_flatten, WvT, bv.reshape(1, _C), query, refp,
      WoffT, boff.reshape(1, 128), WattnT, battn.reshape(1, 128),
      jnp.asarray(_T_LANE), jnp.asarray(_S_LANE), jnp.asarray(_SEL))


def _sample_sc(value, p0, p1):
    mesh = plsc.VectorSubcoreMesh(core_axis_name="c", subcore_axis_name="s",
                                  num_cores=2, num_subcores=16)

    nch = _LQ // _QC

    @functools.partial(
        pl.kernel,
        mesh=mesh,
        compiler_params=pltpu.CompilerParams(use_tc_tiling_on_sc=False,
                                             needs_layout_passes=False),
        out_type=jax.ShapeDtypeStruct((_N, _M, _LQ, _D), jnp.float32),
        scratch_types=[
            pltpu.VMEM((_LV, _D), jnp.float32),
            pltpu.VMEM((_QC, _LP), jnp.int32),
            pltpu.VMEM((_QC, _LP), jnp.int32),
            pltpu.VMEM((_QC, _LP), jnp.int32),
            pltpu.VMEM((_QC, _LP), jnp.int32),
            pltpu.VMEM((_QC, _D), jnp.float32),
            pltpu.SemaphoreType.DMA,
            pltpu.SemaphoreType.DMA,
        ],
    )
    def k(value_hbm, p0_hbm, p1_hbm, out_hbm, val_v,
          p0_a, p1_a, p0_b, p1_b, out_v, sem_a, sem_b):
        cid = lax.axis_index("c")
        sid = lax.axis_index("s")
        wid = sid * 2 + cid
        n = wid // _M
        m = wid % _M
        pltpu.sync_copy(value_hbm.at[n, m], val_v)

        def issue(ch, pb0, pb1, sem):
            q0 = ch * _QC
            pltpu.async_copy(p0_hbm.at[n, m, pl.ds(q0, _QC), :], pb0, sem)
            pltpu.async_copy(p1_hbm.at[n, m, pl.ds(q0, _QC), :], pb1, sem)

        def drain(ch, pb0, pb1, sem):
            q0 = ch * _QC
            pltpu.make_async_copy(
                p0_hbm.at[n, m, pl.ds(q0, _QC), :], pb0, sem).wait()
            pltpu.make_async_copy(
                p1_hbm.at[n, m, pl.ds(q0, _QC), :], pb1, sem).wait()

        def compute(ch, pb0, pb1):
            def q_body(qi, c2):
                for u in range(2):
                    qq = qi * 2 + u
                    acc0 = jnp.zeros((16,), jnp.float32)
                    acc1 = jnp.zeros((16,), jnp.float32)
                    pv0 = pb0[qq, pl.ds(0, _LP)]
                    pv1 = pb1[qq, pl.ds(0, _LP)]
                    for t in range(_LP):
                        s0 = pv0[t]
                        r0 = s0 >> 16
                        w0s = lax.bitcast_convert_type(s0 << 16, jnp.float32)
                        acc0 = acc0 + w0s * val_v[r0, pl.ds(0, 16)]
                        acc1 = acc1 + w0s * val_v[r0, pl.ds(16, 16)]
                        s1 = pv1[t]
                        r1 = s1 >> 16
                        w1s = lax.bitcast_convert_type(s1 << 16, jnp.float32)
                        acc0 = acc0 + w1s * val_v[r1, pl.ds(0, 16)]
                        acc1 = acc1 + w1s * val_v[r1, pl.ds(16, 16)]
                    out_v[qq, pl.ds(0, 16)] = acc0
                    out_v[qq, pl.ds(16, 16)] = acc1
                return c2

            lax.fori_loop(0, _QC // 2, q_body, 0)
            pltpu.sync_copy(out_v, out_hbm.at[n, m, pl.ds(ch * _QC, _QC), :])

        issue(0, p0_a, p1_a, sem_a)

        def pair_body(cc, carry):
            ch_a = cc * 2
            ch_b = ch_a + 1
            issue(ch_b, p0_b, p1_b, sem_b)
            drain(ch_a, p0_a, p1_a, sem_a)
            compute(ch_a, p0_a, p1_a)
            issue(jnp.minimum(ch_a + 2, nch - 1), p0_a, p1_a, sem_a)
            drain(ch_b, p0_b, p1_b, sem_b)
            compute(ch_b, p0_b, p1_b)
            return carry

        lax.fori_loop(0, nch // 2, pair_body, 0)
        drain(nch - 1, p0_a, p1_a, sem_a)

    return k(value, p0, p1)


def kernel(query, reference_points, input_flatten, input_temporal_lens,
           input_level_start_index, Wv, bv, Woff, boff, Wattn, battn,
           Wout, bout):
    n, lq, c = query.shape
    value, loc, aw, p0, p1 = _prep(
        input_flatten, Wv.T, bv,
        query, reference_points.reshape(n, lq, _L),
        Woff.T, boff, Wattn.T, battn,
    )

    heads = _sample_sc(value, p0, p1)
    out = _out_proj(heads, Wout.T, bout, 512)

    loc6 = loc.reshape(n, lq, _M, _L, _P, 1)
    sampling_locations = jnp.concatenate(
        [loc6, jnp.full_like(loc6, 0.5)], axis=-1)
    aw_out = aw.reshape(n, lq, _M, _L, _P)
    return out, sampling_locations, aw_out

# --- scband reference (transcript-rebuilt; emitter-appended) ---
"""Pipeline reference for scband-deform-attn-65773129171137 (READ-ONLY COPY).

The authoritative reference and input builder live on the scoring server;
editing this copy changes nothing except your own understanding.
"""

import jax, jax.numpy as jnp
import numpy as np

N, LQ, C, L, M, P = 4, 2048, 256, 4, 8, 4
LENS = [2048, 1024, 512, 256]


def setup_inputs(seed: int = 0):
    key = jax.random.key(seed)
    ks = jax.random.split(key, 8)
    len_in = sum(LENS)
    return {
        'query': jax.random.normal(ks[0], (N, LQ, C), jnp.float32),
        'reference_points': jax.random.uniform(ks[1], (N, LQ, L, 1), dtype=jnp.float32),
        'input_flatten': jax.random.normal(ks[2], (N, len_in, C), jnp.float32),
        'input_temporal_lens': jnp.array(LENS, dtype=jnp.int32),
        'input_level_start_index': jnp.array(np.cumsum([0] + LENS[:-1]), dtype=jnp.int32),
        'Wv': jax.random.normal(ks[3], (C, C), jnp.float32) * 0.02,
        'bv': jnp.zeros((C,), jnp.float32),
        'Woff': jax.random.normal(ks[4], (M * L * P, C), jnp.float32) * 0.02,
        'boff': jax.random.normal(ks[5], (M * L * P,), jnp.float32),
        'Wattn': jax.random.normal(ks[6], (M * L * P, C), jnp.float32) * 0.02,
        'battn': jnp.zeros((M * L * P,), jnp.float32),
        'Wout': jax.random.normal(ks[7], (C, C), jnp.float32) * 0.02,
        'bout': jnp.zeros((C,), jnp.float32),
    }


def _grid_sample_1d(v, xg, T):
    # v: (NM, D, T); xg: (NM, Lq, P) grid coords in [-1, 1]
    # bilinear, padding_mode=zeros, align_corners=False (height dim of size 1 is trivial)
    NM, D, _ = v.shape
    x = ((xg + 1.0) * T - 1.0) / 2.0
    x0 = jnp.floor(x)
    w1 = x - x0
    w0 = 1.0 - w1
    x0i = x0.astype(jnp.int32)
    x1i = x0i + 1

    def gather(idx, w):
        valid = ((idx >= 0) & (idx < T)).astype(v.dtype)
        idxc = jnp.clip(idx, 0, T - 1).reshape(NM, 1, -1)
        g = jnp.take_along_axis(v, jnp.broadcast_to(idxc, (NM, D, idxc.shape[2])), axis=2)
        g = g.reshape(NM, D, idx.shape[1], idx.shape[2])
        return g * (w * valid)[:, None, :, :]

    return gather(x0i, w0) + gather(x1i, w1)


def _forward(query, reference_points, input_flatten, input_temporal_lens, input_level_start_index, Wv, bv, Woff, boff, Wattn, battn, Wout, bout):
    n, lq, c = query.shape
    d = c // M
    lv = sum(LENS[:L])
    value = input_flatten[:, :lv] @ Wv.T + bv
    value = value.reshape(n, lv, M, d)
    off = (query @ Woff.T + boff).reshape(n, lq, M, L, P, 1)
    aw = (query @ Wattn.T + battn).reshape(n, lq, M, L * P)
    aw = jax.nn.softmax(aw, axis=-1).reshape(n, lq, M, L, P)
    norm = input_temporal_lens[:L].astype(jnp.float32)[None, None, None, :, None, None]
    loc = reference_points[:, :, None, :L, None, :] + off / norm
    grids = 2.0 * loc - 1.0
    out_list = []
    for lid in range(L):
        T = LENS[lid]
        v_seg = jax.lax.dynamic_slice_in_dim(value, input_level_start_index[lid], T, axis=1)
        v_l = jnp.transpose(v_seg, (0, 2, 3, 1)).reshape(n * M, d, T)
        g_l = jnp.transpose(grids[:, :, :, lid, :, 0], (0, 2, 1, 3)).reshape(n * M, lq, P)
        out_list.append(_grid_sample_1d(v_l, g_l, T))
    samp = jnp.stack(out_list, axis=-2).reshape(n * M, d, lq, L * P)
    aw_r = jnp.transpose(aw, (0, 2, 1, 3, 4)).reshape(n * M, 1, lq, L * P)
    out = (samp * aw_r).sum(-1).reshape(n, M * d, lq)
    out = jnp.transpose(out, (0, 2, 1)) @ Wout.T + bout
    sampling_locations = jnp.concatenate([loc, jnp.ones_like(loc) * 0.5], axis=-1)
    return out, sampling_locations, aw


def reference(query, reference_points, input_flatten, input_temporal_lens, input_level_start_index, Wv, bv, Woff, boff, Wattn, battn, Wout, bout):
    return _forward(query, reference_points, input_flatten, input_temporal_lens, input_level_start_index, Wv, bv, Woff, boff, Wattn, battn, Wout, bout)

if __name__ == "__main__":
    import jax
    _d = setup_inputs()
    print(jax.jit(kernel)(*tuple(_d.values())))

</pallas_src>

<mosaic_0001>
#map = affine_map<(d0, d1) -> (0, 0, 0, 0)>
module attributes {stable_mosaic.version = 14 : i64} {
  func.func @k(%arg0: i32, %arg1: i32, %arg2: memref<4x8x3840x32xf32, #tpu.memory_space<hbm>>, %arg3: memref<4x8x2048x16xi32, #tpu.memory_space<hbm>>, %arg4: memref<4x8x2048x16xi32, #tpu.memory_space<hbm>>, %arg5: memref<4x8x2048x32xf32, #tpu.memory_space<hbm>>, %arg6: memref<3840x32xf32, #tpu.memory_space<vmem>>, %arg7: memref<64x16xi32, #tpu.memory_space<vmem>>, %arg8: memref<64x16xi32, #tpu.memory_space<vmem>>, %arg9: memref<64x16xi32, #tpu.memory_space<vmem>>, %arg10: memref<64x16xi32, #tpu.memory_space<vmem>>, %arg11: memref<64x32xf32, #tpu.memory_space<vmem>>, %arg12: memref<!tpu.dma_semaphore, #tpu.memory_space<semaphore_mem>>, %arg13: memref<!tpu.dma_semaphore, #tpu.memory_space<semaphore_mem>>) attributes {dimension_semantics = [#tpu.dimension_semantics<core_parallel>, #tpu.dimension_semantics<subcore_parallel>], iteration_bounds = array<i64: 2, 16>, scalar_prefetch = 0 : i64, scratch_operands = 8 : i64, tpu.core_type = #tpu.core_type<sc_vector_subcore>, window_params = [{transform_indices = #map}, {transform_indices = #map}, {transform_indices = #map}, {transform_indices = #map}]} {
    %mul3A = arith.constant 2 : i32
    %mul3A_0 = arith.muli %arg1, %mul3A : i32
    %add3A = arith.addi %mul3A_0, %arg0 : i32
    %jit3A = arith.constant 8 : i32
    %div3A = arith.divsi %add3A, %jit3A : i32
    %sign3A = arith.constant 0 : i32
    %sign3A_1 = arith.cmpi sgt, %add3A, %sign3A : i32
    %sign3A_2 = arith.extui %sign3A_1 : i1 to i32
    %sign3A_3 = arith.constant 0 : i32
    %sign3A_4 = arith.cmpi slt, %add3A, %sign3A_3 : i32
    %sign3A_5 = arith.extui %sign3A_4 : i1 to i32
    %sign3A_6 = arith.subi %sign3A_2, %sign3A_5 : i32
    %sign3A_7 = arith.constant 0 : i32
    %sign3A_8 = arith.cmpi sgt, %jit3A, %sign3A_7 : i32
    %sign3A_9 = arith.extui %sign3A_8 : i1 to i32
    %sign3A_10 = arith.constant 0 : i32
    %sign3A_11 = arith.cmpi slt, %jit3A, %sign3A_10 : i32
    %sign3A_12 = arith.extui %sign3A_11 : i1 to i32
    %sign3A_13 = arith.subi %sign3A_9, %sign3A_12 : i32
    %ne3A = arith.cmpi ne, %sign3A_6, %sign3A_13 : i32
    %rem3A = arith.remsi %add3A, %jit3A : i32
    %ne3A_14 = arith.constant 0 : i32
    %ne3A_15 = arith.cmpi ne, %rem3A, %ne3A_14 : i32
    %and3A = arith.andi %ne3A, %ne3A_15 : i1
    %sub3A = arith.constant 1 : i32
    %sub3A_16 = arith.subi %div3A, %sub3A : i32
    %select_n3A = arith.select %and3A, %sub3A_16, %div3A : i32
    %jit3A_17 = arith.constant 8 : i32
    %eq3A = arith.constant 0 : i32
    %eq3A_18 = arith.cmpi eq, %jit3A_17, %eq3A : i32
    %jit3A_19 = arith.constant 1 : i32
    %select_n3A_20 = arith.select %eq3A_18, %jit3A_19, %jit3A_17 : i32
    %rem3A_21 = arith.remsi %add3A, %select_n3A_20 : i32
    %ne3A_22 = arith.constant 0 : i32
    %ne3A_23 = arith.cmpi ne, %rem3A_21, %ne3A_22 : i32
    %lt3A = arith.constant 0 : i32
    %lt3A_24 = arith.cmpi slt, %rem3A_21, %lt3A : i32
    %lt3A_25 = arith.constant 0 : i32
    %lt3A_26 = arith.cmpi slt, %select_n3A_20, %lt3A_25 : i32
    %ne3A_27 = arith.xori %lt3A_24, %lt3A_26 : i1
    %and3A_28 = arith.andi %ne3A_27, %ne3A_23 : i1
    %add3A_29 = arith.addi %rem3A_21, %select_n3A_20 : i32
    %select_n3A_30 = arith.select %and3A_28, %add3A_29, %rem3A_21 : i32
    "tpu.region"() ({
      %run_scoped3A = tpu.sem_alloc : memref<!tpu.dma_semaphore, #tpu.memory_space<semaphore_mem>>
      %dma_start3A_66 = arith.constant 0 : i32
      %dma_start3A_67 = arith.constant 0 : i32
      %dma_start3A_68 = tpu.memref_slice %arg2[%select_n3A, %select_n3A_30, %dma_start3A_66, %dma_start3A_67] : memref<4x8x3840x32xf32, #tpu.memory_space<hbm>> -> memref<1x1x3840x32xf32, #tpu.memory_space<hbm>>
      %dma_start3A_69 = tpu.memref_squeeze %dma_start3A_68 : memref<1x1x3840x32xf32, #tpu.memory_space<hbm>> -> memref<3840x32xf32, #tpu.memory_space<hbm>>
      %dma_start3A_70 = arith.constant 0 : i32
      %dma_start3A_71 = arith.constant 0 : i32
      %dma_start3A_72 = tpu.memref_slice %arg2[%select_n3A, %select_n3A_30, %dma_start3A_70, %dma_start3A_71] : memref<4x8x3840x32xf32, #tpu.memory_space<hbm>> -> memref<1x1x3840x32xf32, #tpu.memory_space<hbm>>
      %dma_start3A_73 = tpu.memref_squeeze %dma_start3A_72 : memref<1x1x3840x32xf32, #tpu.memory_space<hbm>> -> memref<3840x32xf32, #tpu.memory_space<hbm>>
      tpu.enqueue_dma source(%dma_start3A_73 : memref<3840x32xf32, #tpu.memory_space<hbm>>) target(%arg6 : memref<3840x32xf32, #tpu.memory_space<vmem>>) target_semaphore(%run_scoped3A : memref<!tpu.dma_semaphore, #tpu.memory_space<semaphore_mem>>)
      %dma_wait3A_74 = arith.constant 0 : i32
      %dma_wait3A_75 = arith.constant 0 : i32
      %dma_wait3A_76 = tpu.memref_slice %arg2[%select_n3A, %select_n3A_30, %dma_wait3A_74, %dma_wait3A_75] : memref<4x8x3840x32xf32, #tpu.memory_space<hbm>> -> memref<1x1x3840x32xf32, #tpu.memory_space<hbm>>
      %dma_wait3A_77 = tpu.memref_squeeze %dma_wait3A_76 : memref<1x1x3840x32xf32, #tpu.memory_space<hbm>> -> memref<3840x32xf32, #tpu.memory_space<hbm>>
      %dma_wait3A_78 = arith.constant 0 : i32
      %dma_wait3A_79 = arith.constant 0 : i32
      %dma_wait3A_80 = tpu.memref_slice %arg2[%select_n3A, %select_n3A_30, %dma_wait3A_78, %dma_wait3A_79] : memref<4x8x3840x32xf32, #tpu.memory_space<hbm>> -> memref<1x1x3840x32xf32, #tpu.memory_space<hbm>>
      %dma_wait3A_81 = tpu.memref_squeeze %dma_wait3A_80 : memref<1x1x3840x32xf32, #tpu.memory_space<hbm>> -> memref<3840x32xf32, #tpu.memory_space<hbm>>
      tpu.wait_dma2 semaphore(%run_scoped3A : memref<!tpu.dma_semaphore, #tpu.memory_space<semaphore_mem>>) src(%dma_wait3A_81 : memref<3840x32xf32, #tpu.memory_space<hbm>>) dst(%arg6 : memref<3840x32xf32, #tpu.memory_space<vmem>>)
      tpu.yield
    }) : () -> ()
    %dma_start3A = arith.constant 0 : i32
    %dma_start3A_31 = arith.constant 0 : i32
    %dma_start3A_32 = tpu.memref_slice %arg3[%select_n3A, %select_n3A_30, %dma_start3A, %dma_start3A_31] : memref<4x8x2048x16xi32, #tpu.memory_space<hbm>> -> memref<1x1x64x16xi32, #tpu.memory_space<hbm>>
    %dma_start3A_33 = tpu.memref_squeeze %dma_start3A_32 : memref<1x1x64x16xi32, #tpu.memory_space<hbm>> -> memref<64x16xi32, #tpu.memory_space<hbm>>
    %dma_start3A_34 = arith.constant 0 : i32
    %dma_start3A_35 = arith.constant 0 : i32
    %dma_start3A_36 = tpu.memref_slice %arg3[%select_n3A, %select_n3A_30, %dma_start3A_34, %dma_start3A_35] : memref<4x8x2048x16xi32, #tpu.memory_space<hbm>> -> memref<1x1x64x16xi32, #tpu.memory_space<hbm>>
    %dma_start3A_37 = tpu.memref_squeeze %dma_start3A_36 : memref<1x1x64x16xi32, #tpu.memory_space<hbm>> -> memref<64x16xi32, #tpu.memory_space<hbm>>
    tpu.enqueue_dma source(%dma_start3A_37 : memref<64x16xi32, #tpu.memory_space<hbm>>) target(%arg7 : memref<64x16xi32, #tpu.memory_space<vmem>>) target_semaphore(%arg12 : memref<!tpu.dma_semaphore, #tpu.memory_space<semaphore_mem>>)
    %dma_start3A_38 = arith.constant 0 : i32
    %dma_start3A_39 = arith.constant 0 : i32
    %dma_start3A_40 = tpu.memref_slice %arg4[%select_n3A, %select_n3A_30, %dma_start3A_38, %dma_start3A_39] : memref<4x8x2048x16xi32, #tpu.memory_space<hbm>> -> memref<1x1x64x16xi32, #tpu.memory_space<hbm>>
    %dma_start3A_41 = tpu.memref_squeeze %dma_start3A_40 : memref<1x1x64x16xi32, #tpu.memory_space<hbm>> -> memref<64x16xi32, #tpu.memory_space<hbm>>
    %dma_start3A_42 = arith.constant 0 : i32
    %dma_start3A_43 = arith.constant 0 : i32
    %dma_start3A_44 = tpu.memref_slice %arg4[%select_n3A, %select_n3A_30, %dma_start3A_42, %dma_start3A_43] : memref<4x8x2048x16xi32, #tpu.memory_space<hbm>> -> memref<1x1x64x16xi32, #tpu.memory_space<hbm>>
    %dma_start3A_45 = tpu.memref_squeeze %dma_start3A_44 : memref<1x1x64x16xi32, #tpu.memory_space<hbm>> -> memref<64x16xi32, #tpu.memory_space<hbm>>
    tpu.enqueue_dma source(%dma_start3A_45 : memref<64x16xi32, #tpu.memory_space<hbm>>) target(%arg8 : memref<64x16xi32, #tpu.memory_space<vmem>>) target_semaphore(%arg12 : memref<!tpu.dma_semaphore, #tpu.memory_space<semaphore_mem>>)
    %scan3A = arith.constant 0 : i32
    %scan3A_46 = arith.constant 0 : i32
    %scan3A_47 = arith.constant 16 : i32
    %scan3A_48 = arith.addi %scan3A_46, %scan3A_47 : i32
    %scan3A_49 = arith.constant 1 : i32
    scf.for %scan3A_66 = %scan3A_46 to %scan3A_48 step %scan3A_49  : i32 {
      %mul3A_67 = arith.constant 2 : i32
      %mul3A_68 = arith.muli %scan3A_66, %mul3A_67 : i32
      %add3A_69 = arith.constant 1 : i32
      %add3A_70 = arith.addi %mul3A_68, %add3A_69 : i32
      %mul3A_71 = arith.constant 64 : i32
      %mul3A_72 = arith.muli %add3A_70, %mul3A_71 : i32
      %dma_start3A_73 = arith.constant 0 : i32
      %dma_start3A_74 = tpu.memref_slice %arg3[%select_n3A, %select_n3A_30, %mul3A_72, %dma_start3A_73] : memref<4x8x2048x16xi32, #tpu.memory_space<hbm>> -> memref<1x1x64x16xi32, #tpu.memory_space<hbm>>
      %dma_start3A_75 = tpu.memref_squeeze %dma_start3A_74 : memref<1x1x64x16xi32, #tpu.memory_space<hbm>> -> memref<64x16xi32, #tpu.memory_space<hbm>>
      %dma_start3A_76 = arith.constant 0 : i32
      %dma_start3A_77 = tpu.memref_slice %arg3[%select_n3A, %select_n3A_30, %mul3A_72, %dma_start3A_76] : memref<4x8x2048x16xi32, #tpu.memory_space<hbm>> -> memref<1x1x64x16xi32, #tpu.memory_space<hbm>>
      %dma_start3A_78 = tpu.memref_squeeze %dma_start3A_77 : memref<1x1x64x16xi32, #tpu.memory_space<hbm>> -> memref<64x16xi32, #tpu.memory_space<hbm>>
      tpu.enqueue_dma source(%dma_start3A_78 : memref<64x16xi32, #tpu.memory_space<hbm>>) target(%arg9 : memref<64x16xi32, #tpu.memory_space<vmem>>) target_semaphore(%arg13 : memref<!tpu.dma_semaphore, #tpu.memory_space<semaphore_mem>>)
      %dma_start3A_79 = arith.constant 0 : i32
      %dma_start3A_80 = tpu.memref_slice %arg4[%select_n3A, %select_n3A_30, %mul3A_72, %dma_start3A_79] : memref<4x8x2048x16xi32, #tpu.memory_space<hbm>> -> memref<1x1x64x16xi32, #tpu.memory_space<hbm>>
      %dma_start3A_81 = tpu.memref_squeeze %dma_start3A_80 : memref<1x1x64x16xi32, #tpu.memory_space<hbm>> -> memref<64x16xi32, #tpu.memory_space<hbm>>
      %dma_start3A_82 = arith.constant 0 : i32
      %dma_start3A_83 = tpu.memref_slice %arg4[%select_n3A, %select_n3A_30, %mul3A_72, %dma_start3A_82] : memref<4x8x2048x16xi32, #tpu.memory_space<hbm>> -> memref<1x1x64x16xi32, #tpu.memory_space<hbm>>
      %dma_start3A_84 = tpu.memref_squeeze %dma_start3A_83 : memref<1x1x64x16xi32, #tpu.memory_space<hbm>> -> memref<64x16xi32, #tpu.memory_space<hbm>>
      tpu.enqueue_dma source(%dma_start3A_84 : memref<64x16xi32, #tpu.memory_space<hbm>>) target(%arg10 : memref<64x16xi32, #tpu.memory_space<vmem>>) target_semaphore(%arg13 : memref<!tpu.dma_semaphore, #tpu.memory_space<semaphore_mem>>)
      %mul3A_85 = arith.constant 64 : i32
      %mul3A_86 = arith.muli %mul3A_68, %mul3A_85 : i32
      %dma_wait3A_87 = arith.constant 0 : i32
      %dma_wait3A_88 = tpu.memref_slice %arg3[%select_n3A, %select_n3A_30, %mul3A_86, %dma_wait3A_87] : memref<4x8x2048x16xi32, #tpu.memory_space<hbm>> -> memref<1x1x64x16xi32, #tpu.memory_space<hbm>>
      %dma_wait3A_89 = tpu.memref_squeeze %dma_wait3A_88 : memref<1x1x64x16xi32, #tpu.memory_space<hbm>> -> memref<64x16xi32, #tpu.memory_space<hbm>>
      %dma_wait3A_90 = arith.constant 0 : i32
      %dma_wait3A_91 = tpu.memref_slice %arg3[%select_n3A, %select_n3A_30, %mul3A_86, %dma_wait3A_90] : memref<4x8x2048x16xi32, #tpu.memory_space<hbm>> -> memref<1x1x64x16xi32, #tpu.memory_space<hbm>>
      %dma_wait3A_92 = tpu.memref_squeeze %dma_wait3A_91 : memref<1x1x64x16xi32, #tpu.memory_space<hbm>> -> memref<64x16xi32, #tpu.memory_space<hbm>>
      tpu.wait_dma2 semaphore(%arg12 : memref<!tpu.dma_semaphore, #tpu.memory_space<semaphore_mem>>) src(%dma_wait3A_92 : memref<64x16xi32, #tpu.memory_space<hbm>>) dst(%arg7 : memref<64x16xi32, #tpu.memory_space<vmem>>)
      %dma_wait3A_93 = arith.constant 0 : i32
      %dma_wait3A_94 = tpu.memref_slice %arg4[%select_n3A, %select_n3A_30, %mul3A_86, %dma_wait3A_93] : memref<4x8x2048x16xi32, #tpu.memory_space<hbm>> -> memref<1x1x64x16xi32, #tpu.memory_space<hbm>>
      %dma_wait3A_95 = tpu.memref_squeeze %dma_wait3A_94 : memref<1x1x64x16xi32, #tpu.memory_space<hbm>> -> memref<64x16xi32, #tpu.memory_space<hbm>>
      %dma_wait3A_96 = arith.constant 0 : i32
      %dma_wait3A_97 = tpu.memref_slice %arg4[%select_n3A, %select_n3A_30, %mul3A_86, %dma_wait3A_96] : memref<4x8x2048x16xi32, #tpu.memory_space<hbm>> -> memref<1x1x64x16xi32, #tpu.memory_space<hbm>>
      %dma_wait3A_98 = tpu.memref_squeeze %dma_wait3A_97 : memref<1x1x64x16xi32, #tpu.memory_space<hbm>> -> memref<64x16xi32, #tpu.memory_space<hbm>>
      tpu.wait_dma2 semaphore(%arg12 : memref<!tpu.dma_semaphore, #tpu.memory_space<semaphore_mem>>) src(%dma_wait3A_98 : memref<64x16xi32, #tpu.memory_space<hbm>>) dst(%arg8 : memref<64x16xi32, #tpu.memory_space<vmem>>)
      %scan3A_99 = arith.constant 0 : i32
      %scan3A_100 = arith.constant 0 : i32
      %scan3A_101 = arith.constant 32 : i32
      %scan3A_102 = arith.addi %scan3A_100, %scan3A_101 : i32
      %scan3A_103 = arith.constant 1 : i32
      scf.for %scan3A_146 = %scan3A_100 to %scan3A_102 step %scan3A_103  : i32 {
        %mul3A_147 = arith.constant 2 : i32
        %mul3A_148 = arith.muli %scan3A_146, %mul3A_147 : i32
        %add3A_149 = arith.constant 0 : i32
        %add3A_150 = arith.addi %mul3A_148, %add3A_149 : i32
        %broadcast_in_dim3A = arith.constant 0.000000e+00 : f32
        %broadcast_in_dim3A_151 = vector.broadcast %broadcast_in_dim3A : f32 to vector<16xf32>
        %broadcast_in_dim3A_152 = arith.constant 0.000000e+00 : f32
        %broadcast_in_dim3A_153 = vector.broadcast %broadcast_in_dim3A_152 : f32 to vector<16xf32>
        %get3A = arith.index_cast %add3A_150 : i32 to index
        %get3A_154 = arith.constant 0 : index
        %get3A_155 = tpu.vector_load %arg7[%get3A, %get3A_154] {strides = array<i32>} : memref<64x16xi32, #tpu.memory_space<vmem>>, vector<16xi32>,
        %get3A_156 = arith.index_cast %add3A_150 : i32 to index
        %get3A_157 = arith.constant 0 : index
        %get3A_158 = tpu.vector_load %arg8[%get3A_156, %get3A_157] {strides = array<i32>} : memref<64x16xi32, #tpu.memory_space<vmem>>, vector<16xi32>,
        %slice3A = vector.extract_strided_slice %get3A_155 {offsets = [0], sizes = [1], strides = [1]} : vector<16xi32> to vector<1xi32>
        %squeeze3A = vector.extract %slice3A[0] : i32 from vector<1xi32>
        %shift_right_arithmetic3A = arith.constant 16 : i32
        %shift_right_arithmetic3A_159 = arith.shrsi %squeeze3A, %shift_right_arithmetic3A : i32
        %shift_left3A = arith.constant 16 : i32
        %shift_left3A_160 = arith.shli %squeeze3A, %shift_left3A : i32
        %bitcast_convert_type3A = arith.bitcast %shift_left3A_160 : i32 to f32
        %get3A_161 = arith.index_cast %shift_right_arithmetic3A_159 : i32 to index
        %get3A_162 = arith.constant 0 : index
        %get3A_163 = tpu.vector_load %arg6[%get3A_161, %get3A_162] {strides = array<i32>} : memref<3840x32xf32, #tpu.memory_space<vmem>>, vector<16xf32>,
        %mul3A_164 = vector.broadcast %bitcast_convert_type3A : f32 to vector<16xf32>
        %mul3A_165 = arith.mulf %mul3A_164, %get3A_163 : vector<16xf32>
        %add3A_166 = arith.addf %broadcast_in_dim3A_151, %mul3A_165 : vector<16xf32>
        %get3A_167 = arith.index_cast %shift_right_arithmetic3A_159 : i32 to index
        %get3A_168 = arith.constant 16 : index
        %get3A_169 = tpu.vector_load %arg6[%get3A_167, %get3A_168] {strides = array<i32>} : memref<3840x32xf32, #tpu.memory_space<vmem>>, vector<16xf32>,
        %mul3A_170 = vector.broadcast %bitcast_convert_type3A : f32 to vector<16xf32>
        %mul3A_171 = arith.mulf %mul3A_170, %get3A_169 : vector<16xf32>
        %add3A_172 = arith.addf %broadcast_in_dim3A_153, %mul3A_171 : vector<16xf32>
        %slice3A_173 = vector.extract_strided_slice %get3A_158 {offsets = [0], sizes = [1], strides = [1]} : vector<16xi32> to vector<1xi32>
        %squeeze3A_174 = vector.extract %slice3A_173[0] : i32 from vector<1xi32>
        %shift_right_arithmetic3A_175 = arith.constant 16 : i32
        %shift_right_arithmetic3A_176 = arith.shrsi %squeeze3A_174, %shift_right_arithmetic3A_175 : i32
        %shift_left3A_177 = arith.constant 16 : i32
        %shift_left3A_178 = arith.shli %squeeze3A_174, %shift_left3A_177 : i32
        %bitcast_convert_type3A_179 = arith.bitcast %shift_left3A_178 : i32 to f32
        %get3A_180 = arith.index_cast %shift_right_arithmetic3A_176 : i32 to index
        %get3A_181 = arith.constant 0 : index
        %get3A_182 = tpu.vector_load %arg6[%get3A_180, %get3A_181] {strides = array<i32>} : memref<3840x32xf32, #tpu.memory_space<vmem>>, vector<16xf32>,
        %mul3A_183 = vector.broadcast %bitcast_convert_type3A_179 : f32 to vector<16xf32>
        %mul3A_184 = arith.mulf %mul3A_183, %get3A_182 : vector<16xf32>
        %add3A_185 = arith.addf %add3A_166, %mul3A_184 : vector<16xf32>
        %get3A_186 = arith.index_cast %shift_right_arithmetic3A_176 : i32 to index
        %get3A_187 = arith.constant 16 : index
        %get3A_188 = tpu.vector_load %arg6[%get3A_186, %get3A_187] {strides = array<i32>} : memref<3840x32xf32, #tpu.memory_space<vmem>>, vector<16xf32>,
        %mul3A_189 = vector.broadcast %bitcast_convert_type3A_179 : f32 to vector<16xf32>
        %mul3A_190 = arith.mulf %mul3A_189, %get3A_188 : vector<16xf32>
        %add3A_191 = arith.addf %add3A_172, %mul3A_190 : vector<16xf32>
        %slice3A_192 = vector.extract_strided_slice %get3A_155 {offsets = [1], sizes = [1], strides = [1]} : vector<16xi32> to vector<1xi32>
        %squeeze3A_193 = vector.extract %slice3A_192[0] : i32 from vector<1xi32>
        %shift_right_arithmetic3A_194 = arith.constant 16 : i32
        %shift_right_arithmetic3A_195 = arith.shrsi %squeeze3A_193, %shift_right_arithmetic3A_194 : i32
        %shift_left3A_196 = arith.constant 16 : i32
        %shift_left3A_197 = arith.shli %squeeze3A_193, %shift_left3A_196 : i32
        %bitcast_convert_type3A_198 = arith.bitcast %shift_left3A_197 : i32 to f32
        %get3A_199 = arith.index_cast %shift_right_arithmetic3A_195 : i32 to index
        %get3A_200 = arith.constant 0 : index
        %get3A_201 = tpu.vector_load %arg6[%get3A_199, %get3A_200] {strides = array<i32>} : memref<3840x32xf32, #tpu.memory_space<vmem>>, vector<16xf32>,
        %mul3A_202 = vector.broadcast %bitcast_convert_type3A_198 : f32 to vector<16xf32>
        %mul3A_203 = arith.mulf %mul3A_202, %get3A_201 : vector<16xf32>
        %add3A_204 = arith.addf %add3A_185, %mul3A_203 : vector<16xf32>
        %get3A_205 = arith.index_cast %shift_right_arithmetic3A_195 : i32 to index
        %get3A_206 = arith.constant 16 : index
        %get3A_207 = tpu.vector_load %arg6[%get3A_205, %get3A_206] {strides = array<i32>} : memref<3840x32xf32, #tpu.memory_space<vmem>>, vector<16xf32>,
        %mul3A_208 = vector.broadcast %bitcast_convert_type3A_198 : f32 to vector<16xf32>
        %mul3A_209 = arith.mulf %mul3A_208, %get3A_207 : vector<16xf32>
        %add3A_210 = arith.addf %add3A_191, %mul3A_209 : vector<16xf32>
        %slice3A_211 = vector.extract_strided_slice %get3A_158 {offsets = [1], sizes = [1], strides = [1]} : vector<16xi32> to vector<1xi32>
        %squeeze3A_212 = vector.extract %slice3A_211[0] : i32 from vector<1xi32>
        %shift_right_arithmetic3A_213 = arith.constant 16 : i32
        %shift_right_arithmetic3A_214 = arith.shrsi %squeeze3A_212, %shift_right_arithmetic3A_213 : i32
        %shift_left3A_215 = arith.constant 16 : i32
        %shift_left3A_216 = arith.shli %squeeze3A_212, %shift_left3A_215 : i32
        %bitcast_convert_type3A_217 = arith.bitcast %shift_left3A_216 : i32 to f32
        %get3A_218 = arith.index_cast %shift_right_arithmetic3A_214 : i32 to index
        %get3A_219 = arith.constant 0 : index
        %get3A_220 = tpu.vector_load %arg6[%get3A_218, %get3A_219] {strides = array<i32>} : memref<3840x32xf32, #tpu.memory_space<vmem>>, vector<16xf32>,
        %mul3A_221 = vector.broadcast %bitcast_convert_type3A_217 : f32 to vector<16xf32>
        %mul3A_222 = arith.mulf %mul3A_221, %get3A_220 : vector<16xf32>
        %add3A_223 = arith.addf %add3A_204, %mul3A_222 : vector<16xf32>
        %get3A_224 = arith.index_cast %shift_right_arithmetic3A_214 : i32 to index
        %get3A_225 = arith.constant 16 : index
        %get3A_226 = tpu.vector_load %arg6[%get3A_224, %get3A_225] {strides = array<i32>} : memref<3840x32xf32, #tpu.memory_space<vmem>>, vector<16xf32>,
        %mul3A_227 = vector.broadcast %bitcast_convert_type3A_217 : f32 to vector<16xf32>
        %mul3A_228 = arith.mulf %mul3A_227, %get3A_226 : vector<16xf32>
        %add3A_229 = arith.addf %add3A_210, %mul3A_228 : vector<16xf32>
        %slice3A_230 = vector.extract_strided_slice %get3A_155 {offsets = [2], sizes = [1], strides = [1]} : vector<16xi32> to vector<1xi32>
        %squeeze3A_231 = vector.extract %slice3A_230[0] : i32 from vector<1xi32>
        %shift_right_arithmetic3A_232 = arith.constant 16 : i32
        %shift_right_arithmetic3A_233 = arith.shrsi %squeeze3A_231, %shift_right_arithmetic3A_232 : i32
        %shift_left3A_234 = arith.constant 16 : i32
        %shift_left3A_235 = arith.shli %squeeze3A_231, %shift_left3A_234 : i32
        %bitcast_convert_type3A_236 = arith.bitcast %shift_left3A_235 : i32 to f32
        %get3A_237 = arith.index_cast %shift_right_arithmetic3A_233 : i32 to index
        %get3A_238 = arith.constant 0 : index
        %get3A_239 = tpu.vector_load %arg6[%get3A_237, %get3A_238] {strides = array<i32>} : memref<3840x32xf32, #tpu.memory_space<vmem>>, vector<16xf32>,
        %mul3A_240 = vector.broadcast %bitcast_convert_type3A_236 : f32 to vector<16xf32>
        %mul3A_241 = arith.mulf %mul3A_240, %get3A_239 : vector<16xf32>
        %add3A_242 = arith.addf %add3A_223, %mul3A_241 : vector<16xf32>
        %get3A_243 = arith.index_cast %shift_right_arithmetic3A_233 : i32 to index
        %get3A_244 = arith.constant 16 : index
        %get3A_245 = tpu.vector_load %arg6[%get3A_243, %get3A_244] {strides = array<i32>} : memref<3840x32xf32, #tpu.memory_space<vmem>>, vector<16xf32>,
        %mul3A_246 = vector.broadcast %bitcast_convert_type3A_236 : f32 to vector<16xf32>
        %mul3A_247 = arith.mulf %mul3A_246, %get3A_245 : vector<16xf32>
        %add3A_248 = arith.addf %add3A_229, %mul3A_247 : vector<16xf32>
        %slice3A_249 = vector.extract_strided_slice %get3A_158 {offsets = [2], sizes = [1], strides = [1]} : vector<16xi32> to vector<1xi32>
        %squeeze3A_250 = vector.extract %slice3A_249[0] : i32 from vector<1xi32>
        %shift_right_arithmetic3A_251 = arith.constant 16 : i32
        %shift_right_arithmetic3A_252 = arith.shrsi %squeeze3A_250, %shift_right_arithmetic3A_251 : i32
        %shift_left3A_253 = arith.constant 16 : i32
        %shift_left3A_254 = arith.shli %squeeze3A_250, %shift_left3A_253 : i32
        %bitcast_convert_type3A_255 = arith.bitcast %shift_left3A_254 : i32 to f32
        %get3A_256 = arith.index_cast %shift_right_arithmetic3A_252 : i32 to index
        %get3A_257 = arith.constant 0 : index
        %get3A_258 = tpu.vector_load %arg6[%get3A_256, %get3A_257] {strides = array<i32>} : memref<3840x32xf32, #tpu.memory_space<vmem>>, vector<16xf32>,
        %mul3A_259 = vector.broadcast %bitcast_convert_type3A_255 : f32 to vector<16xf32>
        %mul3A_260 = arith.mulf %mul3A_259, %get3A_258 : vector<16xf32>
        %add3A_261 = arith.addf %add3A_242, %mul3A_260 : vector<16xf32>
        %get3A_262 = arith.index_cast %shift_right_arithmetic3A_252 : i32 to index
        %get3A_263 = arith.constant 16 : index
        %get3A_264 = tpu.vector_load %arg6[%get3A_262, %get3A_263] {strides = array<i32>} : memref<3840x32xf32, #tpu.memory_space<vmem>>, vector<16xf32>,
        %mul3A_265 = vector.broadcast %bitcast_convert_type3A_255 : f32 to vector<16xf32>
        %mul3A_266 = arith.mulf %mul3A_265, %get3A_264 : vector<16xf32>
        %add3A_267 = arith.addf %add3A_248, %mul3A_266 : vector<16xf32>
        %slice3A_268 = vector.extract_strided_slice %get3A_155 {offsets = [3], sizes = [1], strides = [1]} : vector<16xi32> to vector<1xi32>
        %squeeze3A_269 = vector.extract %slice3A_268[0] : i32 from vector<1xi32>
        %shift_right_arithmetic3A_270 = arith.constant 16 : i32
        %shift_right_arithmetic3A_271 = arith.shrsi %squeeze3A_269, %shift_right_arithmetic3A_270 : i32
        %shift_left3A_272 = arith.constant 16 : i32
        %shift_left3A_273 = arith.shli %squeeze3A_269, %shift_left3A_272 : i32
        %bitcast_convert_type3A_274 = arith.bitcast %shift_left3A_273 : i32 to f32
        %get3A_275 = arith.index_cast %shift_right_arithmetic3A_271 : i32 to index
        %get3A_276 = arith.constant 0 : index
        %get3A_277 = tpu.vector_load %arg6[%get3A_275, %get3A_276] {strides = array<i32>} : memref<3840x32xf32, #tpu.memory_space<vmem>>, vector<16xf32>,
        %mul3A_278 = vector.broadcast %bitcast_convert_type3A_274 : f32 to vector<16xf32>
        %mul3A_279 = arith.mulf %mul3A_278, %get3A_277 : vector<16xf32>
        %add3A_280 = arith.addf %add3A_261, %mul3A_279 : vector<16xf32>
        %get3A_281 = arith.index_cast %shift_right_arithmetic3A_271 : i32 to index
        %get3A_282 = arith.constant 16 : index
        %get3A_283 = tpu.vector_load %arg6[%get3A_281, %get3A_282] {strides = array<i32>} : memref<3840x32xf32, #tpu.memory_space<vmem>>, vector<16xf32>,
        %mul3A_284 = vector.broadcast %bitcast_convert_type3A_274 : f32 to vector<16xf32>
        %mul3A_285 = arith.mulf %mul3A_284, %get3A_283 : vector<16xf32>
        %add3A_286 = arith.addf %add3A_267, %mul3A_285 : vector<16xf32>
        %slice3A_287 = vector.extract_strided_slice %get3A_158 {offsets = [3], sizes = [1], strides = [1]} : vector<16xi32> to vector<1xi32>
        %squeeze3A_288 = vector.extract %slice3A_287[0] : i32 from vector<1xi32>
        %shift_right_arithmetic3A_289 = arith.constant 16 : i32
        %shift_right_arithmetic3A_290 = arith.shrsi %squeeze3A_288, %shift_right_arithmetic3A_289 : i32
        %shift_left3A_291 = arith.constant 16 : i32
        %shift_left3A_292 = arith.shli %squeeze3A_288, %shift_left3A_291 : i32
        %bitcast_convert_type3A_293 = arith.bitcast %shift_left3A_292 : i32 to f32
        %get3A_294 = arith.index_cast %shift_right_arithmetic3A_290 : i32 to index
        %get3A_295 = arith.constant 0 : index
        %get3A_296 = tpu.vector_load %arg6[%get3A_294, %get3A_295] {strides = array<i32>} : memref<3840x32xf32, #tpu.memory_space<vmem>>, vector<16xf32>,
        %mul3A_297 = vector.broadcast %bitcast_convert_type3A_293 : f32 to vector<16xf32>
        %mul3A_298 = arith.mulf %mul3A_297, %get3A_296 : vector<16xf32>
        %add3A_299 = arith.addf %add3A_280, %mul3A_298 : vector<16xf32>
        %get3A_300 = arith.index_cast %shift_right_arithmetic3A_290 : i32 to index
        %get3A_301 = arith.constant 16 : index
        %get3A_302 = tpu.vector_load %arg6[%get3A_300, %get3A_301] {strides = array<i32>} : memref<3840x32xf32, #tpu.memory_space<vmem>>, vector<16xf32>,
        %mul3A_303 = vector.broadcast %bitcast_convert_type3A_293 : f32 to vector<16xf32>
        %mul3A_304 = arith.mulf %mul3A_303, %get3A_302 : vector<16xf32>
        %add3A_305 = arith.addf %add3A_286, %mul3A_304 : vector<16xf32>
        %slice3A_306 = vector.extract_strided_slice %get3A_155 {offsets = [4], sizes = [1], strides = [1]} : vector<16xi32> to vector<1xi32>
        %squeeze3A_307 = vector.extract %slice3A_306[0] : i32 from vector<1xi32>
        %shift_right_arithmetic3A_308 = arith.constant 16 : i32
        %shift_right_arithmetic3A_309 = arith.shrsi %squeeze3A_307, %shift_right_arithmetic3A_308 : i32
        %shift_left3A_310 = arith.constant 16 : i32
        %shift_left3A_311 = arith.shli %squeeze3A_307, %shift_left3A_310 : i32
        %bitcast_convert_type3A_312 = arith.bitcast %shift_left3A_311 : i32 to f32
        %get3A_313 = arith.index_cast %shift_right_arithmetic3A_309 : i32 to index
        %get3A_314 = arith.constant 0 : index
        %get3A_315 = tpu.vector_load %arg6[%get3A_313, %get3A_314] {strides = array<i32>} : memref<3840x32xf32, #tpu.memory_space<vmem>>, vector<16xf32>,
        %mul3A_316 = vector.broadcast %bitcast_convert_type3A_312 : f32 to vector<16xf32>
        %mul3A_317 = arith.mulf %mul3A_316, %get3A_315 : vector<16xf32>
        %add3A_318 = arith.addf %add3A_299, %mul3A_317 : vector<16xf32>
        %get3A_319 = arith.index_cast %shift_right_arithmetic3A_309 : i32 to index
        %get3A_320 = arith.constant 16 : index
        %get3A_321 = tpu.vector_load %arg6[%get3A_319, %get3A_320] {strides = array<i32>} : memref<3840x32xf32, #tpu.memory_space<vmem>>, vector<16xf32>,
        %mul3A_322 = vector.broadcast %bitcast_convert_type3A_312 : f32 to vector<16xf32>
        %mul3A_323 = arith.mulf %mul3A_322, %get3A_321 : vector<16xf32>
        %add3A_324 = arith.addf %add3A_305, %mul3A_323 : vector<16xf32>
        %slice3A_325 = vector.extract_strided_slice %get3A_158 {offsets = [4], sizes = [1], strides = [1]} : vector<16xi32> to vector<1xi32>
        %squeeze3A_326 = vector.extract %slice3A_325[0] : i32 from vector<1xi32>
        %shift_right_arithmetic3A_327 = arith.constant 16 : i32
        %shift_right_arithmetic3A_328 = arith.shrsi %squeeze3A_326, %shift_right_arithmetic3A_327 : i32
        %shift_left3A_329 = arith.constant 16 : i32
        %shift_left3A_330 = arith.shli %squeeze3A_326, %shift_left3A_329 : i32
        %bitcast_convert_type3A_331 = arith.bitcast %shift_left3A_330 : i32 to f32
        %get3A_332 = arith.index_cast %shift_right_arithmetic3A_328 : i32 to index
        %get3A_333 = arith.constant 0 : index
        %get3A_334 = tpu.vector_load %arg6[%get3A_332, %get3A_333] {strides = array<i32>} : memref<3840x32xf32, #tpu.memory_space<vmem>>, vector<16xf32>,
        %mul3A_335 = vector.broadcast %bitcast_convert_type3A_331 : f32 to vector<16xf32>
        %mul3A_336 = arith.mulf %mul3A_335, %get3A_334 : vector<16xf32>
        %add3A_337 = arith.addf %add3A_318, %mul3A_336 : vector<16xf32>
        %get3A_338 = arith.index_cast %shift_right_arithmetic3A_328 : i32 to index
        %get3A_339 = arith.constant 16 : index
        %get3A_340 = tpu.vector_load %arg6[%get3A_338, %get3A_339] {strides = array<i32>} : memref<3840x32xf32, #tpu.memory_space<vmem>>, vector<16xf32>,
        %mul3A_341 = vector.broadcast %bitcast_convert_type3A_331 : f32 to vector<16xf32>
        %mul3A_342 = arith.mulf %mul3A_341, %get3A_340 : vector<16xf32>
        %add3A_343 = arith.addf %add3A_324, %mul3A_342 : vector<16xf32>
        %slice3A_344 = vector.extract_strided_slice %get3A_155 {offsets = [5], sizes = [1], strides = [1]} : vector<16xi32> to vector<1xi32>
        %squeeze3A_345 = vector.extract %slice3A_344[0] : i32 from vector<1xi32>
        %shift_right_arithmetic3A_346 = arith.constant 16 : i32
        %shift_right_arithmetic3A_347 = arith.shrsi %squeeze3A_345, %shift_right_arithmetic3A_346 : i32
        %shift_left3A_348 = arith.constant 16 : i32
        %shift_left3A_349 = arith.shli %squeeze3A_345, %shift_left3A_348 : i32
        %bitcast_convert_type3A_350 = arith.bitcast %shift_left3A_349 : i32 to f32
        %get3A_351 = arith.index_cast %shift_right_arithmetic3A_347 : i32 to index
        %get3A_352 = arith.constant 0 : index
        %get3A_353 = tpu.vector_load %arg6[%get3A_351, %get3A_352] {strides = array<i32>} : memref<3840x32xf32, #tpu.memory_space<vmem>>, vector<16xf32>,
        %mul3A_354 = vector.broadcast %bitcast_convert_type3A_350 : f32 to vector<16xf32>
        %mul3A_355 = arith.mulf %mul3A_354, %get3A_353 : vector<16xf32>
        %add3A_356 = arith.addf %add3A_337, %mul3A_355 : vector<16xf32>
        %get3A_357 = arith.index_cast %shift_right_arithmetic3A_347 : i32 to index
        %get3A_358 = arith.constant 16 : index
        %get3A_359 = tpu.vector_load %arg6[%get3A_357, %get3A_358] {strides = array<i32>} : memref<3840x32xf32, #tpu.memory_space<vmem>>, vector<16xf32>,
        %mul3A_360 = vector.broadcast %bitcast_convert_type3A_350 : f32 to vector<16xf32>
        %mul3A_361 = arith.mulf %mul3A_360, %get3A_359 : vector<16xf32>
        %add3A_362 = arith.addf %add3A_343, %mul3A_361 : vector<16xf32>
        %slice3A_363 = vector.extract_strided_slice %get3A_158 {offsets = [5], sizes = [1], strides = [1]} : vector<16xi32> to vector<1xi32>
        %squeeze3A_364 = vector.extract %slice3A_363[0] : i32 from vector<1xi32>
        %shift_right_arithmetic3A_365 = arith.constant 16 : i32
        %shift_right_arithmetic3A_366 = arith.shrsi %squeeze3A_364, %shift_right_arithmetic3A_365 : i32
        %shift_left3A_367 = arith.constant 16 : i32
        %shift_left3A_368 = arith.shli %squeeze3A_364, %shift_left3A_367 : i32
        %bitcast_convert_type3A_369 = arith.bitcast %shift_left3A_368 : i32 to f32
        %get3A_370 = arith.index_cast %shift_right_arithmetic3A_366 : i32 to index
        %get3A_371 = arith.constant 0 : index
        %get3A_372 = tpu.vector_load %arg6[%get3A_370, %get3A_371] {strides = array<i32>} : memref<3840x32xf32, #tpu.memory_space<vmem>>, vector<16xf32>,
        %mul3A_373 = vector.broadcast %bitcast_convert_type3A_369 : f32 to vector<16xf32>
        %mul3A_374 = arith.mulf %mul3A_373, %get3A_372 : vector<16xf32>
        %add3A_375 = arith.addf %add3A_356, %mul3A_374 : vector<16xf32>
        %get3A_376 = arith.index_cast %shift_right_arithmetic3A_366 : i32 to index
        %get3A_377 = arith.constant 16 : index
        %get3A_378 = tpu.vector_load %arg6[%get3A_376, %get3A_377] {strides = array<i32>} : memref<3840x32xf32, #tpu.memory_space<vmem>>, vector<16xf32>,
        %mul3A_379 = vector.broadcast %bitcast_convert_type3A_369 : f32 to vector<16xf32>
        %mul3A_380 = arith.mulf %mul3A_379, %get3A_378 : vector<16xf32>
        %add3A_381 = arith.addf %add3A_362, %mul3A_380 : vector<16xf32>
        %slice3A_382 = vector.extract_strided_slice %get3A_155 {offsets = [6], sizes = [1], strides = [1]} : vector<16xi32> to vector<1xi32>
        %squeeze3A_383 = vector.extract %slice3A_382[0] : i32 from vector<1xi32>
        %shift_right_arithmetic3A_384 = arith.constant 16 : i32
        %shift_right_arithmetic3A_385 = arith.shrsi %squeeze3A_383, %shift_right_arithmetic3A_384 : i32
        %shift_left3A_386 = arith.constant 16 : i32
        %shift_left3A_387 = arith.shli %squeeze3A_383, %shift_left3A_386 : i32
        %bitcast_convert_type3A_388 = arith.bitcast %shift_left3A_387 : i32 to f32
        %get3A_389 = arith.index_cast %shift_right_arithmetic3A_385 : i32 to index
        %get3A_390 = arith.constant 0 : index
        %get3A_391 = tpu.vector_load %arg6[%get3A_389, %get3A_390] {strides = array<i32>} : memref<3840x32xf32, #tpu.memory_space<vmem>>, vector<16xf32>,
        %mul3A_392 = vector.broadcast %bitcast_convert_type3A_388 : f32 to vector<16xf32>
        %mul3A_393 = arith.mulf %mul3A_392, %get3A_391 : vector<16xf32>
        %add3A_394 = arith.addf %add3A_375, %mul3A_393 : vector<16xf32>
        %get3A_395 = arith.index_cast %shift_right_arithmetic3A_385 : i32 to index
        %get3A_396 = arith.constant 16 : index
        %get3A_397 = tpu.vector_load %arg6[%get3A_395, %get3A_396] {strides = array<i32>} : memref<3840x32xf32, #tpu.memory_space<vmem>>, vector<16xf32>,
        %mul3A_398 = vector.broadcast %bitcast_convert_type3A_388 : f32 to vector<16xf32>
        %mul3A_399 = arith.mulf %mul3A_398, %get3A_397 : vector<16xf32>
        %add3A_400 = arith.addf %add3A_381, %mul3A_399 : vector<16xf32>
        %slice3A_401 = vector.extract_strided_slice %get3A_158 {offsets = [6], sizes = [1], strides = [1]} : vector<16xi32> to vector<1xi32>
        %squeeze3A_402 = vector.extract %slice3A_401[0] : i32 from vector<1xi32>
        %shift_right_arithmetic3A_403 = arith.constant 16 : i32
        %shift_right_arithmetic3A_404 = arith.shrsi %squeeze3A_402, %shift_right_arithmetic3A_403 : i32
        %shift_left3A_405 = arith.constant 16 : i32
        %shift_left3A_406 = arith.shli %squeeze3A_402, %shift_left3A_405 : i32
        %bitcast_convert_type3A_407 = arith.bitcast %shift_left3A_406 : i32 to f32
        %get3A_408 = arith.index_cast %shift_right_arithmetic3A_404 : i32 to index
        %get3A_409 = arith.constant 0 : index
        %get3A_410 = tpu.vector_load %arg6[%get3A_408, %get3A_409] {strides = array<i32>} : memref<3840x32xf32, #tpu.memory_space<vmem>>, vector<16xf32>,
        %mul3A_411 = vector.broadcast %bitcast_convert_type3A_407 : f32 to vector<16xf32>
        %mul3A_412 = arith.mulf %mul3A_411, %get3A_410 : vector<16xf32>
        %add3A_413 = arith.addf %add3A_394, %mul3A_412 : vector<16xf32>
        %get3A_414 = arith.index_cast %shift_right_arithmetic3A_404 : i32 to index
        %get3A_415 = arith.constant 16 : index
        %get3A_416 = tpu.vector_load %arg6[%get3A_414, %get3A_415] {strides = array<i32>} : memref<3840x32xf32, #tpu.memory_space<vmem>>, vector<16xf32>,
        %mul3A_417 = vector.broadcast %bitcast_convert_type3A_407 : f32 to vector<16xf32>
        %mul3A_418 = arith.mulf %mul3A_417, %get3A_416 : vector<16xf32>
        %add3A_419 = arith.addf %add3A_400, %mul3A_418 : vector<16xf32>
        %slice3A_420 = vector.extract_strided_slice %get3A_155 {offsets = [7], sizes = [1], strides = [1]} : vector<16xi32> to vector<1xi32>
        %squeeze3A_421 = vector.extract %slice3A_420[0] : i32 from vector<1xi32>
        %shift_right_arithmetic3A_422 = arith.constant 16 : i32
        %shift_right_arithmetic3A_423 = arith.shrsi %squeeze3A_421, %shift_right_arithmetic3A_422 : i32
        %shift_left3A_424 = arith.constant 16 : i32
        %shift_left3A_425 = arith.shli %squeeze3A_421, %shift_left3A_424 : i32
        %bitcast_convert_type3A_426 = arith.bitcast %shift_left3A_425 : i32 to f32
        %get3A_427 = arith.index_cast %shift_right_arithmetic3A_423 : i32 to index
        %get3A_428 = arith.constant 0 : index
        %get3A_429 = tpu.vector_load %arg6[%get3A_427, %get3A_428] {strides = array<i32>} : memref<3840x32xf32, #tpu.memory_space<vmem>>, vector<16xf32>,
        %mul3A_430 = vector.broadcast %bitcast_convert_type3A_426 : f32 to vector<16xf32>
        %mul3A_431 = arith.mulf %mul3A_430, %get3A_429 : vector<16xf32>
        %add3A_432 = arith.addf %add3A_413, %mul3A_431 : vector<16xf32>
        %get3A_433 = arith.index_cast %shift_right_arithmetic3A_423 : i32 to index
        %get3A_434 = arith.constant 16 : index
        %get3A_435 = tpu.vector_load %arg6[%get3A_433, %get3A_434] {strides = array<i32>} : memref<3840x32xf32, #tpu.memory_space<vmem>>, vector<16xf32>,
        %mul3A_436 = vector.broadcast %bitcast_convert_type3A_426 : f32 to vector<16xf32>
        %mul3A_437 = arith.mulf %mul3A_436, %get3A_435 : vector<16xf32>
        %add3A_438 = arith.addf %add3A_419, %mul3A_437 : vector<16xf32>
        %slice3A_439 = vector.extract_strided_slice %get3A_158 {offsets = [7], sizes = [1], strides = [1]} : vector<16xi32> to vector<1xi32>
        %squeeze3A_440 = vector.extract %slice3A_439[0] : i32 from vector<1xi32>
        %shift_right_arithmetic3A_441 = arith.constant 16 : i32
        %shift_right_arithmetic3A_442 = arith.shrsi %squeeze3A_440, %shift_right_arithmetic3A_441 : i32
        %shift_left3A_443 = arith.constant 16 : i32
        %shift_left3A_444 = arith.shli %squeeze3A_440, %shift_left3A_443 : i32
        %bitcast_convert_type3A_445 = arith.bitcast %shift_left3A_444 : i32 to f32
        %get3A_446 = arith.index_cast %shift_right_arithmetic3A_442 : i32 to index
        %get3A_447 = arith.constant 0 : index
        %get3A_448 = tpu.vector_load %arg6[%get3A_446, %get3A_447] {strides = array<i32>} : memref<3840x32xf32, #tpu.memory_space<vmem>>, vector<16xf32>,
        %mul3A_449 = vector.broadcast %bitcast_convert_type3A_445 : f32 to vector<16xf32>
        %mul3A_450 = arith.mulf %mul3A_449, %get3A_448 : vector<16xf32>
        %add3A_451 = arith.addf %add3A_432, %mul3A_450 : vector<16xf32>
        %get3A_452 = arith.index_cast %shift_right_arithmetic3A_442 : i32 to index
        %get3A_453 = arith.constant 16 : index
        %get3A_454 = tpu.vector_load %arg6[%get3A_452, %get3A_453] {strides = array<i32>} : memref<3840x32xf32, #tpu.memory_space<vmem>>, vector<16xf32>,
        %mul3A_455 = vector.broadcast %bitcast_convert_type3A_445 : f32 to vector<16xf32>
        %mul3A_456 = arith.mulf %mul3A_455, %get3A_454 : vector<16xf32>
        %add3A_457 = arith.addf %add3A_438, %mul3A_456 : vector<16xf32>
        %slice3A_458 = vector.extract_strided_slice %get3A_155 {offsets = [8], sizes = [1], strides = [1]} : vector<16xi32> to vector<1xi32>
        %squeeze3A_459 = vector.extract %slice3A_458[0] : i32 from vector<1xi32>
        %shift_right_arithmetic3A_460 = arith.constant 16 : i32
        %shift_right_arithmetic3A_461 = arith.shrsi %squeeze3A_459, %shift_right_arithmetic3A_460 : i32
        %shift_left3A_462 = arith.constant 16 : i32
        %shift_left3A_463 = arith.shli %squeeze3A_459, %shift_left3A_462 : i32
        %bitcast_convert_type3A_464 = arith.bitcast %shift_left3A_463 : i32 to f32
        %get3A_465 = arith.index_cast %shift_right_arithmetic3A_461 : i32 to index
        %get3A_466 = arith.constant 0 : index
        %get3A_467 = tpu.vector_load %arg6[%get3A_465, %get3A_466] {strides = array<i32>} : memref<3840x32xf32, #tpu.memory_space<vmem>>, vector<16xf32>,
        %mul3A_468 = vector.broadcast %bitcast_convert_type3A_464 : f32 to vector<16xf32>
        %mul3A_469 = arith.mulf %mul3A_468, %get3A_467 : vector<16xf32>
        %add3A_470 = arith.addf %add3A_451, %mul3A_469 : vector<16xf32>
        %get3A_471 = arith.index_cast %shift_right_arithmetic3A_461 : i32 to index
        %get3A_472 = arith.constant 16 : index
        %get3A_473 = tpu.vector_load %arg6[%get3A_471, %get3A_472] {strides = array<i32>} : memref<3840x32xf32, #tpu.memory_space<vmem>>, vector<16xf32>,
        %mul3A_474 = vector.broadcast %bitcast_convert_type3A_464 : f32 to vector<16xf32>
        %mul3A_475 = arith.mulf %mul3A_474, %get3A_473 : vector<16xf32>
        %add3A_476 = arith.addf %add3A_457, %mul3A_475 : vector<16xf32>
        %slice3A_477 = vector.extract_strided_slice %get3A_158 {offsets = [8], sizes = [1], strides = [1]} : vector<16xi32> to vector<1xi32>
        %squeeze3A_478 = vector.extract %slice3A_477[0] : i32 from vector<1xi32>
        %shift_right_arithmetic3A_479 = arith.constant 16 : i32
        %shift_right_arithmetic3A_480 = arith.shrsi %squeeze3A_478, %shift_right_arithmetic3A_479 : i32
        %shift_left3A_481 = arith.constant 16 : i32
        %shift_left3A_482 = arith.shli %squeeze3A_478, %shift_left3A_481 : i32
        %bitcast_convert_type3A_483 = arith.bitcast %shift_left3A_482 : i32 to f32
        %get3A_484 = arith.index_cast %shift_right_arithmetic3A_480 : i32 to index
        %get3A_485 = arith.constant 0 : index
        %get3A_486 = tpu.vector_load %arg6[%get3A_484, %get3A_485] {strides = array<i32>} : memref<3840x32xf32, #tpu.memory_space<vmem>>, vector<16xf32>,
        %mul3A_487 = vector.broadcast %bitcast_convert_type3A_483 : f32 to vector<16xf32>
        %mul3A_488 = arith.mulf %mul3A_487, %get3A_486 : vector<16xf32>
        %add3A_489 = arith.addf %add3A_470, %mul3A_488 : vector<16xf32>
        %get3A_490 = arith.index_cast %shift_right_arithmetic3A_480 : i32 to index
        %get3A_491 = arith.constant 16 : index
        %get3A_492 = tpu.vector_load %arg6[%get3A_490, %get3A_491] {strides = array<i32>} : memref<3840x32xf32, #tpu.memory_space<vmem>>, vector<16xf32>,
        %mul3A_493 = vector.broadcast %bitcast_convert_type3A_483 : f32 to vector<16xf32>
        %mul3A_494 = arith.mulf %mul3A_493, %get3A_492 : vector<16xf32>
        %add3A_495 = arith.addf %add3A_476, %mul3A_494 : vector<16xf32>
        %slice3A_496 = vector.extract_strided_slice %get3A_155 {offsets = [9], sizes = [1], strides = [1]} : vector<16xi32> to vector<1xi32>
        %squeeze3A_497 = vector.extract %slice3A_496[0] : i32 from vector<1xi32>
        %shift_right_arithmetic3A_498 = arith.constant 16 : i32
        %shift_right_arithmetic3A_499 = arith.shrsi %squeeze3A_497, %shift_right_arithmetic3A_498 : i32
        %shift_left3A_500 = arith.constant 16 : i32
        %shift_left3A_501 = arith.shli %squeeze3A_497, %shift_left3A_500 : i32
        %bitcast_convert_type3A_502 = arith.bitcast %shift_left3A_501 : i32 to f32
        %get3A_503 = arith.index_cast %shift_right_arithmetic3A_499 : i32 to index
        %get3A_504 = arith.constant 0 : index
        %get3A_505 = tpu.vector_load %arg6[%get3A_503, %get3A_504] {strides = array<i32>} : memref<3840x32xf32, #tpu.memory_space<vmem>>, vector<16xf32>,
        %mul3A_506 = vector.broadcast %bitcast_convert_type3A_502 : f32 to vector<16xf32>
        %mul3A_507 = arith.mulf %mul3A_506, %get3A_505 : vector<16xf32>
        %add3A_508 = arith.addf %add3A_489, %mul3A_507 : vector<16xf32>
        %get3A_509 = arith.index_cast %shift_right_arithmetic3A_499 : i32 to index
        %get3A_510 = arith.constant 16 : index
        %get3A_511 = tpu.vector_load %arg6[%get3A_509, %get3A_510] {strides = array<i32>} : memref<3840x32xf32, #tpu.memory_space<vmem>>, vector<16xf32>,
        %mul3A_512 = vector.broadcast %bitcast_convert_type3A_502 : f32 to vector<16xf32>
        %mul3A_513 = arith.mulf %mul3A_512, %get3A_511 : vector<16xf32>
        %add3A_514 = arith.addf %add3A_495, %mul3A_513 : vector<16xf32>
        %slice3A_515 = vector.extract_strided_slice %get3A_158 {offsets = [9], sizes = [1], strides = [1]} : vector<16xi32> to vector<1xi32>
        %squeeze3A_516 = vector.extract %slice3A_515[0] : i32 from vector<1xi32>
        %shift_right_arithmetic3A_517 = arith.constant 16 : i32
        %shift_right_arithmetic3A_518 = arith.shrsi %squeeze3A_516, %shift_right_arithmetic3A_517 : i32
        %shift_left3A_519 = arith.constant 16 : i32
        %shift_left3A_520 = arith.shli %squeeze3A_516, %shift_left3A_519 : i32
        %bitcast_convert_type3A_521 = arith.bitcast %shift_left3A_520 : i32 to f32
        %get3A_522 = arith.index_cast %shift_right_arithmetic3A_518 : i32 to index
        %get3A_523 = arith.constant 0 : index
        %get3A_524 = tpu.vector_load %arg6[%get3A_522, %get3A_523] {strides = array<i32>} : memref<3840x32xf32, #tpu.memory_space<vmem>>, vector<16xf32>,
        %mul3A_525 = vector.broadcast %bitcast_convert_type3A_521 : f32 to vector<16xf32>
        %mul3A_526 = arith.mulf %mul3A_525, %get3A_524 : vector<16xf32>
        %add3A_527 = arith.addf %add3A_508, %mul3A_526 : vector<16xf32>
        %get3A_528 = arith.index_cast %shift_right_arithmetic3A_518 : i32 to index
        %get3A_529 = arith.constant 16 : index
        %get3A_530 = tpu.vector_load %arg6[%get3A_528, %get3A_529] {strides = array<i32>} : memref<3840x32xf32, #tpu.memory_space<vmem>>, vector<16xf32>,
        %mul3A_531 = vector.broadcast %bitcast_convert_type3A_521 : f32 to vector<16xf32>
        %mul3A_532 = arith.mulf %mul3A_531, %get3A_530 : vector<16xf32>
        %add3A_533 = arith.addf %add3A_514, %mul3A_532 : vector<16xf32>
        %slice3A_534 = vector.extract_strided_slice %get3A_155 {offsets = [10], sizes = [1], strides = [1]} : vector<16xi32> to vector<1xi32>
        %squeeze3A_535 = vector.extract %slice3A_534[0] : i32 from vector<1xi32>
        %shift_right_arithmetic3A_536 = arith.constant 16 : i32
        %shift_right_arithmetic3A_537 = arith.shrsi %squeeze3A_535, %shift_right_arithmetic3A_536 : i32
        %shift_left3A_538 = arith.constant 16 : i32
        %shift_left3A_539 = arith.shli %squeeze3A_535, %shift_left3A_538 : i32
        %bitcast_convert_type3A_540 = arith.bitcast %shift_left3A_539 : i32 to f32
        %get3A_541 = arith.index_cast %shift_right_arithmetic3A_537 : i32 to index
        %get3A_542 = arith.constant 0 : index
        %get3A_543 = tpu.vector_load %arg6[%get3A_541, %get3A_542] {strides = array<i32>} : memref<3840x32xf32, #tpu.memory_space<vmem>>, vector<16xf32>,
        %mul3A_544 = vector.broadcast %bitcast_convert_type3A_540 : f32 to vector<16xf32>
        %mul3A_545 = arith.mulf %mul3A_544, %get3A_543 : vector<16xf32>
        %add3A_546 = arith.addf %add3A_527, %mul3A_545 : vector<16xf32>
        %get3A_547 = arith.index_cast %shift_right_arithmetic3A_537 : i32 to index
        %get3A_548 = arith.constant 16 : index
        %get3A_549 = tpu.vector_load %arg6[%get3A_547, %get3A_548] {strides = array<i32>} : memref<3840x32xf32, #tpu.memory_space<vmem>>, vector<16xf32>,
        %mul3A_550 = vector.broadcast %bitcast_convert_type3A_540 : f32 to vector<16xf32>
        %mul3A_551 = arith.mulf %mul3A_550, %get3A_549 : vector<16xf32>
        %add3A_552 = arith.addf %add3A_533, %mul3A_551 : vector<16xf32>
        %slice3A_553 = vector.extract_strided_slice %get3A_158 {offsets = [10], sizes = [1], strides = [1]} : vector<16xi32> to vector<1xi32>
        %squeeze3A_554 = vector.extract %slice3A_553[0] : i32 from vector<1xi32>
        %shift_right_arithmetic3A_555 = arith.constant 16 : i32
        %shift_right_arithmetic3A_556 = arith.shrsi %squeeze3A_554, %shift_right_arithmetic3A_555 : i32
        %shift_left3A_557 = arith.constant 16 : i32
        %shift_left3A_558 = arith.shli %squeeze3A_554, %shift_left3A_557 : i32
        %bitcast_convert_type3A_559 = arith.bitcast %shift_left3A_558 : i32 to f32
        %get3A_560 = arith.index_cast %shift_right_arithmetic3A_556 : i32 to index
        %get3A_561 = arith.constant 0 : index
        %get3A_562 = tpu.vector_load %arg6[%get3A_560, %get3A_561] {strides = array<i32>} : memref<3840x32xf32, #tpu.memory_space<vmem>>, vector<16xf32>,
        %mul3A_563 = vector.broadcast %bitcast_convert_type3A_559 : f32 to vector<16xf32>
        %mul3A_564 = arith.mulf %mul3A_563, %get3A_562 : vector<16xf32>
        %add3A_565 = arith.addf %add3A_546, %mul3A_564 : vector<16xf32>
        %get3A_566 = arith.index_cast %shift_right_arithmetic3A_556 : i32 to index
        %get3A_567 = arith.constant 16 : index
        %get3A_568 = tpu.vector_load %arg6[%get3A_566, %get3A_567] {strides = array<i32>} : memref<3840x32xf32, #tpu.memory_space<vmem>>, vector<16xf32>,
        %mul3A_569 = vector.broadcast %bitcast_convert_type3A_559 : f32 to vector<16xf32>
        %mul3A_570 = arith.mulf %mul3A_569, %get3A_568 : vector<16xf32>
        %add3A_571 = arith.addf %add3A_552, %mul3A_570 : vector<16xf32>
        %slice3A_572 = vector.extract_strided_slice %get3A_155 {offsets = [11], sizes = [1], strides = [1]} : vector<16xi32> to vector<1xi32>
        %squeeze3A_573 = vector.extract %slice3A_572[0] : i32 from vector<1xi32>
        %shift_right_arithmetic3A_574 = arith.constant 16 : i32
        %shift_right_arithmetic3A_575 = arith.shrsi %squeeze3A_573, %shift_right_arithmetic3A_574 : i32
        %shift_left3A_576 = arith.constant 16 : i32
        %shift_left3A_577 = arith.shli %squeeze3A_573, %shift_left3A_576 : i32
        %bitcast_convert_type3A_578 = arith.bitcast %shift_left3A_577 : i32 to f32
        %get3A_579 = arith.index_cast %shift_right_arithmetic3A_575 : i32 to index
        %get3A_580 = arith.constant 0 : index
        %get3A_581 = tpu.vector_load %arg6[%get3A_579, %get3A_580] {strides = array<i32>} : memref<3840x32xf32, #tpu.memory_space<vmem>>, vector<16xf32>,
        %mul3A_582 = vector.broadcast %bitcast_convert_type3A_578 : f32 to vector<16xf32>
        %mul3A_583 = arith.mulf %mul3A_582, %get3A_581 : vector<16xf32>
        %add3A_584 = arith.addf %add3A_565, %mul3A_583 : vector<16xf32>
        %get3A_585 = arith.index_cast %shift_right_arithmetic3A_575 : i32 to index
        %get3A_586 = arith.constant 16 : index
        %get3A_587 = tpu.vector_load %arg6[%get3A_585, %get3A_586] {strides = array<i32>} : memref<3840x32xf32, #tpu.memory_space<vmem>>, vector<16xf32>,
        %mul3A_588 = vector.broadcast %bitcast_convert_type3A_578 : f32 to vector<16xf32>
        %mul3A_589 = arith.mulf %mul3A_588, %get3A_587 : vector<16xf32>
        %add3A_590 = arith.addf %add3A_571, %mul3A_589 : vector<16xf32>
        %slice3A_591 = vector.extract_strided_slice %get3A_158 {offsets = [11], sizes = [1], strides = [1]} : vector<16xi32> to vector<1xi32>
        %squeeze3A_592 = vector.extract %slice3A_591[0] : i32 from vector<1xi32>
        %shift_right_arithmetic3A_593 = arith.constant 16 : i32
        %shift_right_arithmetic3A_594 = arith.shrsi %squeeze3A_592, %shift_right_arithmetic3A_593 : i32
        %shift_left3A_595 = arith.constant 16 : i32
        %shift_left3A_596 = arith.shli %squeeze3A_592, %shift_left3A_595 : i32
        %bitcast_convert_type3A_597 = arith.bitcast %shift_left3A_596 : i32 to f32
        %get3A_598 = arith.index_cast %shift_right_arithmetic3A_594 : i32 to index
        %get3A_599 = arith.constant 0 : index
        %get3A_600 = tpu.vector_load %arg6[%get3A_598, %get3A_599] {strides = array<i32>} : memref<3840x32xf32, #tpu.memory_space<vmem>>, vector<16xf32>,
        %mul3A_601 = vector.broadcast %bitcast_convert_type3A_597 : f32 to vector<16xf32>
        %mul3A_602 = arith.mulf %mul3A_601, %get3A_600 : vector<16xf32>
        %add3A_603 = arith.addf %add3A_584, %mul3A_602 : vector<16xf32>
        %get3A_604 = arith.index_cast %shift_right_arithmetic3A_594 : i32 to index
        %get3A_605 = arith.constant 16 : index
        %get3A_606 = tpu.vector_load %arg6[%get3A_604, %get3A_605] {strides = array<i32>} : memref<3840x32xf32, #tpu.memory_space<vmem>>, vector<16xf32>,
        %mul3A_607 = vector.broadcast %bitcast_convert_type3A_597 : f32 to vector<16xf32>
        %mul3A_608 = arith.mulf %mul3A_607, %get3A_606 : vector<16xf32>
        %add3A_609 = arith.addf %add3A_590, %mul3A_608 : vector<16xf32>
        %slice3A_610 = vector.extract_strided_slice %get3A_155 {offsets = [12], sizes = [1], strides = [1]} : vector<16xi32> to vector<1xi32>
        %squeeze3A_611 = vector.extract %slice3A_610[0] : i32 from vector<1xi32>
        %shift_right_arithmetic3A_612 = arith.constant 16 : i32
        %shift_right_arithmetic3A_613 = arith.shrsi %squeeze3A_611, %shift_right_arithmetic3A_612 : i32
        %shift_left3A_614 = arith.constant 16 : i32
        %shift_left3A_615 = arith.shli %squeeze3A_611, %shift_left3A_614 : i32
        %bitcast_convert_type3A_616 = arith.bitcast %shift_left3A_615 : i32 to f32
        %get3A_617 = arith.index_cast %shift_right_arithmetic3A_613 : i32 to index
        %get3A_618 = arith.constant 0 : index
        %get3A_619 = tpu.vector_load %arg6[%get3A_617, %get3A_618] {strides = array<i32>} : memref<3840x32xf32, #tpu.memory_space<vmem>>, vector<16xf32>,
        %mul3A_620 = vector.broadcast %bitcast_convert_type3A_616 : f32 to vector<16xf32>
        %mul3A_621 = arith.mulf %mul3A_620, %get3A_619 : vector<16xf32>
        %add3A_622 = arith.addf %add3A_603, %mul3A_621 : vector<16xf32>
        %get3A_623 = arith.index_cast %shift_right_arithmetic3A_613 : i32 to index
        %get3A_624 = arith.constant 16 : index
        %get3A_625 = tpu.vector_load %arg6[%get3A_623, %get3A_624] {strides = array<i32>} : memref<3840x32xf32, #tpu.memory_space<vmem>>, vector<16xf32>,
        %mul3A_626 = vector.broadcast %bitcast_convert_type3A_616 : f32 to vector<16xf32>
        %mul3A_627 = arith.mulf %mul3A_626, %get3A_625 : vector<16xf32>
        %add3A_628 = arith.addf %add3A_609, %mul3A_627 : vector<16xf32>
        %slice3A_629 = vector.extract_strided_slice %get3A_158 {offsets = [12], sizes = [1], strides = [1]} : vector<16xi32> to vector<1xi32>
        %squeeze3A_630 = vector.extract %slice3A_629[0] : i32 from vector<1xi32>
        %shift_right_arithmetic3A_631 = arith.constant 16 : i32
        %shift_right_arithmetic3A_632 = arith.shrsi %squeeze3A_630, %shift_right_arithmetic3A_631 : i32
        %shift_left3A_633 = arith.constant 16 : i32
        %shift_left3A_634 = arith.shli %squeeze3A_630, %shift_left3A_633 : i32
        %bitcast_convert_type3A_635 = arith.bitcast %shift_left3A_634 : i32 to f32
        %get3A_636 = arith.index_cast %shift_right_arithmetic3A_632 : i32 to index
        %get3A_637 = arith.constant 0 : index
        %get3A_638 = tpu.vector_load %arg6[%get3A_636, %get3A_637] {strides = array<i32>} : memref<3840x32xf32, #tpu.memory_space<vmem>>, vector<16xf32>,
        %mul3A_639 = vector.broadcast %bitcast_convert_type3A_635 : f32 to vector<16xf32>
        %mul3A_640 = arith.mulf %mul3A_639, %get3A_638 : vector<16xf32>
        %add3A_641 = arith.addf %add3A_622, %mul3A_640 : vector<16xf32>
        %get3A_642 = arith.index_cast %shift_right_arithmetic3A_632 : i32 to index
        %get3A_643 = arith.constant 16 : index
        %get3A_644 = tpu.vector_load %arg6[%get3A_642, %get3A_643] {strides = array<i32>} : memref<3840x32xf32, #tpu.memory_space<vmem>>, vector<16xf32>,
        %mul3A_645 = vector.broadcast %bitcast_convert_type3A_635 : f32 to vector<16xf32>
        %mul3A_646 = arith.mulf %mul3A_645, %get3A_644 : vector<16xf32>
        %add3A_647 = arith.addf %add3A_628, %mul3A_646 : vector<16xf32>
        %slice3A_648 = vector.extract_strided_slice %get3A_155 {offsets = [13], sizes = [1], strides = [1]} : vector<16xi32> to vector<1xi32>
        %squeeze3A_649 = vector.extract %slice3A_648[0] : i32 from vector<1xi32>
        %shift_right_arithmetic3A_650 = arith.constant 16 : i32
        %shift_right_arithmetic3A_651 = arith.shrsi %squeeze3A_649, %shift_right_arithmetic3A_650 : i32
        %shift_left3A_652 = arith.constant 16 : i32
        %shift_left3A_653 = arith.shli %squeeze3A_649, %shift_left3A_652 : i32
        %bitcast_convert_type3A_654 = arith.bitcast %shift_left3A_653 : i32 to f32
        %get3A_655 = arith.index_cast %shift_right_arithmetic3A_651 : i32 to index
        %get3A_656 = arith.constant 0 : index
        %get3A_657 = tpu.vector_load %arg6[%get3A_655, %get3A_656] {strides = array<i32>} : memref<3840x32xf32, #tpu.memory_space<vmem>>, vector<16xf32>,
        %mul3A_658 = vector.broadcast %bitcast_convert_type3A_654 : f32 to vector<16xf32>
        %mul3A_659 = arith.mulf %mul3A_658, %get3A_657 : vector<16xf32>
        %add3A_660 = arith.addf %add3A_641, %mul3A_659 : vector<16xf32>
        %get3A_661 = arith.index_cast %shift_right_arithmetic3A_651 : i32 to index
        %get3A_662 = arith.constant 16 : index
        %get3A_663 = tpu.vector_load %arg6[%get3A_661, %get3A_662] {strides = array<i32>} : memref<3840x32xf32, #tpu.memory_space<vmem>>, vector<16xf32>,
        %mul3A_664 = vector.broadcast %bitcast_convert_type3A_654 : f32 to vector<16xf32>
        %mul3A_665 = arith.mulf %mul3A_664, %get3A_663 : vector<16xf32>
        %add3A_666 = arith.addf %add3A_647, %mul3A_665 : vector<16xf32>
        %slice3A_667 = vector.extract_strided_slice %get3A_158 {offsets = [13], sizes = [1], strides = [1]} : vector<16xi32> to vector<1xi32>
        %squeeze3A_668 = vector.extract %slice3A_667[0] : i32 from vector<1xi32>
        %shift_right_arithmetic3A_669 = arith.constant 16 : i32
        %shift_right_arithmetic3A_670 = arith.shrsi %squeeze3A_668, %shift_right_arithmetic3A_669 : i32
        %shift_left3A_671 = arith.constant 16 : i32
        %shift_left3A_672 = arith.shli %squeeze3A_668, %shift_left3A_671 : i32
        %bitcast_convert_type3A_673 = arith.bitcast %shift_left3A_672 : i32 to f32
        %get3A_674 = arith.index_cast %shift_right_arithmetic3A_670 : i32 to index
        %get3A_675 = arith.constant 0 : index
        %get3A_676 = tpu.vector_load %arg6[%get3A_674, %get3A_675] {strides = array<i32>} : memref<3840x32xf32, #tpu.memory_space<vmem>>, vector<16xf32>,
        %mul3A_677 = vector.broadcast %bitcast_convert_type3A_673 : f32 to vector<16xf32>
        %mul3A_678 = arith.mulf %mul3A_677, %get3A_676 : vector<16xf32>
        %add3A_679 = arith.addf %add3A_660, %mul3A_678 : vector<16xf32>
        %get3A_680 = arith.index_cast %shift_right_arithmetic3A_670 : i32 to index
        %get3A_681 = arith.constant 16 : index
        %get3A_682 = tpu.vector_load %arg6[%get3A_680, %get3A_681] {strides = array<i32>} : memref<3840x32xf32, #tpu.memory_space<vmem>>, vector<16xf32>,
        %mul3A_683 = vector.broadcast %bitcast_convert_type3A_673 : f32 to vector<16xf32>
        %mul3A_684 = arith.mulf %mul3A_683, %get3A_682 : vector<16xf32>
        %add3A_685 = arith.addf %add3A_666, %mul3A_684 : vector<16xf32>
        %slice3A_686 = vector.extract_strided_slice %get3A_155 {offsets = [14], sizes = [1], strides = [1]} : vector<16xi32> to vector<1xi32>
        %squeeze3A_687 = vector.extract %slice3A_686[0] : i32 from vector<1xi32>
        %shift_right_arithmetic3A_688 = arith.constant 16 : i32
        %shift_right_arithmetic3A_689 = arith.shrsi %squeeze3A_687, %shift_right_arithmetic3A_688 : i32
        %shift_left3A_690 = arith.constant 16 : i32
        %shift_left3A_691 = arith.shli %squeeze3A_687, %shift_left3A_690 : i32
        %bitcast_convert_type3A_692 = arith.bitcast %shift_left3A_691 : i32 to f32
        %get3A_693 = arith.index_cast %shift_right_arithmetic3A_689 : i32 to index
        %get3A_694 = arith.constant 0 : index
        %get3A_695 = tpu.vector_load %arg6[%get3A_693, %get3A_694] {strides = array<i32>} : memref<3840x32xf32, #tpu.memory_space<vmem>>, vector<16xf32>,
        %mul3A_696 = vector.broadcast %bitcast_convert_type3A_692 : f32 to vector<16xf32>
        %mul3A_697 = arith.mulf %mul3A_696, %get3A_695 : vector<16xf32>
        %add3A_698 = arith.addf %add3A_679, %mul3A_697 : vector<16xf32>
        %get3A_699 = arith.index_cast %shift_right_arithmetic3A_689 : i32 to index
        %get3A_700 = arith.constant 16 : index
        %get3A_701 = tpu.vector_load %arg6[%get3A_699, %get3A_700] {strides = array<i32>} : memref<3840x32xf32, #tpu.memory_space<vmem>>, vector<16xf32>,
        %mul3A_702 = vector.broadcast %bitcast_convert_type3A_692 : f32 to vector<16xf32>
        %mul3A_703 = arith.mulf %mul3A_702, %get3A_701 : vector<16xf32>
        %add3A_704 = arith.addf %add3A_685, %mul3A_703 : vector<16xf32>
        %slice3A_705 = vector.extract_strided_slice %get3A_158 {offsets = [14], sizes = [1], strides = [1]} : vector<16xi32> to vector<1xi32>
        %squeeze3A_706 = vector.extract %slice3A_705[0] : i32 from vector<1xi32>
        %shift_right_arithmetic3A_707 = arith.constant 16 : i32
        %shift_right_arithmetic3A_708 = arith.shrsi %squeeze3A_706, %shift_right_arithmetic3A_707 : i32
        %shift_left3A_709 = arith.constant 16 : i32
        %shift_left3A_710 = arith.shli %squeeze3A_706, %shift_left3A_709 : i32
        %bitcast_convert_type3A_711 = arith.bitcast %shift_left3A_710 : i32 to f32
        %get3A_712 = arith.index_cast %shift_right_arithmetic3A_708 : i32 to index
        %get3A_713 = arith.constant 0 : index
        %get3A_714 = tpu.vector_load %arg6[%get3A_712, %get3A_713] {strides = array<i32>} : memref<3840x32xf32, #tpu.memory_space<vmem>>, vector<16xf32>,
        %mul3A_715 = vector.broadcast %bitcast_convert_type3A_711 : f32 to vector<16xf32>
        %mul3A_716 = arith.mulf %mul3A_715, %get3A_714 : vector<16xf32>
        %add3A_717 = arith.addf %add3A_698, %mul3A_716 : vector<16xf32>
        %get3A_718 = arith.index_cast %shift_right_arithmetic3A_708 : i32 to index
        %get3A_719 = arith.constant 16 : index
        %get3A_720 = tpu.vector_load %arg6[%get3A_718, %get3A_719] {strides = array<i32>} : memref<3840x32xf32, #tpu.memory_space<vmem>>, vector<16xf32>,
        %mul3A_721 = vector.broadcast %bitcast_convert_type3A_711 : f32 to vector<16xf32>
        %mul3A_722 = arith.mulf %mul3A_721, %get3A_720 : vector<16xf32>
        %add3A_723 = arith.addf %add3A_704, %mul3A_722 : vector<16xf32>
        %slice3A_724 = vector.extract_strided_slice %get3A_155 {offsets = [15], sizes = [1], strides = [1]} : vector<16xi32> to vector<1xi32>
        %squeeze3A_725 = vector.extract %slice3A_724[0] : i32 from vector<1xi32>
        %shift_right_arithmetic3A_726 = arith.constant 16 : i32
        %shift_right_arithmetic3A_727 = arith.shrsi %squeeze3A_725, %shift_right_arithmetic3A_726 : i32
        %shift_left3A_728 = arith.constant 16 : i32
        %shift_left3A_729 = arith.shli %squeeze3A_725, %shift_left3A_728 : i32
        %bitcast_convert_type3A_730 = arith.bitcast %shift_left3A_729 : i32 to f32
        %get3A_731 = arith.index_cast %shift_right_arithmetic3A_727 : i32 to index
        %get3A_732 = arith.constant 0 : index
        %get3A_733 = tpu.vector_load %arg6[%get3A_731, %get3A_732] {strides = array<i32>} : memref<3840x32xf32, #tpu.memory_space<vmem>>, vector<16xf32>,
        %mul3A_734 = vector.broadcast %bitcast_convert_type3A_730 : f32 to vector<16xf32>
        %mul3A_735 = arith.mulf %mul3A_734, %get3A_733 : vector<16xf32>
        %add3A_736 = arith.addf %add3A_717, %mul3A_735 : vector<16xf32>
        %get3A_737 = arith.index_cast %shift_right_arithmetic3A_727 : i32 to index
        %get3A_738 = arith.constant 16 : index
        %get3A_739 = tpu.vector_load %arg6[%get3A_737, %get3A_738] {strides = array<i32>} : memref<3840x32xf32, #tpu.memory_space<vmem>>, vector<16xf32>,
        %mul3A_740 = vector.broadcast %bitcast_convert_type3A_730 : f32 to vector<16xf32>
        %mul3A_741 = arith.mulf %mul3A_740, %get3A_739 : vector<16xf32>
        %add3A_742 = arith.addf %add3A_723, %mul3A_741 : vector<16xf32>
        %slice3A_743 = vector.extract_strided_slice %get3A_158 {offsets = [15], sizes = [1], strides = [1]} : vector<16xi32> to vector<1xi32>
        %squeeze3A_744 = vector.extract %slice3A_743[0] : i32 from vector<1xi32>
        %shift_right_arithmetic3A_745 = arith.constant 16 : i32
        %shift_right_arithmetic3A_746 = arith.shrsi %squeeze3A_744, %shift_right_arithmetic3A_745 : i32
        %shift_left3A_747 = arith.constant 16 : i32
        %shift_left3A_748 = arith.shli %squeeze3A_744, %shift_left3A_747 : i32
        %bitcast_convert_type3A_749 = arith.bitcast %shift_left3A_748 : i32 to f32
        %get3A_750 = arith.index_cast %shift_right_arithmetic3A_746 : i32 to index
        %get3A_751 = arith.constant 0 : index
        %get3A_752 = tpu.vector_load %arg6[%get3A_750, %get3A_751] {strides = array<i32>} : memref<3840x32xf32, #tpu.memory_space<vmem>>, vector<16xf32>,
        %mul3A_753 = vector.broadcast %bitcast_convert_type3A_749 : f32 to vector<16xf32>
        %mul3A_754 = arith.mulf %mul3A_753, %get3A_752 : vector<16xf32>
        %add3A_755 = arith.addf %add3A_736, %mul3A_754 : vector<16xf32>
        %get3A_756 = arith.index_cast %shift_right_arithmetic3A_746 : i32 to index
        %get3A_757 = arith.constant 16 : index
        %get3A_758 = tpu.vector_load %arg6[%get3A_756, %get3A_757] {strides = array<i32>} : memref<3840x32xf32, #tpu.memory_space<vmem>>, vector<16xf32>,
        %mul3A_759 = vector.broadcast %bitcast_convert_type3A_749 : f32 to vector<16xf32>
        %mul3A_760 = arith.mulf %mul3A_759, %get3A_758 : vector<16xf32>
        %add3A_761 = arith.addf %add3A_742, %mul3A_760 : vector<16xf32>
        %swap3A = arith.index_cast %add3A_150 : i32 to index
        %swap3A_762 = arith.constant 0 : index
        %swap3A_763 = tpu.vector_load %arg11[%swap3A, %swap3A_762] {strides = array<i32>} : memref<64x32xf32, #tpu.memory_space<vmem>>, vector<16xf32>,
        tpu.vector_store %arg11[%swap3A, %swap3A_762], %add3A_755 {strides = array<i32>} : memref<64x32xf32, #tpu.memory_space<vmem>>, vector<16xf32>,
        %swap3A_764 = arith.index_cast %add3A_150 : i32 to index
        %swap3A_765 = arith.constant 16 : index
        %swap3A_766 = tpu.vector_load %arg11[%swap3A_764, %swap3A_765] {strides = array<i32>} : memref<64x32xf32, #tpu.memory_space<vmem>>, vector<16xf32>,
        tpu.vector_store %arg11[%swap3A_764, %swap3A_765], %add3A_761 {strides = array<i32>} : memref<64x32xf32, #tpu.memory_space<vmem>>, vector<16xf32>,
        %mul3A_767 = arith.constant 2 : i32
        %mul3A_768 = arith.muli %scan3A_146, %mul3A_767 : i32
        %add3A_769 = arith.constant 1 : i32
        %add3A_770 = arith.addi %mul3A_768, %add3A_769 : i32
        %broadcast_in_dim3A_771 = arith.constant 0.000000e+00 : f32
        %broadcast_in_dim3A_772 = vector.broadcast %broadcast_in_dim3A_771 : f32 to vector<16xf32>
        %broadcast_in_dim3A_773 = arith.constant 0.000000e+00 : f32
        %broadcast_in_dim3A_774 = vector.broadcast %broadcast_in_dim3A_773 : f32 to vector<16xf32>
        %get3A_775 = arith.index_cast %add3A_770 : i32 to index
        %get3A_776 = arith.constant 0 : index
        %get3A_777 = tpu.vector_load %arg7[%get3A_775, %get3A_776] {strides = array<i32>} : memref<64x16xi32, #tpu.memory_space<vmem>>, vector<16xi32>,
        %get3A_778 = arith.index_cast %add3A_770 : i32 to index
        %get3A_779 = arith.constant 0 : index
        %get3A_780 = tpu.vector_load %arg8[%get3A_778, %get3A_779] {strides = array<i32>} : memref<64x16xi32, #tpu.memory_space<vmem>>, vector<16xi32>,
        %slice3A_781 = vector.extract_strided_slice %get3A_777 {offsets = [0], sizes = [1], strides = [1]} : vector<16xi32> to vector<1xi32>
        %squeeze3A_782 = vector.extract %slice3A_781[0] : i32 from vector<1xi32>
        %shift_right_arithmetic3A_783 = arith.constant 16 : i32
        %shift_right_arithmetic3A_784 = arith.shrsi %squeeze3A_782, %shift_right_arithmetic3A_783 : i32
        %shift_left3A_785 = arith.constant 16 : i32
        %shift_left3A_786 = arith.shli %squeeze3A_782, %shift_left3A_785 : i32
        %bitcast_convert_type3A_787 = arith.bitcast %shift_left3A_786 : i32 to f32
        %get3A_788 = arith.index_cast %shift_right_arithmetic3A_784 : i32 to index
        %get3A_789 = arith.constant 0 : index
        %get3A_790 = tpu.vector_load %arg6[%get3A_788, %get3A_789] {strides = array<i32>} : memref<3840x32xf32, #tpu.memory_space<vmem>>, vector<16xf32>,
        %mul3A_791 = vector.broadcast %bitcast_convert_type3A_787 : f32 to vector<16xf32>
        %mul3A_792 = arith.mulf %mul3A_791, %get3A_790 : vector<16xf32>
        %add3A_793 = arith.addf %broadcast_in_dim3A_772, %mul3A_792 : vector<16xf32>
        %get3A_794 = arith.index_cast %shift_right_arithmetic3A_784 : i32 to index
        %get3A_795 = arith.constant 16 : index
        %get3A_796 = tpu.vector_load %arg6[%get3A_794, %get3A_795] {strides = array<i32>} : memref<3840x32xf32, #tpu.memory_space<vmem>>, vector<16xf32>,
        %mul3A_797 = vector.broadcast %bitcast_convert_type3A_787 : f32 to vector<16xf32>
        %mul3A_798 = arith.mulf %mul3A_797, %get3A_796 : vector<16xf32>
        %add3A_799 = arith.addf %broadcast_in_dim3A_774, %mul3A_798 : vector<16xf32>
        %slice3A_800 = vector.extract_strided_slice %get3A_780 {offsets = [0], sizes = [1], strides = [1]} : vector<16xi32> to vector<1xi32>
        %squeeze3A_801 = vector.extract %slice3A_800[0] : i32 from vector<1xi32>
        %shift_right_arithmetic3A_802 = arith.constant 16 : i32
        %shift_right_arithmetic3A_803 = arith.shrsi %squeeze3A_801, %shift_right_arithmetic3A_802 : i32
        %shift_left3A_804 = arith.constant 16 : i32
        %shift_left3A_805 = arith.shli %squeeze3A_801, %shift_left3A_804 : i32
        %bitcast_convert_type3A_806 = arith.bitcast %shift_left3A_805 : i32 to f32
        %get3A_807 = arith.index_cast %shift_right_arithmetic3A_803 : i32 to index
        %get3A_808 = arith.constant 0 : index
        %get3A_809 = tpu.vector_load %arg6[%get3A_807, %get3A_808] {strides = array<i32>} : memref<3840x32xf32, #tpu.memory_space<vmem>>, vector<16xf32>,
        %mul3A_810 = vector.broadcast %bitcast_convert_type3A_806 : f32 to vector<16xf32>
        %mul3A_811 = arith.mulf %mul3A_810, %get3A_809 : vector<16xf32>
        %add3A_812 = arith.addf %add3A_793, %mul3A_811 : vector<16xf32>
        %get3A_813 = arith.index_cast %shift_right_arithmetic3A_803 : i32 to index
        %get3A_814 = arith.constant 16 : index
        %get3A_815 = tpu.vector_load %arg6[%get3A_813, %get3A_814] {strides = array<i32>} : memref<3840x32xf32, #tpu.memory_space<vmem>>, vector<16xf32>,
        %mul3A_816 = vector.broadcast %bitcast_convert_type3A_806 : f32 to vector<16xf32>
        %mul3A_817 = arith.mulf %mul3A_816, %get3A_815 : vector<16xf32>
        %add3A_818 = arith.addf %add3A_799, %mul3A_817 : vector<16xf32>
        %slice3A_819 = vector.extract_strided_slice %get3A_777 {offsets = [1], sizes = [1], strides = [1]} : vector<16xi32> to vector<1xi32>
        %squeeze3A_820 = vector.extract %slice3A_819[0] : i32 from vector<1xi32>
        %shift_right_arithmetic3A_821 = arith.constant 16 : i32
        %shift_right_arithmetic3A_822 = arith.shrsi %squeeze3A_820, %shift_right_arithmetic3A_821 : i32
        %shift_left3A_823 = arith.constant 16 : i32
        %shift_left3A_824 = arith.shli %squeeze3A_820, %shift_left3A_823 : i32
        %bitcast_convert_type3A_825 = arith.bitcast %shift_left3A_824 : i32 to f32
        %get3A_826 = arith.index_cast %shift_right_arithmetic3A_822 : i32 to index
        %get3A_827 = arith.constant 0 : index
        %get3A_828 = tpu.vector_load %arg6[%get3A_826, %get3A_827] {strides = array<i32>} : memref<3840x32xf32, #tpu.memory_space<vmem>>, vector<16xf32>,
        %mul3A_829 = vector.broadcast %bitcast_convert_type3A_825 : f32 to vector<16xf32>
        %mul3A_830 = arith.mulf %mul3A_829, %get3A_828 : vector<16xf32>
        %add3A_831 = arith.addf %add3A_812, %mul3A_830 : vector<16xf32>
        %get3A_832 = arith.index_cast %shift_right_arithmetic3A_822 : i32 to index
        %get3A_833 = arith.constant 16 : index
        %get3A_834 = tpu.vector_load %arg6[%get3A_832, %get3A_833] {strides = array<i32>} : memref<3840x32xf32, #tpu.memory_space<vmem>>, vector<16xf32>,
        %mul3A_835 = vector.broadcast %bitcast_convert_type3A_825 : f32 to vector<16xf32>
        %mul3A_836 = arith.mulf %mul3A_835, %get3A_834 : vector<16xf32>
        %add3A_837 = arith.addf %add3A_818, %mul3A_836 : vector<16xf32>
        %slice3A_838 = vector.extract_strided_slice %get3A_780 {offsets = [1], sizes = [1], strides = [1]} : vector<16xi32> to vector<1xi32>
        %squeeze3A_839 = vector.extract %slice3A_838[0] : i32 from vector<1xi32>
        %shift_right_arithmetic3A_840 = arith.constant 16 : i32
        %shift_right_arithmetic3A_841 = arith.shrsi %squeeze3A_839, %shift_right_arithmetic3A_840 : i32
        %shift_left3A_842 = arith.constant 16 : i32
        %shift_left3A_843 = arith.shli %squeeze3A_839, %shift_left3A_842 : i32
        %bitcast_convert_type3A_844 = arith.bitcast %shift_left3A_843 : i32 to f32
        %get3A_845 = arith.index_cast %shift_right_arithmetic3A_841 : i32 to index
        %get3A_846 = arith.constant 0 : index
        %get3A_847 = tpu.vector_load %arg6[%get3A_845, %get3A_846] {strides = array<i32>} : memref<3840x32xf32, #tpu.memory_space<vmem>>, vector<16xf32>,
        %mul3A_848 = vector.broadcast %bitcast_convert_type3A_844 : f32 to vector<16xf32>
        %mul3A_849 = arith.mulf %mul3A_848, %get3A_847 : vector<16xf32>
        %add3A_850 = arith.addf %add3A_831, %mul3A_849 : vector<16xf32>
        %get3A_851 = arith.index_cast %shift_right_arithmetic3A_841 : i32 to index
        %get3A_852 = arith.constant 16 : index
        %get3A_853 = tpu.vector_load %arg6[%get3A_851, %get3A_852] {strides = array<i32>} : memref<3840x32xf32, #tpu.memory_space<vmem>>, vector<16xf32>,
        %mul3A_854 = vector.broadcast %bitcast_convert_type3A_844 : f32 to vector<16xf32>
        %mul3A_855 = arith.mulf %mul3A_854, %get3A_853 : vector<16xf32>
        %add3A_856 = arith.addf %add3A_837, %mul3A_855 : vector<16xf32>
        %slice3A_857 = vector.extract_strided_slice %get3A_777 {offsets = [2], sizes = [1], strides = [1]} : vector<16xi32> to vector<1xi32>
        %squeeze3A_858 = vector.extract %slice3A_857[0] : i32 from vector<1xi32>
        %shift_right_arithmetic3A_859 = arith.constant 16 : i32
        %shift_right_arithmetic3A_860 = arith.shrsi %squeeze3A_858, %shift_right_arithmetic3A_859 : i32
        %shift_left3A_861 = arith.constant 16 : i32
        %shift_left3A_862 = arith.shli %squeeze3A_858, %shift_left3A_861 : i32
        %bitcast_convert_type3A_863 = arith.bitcast %shift_left3A_862 : i32 to f32
        %get3A_864 = arith.index_cast %shift_right_arithmetic3A_860 : i32 to index
        %get3A_865 = arith.constant 0 : index
        %get3A_866 = tpu.vector_load %arg6[%get3A_864, %get3A_865] {strides = array<i32>} : memref<3840x32xf32, #tpu.memory_space<vmem>>, vector<16xf32>,
        %mul3A_867 = vector.broadcast %bitcast_convert_type3A_863 : f32 to vector<16xf32>
        %mul3A_868 = arith.mulf %mul3A_867, %get3A_866 : vector<16xf32>
        %add3A_869 = arith.addf %add3A_850, %mul3A_868 : vector<16xf32>
        %get3A_870 = arith.index_cast %shift_right_arithmetic3A_860 : i32 to index
        %get3A_871 = arith.constant 16 : index
        %get3A_872 = tpu.vector_load %arg6[%get3A_870, %get3A_871] {strides = array<i32>} : memref<3840x32xf32, #tpu.memory_space<vmem>>, vector<16xf32>,
        %mul3A_873 = vector.broadcast %bitcast_convert_type3A_863 : f32 to vector<16xf32>
        %mul3A_874 = arith.mulf %mul3A_873, %get3A_872 : vector<16xf32>
        %add3A_875 = arith.addf %add3A_856, %mul3A_874 : vector<16xf32>
        %slice3A_876 = vector.extract_strided_slice %get3A_780 {offsets = [2], sizes = [1], strides = [1]} : vector<16xi32> to vector<1xi32>
        %squeeze3A_877 = vector.extract %slice3A_876[0] : i32 from vector<1xi32>
        %shift_right_arithmetic3A_878 = arith.constant 16 : i32
        %shift_right_arithmetic3A_879 = arith.shrsi %squeeze3A_877, %shift_right_arithmetic3A_878 : i32
        %shift_left3A_880 = arith.constant 16 : i32
        %shift_left3A_881 = arith.shli %squeeze3A_877, %shift_left3A_880 : i32
        %bitcast_convert_type3A_882 = arith.bitcast %shift_left3A_881 : i32 to f32
        %get3A_883 = arith.index_cast %shift_right_arithmetic3A_879 : i32 to index
        %get3A_884 = arith.constant 0 : index
        %get3A_885 = tpu.vector_load %arg6[%get3A_883, %get3A_884] {strides = array<i32>} : memref<3840x32xf32, #tpu.memory_space<vmem>>, vector<16xf32>,
        %mul3A_886 = vector.broadcast %bitcast_convert_type3A_882 : f32 to vector<16xf32>
        %mul3A_887 = arith.mulf %mul3A_886, %get3A_885 : vector<16xf32>
        %add3A_888 = arith.addf %add3A_869, %mul3A_887 : vector<16xf32>
        %get3A_889 = arith.index_cast %shift_right_arithmetic3A_879 : i32 to index
        %get3A_890 = arith.constant 16 : index
        %get3A_891 = tpu.vector_load %arg6[%get3A_889, %get3A_890] {strides = array<i32>} : memref<3840x32xf32, #tpu.memory_space<vmem>>, vector<16xf32>,
        %mul3A_892 = vector.broadcast %bitcast_convert_type3A_882 : f32 to vector<16xf32>
        %mul3A_893 = arith.mulf %mul3A_892, %get3A_891 : vector<16xf32>
        %add3A_894 = arith.addf %add3A_875, %mul3A_893 : vector<16xf32>
        %slice3A_895 = vector.extract_strided_slice %get3A_777 {offsets = [3], sizes = [1], strides = [1]} : vector<16xi32> to vector<1xi32>
        %squeeze3A_896 = vector.extract %slice3A_895[0] : i32 from vector<1xi32>
        %shift_right_arithmetic3A_897 = arith.constant 16 : i32
        %shift_right_arithmetic3A_898 = arith.shrsi %squeeze3A_896, %shift_right_arithmetic3A_897 : i32
        %shift_left3A_899 = arith.constant 16 : i32
        %shift_left3A_900 = arith.shli %squeeze3A_896, %shift_left3A_899 : i32
        %bitcast_convert_type3A_901 = arith.bitcast %shift_left3A_900 : i32 to f32
        %get3A_902 = arith.index_cast %shift_right_arithmetic3A_898 : i32 to index
        %get3A_903 = arith.constant 0 : index
        %get3A_904 = tpu.vector_load %arg6[%get3A_902, %get3A_903] {strides = array<i32>} : memref<3840x32xf32, #tpu.memory_space<vmem>>, vector<16xf32>,
        %mul3A_905 = vector.broadcast %bitcast_convert_type3A_901 : f32 to vector<16xf32>
        %mul3A_906 = arith.mulf %mul3A_905, %get3A_904 : vector<16xf32>
        %add3A_907 = arith.addf %add3A_888, %mul3A_906 : vector<16xf32>
        %get3A_908 = arith.index_cast %shift_right_arithmetic3A_898 : i32 to index
        %get3A_909 = arith.constant 16 : index
        %get3A_910 = tpu.vector_load %arg6[%get3A_908, %get3A_909] {strides = array<i32>} : memref<3840x32xf32, #tpu.memory_space<vmem>>, vector<16xf32>,
        %mul3A_911 = vector.broadcast %bitcast_convert_type3A_901 : f32 to vector<16xf32>
        %mul3A_912 = arith.mulf %mul3A_911, %get3A_910 : vector<16xf32>
        %add3A_913 = arith.addf %add3A_894, %mul3A_912 : vector<16xf32>
        %slice3A_914 = vector.extract_strided_slice %get3A_780 {offsets = [3], sizes = [1], strides = [1]} : vector<16xi32> to vector<1xi32>
        %squeeze3A_915 = vector.extract %slice3A_914[0] : i32 from vector<1xi32>
        %shift_right_arithmetic3A_916 = arith.constant 16 : i32
        %shift_right_arithmetic3A_917 = arith.shrsi %squeeze3A_915, %shift_right_arithmetic3A_916 : i32
        %shift_left3A_918 = arith.constant 16 : i32
        %shift_left3A_919 = arith.shli %squeeze3A_915, %shift_left3A_918 : i32
        %bitcast_convert_type3A_920 = arith.bitcast %shift_left3A_919 : i32 to f32
        %get3A_921 = arith.index_cast %shift_right_arithmetic3A_917 : i32 to index
        %get3A_922 = arith.constant 0 : index
        %get3A_923 = tpu.vector_load %arg6[%get3A_921, %get3A_922] {strides = array<i32>} : memref<3840x32xf32, #tpu.memory_space<vmem>>, vector<16xf32>,
        %mul3A_924 = vector.broadcast %bitcast_convert_type3A_920 : f32 to vector<16xf32>
        %mul3A_925 = arith.mulf %mul3A_924, %get3A_923 : vector<16xf32>
        %add3A_926 = arith.addf %add3A_907, %mul3A_925 : vector<16xf32>
        %get3A_927 = arith.index_cast %shift_right_arithmetic3A_917 : i32 to index
        %get3A_928 = arith.constant 16 : index
        %get3A_929 = tpu.vector_load %arg6[%get3A_927, %get3A_928] {strides = array<i32>} : memref<3840x32xf32, #tpu.memory_space<vmem>>, vector<16xf32>,
        %mul3A_930 = vector.broadcast %bitcast_convert_type3A_920 : f32 to vector<16xf32>
        %mul3A_931 = arith.mulf %mul3A_930, %get3A_929 : vector<16xf32>
        %add3A_932 = arith.addf %add3A_913, %mul3A_931 : vector<16xf32>
        %slice3A_933 = vector.extract_strided_slice %get3A_777 {offsets = [4], sizes = [1], strides = [1]} : vector<16xi32> to vector<1xi32>
        %squeeze3A_934 = vector.extract %slice3A_933[0] : i32 from vector<1xi32>
        %shift_right_arithmetic3A_935 = arith.constant 16 : i32
        %shift_right_arithmetic3A_936 = arith.shrsi %squeeze3A_934, %shift_right_arithmetic3A_935 : i32
        %shift_left3A_937 = arith.constant 16 : i32
        %shift_left3A_938 = arith.shli %squeeze3A_934, %shift_left3A_937 : i32
        %bitcast_convert_type3A_939 = arith.bitcast %shift_left3A_938 : i32 to f32
        %get3A_940 = arith.index_cast %shift_right_arithmetic3A_936 : i32 to index
        %get3A_941 = arith.constant 0 : index
        %get3A_942 = tpu.vector_load %arg6[%get3A_940, %get3A_941] {strides = array<i32>} : memref<3840x32xf32, #tpu.memory_space<vmem>>, vector<16xf32>,
        %mul3A_943 = vector.broadcast %bitcast_convert_type3A_939 : f32 to vector<16xf32>
        %mul3A_944 = arith.mulf %mul3A_943, %get3A_942 : vector<16xf32>
        %add3A_945 = arith.addf %add3A_926, %mul3A_944 : vector<16xf32>
        %get3A_946 = arith.index_cast %shift_right_arithmetic3A_936 : i32 to index
        %get3A_947 = arith.constant 16 : index
        %get3A_948 = tpu.vector_load %arg6[%get3A_946, %get3A_947] {strides = array<i32>} : memref<3840x32xf32, #tpu.memory_space<vmem>>, vector<16xf32>,
        %mul3A_949 = vector.broadcast %bitcast_convert_type3A_939 : f32 to vector<16xf32>
        %mul3A_950 = arith.mulf %mul3A_949, %get3A_948 : vector<16xf32>
        %add3A_951 = arith.addf %add3A_932, %mul3A_950 : vector<16xf32>
        %slice3A_952 = vector.extract_strided_slice %get3A_780 {offsets = [4], sizes = [1], strides = [1]} : vector<16xi32> to vector<1xi32>
        %squeeze3A_953 = vector.extract %slice3A_952[0] : i32 from vector<1xi32>
        %shift_right_arithmetic3A_954 = arith.constant 16 : i32
        %shift_right_arithmetic3A_955 = arith.shrsi %squeeze3A_953, %shift_right_arithmetic3A_954 : i32
        %shift_left3A_956 = arith.constant 16 : i32
        %shift_left3A_957 = arith.shli %squeeze3A_953, %shift_left3A_956 : i32
        %bitcast_convert_type3A_958 = arith.bitcast %shift_left3A_957 : i32 to f32
        %get3A_959 = arith.index_cast %shift_right_arithmetic3A_955 : i32 to index
        %get3A_960 = arith.constant 0 : index
        %get3A_961 = tpu.vector_load %arg6[%get3A_959, %get3A_960] {strides = array<i32>} : memref<3840x32xf32, #tpu.memory_space<vmem>>, vector<16xf32>,
        %mul3A_962 = vector.broadcast %bitcast_convert_type3A_958 : f32 to vector<16xf32>
        %mul3A_963 = arith.mulf %mul3A_962, %get3A_961 : vector<16xf32>
        %add3A_964 = arith.addf %add3A_945, %mul3A_963 : vector<16xf32>
        %get3A_965 = arith.index_cast %shift_right_arithmetic3A_955 : i32 to index
        %get3A_966 = arith.constant 16 : index
        %get3A_967 = tpu.vector_load %arg6[%get3A_965, %get3A_966] {strides = array<i32>} : memref<3840x32xf32, #tpu.memory_space<vmem>>, vector<16xf32>,
        %mul3A_968 = vector.broadcast %bitcast_convert_type3A_958 : f32 to vector<16xf32>
        %mul3A_969 = arith.mulf %mul3A_968, %get3A_967 : vector<16xf32>
        %add3A_970 = arith.addf %add3A_951, %mul3A_969 : vector<16xf32>
        %slice3A_971 = vector.extract_strided_slice %get3A_777 {offsets = [5], sizes = [1], strides = [1]} : vector<16xi32> to vector<1xi32>
        %squeeze3A_972 = vector.extract %slice3A_971[0] : i32 from vector<1xi32>
        %shift_right_arithmetic3A_973 = arith.constant 16 : i32
        %shift_right_arithmetic3A_974 = arith.shrsi %squeeze3A_972, %shift_right_arithmetic3A_973 : i32
        %shift_left3A_975 = arith.constant 16 : i32
        %shift_left3A_976 = arith.shli %squeeze3A_972, %shift_left3A_975 : i32
        %bitcast_convert_type3A_977 = arith.bitcast %shift_left3A_976 : i32 to f32
        %get3A_978 = arith.index_cast %shift_right_arithmetic3A_974 : i32 to index
        %get3A_979 = arith.constant 0 : index
        %get3A_980 = tpu.vector_load %arg6[%get3A_978, %get3A_979] {strides = array<i32>} : memref<3840x32xf32, #tpu.memory_space<vmem>>, vector<16xf32>,
        %mul3A_981 = vector.broadcast %bitcast_convert_type3A_977 : f32 to vector<16xf32>
        %mul3A_982 = arith.mulf %mul3A_981, %get3A_980 : vector<16xf32>
        %add3A_983 = arith.addf %add3A_964, %mul3A_982 : vector<16xf32>
        %get3A_984 = arith.index_cast %shift_right_arithmetic3A_974 : i32 to index
        %get3A_985 = arith.constant 16 : index
        %get3A_986 = tpu.vector_load %arg6[%get3A_984, %get3A_985] {strides = array<i32>} : memref<3840x32xf32, #tpu.memory_space<vmem>>, vector<16xf32>,
        %mul3A_987 = vector.broadcast %bitcast_convert_type3A_977 : f32 to vector<16xf32>
        %mul3A_988 = arith.mulf %mul3A_987, %get3A_986 : vector<16xf32>
        %add3A_989 = arith.addf %add3A_970, %mul3A_988 : vector<16xf32>
        %slice3A_990 = vector.extract_strided_slice %get3A_780 {offsets = [5], sizes = [1], strides = [1]} : vector<16xi32> to vector<1xi32>
        %squeeze3A_991 = vector.extract %slice3A_990[0] : i32 from vector<1xi32>
        %shift_right_arithmetic3A_992 = arith.constant 16 : i32
        %shift_right_arithmetic3A_993 = arith.shrsi %squeeze3A_991, %shift_right_arithmetic3A_992 : i32
        %shift_left3A_994 = arith.constant 16 : i32
        %shift_left3A_995 = arith.shli %squeeze3A_991, %shift_left3A_994 : i32
        %bitcast_convert_type3A_996 = arith.bitcast %shift_left3A_995 : i32 to f32
        %get3A_997 = arith.index_cast %shift_right_arithmetic3A_993 : i32 to index
        %get3A_998 = arith.constant 0 : index
        %get3A_999 = tpu.vector_load %arg6[%get3A_997, %get3A_998] {strides = array<i32>} : memref<3840x32xf32, #tpu.memory_space<vmem>>, vector<16xf32>,
        %mul3A_1000 = vector.broadcast %bitcast_convert_type3A_996 : f32 to vector<16xf32>
        %mul3A_1001 = arith.mulf %mul3A_1000, %get3A_999 : vector<16xf32>
        %add3A_1002 = arith.addf %add3A_983, %mul3A_1001 : vector<16xf32>
        %get3A_1003 = arith.index_cast %shift_right_arithmetic3A_993 : i32 to index
        %get3A_1004 = arith.constant 16 : index
        %get3A_1005 = tpu.vector_load %arg6[%get3A_1003, %get3A_1004] {strides = array<i32>} : memref<3840x32xf32, #tpu.memory_space<vmem>>, vector<16xf32>,
        %mul3A_1006 = vector.broadcast %bitcast_convert_type3A_996 : f32 to vector<16xf32>
        %mul3A_1007 = arith.mulf %mul3A_1006, %get3A_1005 : vector<16xf32>
        %add3A_1008 = arith.addf %add3A_989, %mul3A_1007 : vector<16xf32>
        %slice3A_1009 = vector.extract_strided_slice %get3A_777 {offsets = [6], sizes = [1], strides = [1]} : vector<16xi32> to vector<1xi32>
        %squeeze3A_1010 = vector.extract %slice3A_1009[0] : i32 from vector<1xi32>
        %shift_right_arithmetic3A_1011 = arith.constant 16 : i32
        %shift_right_arithmetic3A_1012 = arith.shrsi %squeeze3A_1010, %shift_right_arithmetic3A_1011 : i32
        %shift_left3A_1013 = arith.constant 16 : i32
        %shift_left3A_1014 = arith.shli %squeeze3A_1010, %shift_left3A_1013 : i32
        %bitcast_convert_type3A_1015 = arith.bitcast %shift_left3A_1014 : i32 to f32
        %get3A_1016 = arith.index_cast %shift_right_arithmetic3A_1012 : i32 to index
        %get3A_1017 = arith.constant 0 : index
        %get3A_1018 = tpu.vector_load %arg6[%get3A_1016, %get3A_1017] {strides = array<i32>} : memref<3840x32xf32, #tpu.memory_space<vmem>>, vector<16xf32>,
        %mul3A_1019 = vector.broadcast %bitcast_convert_type3A_1015 : f32 to vector<16xf32>
        %mul3A_1020 = arith.mulf %mul3A_1019, %get3A_1018 : vector<16xf32>
        %add3A_1021 = arith.addf %add3A_1002, %mul3A_1020 : vector<16xf32>
        %get3A_1022 = arith.index_cast %shift_right_arithmetic3A_1012 : i32 to index
        %get3A_1023 = arith.constant 16 : index
        %get3A_1024 = tpu.vector_load %arg6[%get3A_1022, %get3A_1023] {strides = array<i32>} : memref<3840x32xf32, #tpu.memory_space<vmem>>, vector<16xf32>,
        %mul3A_1025 = vector.broadcast %bitcast_convert_type3A_1015 : f32 to vector<16xf32>
        %mul3A_1026 = arith.mulf %mul3A_1025, %get3A_1024 : vector<16xf32>
        %add3A_1027 = arith.addf %add3A_1008, %mul3A_1026 : vector<16xf32>
        %slice3A_1028 = vector.extract_strided_slice %get3A_780 {offsets = [6], sizes = [1], strides = [1]} : vector<16xi32> to vector<1xi32>
        %squeeze3A_1029 = vector.extract %slice3A_1028[0] : i32 from vector<1xi32>
        %shift_right_arithmetic3A_1030 = arith.constant 16 : i32
        %shift_right_arithmetic3A_1031 = arith.shrsi %squeeze3A_1029, %shift_right_arithmetic3A_1030 : i32
        %shift_left3A_1032 = arith.constant 16 : i32
        %shift_left3A_1033 = arith.shli %squeeze3A_1029, %shift_left3A_1032 : i32
        %bitcast_convert_type3A_1034 = arith.bitcast %shift_left3A_1033 : i32 to f32
        %get3A_1035 = arith.index_cast %shift_right_arithmetic3A_1031 : i32 to index
        %get3A_1036 = arith.constant 0 : index
        %get3A_1037 = tpu.vector_load %arg6[%get3A_1035, %get3A_1036] {strides = array<i32>} : memref<3840x32xf32, #tpu.memory_space<vmem>>, vector<16xf32>,
        %mul3A_1038 = vector.broadcast %bitcast_convert_type3A_1034 : f32 to vector<16xf32>
        %mul3A_1039 = arith.mulf %mul3A_1038, %get3A_1037 : vector<16xf32>
        %add3A_1040 = arith.addf %add3A_1021, %mul3A_1039 : vector<16xf32>
        %get3A_1041 = arith.index_cast %shift_right_arithmetic3A_1031 : i32 to index
        %get3A_1042 = arith.constant 16 : index
        %get3A_1043 = tpu.vector_load %arg6[%get3A_1041, %get3A_1042] {strides = array<i32>} : memref<3840x32xf32, #tpu.memory_space<vmem>>, vector<16xf32>,
        %mul3A_1044 = vector.broadcast %bitcast_convert_type3A_1034 : f32 to vector<16xf32>
        %mul3A_1045 = arith.mulf %mul3A_1044, %get3A_1043 : vector<16xf32>
        %add3A_1046 = arith.addf %add3A_1027, %mul3A_1045 : vector<16xf32>
        %slice3A_1047 = vector.extract_strided_slice %get3A_777 {offsets = [7], sizes = [1], strides = [1]} : vector<16xi32> to vector<1xi32>
        %squeeze3A_1048 = vector.extract %slice3A_1047[0] : i32 from vector<1xi32>
        %shift_right_arithmetic3A_1049 = arith.constant 16 : i32
        %shift_right_arithmetic3A_1050 = arith.shrsi %squeeze3A_1048, %shift_right_arithmetic3A_1049 : i32
        %shift_left3A_1051 = arith.constant 16 : i32
        %shift_left3A_1052 = arith.shli %squeeze3A_1048, %shift_left3A_1051 : i32
        %bitcast_convert_type3A_1053 = arith.bitcast %shift_left3A_1052 : i32 to f32
        %get3A_1054 = arith.index_cast %shift_right_arithmetic3A_1050 : i32 to index
        %get3A_1055 = arith.constant 0 : index
        %get3A_1056 = tpu.vector_load %arg6[%get3A_1054, %get3A_1055] {strides = array<i32>} : memref<3840x32xf32, #tpu.memory_space<vmem>>, vector<16xf32>,
        %mul3A_1057 = vector.broadcast %bitcast_convert_type3A_1053 : f32 to vector<16xf32>
        %mul3A_1058 = arith.mulf %mul3A_1057, %get3A_1056 : vector<16xf32>
        %add3A_1059 = arith.addf %add3A_1040, %mul3A_1058 : vector<16xf32>
        %get3A_1060 = arith.index_cast %shift_right_arithmetic3A_1050 : i32 to index
        %get3A_1061 = arith.constant 16 : index
        %get3A_1062 = tpu.vector_load %arg6[%get3A_1060, %get3A_1061] {strides = array<i32>} : memref<3840x32xf32, #tpu.memory_space<vmem>>, vector<16xf32>,
        %mul3A_1063 = vector.broadcast %bitcast_convert_type3A_1053 : f32 to vector<16xf32>
        %mul3A_1064 = arith.mulf %mul3A_1063, %get3A_1062 : vector<16xf32>
        %add3A_1065 = arith.addf %add3A_1046, %mul3A_1064 : vector<16xf32>
        %slice3A_1066 = vector.extract_strided_slice %get3A_780 {offsets = [7], sizes = [1], strides = [1]} : vector<16xi32> to vector<1xi32>
        %squeeze3A_1067 = vector.extract %slice3A_1066[0] : i32 from vector<1xi32>
        %shift_right_arithmetic3A_1068 = arith.constant 16 : i32
        %shift_right_arithmetic3A_1069 = arith.shrsi %squeeze3A_1067, %shift_right_arithmetic3A_1068 : i32
        %shift_left3A_1070 = arith.constant 16 : i32
        %shift_left3A_1071 = arith.shli %squeeze3A_1067, %shift_left3A_1070 : i32
        %bitcast_convert_type3A_1072 = arith.bitcast %shift_left3A_1071 : i32 to f32
        %get3A_1073 = arith.index_cast %shift_right_arithmetic3A_1069 : i32 to index
        %get3A_1074 = arith.constant 0 : index
        %get3A_1075 = tpu.vector_load %arg6[%get3A_1073, %get3A_1074] {strides = array<i32>} : memref<3840x32xf32, #tpu.memory_space<vmem>>, vector<16xf32>,
        %mul3A_1076 = vector.broadcast %bitcast_convert_type3A_1072 : f32 to vector<16xf32>
        %mul3A_1077 = arith.mulf %mul3A_1076, %get3A_1075 : vector<16xf32>
        %add3A_1078 = arith.addf %add3A_1059, %mul3A_1077 : vector<16xf32>
        %get3A_1079 = arith.index_cast %shift_right_arithmetic3A_1069 : i32 to index
        %get3A_1080 = arith.constant 16 : index
        %get3A_1081 = tpu.vector_load %arg6[%get3A_1079, %get3A_1080] {strides = array<i32>} : memref<3840x32xf32, #tpu.memory_space<vmem>>, vector<16xf32>,
        %mul3A_1082 = vector.broadcast %bitcast_convert_type3A_1072 : f32 to vector<16xf32>
        %mul3A_1083 = arith.mulf %mul3A_1082, %get3A_1081 : vector<16xf32>
        %add3A_1084 = arith.addf %add3A_1065, %mul3A_1083 : vector<16xf32>
        %slice3A_1085 = vector.extract_strided_slice %get3A_777 {offsets = [8], sizes = [1], strides = [1]} : vector<16xi32> to vector<1xi32>
        %squeeze3A_1086 = vector.extract %slice3A_1085[0] : i32 from vector<1xi32>
        %shift_right_arithmetic3A_1087 = arith.constant 16 : i32
        %shift_right_arithmetic3A_1088 = arith.shrsi %squeeze3A_1086, %shift_right_arithmetic3A_1087 : i32
        %shift_left3A_1089 = arith.constant 16 : i32
        %shift_left3A_1090 = arith.shli %squeeze3A_1086, %shift_left3A_1089 : i32
        %bitcast_convert_type3A_1091 = arith.bitcast %shift_left3A_1090 : i32 to f32
        %get3A_1092 = arith.index_cast %shift_right_arithmetic3A_1088 : i32 to index
        %get3A_1093 = arith.constant 0 : index
        %get3A_1094 = tpu.vector_load %arg6[%get3A_1092, %get3A_1093] {strides = array<i32>} : memref<3840x32xf32, #tpu.memory_space<vmem>>, vector<16xf32>,
        %mul3A_1095 = vector.broadcast %bitcast_convert_type3A_1091 : f32 to vector<16xf32>
        %mul3A_1096 = arith.mulf %mul3A_1095, %get3A_1094 : vector<16xf32>
        %add3A_1097 = arith.addf %add3A_1078, %mul3A_1096 : vector<16xf32>
        %get3A_1098 = arith.index_cast %shift_right_arithmetic3A_1088 : i32 to index
        %get3A_1099 = arith.constant 16 : index
        %get3A_1100 = tpu.vector_load %arg6[%get3A_1098, %get3A_1099] {strides = array<i32>} : memref<3840x32xf32, #tpu.memory_space<vmem>>, vector<16xf32>,
        %mul3A_1101 = vector.broadcast %bitcast_convert_type3A_1091 : f32 to vector<16xf32>
        %mul3A_1102 = arith.mulf %mul3A_1101, %get3A_1100 : vector<16xf32>
        %add3A_1103 = arith.addf %add3A_1084, %mul3A_1102 : vector<16xf32>
        %slice3A_1104 = vector.extract_strided_slice %get3A_780 {offsets = [8], sizes = [1], strides = [1]} : vector<16xi32> to vector<1xi32>
        %squeeze3A_1105 = vector.extract %slice3A_1104[0] : i32 from vector<1xi32>
        %shift_right_arithmetic3A_1106 = arith.constant 16 : i32
        %shift_right_arithmetic3A_1107 = arith.shrsi %squeeze3A_1105, %shift_right_arithmetic3A_1106 : i32
        %shift_left3A_1108 = arith.constant 16 : i32
        %shift_left3A_1109 = arith.shli %squeeze3A_1105, %shift_left3A_1108 : i32
        %bitcast_convert_type3A_1110 = arith.bitcast %shift_left3A_1109 : i32 to f32
        %get3A_1111 = arith.index_cast %shift_right_arithmetic3A_1107 : i32 to index
        %get3A_1112 = arith.constant 0 : index
        %get3A_1113 = tpu.vector_load %arg6[%get3A_1111, %get3A_1112] {strides = array<i32>} : memref<3840x32xf32, #tpu.memory_space<vmem>>, vector<16xf32>,
        %mul3A_1114 = vector.broadcast %bitcast_convert_type3A_1110 : f32 to vector<16xf32>
        %mul3A_1115 = arith.mulf %mul3A_1114, %get3A_1113 : vector<16xf32>
        %add3A_1116 = arith.addf %add3A_1097, %mul3A_1115 : vector<16xf32>
        %get3A_1117 = arith.index_cast %shift_right_arithmetic3A_1107 : i32 to index
        %get3A_1118 = arith.constant 16 : index
        %get3A_1119 = tpu.vector_load %arg6[%get3A_1117, %get3A_1118] {strides = array<i32>} : memref<3840x32xf32, #tpu.memory_space<vmem>>, vector<16xf32>,
        %mul3A_1120 = vector.broadcast %bitcast_convert_type3A_1110 : f32 to vector<16xf32>
        %mul3A_1121 = arith.mulf %mul3A_1120, %get3A_1119 : vector<16xf32>
        %add3A_1122 = arith.addf %add3A_1103, %mul3A_1121 : vector<16xf32>
        %slice3A_1123 = vector.extract_strided_slice %get3A_777 {offsets = [9], sizes = [1], strides = [1]} : vector<16xi32> to vector<1xi32>
        %squeeze3A_1124 = vector.extract %slice3A_1123[0] : i32 from vector<1xi32>
        %shift_right_arithmetic3A_1125 = arith.constant 16 : i32
        %shift_right_arithmetic3A_1126 = arith.shrsi %squeeze3A_1124, %shift_right_arithmetic3A_1125 : i32
        %shift_left3A_1127 = arith.constant 16 : i32
        %shift_left3A_1128 = arith.shli %squeeze3A_1124, %shift_left3A_1127 : i32
        %bitcast_convert_type3A_1129 = arith.bitcast %shift_left3A_1128 : i32 to f32
        %get3A_1130 = arith.index_cast %shift_right_arithmetic3A_1126 : i32 to index
        %get3A_1131 = arith.constant 0 : index
        %get3A_1132 = tpu.vector_load %arg6[%get3A_1130, %get3A_1131] {strides = array<i32>} : memref<3840x32xf32, #tpu.memory_space<vmem>>, vector<16xf32>,
        %mul3A_1133 = vector.broadcast %bitcast_convert_type3A_1129 : f32 to vector<16xf32>
        %mul3A_1134 = arith.mulf %mul3A_1133, %get3A_1132 : vector<16xf32>
        %add3A_1135 = arith.addf %add3A_1116, %mul3A_1134 : vector<16xf32>
        %get3A_1136 = arith.index_cast %shift_right_arithmetic3A_1126 : i32 to index
        %get3A_1137 = arith.constant 16 : index
        %get3A_1138 = tpu.vector_load %arg6[%get3A_1136, %get3A_1137] {strides = array<i32>} : memref<3840x32xf32, #tpu.memory_space<vmem>>, vector<16xf32>,
        %mul3A_1139 = vector.broadcast %bitcast_convert_type3A_1129 : f32 to vector<16xf32>
        %mul3A_1140 = arith.mulf %mul3A_1139, %get3A_1138 : vector<16xf32>
        %add3A_1141 = arith.addf %add3A_1122, %mul3A_1140 : vector<16xf32>
        %slice3A_1142 = vector.extract_strided_slice %get3A_780 {offsets = [9], sizes = [1], strides = [1]} : vector<16xi32> to vector<1xi32>
        %squeeze3A_1143 = vector.extract %slice3A_1142[0] : i32 from vector<1xi32>
        %shift_right_arithmetic3A_1144 = arith.constant 16 : i32
        %shift_right_arithmetic3A_1145 = arith.shrsi %squeeze3A_1143, %shift_right_arithmetic3A_1144 : i32
        %shift_left3A_1146 = arith.constant 16 : i32
        %shift_left3A_1147 = arith.shli %squeeze3A_1143, %shift_left3A_1146 : i32
        %bitcast_convert_type3A_1148 = arith.bitcast %shift_left3A_1147 : i32 to f32
        %get3A_1149 = arith.index_cast %shift_right_arithmetic3A_1145 : i32 to index
        %get3A_1150 = arith.constant 0 : index
        %get3A_1151 = tpu.vector_load %arg6[%get3A_1149, %get3A_1150] {strides = array<i32>} : memref<3840x32xf32, #tpu.memory_space<vmem>>, vector<16xf32>,
        %mul3A_1152 = vector.broadcast %bitcast_convert_type3A_1148 : f32 to vector<16xf32>
        %mul3A_1153 = arith.mulf %mul3A_1152, %get3A_1151 : vector<16xf32>
        %add3A_1154 = arith.addf %add3A_1135, %mul3A_1153 : vector<16xf32>
        %get3A_1155 = arith.index_cast %shift_right_arithmetic3A_1145 : i32 to index
        %get3A_1156 = arith.constant 16 : index
        %get3A_1157 = tpu.vector_load %arg6[%get3A_1155, %get3A_1156] {strides = array<i32>} : memref<3840x32xf32, #tpu.memory_space<vmem>>, vector<16xf32>,
        %mul3A_1158 = vector.broadcast %bitcast_convert_type3A_1148 : f32 to vector<16xf32>
        %mul3A_1159 = arith.mulf %mul3A_1158, %get3A_1157 : vector<16xf32>
        %add3A_1160 = arith.addf %add3A_1141, %mul3A_1159 : vector<16xf32>
        %slice3A_1161 = vector.extract_strided_slice %get3A_777 {offsets = [10], sizes = [1], strides = [1]} : vector<16xi32> to vector<1xi32>
        %squeeze3A_1162 = vector.extract %slice3A_1161[0] : i32 from vector<1xi32>
        %shift_right_arithmetic3A_1163 = arith.constant 16 : i32
        %shift_right_arithmetic3A_1164 = arith.shrsi %squeeze3A_1162, %shift_right_arithmetic3A_1163 : i32
        %shift_left3A_1165 = arith.constant 16 : i32
        %shift_left3A_1166 = arith.shli %squeeze3A_1162, %shift_left3A_1165 : i32
        %bitcast_convert_type3A_1167 = arith.bitcast %shift_left3A_1166 : i32 to f32
        %get3A_1168 = arith.index_cast %shift_right_arithmetic3A_1164 : i32 to index
        %get3A_1169 = arith.constant 0 : index
        %get3A_1170 = tpu.vector_load %arg6[%get3A_1168, %get3A_1169] {strides = array<i32>} : memref<3840x32xf32, #tpu.memory_space<vmem>>, vector<16xf32>,
        %mul3A_1171 = vector.broadcast %bitcast_convert_type3A_1167 : f32 to vector<16xf32>
        %mul3A_1172 = arith.mulf %mul3A_1171, %get3A_1170 : vector<16xf32>
        %add3A_1173 = arith.addf %add3A_1154, %mul3A_1172 : vector<16xf32>
        %get3A_1174 = arith.index_cast %shift_right_arithmetic3A_1164 : i32 to index
        %get3A_1175 = arith.constant 16 : index
        %get3A_1176 = tpu.vector_load %arg6[%get3A_1174, %get3A_1175] {strides = array<i32>} : memref<3840x32xf32, #tpu.memory_space<vmem>>, vector<16xf32>,
        %mul3A_1177 = vector.broadcast %bitcast_convert_type3A_1167 : f32 to vector<16xf32>
        %mul3A_1178 = arith.mulf %mul3A_1177, %get3A_1176 : vector<16xf32>
        %add3A_1179 = arith.addf %add3A_1160, %mul3A_1178 : vector<16xf32>
        %slice3A_1180 = vector.extract_strided_slice %get3A_780 {offsets = [10], sizes = [1], strides = [1]} : vector<16xi32> to vector<1xi32>
        %squeeze3A_1181 = vector.extract %slice3A_1180[0] : i32 from vector<1xi32>
        %shift_right_arithmetic3A_1182 = arith.constant 16 : i32
        %shift_right_arithmetic3A_1183 = arith.shrsi %squeeze3A_1181, %shift_right_arithmetic3A_1182 : i32
        %shift_left3A_1184 = arith.constant 16 : i32
        %shift_left3A_1185 = arith.shli %squeeze3A_1181, %shift_left3A_1184 : i32
        %bitcast_convert_type3A_1186 = arith.bitcast %shift_left3A_1185 : i32 to f32
        %get3A_1187 = arith.index_cast %shift_right_arithmetic3A_1183 : i32 to index
        %get3A_1188 = arith.constant 0 : index
        %get3A_1189 = tpu.vector_load %arg6[%get3A_1187, %get3A_1188] {strides = array<i32>} : memref<3840x32xf32, #tpu.memory_space<vmem>>, vector<16xf32>,
        %mul3A_1190 = vector.broadcast %bitcast_convert_type3A_1186 : f32 to vector<16xf32>
        %mul3A_1191 = arith.mulf %mul3A_1190, %get3A_1189 : vector<16xf32>
        %add3A_1192 = arith.addf %add3A_1173, %mul3A_1191 : vector<16xf32>
        %get3A_1193 = arith.index_cast %shift_right_arithmetic3A_1183 : i32 to index
        %get3A_1194 = arith.constant 16 : index
        %get3A_1195 = tpu.vector_load %arg6[%get3A_1193, %get3A_1194] {strides = array<i32>} : memref<3840x32xf32, #tpu.memory_space<vmem>>, vector<16xf32>,
        %mul3A_1196 = vector.broadcast %bitcast_convert_type3A_1186 : f32 to vector<16xf32>
        %mul3A_1197 = arith.mulf %mul3A_1196, %get3A_1195 : vector<16xf32>
        %add3A_1198 = arith.addf %add3A_1179, %mul3A_1197 : vector<16xf32>
        %slice3A_1199 = vector.extract_strided_slice %get3A_777 {offsets = [11], sizes = [1], strides = [1]} : vector<16xi32> to vector<1xi32>
        %squeeze3A_1200 = vector.extract %slice3A_1199[0] : i32 from vector<1xi32>
        %shift_right_arithmetic3A_1201 = arith.constant 16 : i32
        %shift_right_arithmetic3A_1202 = arith.shrsi %squeeze3A_1200, %shift_right_arithmetic3A_1201 : i32
        %shift_left3A_1203 = arith.constant 16 : i32
        %shift_left3A_1204 = arith.shli %squeeze3A_1200, %shift_left3A_1203 : i32
        %bitcast_convert_type3A_1205 = arith.bitcast %shift_left3A_1204 : i32 to f32
        %get3A_1206 = arith.index_cast %shift_right_arithmetic3A_1202 : i32 to index
        %get3A_1207 = arith.constant 0 : index
        %get3A_1208 = tpu.vector_load %arg6[%get3A_1206, %get3A_1207] {strides = array<i32>} : memref<3840x32xf32, #tpu.memory_space<vmem>>, vector<16xf32>,
        %mul3A_1209 = vector.broadcast %bitcast_convert_type3A_1205 : f32 to vector<16xf32>
        %mul3A_1210 = arith.mulf %mul3A_1209, %get3A_1208 : vector<16xf32>
        %add3A_1211 = arith.addf %add3A_1192, %mul3A_1210 : vector<16xf32>
        %get3A_1212 = arith.index_cast %shift_right_arithmetic3A_1202 : i32 to index
        %get3A_1213 = arith.constant 16 : index
        %get3A_1214 = tpu.vector_load %arg6[%get3A_1212, %get3A_1213] {strides = array<i32>} : memref<3840x32xf32, #tpu.memory_space<vmem>>, vector<16xf32>,
        %mul3A_1215 = vector.broadcast %bitcast_convert_type3A_1205 : f32 to vector<16xf32>
        %mul3A_1216 = arith.mulf %mul3A_1215, %get3A_1214 : vector<16xf32>
        %add3A_1217 = arith.addf %add3A_1198, %mul3A_1216 : vector<16xf32>
        %slice3A_1218 = vector.extract_strided_slice %get3A_780 {offsets = [11], sizes = [1], strides = [1]} : vector<16xi32> to vector<1xi32>
        %squeeze3A_1219 = vector.extract %slice3A_1218[0] : i32 from vector<1xi32>
        %shift_right_arithmetic3A_1220 = arith.constant 16 : i32
        %shift_right_arithmetic3A_1221 = arith.shrsi %squeeze3A_1219, %shift_right_arithmetic3A_1220 : i32
        %shift_left3A_1222 = arith.constant 16 : i32
        %shift_left3A_1223 = arith.shli %squeeze3A_1219, %shift_left3A_1222 : i32
        %bitcast_convert_type3A_1224 = arith.bitcast %shift_left3A_1223 : i32 to f32
        %get3A_1225 = arith.index_cast %shift_right_arithmetic3A_1221 : i32 to index
        %get3A_1226 = arith.constant 0 : index
        %get3A_1227 = tpu.vector_load %arg6[%get3A_1225, %get3A_1226] {strides = array<i32>} : memref<3840x32xf32, #tpu.memory_space<vmem>>, vector<16xf32>,
        %mul3A_1228 = vector.broadcast %bitcast_convert_type3A_1224 : f32 to vector<16xf32>
        %mul3A_1229 = arith.mulf %mul3A_1228, %get3A_1227 : vector<16xf32>
        %add3A_1230 = arith.addf %add3A_1211, %mul3A_1229 : vector<16xf32>
        %get3A_1231 = arith.index_cast %shift_right_arithmetic3A_1221 : i32 to index
        %get3A_1232 = arith.constant 16 : index
        %get3A_1233 = tpu.vector_load %arg6[%get3A_1231, %get3A_1232] {strides = array<i32>} : memref<3840x32xf32, #tpu.memory_space<vmem>>, vector<16xf32>,
        %mul3A_1234 = vector.broadcast %bitcast_convert_type3A_1224 : f32 to vector<16xf32>
        %mul3A_1235 = arith.mulf %mul3A_1234, %get3A_1233 : vector<16xf32>
        %add3A_1236 = arith.addf %add3A_1217, %mul3A_1235 : vector<16xf32>
        %slice3A_1237 = vector.extract_strided_slice %get3A_777 {offsets = [12], sizes = [1], strides = [1]} : vector<16xi32> to vector<1xi32>
        %squeeze3A_1238 = vector.extract %slice3A_1237[0] : i32 from vector<1xi32>
        %shift_right_arithmetic3A_1239 = arith.constant 16 : i32
        %shift_right_arithmetic3A_1240 = arith.shrsi %squeeze3A_1238, %shift_right_arithmetic3A_1239 : i32
        %shift_left3A_1241 = arith.constant 16 : i32
        %shift_left3A_1242 = arith.shli %squeeze3A_1238, %shift_left3A_1241 : i32
        %bitcast_convert_type3A_1243 = arith.bitcast %shift_left3A_1242 : i32 to f32
        %get3A_1244 = arith.index_cast %shift_right_arithmetic3A_1240 : i32 to index
        %get3A_1245 = arith.constant 0 : index
        %get3A_1246 = tpu.vector_load %arg6[%get3A_1244, %get3A_1245] {strides = array<i32>} : memref<3840x32xf32, #tpu.memory_space<vmem>>, vector<16xf32>,
        %mul3A_1247 = vector.broadcast %bitcast_convert_type3A_1243 : f32 to vector<16xf32>
        %mul3A_1248 = arith.mulf %mul3A_1247, %get3A_1246 : vector<16xf32>
        %add3A_1249 = arith.addf %add3A_1230, %mul3A_1248 : vector<16xf32>
        %get3A_1250 = arith.index_cast %shift_right_arithmetic3A_1240 : i32 to index
        %get3A_1251 = arith.constant 16 : index
        %get3A_1252 = tpu.vector_load %arg6[%get3A_1250, %get3A_1251] {strides = array<i32>} : memref<3840x32xf32, #tpu.memory_space<vmem>>, vector<16xf32>,
        %mul3A_1253 = vector.broadcast %bitcast_convert_type3A_1243 : f32 to vector<16xf32>
        %mul3A_1254 = arith.mulf %mul3A_1253, %get3A_1252 : vector<16xf32>
        %add3A_1255 = arith.addf %add3A_1236, %mul3A_1254 : vector<16xf32>
        %slice3A_1256 = vector.extract_strided_slice %get3A_780 {offsets = [12], sizes = [1], strides = [1]} : vector<16xi32> to vector<1xi32>
        %squeeze3A_1257 = vector.extract %slice3A_1256[0] : i32 from vector<1xi32>
        %shift_right_arithmetic3A_1258 = arith.constant 16 : i32
        %shift_right_arithmetic3A_1259 = arith.shrsi %squeeze3A_1257, %shift_right_arithmetic3A_1258 : i32
        %shift_left3A_1260 = arith.constant 16 : i32
        %shift_left3A_1261 = arith.shli %squeeze3A_1257, %shift_left3A_1260 : i32
        %bitcast_convert_type3A_1262 = arith.bitcast %shift_left3A_1261 : i32 to f32
        %get3A_1263 = arith.index_cast %shift_right_arithmetic3A_1259 : i32 to index
        %get3A_1264 = arith.constant 0 : index
        %get3A_1265 = tpu.vector_load %arg6[%get3A_1263, %get3A_1264] {strides = array<i32>} : memref<3840x32xf32, #tpu.memory_space<vmem>>, vector<16xf32>,
        %mul3A_1266 = vector.broadcast %bitcast_convert_type3A_1262 : f32 to vector<16xf32>
        %mul3A_1267 = arith.mulf %mul3A_1266, %get3A_1265 : vector<16xf32>
        %add3A_1268 = arith.addf %add3A_1249, %mul3A_1267 : vector<16xf32>
        %get3A_1269 = arith.index_cast %shift_right_arithmetic3A_1259 : i32 to index
        %get3A_1270 = arith.constant 16 : index
        %get3A_1271 = tpu.vector_load %arg6[%get3A_1269, %get3A_1270] {strides = array<i32>} : memref<3840x32xf32, #tpu.memory_space<vmem>>, vector<16xf32>,
        %mul3A_1272 = vector.broadcast %bitcast_convert_type3A_1262 : f32 to vector<16xf32>
        %mul3A_1273 = arith.mulf %mul3A_1272, %get3A_1271 : vector<16xf32>
        %add3A_1274 = arith.addf %add3A_1255, %mul3A_1273 : vector<16xf32>
        %slice3A_1275 = vector.extract_strided_slice %get3A_777 {offsets = [13], sizes = [1], strides = [1]} : vector<16xi32> to vector<1xi32>
        %squeeze3A_1276 = vector.extract %slice3A_1275[0] : i32 from vector<1xi32>
        %shift_right_arithmetic3A_1277 = arith.constant 16 : i32
        %shift_right_arithmetic3A_1278 = arith.shrsi %squeeze3A_1276, %shift_right_arithmetic3A_1277 : i32
        %shift_left3A_1279 = arith.constant 16 : i32
        %shift_left3A_1280 = arith.shli %squeeze3A_1276, %shift_left3A_1279 : i32
        %bitcast_convert_type3A_1281 = arith.bitcast %shift_left3A_1280 : i32 to f32
        %get3A_1282 = arith.index_cast %shift_right_arithmetic3A_1278 : i32 to index
        %get3A_1283 = arith.constant 0 : index
        %get3A_1284 = tpu.vector_load %arg6[%get3A_1282, %get3A_1283] {strides = array<i32>} : memref<3840x32xf32, #tpu.memory_space<vmem>>, vector<16xf32>,
        %mul3A_1285 = vector.broadcast %bitcast_convert_type3A_1281 : f32 to vector<16xf32>
        %mul3A_1286 = arith.mulf %mul3A_1285, %get3A_1284 : vector<16xf32>
        %add3A_1287 = arith.addf %add3A_1268, %mul3A_1286 : vector<16xf32>
        %get3A_1288 = arith.index_cast %shift_right_arithmetic3A_1278 : i32 to index
        %get3A_1289 = arith.constant 16 : index
        %get3A_1290 = tpu.vector_load %arg6[%get3A_1288, %get3A_1289] {strides = array<i32>} : memref<3840x32xf32, #tpu.memory_space<vmem>>, vector<16xf32>,
        %mul3A_1291 = vector.broadcast %bitcast_convert_type3A_1281 : f32 to vector<16xf32>
        %mul3A_1292 = arith.mulf %mul3A_1291, %get3A_1290 : vector<16xf32>
        %add3A_1293 = arith.addf %add3A_1274, %mul3A_1292 : vector<16xf32>
        %slice3A_1294 = vector.extract_strided_slice %get3A_780 {offsets = [13], sizes = [1], strides = [1]} : vector<16xi32> to vector<1xi32>
        %squeeze3A_1295 = vector.extract %slice3A_1294[0] : i32 from vector<1xi32>
        %shift_right_arithmetic3A_1296 = arith.constant 16 : i32
        %shift_right_arithmetic3A_1297 = arith.shrsi %squeeze3A_1295, %shift_right_arithmetic3A_1296 : i32
        %shift_left3A_1298 = arith.constant 16 : i32
        %shift_left3A_1299 = arith.shli %squeeze3A_1295, %shift_left3A_1298 : i32
        %bitcast_convert_type3A_1300 = arith.bitcast %shift_left3A_1299 : i32 to f32
        %get3A_1301 = arith.index_cast %shift_right_arithmetic3A_1297 : i32 to index
        %get3A_1302 = arith.constant 0 : index
        %get3A_1303 = tpu.vector_load %arg6[%get3A_1301, %get3A_1302] {strides = array<i32>} : memref<3840x32xf32, #tpu.memory_space<vmem>>, vector<16xf32>,
        %mul3A_1304 = vector.broadcast %bitcast_convert_type3A_1300 : f32 to vector<16xf32>
        %mul3A_1305 = arith.mulf %mul3A_1304, %get3A_1303 : vector<16xf32>
        %add3A_1306 = arith.addf %add3A_1287, %mul3A_1305 : vector<16xf32>
        %get3A_1307 = arith.index_cast %shift_right_arithmetic3A_1297 : i32 to index
        %get3A_1308 = arith.constant 16 : index
        %get3A_1309 = tpu.vector_load %arg6[%get3A_1307, %get3A_1308] {strides = array<i32>} : memref<3840x32xf32, #tpu.memory_space<vmem>>, vector<16xf32>,
        %mul3A_1310 = vector.broadcast %bitcast_convert_type3A_1300 : f32 to vector<16xf32>
        %mul3A_1311 = arith.mulf %mul3A_1310, %get3A_1309 : vector<16xf32>
        %add3A_1312 = arith.addf %add3A_1293, %mul3A_1311 : vector<16xf32>
        %slice3A_1313 = vector.extract_strided_slice %get3A_777 {offsets = [14], sizes = [1], strides = [1]} : vector<16xi32> to vector<1xi32>
        %squeeze3A_1314 = vector.extract %slice3A_1313[0] : i32 from vector<1xi32>
        %shift_right_arithmetic3A_1315 = arith.constant 16 : i32
        %shift_right_arithmetic3A_1316 = arith.shrsi %squeeze3A_1314, %shift_right_arithmetic3A_1315 : i32
        %shift_left3A_1317 = arith.constant 16 : i32
        %shift_left3A_1318 = arith.shli %squeeze3A_1314, %shift_left3A_1317 : i32
        %bitcast_convert_type3A_1319 = arith.bitcast %shift_left3A_1318 : i32 to f32
        %get3A_1320 = arith.index_cast %shift_right_arithmetic3A_1316 : i32 to index
        %get3A_1321 = arith.constant 0 : index
        %get3A_1322 = tpu.vector_load %arg6[%get3A_1320, %get3A_1321] {strides = array<i32>} : memref<3840x32xf32, #tpu.memory_space<vmem>>, vector<16xf32>,
        %mul3A_1323 = vector.broadcast %bitcast_convert_type3A_1319 : f32 to vector<16xf32>
        %mul3A_1324 = arith.mulf %mul3A_1323, %get3A_1322 : vector<16xf32>
        %add3A_1325 = arith.addf %add3A_1306, %mul3A_1324 : vector<16xf32>
        %get3A_1326 = arith.index_cast %shift_right_arithmetic3A_1316 : i32 to index
        %get3A_1327 = arith.constant 16 : index
        %get3A_1328 = tpu.vector_load %arg6[%get3A_1326, %get3A_1327] {strides = array<i32>} : memref<3840x32xf32, #tpu.memory_space<vmem>>, vector<16xf32>,
        %mul3A_1329 = vector.broadcast %bitcast_convert_type3A_1319 : f32 to vector<16xf32>
        %mul3A_1330 = arith.mulf %mul3A_1329, %get3A_1328 : vector<16xf32>
        %add3A_1331 = arith.addf %add3A_1312, %mul3A_1330 : vector<16xf32>
        %slice3A_1332 = vector.extract_strided_slice %get3A_780 {offsets = [14], sizes = [1], strides = [1]} : vector<16xi32> to vector<1xi32>
        %squeeze3A_1333 = vector.extract %slice3A_1332[0] : i32 from vector<1xi32>
        %shift_right_arithmetic3A_1334 = arith.constant 16 : i32
        %shift_right_arithmetic3A_1335 = arith.shrsi %squeeze3A_1333, %shift_right_arithmetic3A_1334 : i32
        %shift_left3A_1336 = arith.constant 16 : i32
        %shift_left3A_1337 = arith.shli %squeeze3A_1333, %shift_left3A_1336 : i32
        %bitcast_convert_type3A_1338 = arith.bitcast %shift_left3A_1337 : i32 to f32
        %get3A_1339 = arith.index_cast %shift_right_arithmetic3A_1335 : i32 to index
        %get3A_1340 = arith.constant 0 : index
        %get3A_1341 = tpu.vector_load %arg6[%get3A_1339, %get3A_1340] {strides = array<i32>} : memref<3840x32xf32, #tpu.memory_space<vmem>>, vector<16xf32>,
        %mul3A_1342 = vector.broadcast %bitcast_convert_type3A_1338 : f32 to vector<16xf32>
        %mul3A_1343 = arith.mulf %mul3A_1342, %get3A_1341 : vector<16xf32>
        %add3A_1344 = arith.addf %add3A_1325, %mul3A_1343 : vector<16xf32>
        %get3A_1345 = arith.index_cast %shift_right_arithmetic3A_1335 : i32 to index
        %get3A_1346 = arith.constant 16 : index
        %get3A_1347 = tpu.vector_load %arg6[%get3A_1345, %get3A_1346] {strides = array<i32>} : memref<3840x32xf32, #tpu.memory_space<vmem>>, vector<16xf32>,
        %mul3A_1348 = vector.broadcast %bitcast_convert_type3A_1338 : f32 to vector<16xf32>
        %mul3A_1349 = arith.mulf %mul3A_1348, %get3A_1347 : vector<16xf32>
        %add3A_1350 = arith.addf %add3A_1331, %mul3A_1349 : vector<16xf32>
        %slice3A_1351 = vector.extract_strided_slice %get3A_777 {offsets = [15], sizes = [1], strides = [1]} : vector<16xi32> to vector<1xi32>
        %squeeze3A_1352 = vector.extract %slice3A_1351[0] : i32 from vector<1xi32>
        %shift_right_arithmetic3A_1353 = arith.constant 16 : i32
        %shift_right_arithmetic3A_1354 = arith.shrsi %squeeze3A_1352, %shift_right_arithmetic3A_1353 : i32
        %shift_left3A_1355 = arith.constant 16 : i32
        %shift_left3A_1356 = arith.shli %squeeze3A_1352, %shift_left3A_1355 : i32
        %bitcast_convert_type3A_1357 = arith.bitcast %shift_left3A_1356 : i32 to f32
        %get3A_1358 = arith.index_cast %shift_right_arithmetic3A_1354 : i32 to index
        %get3A_1359 = arith.constant 0 : index
        %get3A_1360 = tpu.vector_load %arg6[%get3A_1358, %get3A_1359] {strides = array<i32>} : memref<3840x32xf32, #tpu.memory_space<vmem>>, vector<16xf32>,
        %mul3A_1361 = vector.broadcast %bitcast_convert_type3A_1357 : f32 to vector<16xf32>
        %mul3A_1362 = arith.mulf %mul3A_1361, %get3A_1360 : vector<16xf32>
        %add3A_1363 = arith.addf %add3A_1344, %mul3A_1362 : vector<16xf32>
        %get3A_1364 = arith.index_cast %shift_right_arithmetic3A_1354 : i32 to index
        %get3A_1365 = arith.constant 16 : index
        %get3A_1366 = tpu.vector_load %arg6[%get3A_1364, %get3A_1365] {strides = array<i32>} : memref<3840x32xf32, #tpu.memory_space<vmem>>, vector<16xf32>,
        %mul3A_1367 = vector.broadcast %bitcast_convert_type3A_1357 : f32 to vector<16xf32>
        %mul3A_1368 = arith.mulf %mul3A_1367, %get3A_1366 : vector<16xf32>
        %add3A_1369 = arith.addf %add3A_1350, %mul3A_1368 : vector<16xf32>
        %slice3A_1370 = vector.extract_strided_slice %get3A_780 {offsets = [15], sizes = [1], strides = [1]} : vector<16xi32> to vector<1xi32>
        %squeeze3A_1371 = vector.extract %slice3A_1370[0] : i32 from vector<1xi32>
        %shift_right_arithmetic3A_1372 = arith.constant 16 : i32
        %shift_right_arithmetic3A_1373 = arith.shrsi %squeeze3A_1371, %shift_right_arithmetic3A_1372 : i32
        %shift_left3A_1374 = arith.constant 16 : i32
        %shift_left3A_1375 = arith.shli %squeeze3A_1371, %shift_left3A_1374 : i32
        %bitcast_convert_type3A_1376 = arith.bitcast %shift_left3A_1375 : i32 to f32
        %get3A_1377 = arith.index_cast %shift_right_arithmetic3A_1373 : i32 to index
        %get3A_1378 = arith.constant 0 : index
        %get3A_1379 = tpu.vector_load %arg6[%get3A_1377, %get3A_1378] {strides = array<i32>} : memref<3840x32xf32, #tpu.memory_space<vmem>>, vector<16xf32>,
        %mul3A_1380 = vector.broadcast %bitcast_convert_type3A_1376 : f32 to vector<16xf32>
        %mul3A_1381 = arith.mulf %mul3A_1380, %get3A_1379 : vector<16xf32>
        %add3A_1382 = arith.addf %add3A_1363, %mul3A_1381 : vector<16xf32>
        %get3A_1383 = arith.index_cast %shift_right_arithmetic3A_1373 : i32 to index
        %get3A_1384 = arith.constant 16 : index
        %get3A_1385 = tpu.vector_load %arg6[%get3A_1383, %get3A_1384] {strides = array<i32>} : memref<3840x32xf32, #tpu.memory_space<vmem>>, vector<16xf32>,
        %mul3A_1386 = vector.broadcast %bitcast_convert_type3A_1376 : f32 to vector<16xf32>
        %mul3A_1387 = arith.mulf %mul3A_1386, %get3A_1385 : vector<16xf32>
        %add3A_1388 = arith.addf %add3A_1369, %mul3A_1387 : vector<16xf32>
        %swap3A_1389 = arith.index_cast %add3A_770 : i32 to index
        %swap3A_1390 = arith.constant 0 : index
        %swap3A_1391 = tpu.vector_load %arg11[%swap3A_1389, %swap3A_1390] {strides = array<i32>} : memref<64x32xf32, #tpu.memory_space<vmem>>, vector<16xf32>,
        tpu.vector_store %arg11[%swap3A_1389, %swap3A_1390], %add3A_1382 {strides = array<i32>} : memref<64x32xf32, #tpu.memory_space<vmem>>, vector<16xf32>,
        %swap3A_1392 = arith.index_cast %add3A_770 : i32 to index
        %swap3A_1393 = arith.constant 16 : index
        %swap3A_1394 = tpu.vector_load %arg11[%swap3A_1392, %swap3A_1393] {strides = array<i32>} : memref<64x32xf32, #tpu.memory_space<vmem>>, vector<16xf32>,
        tpu.vector_store %arg11[%swap3A_1392, %swap3A_1393], %add3A_1388 {strides = array<i32>} : memref<64x32xf32, #tpu.memory_space<vmem>>, vector<16xf32>,
      }
      %scan3A_104 = arith.constant 32 : i32
      %mul3A_105 = arith.constant 64 : i32
      %mul3A_106 = arith.muli %mul3A_68, %mul3A_105 : i32
      "tpu.region"() ({
        %run_scoped3A = tpu.sem_alloc : memref<!tpu.dma_semaphore, #tpu.memory_space<semaphore_mem>>
        %dma_start3A_146 = arith.constant 0 : i32
        %dma_start3A_147 = tpu.memref_slice %arg5[%select_n3A, %select_n3A_30, %mul3A_106, %dma_start3A_146] : memref<4x8x2048x32xf32, #tpu.memory_space<hbm>> -> memref<1x1x64x32xf32, #tpu.memory_space<hbm>>
        %dma_start3A_148 = tpu.memref_squeeze %dma_start3A_147 : memref<1x1x64x32xf32, #tpu.memory_space<hbm>> -> memref<64x32xf32, #tpu.memory_space<hbm>>
        %dma_start3A_149 = arith.constant 0 : i32
        %dma_start3A_150 = tpu.memref_slice %arg5[%select_n3A, %select_n3A_30, %mul3A_106, %dma_start3A_149] : memref<4x8x2048x32xf32, #tpu.memory_space<hbm>> -> memref<1x1x64x32xf32, #tpu.memory_space<hbm>>
        %dma_start3A_151 = tpu.memref_squeeze %dma_start3A_150 : memref<1x1x64x32xf32, #tpu.memory_space<hbm>> -> memref<64x32xf32, #tpu.memory_space<hbm>>
        tpu.enqueue_dma source(%arg11 : memref<64x32xf32, #tpu.memory_space<vmem>>) target(%dma_start3A_151 : memref<64x32xf32, #tpu.memory_space<hbm>>) target_semaphore(%run_scoped3A : memref<!tpu.dma_semaphore, #tpu.memory_space<semaphore_mem>>)
        %dma_wait3A_152 = arith.constant 0 : i32
        %dma_wait3A_153 = tpu.memref_slice %arg5[%select_n3A, %select_n3A_30, %mul3A_106, %dma_wait3A_152] : memref<4x8x2048x32xf32, #tpu.memory_space<hbm>> -> memref<1x1x64x32xf32, #tpu.memory_space<hbm>>
        %dma_wait3A_154 = tpu.memref_squeeze %dma_wait3A_153 : memref<1x1x64x32xf32, #tpu.memory_space<hbm>> -> memref<64x32xf32, #tpu.memory_space<hbm>>
        %dma_wait3A_155 = arith.constant 0 : i32
        %dma_wait3A_156 = tpu.memref_slice %arg5[%select_n3A, %select_n3A_30, %mul3A_106, %dma_wait3A_155] : memref<4x8x2048x32xf32, #tpu.memory_space<hbm>> -> memref<1x1x64x32xf32, #tpu.memory_space<hbm>>
        %dma_wait3A_157 = tpu.memref_squeeze %dma_wait3A_156 : memref<1x1x64x32xf32, #tpu.memory_space<hbm>> -> memref<64x32xf32, #tpu.memory_space<hbm>>
        tpu.wait_dma2 semaphore(%run_scoped3A : memref<!tpu.dma_semaphore, #tpu.memory_space<semaphore_mem>>) src(%arg11 : memref<64x32xf32, #tpu.memory_space<vmem>>) dst(%dma_wait3A_157 : memref<64x32xf32, #tpu.memory_space<hbm>>)
        tpu.yield
      }) : () -> ()
      %add3A_107 = arith.constant 2 : i32
      %add3A_108 = arith.addi %mul3A_68, %add3A_107 : i32
      %min3A = arith.constant 31 : i32
      %min3A_109 = arith.minsi %add3A_108, %min3A : i32
      %mul3A_110 = arith.constant 64 : i32
      %mul3A_111 = arith.muli %min3A_109, %mul3A_110 : i32
      %dma_start3A_112 = arith.constant 0 : i32
      %dma_start3A_113 = tpu.memref_slice %arg3[%select_n3A, %select_n3A_30, %mul3A_111, %dma_start3A_112] : memref<4x8x2048x16xi32, #tpu.memory_space<hbm>> -> memref<1x1x64x16xi32, #tpu.memory_space<hbm>>
      %dma_start3A_114 = tpu.memref_squeeze %dma_start3A_113 : memref<1x1x64x16xi32, #tpu.memory_space<hbm>> -> memref<64x16xi32, #tpu.memory_space<hbm>>
      %dma_start3A_115 = arith.constant 0 : i32
      %dma_start3A_116 = tpu.memref_slice %arg3[%select_n3A, %select_n3A_30, %mul3A_111, %dma_start3A_115] : memref<4x8x2048x16xi32, #tpu.memory_space<hbm>> -> memref<1x1x64x16xi32, #tpu.memory_space<hbm>>
      %dma_start3A_117 = tpu.memref_squeeze %dma_start3A_116 : memref<1x1x64x16xi32, #tpu.memory_space<hbm>> -> memref<64x16xi32, #tpu.memory_space<hbm>>
      tpu.enqueue_dma source(%dma_start3A_117 : memref<64x16xi32, #tpu.memory_space<hbm>>) target(%arg7 : memref<64x16xi32, #tpu.memory_space<vmem>>) target_semaphore(%arg12 : memref<!tpu.dma_semaphore, #tpu.memory_space<semaphore_mem>>)
      %dma_start3A_118 = arith.constant 0 : i32
      %dma_start3A_119 = tpu.memref_slice %arg4[%select_n3A, %select_n3A_30, %mul3A_111, %dma_start3A_118] : memref<4x8x2048x16xi32, #tpu.memory_space<hbm>> -> memref<1x1x64x16xi32, #tpu.memory_space<hbm>>
      %dma_start3A_120 = tpu.memref_squeeze %dma_start3A_119 : memref<1x1x64x16xi32, #tpu.memory_space<hbm>> -> memref<64x16xi32, #tpu.memory_space<hbm>>
      %dma_start3A_121 = arith.constant 0 : i32
      %dma_start3A_122 = tpu.memref_slice %arg4[%select_n3A, %select_n3A_30, %mul3A_111, %dma_start3A_121] : memref<4x8x2048x16xi32, #tpu.memory_space<hbm>> -> memref<1x1x64x16xi32, #tpu.memory_space<hbm>>
      %dma_start3A_123 = tpu.memref_squeeze %dma_start3A_122 : memref<1x1x64x16xi32, #tpu.memory_space<hbm>> -> memref<64x16xi32, #tpu.memory_space<hbm>>
      tpu.enqueue_dma source(%dma_start3A_123 : memref<64x16xi32, #tpu.memory_space<hbm>>) target(%arg8 : memref<64x16xi32, #tpu.memory_space<vmem>>) target_semaphore(%arg12 : memref<!tpu.dma_semaphore, #tpu.memory_space<semaphore_mem>>)
      %mul3A_124 = arith.constant 64 : i32
      %mul3A_125 = arith.muli %add3A_70, %mul3A_124 : i32
      %dma_wait3A_126 = arith.constant 0 : i32
      %dma_wait3A_127 = tpu.memref_slice %arg3[%select_n3A, %select_n3A_30, %mul3A_125, %dma_wait3A_126] : memref<4x8x2048x16xi32, #tpu.memory_space<hbm>> -> memref<1x1x64x16xi32, #tpu.memory_space<hbm>>
      %dma_wait3A_128 = tpu.memref_squeeze %dma_wait3A_127 : memref<1x1x64x16xi32, #tpu.memory_space<hbm>> -> memref<64x16xi32, #tpu.memory_space<hbm>>
      %dma_wait3A_129 = arith.constant 0 : i32
      %dma_wait3A_130 = tpu.memref_slice %arg3[%select_n3A, %select_n3A_30, %mul3A_125, %dma_wait3A_129] : memref<4x8x2048x16xi32, #tpu.memory_space<hbm>> -> memref<1x1x64x16xi32, #tpu.memory_space<hbm>>
      %dma_wait3A_131 = tpu.memref_squeeze %dma_wait3A_130 : memref<1x1x64x16xi32, #tpu.memory_space<hbm>> -> memref<64x16xi32, #tpu.memory_space<hbm>>
      tpu.wait_dma2 semaphore(%arg13 : memref<!tpu.dma_semaphore, #tpu.memory_space<semaphore_mem>>) src(%dma_wait3A_131 : memref<64x16xi32, #tpu.memory_space<hbm>>) dst(%arg9 : memref<64x16xi32, #tpu.memory_space<vmem>>)
      %dma_wait3A_132 = arith.constant 0 : i32
      %dma_wait3A_133 = tpu.memref_slice %arg4[%select_n3A, %select_n3A_30, %mul3A_125, %dma_wait3A_132] : memref<4x8x2048x16xi32, #tpu.memory_space<hbm>> -> memref<1x1x64x16xi32, #tpu.memory_space<hbm>>
      %dma_wait3A_134 = tpu.memref_squeeze %dma_wait3A_133 : memref<1x1x64x16xi32, #tpu.memory_space<hbm>> -> memref<64x16xi32, #tpu.memory_space<hbm>>
      %dma_wait3A_135 = arith.constant 0 : i32
      %dma_wait3A_136 = tpu.memref_slice %arg4[%select_n3A, %select_n3A_30, %mul3A_125, %dma_wait3A_135] : memref<4x8x2048x16xi32, #tpu.memory_space<hbm>> -> memref<1x1x64x16xi32, #tpu.memory_space<hbm>>
      %dma_wait3A_137 = tpu.memref_squeeze %dma_wait3A_136 : memref<1x1x64x16xi32, #tpu.memory_space<hbm>> -> memref<64x16xi32, #tpu.memory_space<hbm>>
      tpu.wait_dma2 semaphore(%arg13 : memref<!tpu.dma_semaphore, #tpu.memory_space<semaphore_mem>>) src(%dma_wait3A_137 : memref<64x16xi32, #tpu.memory_space<hbm>>) dst(%arg10 : memref<64x16xi32, #tpu.memory_space<vmem>>)
      %scan3A_138 = arith.constant 0 : i32
      %scan3A_139 = arith.constant 0 : i32
      %scan3A_140 = arith.constant 32 : i32
      %scan3A_141 = arith.addi %scan3A_139, %scan3A_140 : i32
      %scan3A_142 = arith.constant 1 : i32
      scf.for %scan3A_146 = %scan3A_139 to %scan3A_141 step %scan3A_142  : i32 {
        %mul3A_147 = arith.constant 2 : i32
        %mul3A_148 = arith.muli %scan3A_146, %mul3A_147 : i32
        %add3A_149 = arith.constant 0 : i32
        %add3A_150 = arith.addi %mul3A_148, %add3A_149 : i32
        %broadcast_in_dim3A = arith.constant 0.000000e+00 : f32
        %broadcast_in_dim3A_151 = vector.broadcast %broadcast_in_dim3A : f32 to vector<16xf32>
        %broadcast_in_dim3A_152 = arith.constant 0.000000e+00 : f32
        %broadcast_in_dim3A_153 = vector.broadcast %broadcast_in_dim3A_152 : f32 to vector<16xf32>
        %get3A = arith.index_cast %add3A_150 : i32 to index
        %get3A_154 = arith.constant 0 : index
        %get3A_155 = tpu.vector_load %arg9[%get3A, %get3A_154] {strides = array<i32>} : memref<64x16xi32, #tpu.memory_space<vmem>>, vector<16xi32>,
        %get3A_156 = arith.index_cast %add3A_150 : i32 to index
        %get3A_157 = arith.constant 0 : index
        %get3A_158 = tpu.vector_load %arg10[%get3A_156, %get3A_157] {strides = array<i32>} : memref<64x16xi32, #tpu.memory_space<vmem>>, vector<16xi32>,
        %slice3A = vector.extract_strided_slice %get3A_155 {offsets = [0], sizes = [1], strides = [1]} : vector<16xi32> to vector<1xi32>
        %squeeze3A = vector.extract %slice3A[0] : i32 from vector<1xi32>
        %shift_right_arithmetic3A = arith.constant 16 : i32
        %shift_right_arithmetic3A_159 = arith.shrsi %squeeze3A, %shift_right_arithmetic3A : i32
        %shift_left3A = arith.constant 16 : i32
        %shift_left3A_160 = arith.shli %squeeze3A, %shift_left3A : i32
        %bitcast_convert_type3A = arith.bitcast %shift_left3A_160 : i32 to f32
        %get3A_161 = arith.index_cast %shift_right_arithmetic3A_159 : i32 to index
        %get3A_162 = arith.constant 0 : index
        %get3A_163 = tpu.vector_load %arg6[%get3A_161, %get3A_162] {strides = array<i32>} : memref<3840x32xf32, #tpu.memory_space<vmem>>, vector<16xf32>,
        %mul3A_164 = vector.broadcast %bitcast_convert_type3A : f32 to vector<16xf32>
        %mul3A_165 = arith.mulf %mul3A_164, %get3A_163 : vector<16xf32>
        %add3A_166 = arith.addf %broadcast_in_dim3A_151, %mul3A_165 : vector<16xf32>
        %get3A_167 = arith.index_cast %shift_right_arithmetic3A_159 : i32 to index
        %get3A_168 = arith.constant 16 : index
        %get3A_169 = tpu.vector_load %arg6[%get3A_167, %get3A_168] {strides = array<i32>} : memref<3840x32xf32, #tpu.memory_space<vmem>>, vector<16xf32>,
        %mul3A_170 = vector.broadcast %bitcast_convert_type3A : f32 to vector<16xf32>
        %mul3A_171 = arith.mulf %mul3A_170, %get3A_169 : vector<16xf32>
        %add3A_172 = arith.addf %broadcast_in_dim3A_153, %mul3A_171 : vector<16xf32>
        %slice3A_173 = vector.extract_strided_slice %get3A_158 {offsets = [0], sizes = [1], strides = [1]} : vector<16xi32> to vector<1xi32>
        %squeeze3A_174 = vector.extract %slice3A_173[0] : i32 from vector<1xi32>
        %shift_right_arithmetic3A_175 = arith.constant 16 : i32
        %shift_right_arithmetic3A_176 = arith.shrsi %squeeze3A_174, %shift_right_arithmetic3A_175 : i32
        %shift_left3A_177 = arith.constant 16 : i32
        %shift_left3A_178 = arith.shli %squeeze3A_174, %shift_left3A_177 : i32
        %bitcast_convert_type3A_179 = arith.bitcast %shift_left3A_178 : i32 to f32
        %get3A_180 = arith.index_cast %shift_right_arithmetic3A_176 : i32 to index
        %get3A_181 = arith.constant 0 : index
        %get3A_182 = tpu.vector_load %arg6[%get3A_180, %get3A_181] {strides = array<i32>} : memref<3840x32xf32, #tpu.memory_space<vmem>>, vector<16xf32>,
        %mul3A_183 = vector.broadcast %bitcast_convert_type3A_179 : f32 to vector<16xf32>
        %mul3A_184 = arith.mulf %mul3A_183, %get3A_182 : vector<16xf32>
        %add3A_185 = arith.addf %add3A_166, %mul3A_184 : vector<16xf32>
        %get3A_186 = arith.index_cast %shift_right_arithmetic3A_176 : i32 to index
        %get3A_187 = arith.constant 16 : index
        %get3A_188 = tpu.vector_load %arg6[%get3A_186, %get3A_187] {strides = array<i32>} : memref<3840x32xf32, #tpu.memory_space<vmem>>, vector<16xf32>,
        %mul3A_189 = vector.broadcast %bitcast_convert_type3A_179 : f32 to vector<16xf32>
        %mul3A_190 = arith.mulf %mul3A_189, %get3A_188 : vector<16xf32>
        %add3A_191 = arith.addf %add3A_172, %mul3A_190 : vector<16xf32>
        %slice3A_192 = vector.extract_strided_slice %get3A_155 {offsets = [1], sizes = [1], strides = [1]} : vector<16xi32> to vector<1xi32>
        %squeeze3A_193 = vector.extract %slice3A_192[0] : i32 from vector<1xi32>
        %shift_right_arithmetic3A_194 = arith.constant 16 : i32
        %shift_right_arithmetic3A_195 = arith.shrsi %squeeze3A_193, %shift_right_arithmetic3A_194 : i32
        %shift_left3A_196 = arith.constant 16 : i32
        %shift_left3A_197 = arith.shli %squeeze3A_193, %shift_left3A_196 : i32
        %bitcast_convert_type3A_198 = arith.bitcast %shift_left3A_197 : i32 to f32
        %get3A_199 = arith.index_cast %shift_right_arithmetic3A_195 : i32 to index
        %get3A_200 = arith.constant 0 : index
        %get3A_201 = tpu.vector_load %arg6[%get3A_199, %get3A_200] {strides = array<i32>} : memref<3840x32xf32, #tpu.memory_space<vmem>>, vector<16xf32>,
        %mul3A_202 = vector.broadcast %bitcast_convert_type3A_198 : f32 to vector<16xf32>
        %mul3A_203 = arith.mulf %mul3A_202, %get3A_201 : vector<16xf32>
        %add3A_204 = arith.addf %add3A_185, %mul3A_203 : vector<16xf32>
        %get3A_205 = arith.index_cast %shift_right_arithmetic3A_195 : i32 to index
        %get3A_206 = arith.constant 16 : index
        %get3A_207 = tpu.vector_load %arg6[%get3A_205, %get3A_206] {strides = array<i32>} : memref<3840x32xf32, #tpu.memory_space<vmem>>, vector<16xf32>,
        %mul3A_208 = vector.broadcast %bitcast_convert_type3A_198 : f32 to vector<16xf32>
        %mul3A_209 = arith.mulf %mul3A_208, %get3A_207 : vector<16xf32>
        %add3A_210 = arith.addf %add3A_191, %mul3A_209 : vector<16xf32>
        %slice3A_211 = vector.extract_strided_slice %get3A_158 {offsets = [1], sizes = [1], strides = [1]} : vector<16xi32> to vector<1xi32>
        %squeeze3A_212 = vector.extract %slice3A_211[0] : i32 from vector<1xi32>
        %shift_right_arithmetic3A_213 = arith.constant 16 : i32
        %shift_right_arithmetic3A_214 = arith.shrsi %squeeze3A_212, %shift_right_arithmetic3A_213 : i32
        %shift_left3A_215 = arith.constant 16 : i32
        %shift_left3A_216 = arith.shli %squeeze3A_212, %shift_left3A_215 : i32
        %bitcast_convert_type3A_217 = arith.bitcast %shift_left3A_216 : i32 to f32
        %get3A_218 = arith.index_cast %shift_right_arithmetic3A_214 : i32 to index
        %get3A_219 = arith.constant 0 : index
        %get3A_220 = tpu.vector_load %arg6[%get3A_218, %get3A_219] {strides = array<i32>} : memref<3840x32xf32, #tpu.memory_space<vmem>>, vector<16xf32>,
        %mul3A_221 = vector.broadcast %bitcast_convert_type3A_217 : f32 to vector<16xf32>
        %mul3A_222 = arith.mulf %mul3A_221, %get3A_220 : vector<16xf32>
        %add3A_223 = arith.addf %add3A_204, %mul3A_222 : vector<16xf32>
        %get3A_224 = arith.index_cast %shift_right_arithmetic3A_214 : i32 to index
        %get3A_225 = arith.constant 16 : index
        %get3A_226 = tpu.vector_load %arg6[%get3A_224, %get3A_225] {strides = array<i32>} : memref<3840x32xf32, #tpu.memory_space<vmem>>, vector<16xf32>,
        %mul3A_227 = vector.broadcast %bitcast_convert_type3A_217 : f32 to vector<16xf32>
        %mul3A_228 = arith.mulf %mul3A_227, %get3A_226 : vector<16xf32>
        %add3A_229 = arith.addf %add3A_210, %mul3A_228 : vector<16xf32>
        %slice3A_230 = vector.extract_strided_slice %get3A_155 {offsets = [2], sizes = [1], strides = [1]} : vector<16xi32> to vector<1xi32>
        %squeeze3A_231 = vector.extract %slice3A_230[0] : i32 from vector<1xi32>
        %shift_right_arithmetic3A_232 = arith.constant 16 : i32
        %shift_right_arithmetic3A_233 = arith.shrsi %squeeze3A_231, %shift_right_arithmetic3A_232 : i32
        %shift_left3A_234 = arith.constant 16 : i32
        %shift_left3A_235 = arith.shli %squeeze3A_231, %shift_left3A_234 : i32
        %bitcast_convert_type3A_236 = arith.bitcast %shift_left3A_235 : i32 to f32
        %get3A_237 = arith.index_cast %shift_right_arithmetic3A_233 : i32 to index
        %get3A_238 = arith.constant 0 : index
        %get3A_239 = tpu.vector_load %arg6[%get3A_237, %get3A_238] {strides = array<i32>} : memref<3840x32xf32, #tpu.memory_space<vmem>>, vector<16xf32>,
        %mul3A_240 = vector.broadcast %bitcast_convert_type3A_236 : f32 to vector<16xf32>
        %mul3A_241 = arith.mulf %mul3A_240, %get3A_239 : vector<16xf32>
        %add3A_242 = arith.addf %add3A_223, %mul3A_241 : vector<16xf32>
        %get3A_243 = arith.index_cast %shift_right_arithmetic3A_233 : i32 to index
        %get3A_244 = arith.constant 16 : index
        %get3A_245 = tpu.vector_load %arg6[%get3A_243, %get3A_244] {strides = array<i32>} : memref<3840x32xf32, #tpu.memory_space<vmem>>, vector<16xf32>,
        %mul3A_246 = vector.broadcast %bitcast_convert_type3A_236 : f32 to vector<16xf32>
        %mul3A_247 = arith.mulf %mul3A_246, %get3A_245 : vector<16xf32>
        %add3A_248 = arith.addf %add3A_229, %mul3A_247 : vector<16xf32>
        %slice3A_249 = vector.extract_strided_slice %get3A_158 {offsets = [2], sizes = [1], strides = [1]} : vector<16xi32> to vector<1xi32>
        %squeeze3A_250 = vector.extract %slice3A_249[0] : i32 from vector<1xi32>
        %shift_right_arithmetic3A_251 = arith.constant 16 : i32
        %shift_right_arithmetic3A_252 = arith.shrsi %squeeze3A_250, %shift_right_arithmetic3A_251 : i32
        %shift_left3A_253 = arith.constant 16 : i32
        %shift_left3A_254 = arith.shli %squeeze3A_250, %shift_left3A_253 : i32
        %bitcast_convert_type3A_255 = arith.bitcast %shift_left3A_254 : i32 to f32
        %get3A_256 = arith.index_cast %shift_right_arithmetic3A_252 : i32 to index
        %get3A_257 = arith.constant 0 : index
        %get3A_258 = tpu.vector_load %arg6[%get3A_256, %get3A_257] {strides = array<i32>} : memref<3840x32xf32, #tpu.memory_space<vmem>>, vector<16xf32>,
        %mul3A_259 = vector.broadcast %bitcast_convert_type3A_255 : f32 to vector<16xf32>
        %mul3A_260 = arith.mulf %mul3A_259, %get3A_258 : vector<16xf32>
        %add3A_261 = arith.addf %add3A_242, %mul3A_260 : vector<16xf32>
        %get3A_262 = arith.index_cast %shift_right_arithmetic3A_252 : i32 to index
        %get3A_263 = arith.constant 16 : index
        %get3A_264 = tpu.vector_load %arg6[%get3A_262, %get3A_263] {strides = array<i32>} : memref<3840x32xf32, #tpu.memory_space<vmem>>, vector<16xf32>,
        %mul3A_265 = vector.broadcast %bitcast_convert_type3A_255 : f32 to vector<16xf32>
        %mul3A_266 = arith.mulf %mul3A_265, %get3A_264 : vector<16xf32>
        %add3A_267 = arith.addf %add3A_248, %mul3A_266 : vector<16xf32>
        %slice3A_268 = vector.extract_strided_slice %get3A_155 {offsets = [3], sizes = [1], strides = [1]} : vector<16xi32> to vector<1xi32>
        %squeeze3A_269 = vector.extract %slice3A_268[0] : i32 from vector<1xi32>
        %shift_right_arithmetic3A_270 = arith.constant 16 : i32
        %shift_right_arithmetic3A_271 = arith.shrsi %squeeze3A_269, %shift_right_arithmetic3A_270 : i32
        %shift_left3A_272 = arith.constant 16 : i32
        %shift_left3A_273 = arith.shli %squeeze3A_269, %shift_left3A_272 : i32
        %bitcast_convert_type3A_274 = arith.bitcast %shift_left3A_273 : i32 to f32
        %get3A_275 = arith.index_cast %shift_right_arithmetic3A_271 : i32 to index
        %get3A_276 = arith.constant 0 : index
        %get3A_277 = tpu.vector_load %arg6[%get3A_275, %get3A_276] {strides = array<i32>} : memref<3840x32xf32, #tpu.memory_space<vmem>>, vector<16xf32>,
        %mul3A_278 = vector.broadcast %bitcast_convert_type3A_274 : f32 to vector<16xf32>
        %mul3A_279 = arith.mulf %mul3A_278, %get3A_277 : vector<16xf32>
        %add3A_280 = arith.addf %add3A_261, %mul3A_279 : vector<16xf32>
        %get3A_281 = arith.index_cast %shift_right_arithmetic3A_271 : i32 to index
        %get3A_282 = arith.constant 16 : index
        %get3A_283 = tpu.vector_load %arg6[%get3A_281, %get3A_282] {strides = array<i32>} : memref<3840x32xf32, #tpu.memory_space<vmem>>, vector<16xf32>,
        %mul3A_284 = vector.broadcast %bitcast_convert_type3A_274 : f32 to vector<16xf32>
        %mul3A_285 = arith.mulf %mul3A_284, %get3A_283 : vector<16xf32>
        %add3A_286 = arith.addf %add3A_267, %mul3A_285 : vector<16xf32>
        %slice3A_287 = vector.extract_strided_slice %get3A_158 {offsets = [3], sizes = [1], strides = [1]} : vector<16xi32> to vector<1xi32>
        %squeeze3A_288 = vector.extract %slice3A_287[0] : i32 from vector<1xi32>
        %shift_right_arithmetic3A_289 = arith.constant 16 : i32
        %shift_right_arithmetic3A_290 = arith.shrsi %squeeze3A_288, %shift_right_arithmetic3A_289 : i32
        %shift_left3A_291 = arith.constant 16 : i32
        %shift_left3A_292 = arith.shli %squeeze3A_288, %shift_left3A_291 : i32
        %bitcast_convert_type3A_293 = arith.bitcast %shift_left3A_292 : i32 to f32
        %get3A_294 = arith.index_cast %shift_right_arithmetic3A_290 : i32 to index
        %get3A_295 = arith.constant 0 : index
        %get3A_296 = tpu.vector_load %arg6[%get3A_294, %get3A_295] {strides = array<i32>} : memref<3840x32xf32, #tpu.memory_space<vmem>>, vector<16xf32>,
        %mul3A_297 = vector.broadcast %bitcast_convert_type3A_293 : f32 to vector<16xf32>
        %mul3A_298 = arith.mulf %mul3A_297, %get3A_296 : vector<16xf32>
        %add3A_299 = arith.addf %add3A_280, %mul3A_298 : vector<16xf32>
        %get3A_300 = arith.index_cast %shift_right_arithmetic3A_290 : i32 to index
        %get3A_301 = arith.constant 16 : index
        %get3A_302 = tpu.vector_load %arg6[%get3A_300, %get3A_301] {strides = array<i32>} : memref<3840x32xf32, #tpu.memory_space<vmem>>, vector<16xf32>,
        %mul3A_303 = vector.broadcast %bitcast_convert_type3A_293 : f32 to vector<16xf32>
        %mul3A_304 = arith.mulf %mul3A_303, %get3A_302 : vector<16xf32>
        %add3A_305 = arith.addf %add3A_286, %mul3A_304 : vector<16xf32>
        %slice3A_306 = vector.extract_strided_slice %get3A_155 {offsets = [4], sizes = [1], strides = [1]} : vector<16xi32> to vector<1xi32>
        %squeeze3A_307 = vector.extract %slice3A_306[0] : i32 from vector<1xi32>
        %shift_right_arithmetic3A_308 = arith.constant 16 : i32
        %shift_right_arithmetic3A_309 = arith.shrsi %squeeze3A_307, %shift_right_arithmetic3A_308 : i32
        %shift_left3A_310 = arith.constant 16 : i32
        %shift_left3A_311 = arith.shli %squeeze3A_307, %shift_left3A_310 : i32
        %bitcast_convert_type3A_312 = arith.bitcast %shift_left3A_311 : i32 to f32
        %get3A_313 = arith.index_cast %shift_right_arithmetic3A_309 : i32 to index
        %get3A_314 = arith.constant 0 : index
        %get3A_315 = tpu.vector_load %arg6[%get3A_313, %get3A_314] {strides = array<i32>} : memref<3840x32xf32, #tpu.memory_space<vmem>>, vector<16xf32>,
        %mul3A_316 = vector.broadcast %bitcast_convert_type3A_312 : f32 to vector<16xf32>
        %mul3A_317 = arith.mulf %mul3A_316, %get3A_315 : vector<16xf32>
        %add3A_318 = arith.addf %add3A_299, %mul3A_317 : vector<16xf32>
        %get3A_319 = arith.index_cast %shift_right_arithmetic3A_309 : i32 to index
        %get3A_320 = arith.constant 16 : index
        %get3A_321 = tpu.vector_load %arg6[%get3A_319, %get3A_320] {strides = array<i32>} : memref<3840x32xf32, #tpu.memory_space<vmem>>, vector<16xf32>,
        %mul3A_322 = vector.broadcast %bitcast_convert_type3A_312 : f32 to vector<16xf32>
        %mul3A_323 = arith.mulf %mul3A_322, %get3A_321 : vector<16xf32>
        %add3A_324 = arith.addf %add3A_305, %mul3A_323 : vector<16xf32>
        %slice3A_325 = vector.extract_strided_slice %get3A_158 {offsets = [4], sizes = [1], strides = [1]} : vector<16xi32> to vector<1xi32>
        %squeeze3A_326 = vector.extract %slice3A_325[0] : i32 from vector<1xi32>
        %shift_right_arithmetic3A_327 = arith.constant 16 : i32
        %shift_right_arithmetic3A_328 = arith.shrsi %squeeze3A_326, %shift_right_arithmetic3A_327 : i32
        %shift_left3A_329 = arith.constant 16 : i32
        %shift_left3A_330 = arith.shli %squeeze3A_326, %shift_left3A_329 : i32
        %bitcast_convert_type3A_331 = arith.bitcast %shift_left3A_330 : i32 to f32
        %get3A_332 = arith.index_cast %shift_right_arithmetic3A_328 : i32 to index
        %get3A_333 = arith.constant 0 : index
        %get3A_334 = tpu.vector_load %arg6[%get3A_332, %get3A_333] {strides = array<i32>} : memref<3840x32xf32, #tpu.memory_space<vmem>>, vector<16xf32>,
        %mul3A_335 = vector.broadcast %bitcast_convert_type3A_331 : f32 to vector<16xf32>
        %mul3A_336 = arith.mulf %mul3A_335, %get3A_334 : vector<16xf32>
        %add3A_337 = arith.addf %add3A_318, %mul3A_336 : vector<16xf32>
        %get3A_338 = arith.index_cast %shift_right_arithmetic3A_328 : i32 to index
        %get3A_339 = arith.constant 16 : index
        %get3A_340 = tpu.vector_load %arg6[%get3A_338, %get3A_339] {strides = array<i32>} : memref<3840x32xf32, #tpu.memory_space<vmem>>, vector<16xf32>,
        %mul3A_341 = vector.broadcast %bitcast_convert_type3A_331 : f32 to vector<16xf32>
        %mul3A_342 = arith.mulf %mul3A_341, %get3A_340 : vector<16xf32>
        %add3A_343 = arith.addf %add3A_324, %mul3A_342 : vector<16xf32>
        %slice3A_344 = vector.extract_strided_slice %get3A_155 {offsets = [5], sizes = [1], strides = [1]} : vector<16xi32> to vector<1xi32>
        %squeeze3A_345 = vector.extract %slice3A_344[0] : i32 from vector<1xi32>
        %shift_right_arithmetic3A_346 = arith.constant 16 : i32
        %shift_right_arithmetic3A_347 = arith.shrsi %squeeze3A_345, %shift_right_arithmetic3A_346 : i32
        %shift_left3A_348 = arith.constant 16 : i32
        %shift_left3A_349 = arith.shli %squeeze3A_345, %shift_left3A_348 : i32
        %bitcast_convert_type3A_350 = arith.bitcast %shift_left3A_349 : i32 to f32
        %get3A_351 = arith.index_cast %shift_right_arithmetic3A_347 : i32 to index
        %get3A_352 = arith.constant 0 : index
        %get3A_353 = tpu.vector_load %arg6[%get3A_351, %get3A_352] {strides = array<i32>} : memref<3840x32xf32, #tpu.memory_space<vmem>>, vector<16xf32>,
        %mul3A_354 = vector.broadcast %bitcast_convert_type3A_350 : f32 to vector<16xf32>
        %mul3A_355 = arith.mulf %mul3A_354, %get3A_353 : vector<16xf32>
        %add3A_356 = arith.addf %add3A_337, %mul3A_355 : vector<16xf32>
        %get3A_357 = arith.index_cast %shift_right_arithmetic3A_347 : i32 to index
        %get3A_358 = arith.constant 16 : index
        %get3A_359 = tpu.vector_load %arg6[%get3A_357, %get3A_358] {strides = array<i32>} : memref<3840x32xf32, #tpu.memory_space<vmem>>, vector<16xf32>,
        %mul3A_360 = vector.broadcast %bitcast_convert_type3A_350 : f32 to vector<16xf32>
        %mul3A_361 = arith.mulf %mul3A_360, %get3A_359 : vector<16xf32>
        %add3A_362 = arith.addf %add3A_343, %mul3A_361 : vector<16xf32>
        %slice3A_363 = vector.extract_strided_slice %get3A_158 {offsets = [5], sizes = [1], strides = [1]} : vector<16xi32> to vector<1xi32>
        %squeeze3A_364 = vector.extract %slice3A_363[0] : i32 from vector<1xi32>
        %shift_right_arithmetic3A_365 = arith.constant 16 : i32
        %shift_right_arithmetic3A_366 = arith.shrsi %squeeze3A_364, %shift_right_arithmetic3A_365 : i32
        %shift_left3A_367 = arith.constant 16 : i32
        %shift_left3A_368 = arith.shli %squeeze3A_364, %shift_left3A_367 : i32
        %bitcast_convert_type3A_369 = arith.bitcast %shift_left3A_368 : i32 to f32
        %get3A_370 = arith.index_cast %shift_right_arithmetic3A_366 : i32 to index
        %get3A_371 = arith.constant 0 : index
        %get3A_372 = tpu.vector_load %arg6[%get3A_370, %get3A_371] {strides = array<i32>} : memref<3840x32xf32, #tpu.memory_space<vmem>>, vector<16xf32>,
        %mul3A_373 = vector.broadcast %bitcast_convert_type3A_369 : f32 to vector<16xf32>
        %mul3A_374 = arith.mulf %mul3A_373, %get3A_372 : vector<16xf32>
        %add3A_375 = arith.addf %add3A_356, %mul3A_374 : vector<16xf32>
        %get3A_376 = arith.index_cast %shift_right_arithmetic3A_366 : i32 to index
        %get3A_377 = arith.constant 16 : index
        %get3A_378 = tpu.vector_load %arg6[%get3A_376, %get3A_377] {strides = array<i32>} : memref<3840x32xf32, #tpu.memory_space<vmem>>, vector<16xf32>,
        %mul3A_379 = vector.broadcast %bitcast_convert_type3A_369 : f32 to vector<16xf32>
        %mul3A_380 = arith.mulf %mul3A_379, %get3A_378 : vector<16xf32>
        %add3A_381 = arith.addf %add3A_362, %mul3A_380 : vector<16xf32>
        %slice3A_382 = vector.extract_strided_slice %get3A_155 {offsets = [6], sizes = [1], strides = [1]} : vector<16xi32> to vector<1xi32>
        %squeeze3A_383 = vector.extract %slice3A_382[0] : i32 from vector<1xi32>
        %shift_right_arithmetic3A_384 = arith.constant 16 : i32
        %shift_right_arithmetic3A_385 = arith.shrsi %squeeze3A_383, %shift_right_arithmetic3A_384 : i32
        %shift_left3A_386 = arith.constant 16 : i32
        %shift_left3A_387 = arith.shli %squeeze3A_383, %shift_left3A_386 : i32
        %bitcast_convert_type3A_388 = arith.bitcast %shift_left3A_387 : i32 to f32
        %get3A_389 = arith.index_cast %shift_right_arithmetic3A_385 : i32 to index
        %get3A_390 = arith.constant 0 : index
        %get3A_391 = tpu.vector_load %arg6[%get3A_389, %get3A_390] {strides = array<i32>} : memref<3840x32xf32, #tpu.memory_space<vmem>>, vector<16xf32>,
        %mul3A_392 = vector.broadcast %bitcast_convert_type3A_388 : f32 to vector<16xf32>
        %mul3A_393 = arith.mulf %mul3A_392, %get3A_391 : vector<16xf32>
        %add3A_394 = arith.addf %add3A_375, %mul3A_393 : vector<16xf32>
        %get3A_395 = arith.index_cast %shift_right_arithmetic3A_385 : i32 to index
        %get3A_396 = arith.constant 16 : index
        %get3A_397 = tpu.vector_load %arg6[%get3A_395, %get3A_396] {strides = array<i32>} : memref<3840x32xf32, #tpu.memory_space<vmem>>, vector<16xf32>,
        %mul3A_398 = vector.broadcast %bitcast_convert_type3A_388 : f32 to vector<16xf32>
        %mul3A_399 = arith.mulf %mul3A_398, %get3A_397 : vector<16xf32>
        %add3A_400 = arith.addf %add3A_381, %mul3A_399 : vector<16xf32>
        %slice3A_401 = vector.extract_strided_slice %get3A_158 {offsets = [6], sizes = [1], strides = [1]} : vector<16xi32> to vector<1xi32>
        %squeeze3A_402 = vector.extract %slice3A_401[0] : i32 from vector<1xi32>
        %shift_right_arithmetic3A_403 = arith.constant 16 : i32
        %shift_right_arithmetic3A_404 = arith.shrsi %squeeze3A_402, %shift_right_arithmetic3A_403 : i32
        %shift_left3A_405 = arith.constant 16 : i32
        %shift_left3A_406 = arith.shli %squeeze3A_402, %shift_left3A_405 : i32
        %bitcast_convert_type3A_407 = arith.bitcast %shift_left3A_406 : i32 to f32
        %get3A_408 = arith.index_cast %shift_right_arithmetic3A_404 : i32 to index
        %get3A_409 = arith.constant 0 : index
        %get3A_410 = tpu.vector_load %arg6[%get3A_408, %get3A_409] {strides = array<i32>} : memref<3840x32xf32, #tpu.memory_space<vmem>>, vector<16xf32>,
        %mul3A_411 = vector.broadcast %bitcast_convert_type3A_407 : f32 to vector<16xf32>
        %mul3A_412 = arith.mulf %mul3A_411, %get3A_410 : vector<16xf32>
        %add3A_413 = arith.addf %add3A_394, %mul3A_412 : vector<16xf32>
        %get3A_414 = arith.index_cast %shift_right_arithmetic3A_404 : i32 to index
        %get3A_415 = arith.constant 16 : index
        %get3A_416 = tpu.vector_load %arg6[%get3A_414, %get3A_415] {strides = array<i32>} : memref<3840x32xf32, #tpu.memory_space<vmem>>, vector<16xf32>,
        %mul3A_417 = vector.broadcast %bitcast_convert_type3A_407 : f32 to vector<16xf32>
        %mul3A_418 = arith.mulf %mul3A_417, %get3A_416 : vector<16xf32>
        %add3A_419 = arith.addf %add3A_400, %mul3A_418 : vector<16xf32>
        %slice3A_420 = vector.extract_strided_slice %get3A_155 {offsets = [7], sizes = [1], strides = [1]} : vector<16xi32> to vector<1xi32>
        %squeeze3A_421 = vector.extract %slice3A_420[0] : i32 from vector<1xi32>
        %shift_right_arithmetic3A_422 = arith.constant 16 : i32
        %shift_right_arithmetic3A_423 = arith.shrsi %squeeze3A_421, %shift_right_arithmetic3A_422 : i32
        %shift_left3A_424 = arith.constant 16 : i32
        %shift_left3A_425 = arith.shli %squeeze3A_421, %shift_left3A_424 : i32
        %bitcast_convert_type3A_426 = arith.bitcast %shift_left3A_425 : i32 to f32
        %get3A_427 = arith.index_cast %shift_right_arithmetic3A_423 : i32 to index
        %get3A_428 = arith.constant 0 : index
        %get3A_429 = tpu.vector_load %arg6[%get3A_427, %get3A_428] {strides = array<i32>} : memref<3840x32xf32, #tpu.memory_space<vmem>>, vector<16xf32>,
        %mul3A_430 = vector.broadcast %bitcast_convert_type3A_426 : f32 to vector<16xf32>
        %mul3A_431 = arith.mulf %mul3A_430, %get3A_429 : vector<16xf32>
        %add3A_432 = arith.addf %add3A_413, %mul3A_431 : vector<16xf32>
        %get3A_433 = arith.index_cast %shift_right_arithmetic3A_423 : i32 to index
        %get3A_434 = arith.constant 16 : index
        %get3A_435 = tpu.vector_load %arg6[%get3A_433, %get3A_434] {strides = array<i32>} : memref<3840x32xf32, #tpu.memory_space<vmem>>, vector<16xf32>,
        %mul3A_436 = vector.broadcast %bitcast_convert_type3A_426 : f32 to vector<16xf32>
        %mul3A_437 = arith.mulf %mul3A_436, %get3A_435 : vector<16xf32>
        %add3A_438 = arith.addf %add3A_419, %mul3A_437 : vector<16xf32>
        %slice3A_439 = vector.extract_strided_slice %get3A_158 {offsets = [7], sizes = [1], strides = [1]} : vector<16xi32> to vector<1xi32>
        %squeeze3A_440 = vector.extract %slice3A_439[0] : i32 from vector<1xi32>
        %shift_right_arithmetic3A_441 = arith.constant 16 : i32
        %shift_right_arithmetic3A_442 = arith.shrsi %squeeze3A_440, %shift_right_arithmetic3A_441 : i32
        %shift_left3A_443 = arith.constant 16 : i32
        %shift_left3A_444 = arith.shli %squeeze3A_440, %shift_left3A_443 : i32
        %bitcast_convert_type3A_445 = arith.bitcast %shift_left3A_444 : i32 to f32
        %get3A_446 = arith.index_cast %shift_right_arithmetic3A_442 : i32 to index
        %get3A_447 = arith.constant 0 : index
        %get3A_448 = tpu.vector_load %arg6[%get3A_446, %get3A_447] {strides = array<i32>} : memref<3840x32xf32, #tpu.memory_space<vmem>>, vector<16xf32>,
        %mul3A_449 = vector.broadcast %bitcast_convert_type3A_445 : f32 to vector<16xf32>
        %mul3A_450 = arith.mulf %mul3A_449, %get3A_448 : vector<16xf32>
        %add3A_451 = arith.addf %add3A_432, %mul3A_450 : vector<16xf32>
        %get3A_452 = arith.index_cast %shift_right_arithmetic3A_442 : i32 to index
        %get3A_453 = arith.constant 16 : index
        %get3A_454 = tpu.vector_load %arg6[%get3A_452, %get3A_453] {strides = array<i32>} : memref<3840x32xf32, #tpu.memory_space<vmem>>, vector<16xf32>,
        %mul3A_455 = vector.broadcast %bitcast_convert_type3A_445 : f32 to vector<16xf32>
        %mul3A_456 = arith.mulf %mul3A_455, %get3A_454 : vector<16xf32>
        %add3A_457 = arith.addf %add3A_438, %mul3A_456 : vector<16xf32>
        %slice3A_458 = vector.extract_strided_slice %get3A_155 {offsets = [8], sizes = [1], strides = [1]} : vector<16xi32> to vector<1xi32>
        %squeeze3A_459 = vector.extract %slice3A_458[0] : i32 from vector<1xi32>
        %shift_right_arithmetic3A_460 = arith.constant 16 : i32
        %shift_right_arithmetic3A_461 = arith.shrsi %squeeze3A_459, %shift_right_arithmetic3A_460 : i32
        %shift_left3A_462 = arith.constant 16 : i32
        %shift_left3A_463 = arith.shli %squeeze3A_459, %shift_left3A_462 : i32
        %bitcast_convert_type3A_464 = arith.bitcast %shift_left3A_463 : i32 to f32
        %get3A_465 = arith.index_cast %shift_right_arithmetic3A_461 : i32 to index
        %get3A_466 = arith.constant 0 : index
        %get3A_467 = tpu.vector_load %arg6[%get3A_465, %get3A_466] {strides = array<i32>} : memref<3840x32xf32, #tpu.memory_space<vmem>>, vector<16xf32>,
        %mul3A_468 = vector.broadcast %bitcast_convert_type3A_464 : f32 to vector<16xf32>
        %mul3A_469 = arith.mulf %mul3A_468, %get3A_467 : vector<16xf32>
        %add3A_470 = arith.addf %add3A_451, %mul3A_469 : vector<16xf32>
        %get3A_471 = arith.index_cast %shift_right_arithmetic3A_461 : i32 to index
        %get3A_472 = arith.constant 16 : index
        %get3A_473 = tpu.vector_load %arg6[%get3A_471, %get3A_472] {strides = array<i32>} : memref<3840x32xf32, #tpu.memory_space<vmem>>, vector<16xf32>,
        %mul3A_474 = vector.broadcast %bitcast_convert_type3A_464 : f32 to vector<16xf32>
        %mul3A_475 = arith.mulf %mul3A_474, %get3A_473 : vector<16xf32>
        %add3A_476 = arith.addf %add3A_457, %mul3A_475 : vector<16xf32>
        %slice3A_477 = vector.extract_strided_slice %get3A_158 {offsets = [8], sizes = [1], strides = [1]} : vector<16xi32> to vector<1xi32>
        %squeeze3A_478 = vector.extract %slice3A_477[0] : i32 from vector<1xi32>
        %shift_right_arithmetic3A_479 = arith.constant 16 : i32
        %shift_right_arithmetic3A_480 = arith.shrsi %squeeze3A_478, %shift_right_arithmetic3A_479 : i32
        %shift_left3A_481 = arith.constant 16 : i32
        %shift_left3A_482 = arith.shli %squeeze3A_478, %shift_left3A_481 : i32
        %bitcast_convert_type3A_483 = arith.bitcast %shift_left3A_482 : i32 to f32
        %get3A_484 = arith.index_cast %shift_right_arithmetic3A_480 : i32 to index
        %get3A_485 = arith.constant 0 : index
        %get3A_486 = tpu.vector_load %arg6[%get3A_484, %get3A_485] {strides = array<i32>} : memref<3840x32xf32, #tpu.memory_space<vmem>>, vector<16xf32>,
        %mul3A_487 = vector.broadcast %bitcast_convert_type3A_483 : f32 to vector<16xf32>
        %mul3A_488 = arith.mulf %mul3A_487, %get3A_486 : vector<16xf32>
        %add3A_489 = arith.addf %add3A_470, %mul3A_488 : vector<16xf32>
        %get3A_490 = arith.index_cast %shift_right_arithmetic3A_480 : i32 to index
        %get3A_491 = arith.constant 16 : index
        %get3A_492 = tpu.vector_load %arg6[%get3A_490, %get3A_491] {strides = array<i32>} : memref<3840x32xf32, #tpu.memory_space<vmem>>, vector<16xf32>,
        %mul3A_493 = vector.broadcast %bitcast_convert_type3A_483 : f32 to vector<16xf32>
        %mul3A_494 = arith.mulf %mul3A_493, %get3A_492 : vector<16xf32>
        %add3A_495 = arith.addf %add3A_476, %mul3A_494 : vector<16xf32>
        %slice3A_496 = vector.extract_strided_slice %get3A_155 {offsets = [9], sizes = [1], strides = [1]} : vector<16xi32> to vector<1xi32>
        %squeeze3A_497 = vector.extract %slice3A_496[0] : i32 from vector<1xi32>
        %shift_right_arithmetic3A_498 = arith.constant 16 : i32
        %shift_right_arithmetic3A_499 = arith.shrsi %squeeze3A_497, %shift_right_arithmetic3A_498 : i32
        %shift_left3A_500 = arith.constant 16 : i32
        %shift_left3A_501 = arith.shli %squeeze3A_497, %shift_left3A_500 : i32
        %bitcast_convert_type3A_502 = arith.bitcast %shift_left3A_501 : i32 to f32
        %get3A_503 = arith.index_cast %shift_right_arithmetic3A_499 : i32 to index
        %get3A_504 = arith.constant 0 : index
        %get3A_505 = tpu.vector_load %arg6[%get3A_503, %get3A_504] {strides = array<i32>} : memref<3840x32xf32, #tpu.memory_space<vmem>>, vector<16xf32>,
        %mul3A_506 = vector.broadcast %bitcast_convert_type3A_502 : f32 to vector<16xf32>
        %mul3A_507 = arith.mulf %mul3A_506, %get3A_505 : vector<16xf32>
        %add3A_508 = arith.addf %add3A_489, %mul3A_507 : vector<16xf32>
        %get3A_509 = arith.index_cast %shift_right_arithmetic3A_499 : i32 to index
        %get3A_510 = arith.constant 16 : index
        %get3A_511 = tpu.vector_load %arg6[%get3A_509, %get3A_510] {strides = array<i32>} : memref<3840x32xf32, #tpu.memory_space<vmem>>, vector<16xf32>,
        %mul3A_512 = vector.broadcast %bitcast_convert_type3A_502 : f32 to vector<16xf32>
        %mul3A_513 = arith.mulf %mul3A_512, %get3A_511 : vector<16xf32>
        %add3A_514 = arith.addf %add3A_495, %mul3A_513 : vector<16xf32>
        %slice3A_515 = vector.extract_strided_slice %get3A_158 {offsets = [9], sizes = [1], strides = [1]} : vector<16xi32> to vector<1xi32>
        %squeeze3A_516 = vector.extract %slice3A_515[0] : i32 from vector<1xi32>
        %shift_right_arithmetic3A_517 = arith.constant 16 : i32
        %shift_right_arithmetic3A_518 = arith.shrsi %squeeze3A_516, %shift_right_arithmetic3A_517 : i32
        %shift_left3A_519 = arith.constant 16 : i32
        %shift_left3A_520 = arith.shli %squeeze3A_516, %shift_left3A_519 : i32
        %bitcast_convert_type3A_521 = arith.bitcast %shift_left3A_520 : i32 to f32
        %get3A_522 = arith.index_cast %shift_right_arithmetic3A_518 : i32 to index
        %get3A_523 = arith.constant 0 : index
        %get3A_524 = tpu.vector_load %arg6[%get3A_522, %get3A_523] {strides = array<i32>} : memref<3840x32xf32, #tpu.memory_space<vmem>>, vector<16xf32>,
        %mul3A_525 = vector.broadcast %bitcast_convert_type3A_521 : f32 to vector<16xf32>
        %mul3A_526 = arith.mulf %mul3A_525, %get3A_524 : vector<16xf32>
        %add3A_527 = arith.addf %add3A_508, %mul3A_526 : vector<16xf32>
        %get3A_528 = arith.index_cast %shift_right_arithmetic3A_518 : i32 to index
        %get3A_529 = arith.constant 16 : index
        %get3A_530 = tpu.vector_load %arg6[%get3A_528, %get3A_529] {strides = array<i32>} : memref<3840x32xf32, #tpu.memory_space<vmem>>, vector<16xf32>,
        %mul3A_531 = vector.broadcast %bitcast_convert_type3A_521 : f32 to vector<16xf32>
        %mul3A_532 = arith.mulf %mul3A_531, %get3A_530 : vector<16xf32>
        %add3A_533 = arith.addf %add3A_514, %mul3A_532 : vector<16xf32>
        %slice3A_534 = vector.extract_strided_slice %get3A_155 {offsets = [10], sizes = [1], strides = [1]} : vector<16xi32> to vector<1xi32>
        %squeeze3A_535 = vector.extract %slice3A_534[0] : i32 from vector<1xi32>
        %shift_right_arithmetic3A_536 = arith.constant 16 : i32
        %shift_right_arithmetic3A_537 = arith.shrsi %squeeze3A_535, %shift_right_arithmetic3A_536 : i32
        %shift_left3A_538 = arith.constant 16 : i32
        %shift_left3A_539 = arith.shli %squeeze3A_535, %shift_left3A_538 : i32
        %bitcast_convert_type3A_540 = arith.bitcast %shift_left3A_539 : i32 to f32
        %get3A_541 = arith.index_cast %shift_right_arithmetic3A_537 : i32 to index
        %get3A_542 = arith.constant 0 : index
        %get3A_543 = tpu.vector_load %arg6[%get3A_541, %get3A_542] {strides = array<i32>} : memref<3840x32xf32, #tpu.memory_space<vmem>>, vector<16xf32>,
        %mul3A_544 = vector.broadcast %bitcast_convert_type3A_540 : f32 to vector<16xf32>
        %mul3A_545 = arith.mulf %mul3A_544, %get3A_543 : vector<16xf32>
        %add3A_546 = arith.addf %add3A_527, %mul3A_545 : vector<16xf32>
        %get3A_547 = arith.index_cast %shift_right_arithmetic3A_537 : i32 to index
        %get3A_548 = arith.constant 16 : index
        %get3A_549 = tpu.vector_load %arg6[%get3A_547, %get3A_548] {strides = array<i32>} : memref<3840x32xf32, #tpu.memory_space<vmem>>, vector<16xf32>,
        %mul3A_550 = vector.broadcast %bitcast_convert_type3A_540 : f32 to vector<16xf32>
        %mul3A_551 = arith.mulf %mul3A_550, %get3A_549 : vector<16xf32>
        %add3A_552 = arith.addf %add3A_533, %mul3A_551 : vector<16xf32>
        %slice3A_553 = vector.extract_strided_slice %get3A_158 {offsets = [10], sizes = [1], strides = [1]} : vector<16xi32> to vector<1xi32>
        %squeeze3A_554 = vector.extract %slice3A_553[0] : i32 from vector<1xi32>
        %shift_right_arithmetic3A_555 = arith.constant 16 : i32
        %shift_right_arithmetic3A_556 = arith.shrsi %squeeze3A_554, %shift_right_arithmetic3A_555 : i32
        %shift_left3A_557 = arith.constant 16 : i32
        %shift_left3A_558 = arith.shli %squeeze3A_554, %shift_left3A_557 : i32
        %bitcast_convert_type3A_559 = arith.bitcast %shift_left3A_558 : i32 to f32
        %get3A_560 = arith.index_cast %shift_right_arithmetic3A_556 : i32 to index
        %get3A_561 = arith.constant 0 : index
        %get3A_562 = tpu.vector_load %arg6[%get3A_560, %get3A_561] {strides = array<i32>} : memref<3840x32xf32, #tpu.memory_space<vmem>>, vector<16xf32>,
        %mul3A_563 = vector.broadcast %bitcast_convert_type3A_559 : f32 to vector<16xf32>
        %mul3A_564 = arith.mulf %mul3A_563, %get3A_562 : vector<16xf32>
        %add3A_565 = arith.addf %add3A_546, %mul3A_564 : vector<16xf32>
        %get3A_566 = arith.index_cast %shift_right_arithmetic3A_556 : i32 to index
        %get3A_567 = arith.constant 16 : index
        %get3A_568 = tpu.vector_load %arg6[%get3A_566, %get3A_567] {strides = array<i32>} : memref<3840x32xf32, #tpu.memory_space<vmem>>, vector<16xf32>,
        %mul3A_569 = vector.broadcast %bitcast_convert_type3A_559 : f32 to vector<16xf32>
        %mul3A_570 = arith.mulf %mul3A_569, %get3A_568 : vector<16xf32>
        %add3A_571 = arith.addf %add3A_552, %mul3A_570 : vector<16xf32>
        %slice3A_572 = vector.extract_strided_slice %get3A_155 {offsets = [11], sizes = [1], strides = [1]} : vector<16xi32> to vector<1xi32>
        %squeeze3A_573 = vector.extract %slice3A_572[0] : i32 from vector<1xi32>
        %shift_right_arithmetic3A_574 = arith.constant 16 : i32
        %shift_right_arithmetic3A_575 = arith.shrsi %squeeze3A_573, %shift_right_arithmetic3A_574 : i32
        %shift_left3A_576 = arith.constant 16 : i32
        %shift_left3A_577 = arith.shli %squeeze3A_573, %shift_left3A_576 : i32
        %bitcast_convert_type3A_578 = arith.bitcast %shift_left3A_577 : i32 to f32
        %get3A_579 = arith.index_cast %shift_right_arithmetic3A_575 : i32 to index
        %get3A_580 = arith.constant 0 : index
        %get3A_581 = tpu.vector_load %arg6[%get3A_579, %get3A_580] {strides = array<i32>} : memref<3840x32xf32, #tpu.memory_space<vmem>>, vector<16xf32>,
        %mul3A_582 = vector.broadcast %bitcast_convert_type3A_578 : f32 to vector<16xf32>
        %mul3A_583 = arith.mulf %mul3A_582, %get3A_581 : vector<16xf32>
        %add3A_584 = arith.addf %add3A_565, %mul3A_583 : vector<16xf32>
        %get3A_585 = arith.index_cast %shift_right_arithmetic3A_575 : i32 to index
        %get3A_586 = arith.constant 16 : index
        %get3A_587 = tpu.vector_load %arg6[%get3A_585, %get3A_586] {strides = array<i32>} : memref<3840x32xf32, #tpu.memory_space<vmem>>, vector<16xf32>,
        %mul3A_588 = vector.broadcast %bitcast_convert_type3A_578 : f32 to vector<16xf32>
        %mul3A_589 = arith.mulf %mul3A_588, %get3A_587 : vector<16xf32>
        %add3A_590 = arith.addf %add3A_571, %mul3A_589 : vector<16xf32>
        %slice3A_591 = vector.extract_strided_slice %get3A_158 {offsets = [11], sizes = [1], strides = [1]} : vector<16xi32> to vector<1xi32>
        %squeeze3A_592 = vector.extract %slice3A_591[0] : i32 from vector<1xi32>
        %shift_right_arithmetic3A_593 = arith.constant 16 : i32
        %shift_right_arithmetic3A_594 = arith.shrsi %squeeze3A_592, %shift_right_arithmetic3A_593 : i32
        %shift_left3A_595 = arith.constant 16 : i32
        %shift_left3A_596 = arith.shli %squeeze3A_592, %shift_left3A_595 : i32
        %bitcast_convert_type3A_597 = arith.bitcast %shift_left3A_596 : i32 to f32
        %get3A_598 = arith.index_cast %shift_right_arithmetic3A_594 : i32 to index
        %get3A_599 = arith.constant 0 : index
        %get3A_600 = tpu.vector_load %arg6[%get3A_598, %get3A_599] {strides = array<i32>} : memref<3840x32xf32, #tpu.memory_space<vmem>>, vector<16xf32>,
        %mul3A_601 = vector.broadcast %bitcast_convert_type3A_597 : f32 to vector<16xf32>
        %mul3A_602 = arith.mulf %mul3A_601, %get3A_600 : vector<16xf32>
        %add3A_603 = arith.addf %add3A_584, %mul3A_602 : vector<16xf32>
        %get3A_604 = arith.index_cast %shift_right_arithmetic3A_594 : i32 to index
        %get3A_605 = arith.constant 16 : index
        %get3A_606 = tpu.vector_load %arg6[%get3A_604, %get3A_605] {strides = array<i32>} : memref<3840x32xf32, #tpu.memory_space<vmem>>, vector<16xf32>,
        %mul3A_607 = vector.broadcast %bitcast_convert_type3A_597 : f32 to vector<16xf32>
        %mul3A_608 = arith.mulf %mul3A_607, %get3A_606 : vector<16xf32>
        %add3A_609 = arith.addf %add3A_590, %mul3A_608 : vector<16xf32>
        %slice3A_610 = vector.extract_strided_slice %get3A_155 {offsets = [12], sizes = [1], strides = [1]} : vector<16xi32> to vector<1xi32>
        %squeeze3A_611 = vector.extract %slice3A_610[0] : i32 from vector<1xi32>
        %shift_right_arithmetic3A_612 = arith.constant 16 : i32
        %shift_right_arithmetic3A_613 = arith.shrsi %squeeze3A_611, %shift_right_arithmetic3A_612 : i32
        %shift_left3A_614 = arith.constant 16 : i32
        %shift_left3A_615 = arith.shli %squeeze3A_611, %shift_left3A_614 : i32
        %bitcast_convert_type3A_616 = arith.bitcast %shift_left3A_615 : i32 to f32
        %get3A_617 = arith.index_cast %shift_right_arithmetic3A_613 : i32 to index
        %get3A_618 = arith.constant 0 : index
        %get3A_619 = tpu.vector_load %arg6[%get3A_617, %get3A_618] {strides = array<i32>} : memref<3840x32xf32, #tpu.memory_space<vmem>>, vector<16xf32>,
        %mul3A_620 = vector.broadcast %bitcast_convert_type3A_616 : f32 to vector<16xf32>
        %mul3A_621 = arith.mulf %mul3A_620, %get3A_619 : vector<16xf32>
        %add3A_622 = arith.addf %add3A_603, %mul3A_621 : vector<16xf32>
        %get3A_623 = arith.index_cast %shift_right_arithmetic3A_613 : i32 to index
        %get3A_624 = arith.constant 16 : index
        %get3A_625 = tpu.vector_load %arg6[%get3A_623, %get3A_624] {strides = array<i32>} : memref<3840x32xf32, #tpu.memory_space<vmem>>, vector<16xf32>,
        %mul3A_626 = vector.broadcast %bitcast_convert_type3A_616 : f32 to vector<16xf32>
        %mul3A_627 = arith.mulf %mul3A_626, %get3A_625 : vector<16xf32>
        %add3A_628 = arith.addf %add3A_609, %mul3A_627 : vector<16xf32>
        %slice3A_629 = vector.extract_strided_slice %get3A_158 {offsets = [12], sizes = [1], strides = [1]} : vector<16xi32> to vector<1xi32>
        %squeeze3A_630 = vector.extract %slice3A_629[0] : i32 from vector<1xi32>
        %shift_right_arithmetic3A_631 = arith.constant 16 : i32
        %shift_right_arithmetic3A_632 = arith.shrsi %squeeze3A_630, %shift_right_arithmetic3A_631 : i32
        %shift_left3A_633 = arith.constant 16 : i32
        %shift_left3A_634 = arith.shli %squeeze3A_630, %shift_left3A_633 : i32
        %bitcast_convert_type3A_635 = arith.bitcast %shift_left3A_634 : i32 to f32
        %get3A_636 = arith.index_cast %shift_right_arithmetic3A_632 : i32 to index
        %get3A_637 = arith.constant 0 : index
        %get3A_638 = tpu.vector_load %arg6[%get3A_636, %get3A_637] {strides = array<i32>} : memref<3840x32xf32, #tpu.memory_space<vmem>>, vector<16xf32>,
        %mul3A_639 = vector.broadcast %bitcast_convert_type3A_635 : f32 to vector<16xf32>
        %mul3A_640 = arith.mulf %mul3A_639, %get3A_638 : vector<16xf32>
        %add3A_641 = arith.addf %add3A_622, %mul3A_640 : vector<16xf32>
        %get3A_642 = arith.index_cast %shift_right_arithmetic3A_632 : i32 to index
        %get3A_643 = arith.constant 16 : index
        %get3A_644 = tpu.vector_load %arg6[%get3A_642, %get3A_643] {strides = array<i32>} : memref<3840x32xf32, #tpu.memory_space<vmem>>, vector<16xf32>,
        %mul3A_645 = vector.broadcast %bitcast_convert_type3A_635 : f32 to vector<16xf32>
        %mul3A_646 = arith.mulf %mul3A_645, %get3A_644 : vector<16xf32>
        %add3A_647 = arith.addf %add3A_628, %mul3A_646 : vector<16xf32>
        %slice3A_648 = vector.extract_strided_slice %get3A_155 {offsets = [13], sizes = [1], strides = [1]} : vector<16xi32> to vector<1xi32>
        %squeeze3A_649 = vector.extract %slice3A_648[0] : i32 from vector<1xi32>
        %shift_right_arithmetic3A_650 = arith.constant 16 : i32
        %shift_right_arithmetic3A_651 = arith.shrsi %squeeze3A_649, %shift_right_arithmetic3A_650 : i32
        %shift_left3A_652 = arith.constant 16 : i32
        %shift_left3A_653 = arith.shli %squeeze3A_649, %shift_left3A_652 : i32
        %bitcast_convert_type3A_654 = arith.bitcast %shift_left3A_653 : i32 to f32
        %get3A_655 = arith.index_cast %shift_right_arithmetic3A_651 : i32 to index
        %get3A_656 = arith.constant 0 : index
        %get3A_657 = tpu.vector_load %arg6[%get3A_655, %get3A_656] {strides = array<i32>} : memref<3840x32xf32, #tpu.memory_space<vmem>>, vector<16xf32>,
        %mul3A_658 = vector.broadcast %bitcast_convert_type3A_654 : f32 to vector<16xf32>
        %mul3A_659 = arith.mulf %mul3A_658, %get3A_657 : vector<16xf32>
        %add3A_660 = arith.addf %add3A_641, %mul3A_659 : vector<16xf32>
        %get3A_661 = arith.index_cast %shift_right_arithmetic3A_651 : i32 to index
        %get3A_662 = arith.constant 16 : index
        %get3A_663 = tpu.vector_load %arg6[%get3A_661, %get3A_662] {strides = array<i32>} : memref<3840x32xf32, #tpu.memory_space<vmem>>, vector<16xf32>,
        %mul3A_664 = vector.broadcast %bitcast_convert_type3A_654 : f32 to vector<16xf32>
        %mul3A_665 = arith.mulf %mul3A_664, %get3A_663 : vector<16xf32>
        %add3A_666 = arith.addf %add3A_647, %mul3A_665 : vector<16xf32>
        %slice3A_667 = vector.extract_strided_slice %get3A_158 {offsets = [13], sizes = [1], strides = [1]} : vector<16xi32> to vector<1xi32>
        %squeeze3A_668 = vector.extract %slice3A_667[0] : i32 from vector<1xi32>
        %shift_right_arithmetic3A_669 = arith.constant 16 : i32
        %shift_right_arithmetic3A_670 = arith.shrsi %squeeze3A_668, %shift_right_arithmetic3A_669 : i32
        %shift_left3A_671 = arith.constant 16 : i32
        %shift_left3A_672 = arith.shli %squeeze3A_668, %shift_left3A_671 : i32
        %bitcast_convert_type3A_673 = arith.bitcast %shift_left3A_672 : i32 to f32
        %get3A_674 = arith.index_cast %shift_right_arithmetic3A_670 : i32 to index
        %get3A_675 = arith.constant 0 : index
        %get3A_676 = tpu.vector_load %arg6[%get3A_674, %get3A_675] {strides = array<i32>} : memref<3840x32xf32, #tpu.memory_space<vmem>>, vector<16xf32>,
        %mul3A_677 = vector.broadcast %bitcast_convert_type3A_673 : f32 to vector<16xf32>
        %mul3A_678 = arith.mulf %mul3A_677, %get3A_676 : vector<16xf32>
        %add3A_679 = arith.addf %add3A_660, %mul3A_678 : vector<16xf32>
        %get3A_680 = arith.index_cast %shift_right_arithmetic3A_670 : i32 to index
        %get3A_681 = arith.constant 16 : index
        %get3A_682 = tpu.vector_load %arg6[%get3A_680, %get3A_681] {strides = array<i32>} : memref<3840x32xf32, #tpu.memory_space<vmem>>, vector<16xf32>,
        %mul3A_683 = vector.broadcast %bitcast_convert_type3A_673 : f32 to vector<16xf32>
        %mul3A_684 = arith.mulf %mul3A_683, %get3A_682 : vector<16xf32>
        %add3A_685 = arith.addf %add3A_666, %mul3A_684 : vector<16xf32>
        %slice3A_686 = vector.extract_strided_slice %get3A_155 {offsets = [14], sizes = [1], strides = [1]} : vector<16xi32> to vector<1xi32>
        %squeeze3A_687 = vector.extract %slice3A_686[0] : i32 from vector<1xi32>
        %shift_right_arithmetic3A_688 = arith.constant 16 : i32
        %shift_right_arithmetic3A_689 = arith.shrsi %squeeze3A_687, %shift_right_arithmetic3A_688 : i32
        %shift_left3A_690 = arith.constant 16 : i32
        %shift_left3A_691 = arith.shli %squeeze3A_687, %shift_left3A_690 : i32
        %bitcast_convert_type3A_692 = arith.bitcast %shift_left3A_691 : i32 to f32
        %get3A_693 = arith.index_cast %shift_right_arithmetic3A_689 : i32 to index
        %get3A_694 = arith.constant 0 : index
        %get3A_695 = tpu.vector_load %arg6[%get3A_693, %get3A_694] {strides = array<i32>} : memref<3840x32xf32, #tpu.memory_space<vmem>>, vector<16xf32>,
        %mul3A_696 = vector.broadcast %bitcast_convert_type3A_692 : f32 to vector<16xf32>
        %mul3A_697 = arith.mulf %mul3A_696, %get3A_695 : vector<16xf32>
        %add3A_698 = arith.addf %add3A_679, %mul3A_697 : vector<16xf32>
        %get3A_699 = arith.index_cast %shift_right_arithmetic3A_689 : i32 to index
        %get3A_700 = arith.constant 16 : index
        %get3A_701 = tpu.vector_load %arg6[%get3A_699, %get3A_700] {strides = array<i32>} : memref<3840x32xf32, #tpu.memory_space<vmem>>, vector<16xf32>,
        %mul3A_702 = vector.broadcast %bitcast_convert_type3A_692 : f32 to vector<16xf32>
        %mul3A_703 = arith.mulf %mul3A_702, %get3A_701 : vector<16xf32>
        %add3A_704 = arith.addf %add3A_685, %mul3A_703 : vector<16xf32>
        %slice3A_705 = vector.extract_strided_slice %get3A_158 {offsets = [14], sizes = [1], strides = [1]} : vector<16xi32> to vector<1xi32>
        %squeeze3A_706 = vector.extract %slice3A_705[0] : i32 from vector<1xi32>
        %shift_right_arithmetic3A_707 = arith.constant 16 : i32
        %shift_right_arithmetic3A_708 = arith.shrsi %squeeze3A_706, %shift_right_arithmetic3A_707 : i32
        %shift_left3A_709 = arith.constant 16 : i32
        %shift_left3A_710 = arith.shli %squeeze3A_706, %shift_left3A_709 : i32
        %bitcast_convert_type3A_711 = arith.bitcast %shift_left3A_710 : i32 to f32
        %get3A_712 = arith.index_cast %shift_right_arithmetic3A_708 : i32 to index
        %get3A_713 = arith.constant 0 : index
        %get3A_714 = tpu.vector_load %arg6[%get3A_712, %get3A_713] {strides = array<i32>} : memref<3840x32xf32, #tpu.memory_space<vmem>>, vector<16xf32>,
        %mul3A_715 = vector.broadcast %bitcast_convert_type3A_711 : f32 to vector<16xf32>
        %mul3A_716 = arith.mulf %mul3A_715, %get3A_714 : vector<16xf32>
        %add3A_717 = arith.addf %add3A_698, %mul3A_716 : vector<16xf32>
        %get3A_718 = arith.index_cast %shift_right_arithmetic3A_708 : i32 to index
        %get3A_719 = arith.constant 16 : index
        %get3A_720 = tpu.vector_load %arg6[%get3A_718, %get3A_719] {strides = array<i32>} : memref<3840x32xf32, #tpu.memory_space<vmem>>, vector<16xf32>,
        %mul3A_721 = vector.broadcast %bitcast_convert_type3A_711 : f32 to vector<16xf32>
        %mul3A_722 = arith.mulf %mul3A_721, %get3A_720 : vector<16xf32>
        %add3A_723 = arith.addf %add3A_704, %mul3A_722 : vector<16xf32>
        %slice3A_724 = vector.extract_strided_slice %get3A_155 {offsets = [15], sizes = [1], strides = [1]} : vector<16xi32> to vector<1xi32>
        %squeeze3A_725 = vector.extract %slice3A_724[0] : i32 from vector<1xi32>
        %shift_right_arithmetic3A_726 = arith.constant 16 : i32
        %shift_right_arithmetic3A_727 = arith.shrsi %squeeze3A_725, %shift_right_arithmetic3A_726 : i32
        %shift_left3A_728 = arith.constant 16 : i32
        %shift_left3A_729 = arith.shli %squeeze3A_725, %shift_left3A_728 : i32
        %bitcast_convert_type3A_730 = arith.bitcast %shift_left3A_729 : i32 to f32
        %get3A_731 = arith.index_cast %shift_right_arithmetic3A_727 : i32 to index
        %get3A_732 = arith.constant 0 : index
        %get3A_733 = tpu.vector_load %arg6[%get3A_731, %get3A_732] {strides = array<i32>} : memref<3840x32xf32, #tpu.memory_space<vmem>>, vector<16xf32>,
        %mul3A_734 = vector.broadcast %bitcast_convert_type3A_730 : f32 to vector<16xf32>
        %mul3A_735 = arith.mulf %mul3A_734, %get3A_733 : vector<16xf32>
        %add3A_736 = arith.addf %add3A_717, %mul3A_735 : vector<16xf32>
        %get3A_737 = arith.index_cast %shift_right_arithmetic3A_727 : i32 to index
        %get3A_738 = arith.constant 16 : index
        %get3A_739 = tpu.vector_load %arg6[%get3A_737, %get3A_738] {strides = array<i32>} : memref<3840x32xf32, #tpu.memory_space<vmem>>, vector<16xf32>,
        %mul3A_740 = vector.broadcast %bitcast_convert_type3A_730 : f32 to vector<16xf32>
        %mul3A_741 = arith.mulf %mul3A_740, %get3A_739 : vector<16xf32>
        %add3A_742 = arith.addf %add3A_723, %mul3A_741 : vector<16xf32>
        %slice3A_743 = vector.extract_strided_slice %get3A_158 {offsets = [15], sizes = [1], strides = [1]} : vector<16xi32> to vector<1xi32>
        %squeeze3A_744 = vector.extract %slice3A_743[0] : i32 from vector<1xi32>
        %shift_right_arithmetic3A_745 = arith.constant 16 : i32
        %shift_right_arithmetic3A_746 = arith.shrsi %squeeze3A_744, %shift_right_arithmetic3A_745 : i32
        %shift_left3A_747 = arith.constant 16 : i32
        %shift_left3A_748 = arith.shli %squeeze3A_744, %shift_left3A_747 : i32
        %bitcast_convert_type3A_749 = arith.bitcast %shift_left3A_748 : i32 to f32
        %get3A_750 = arith.index_cast %shift_right_arithmetic3A_746 : i32 to index
        %get3A_751 = arith.constant 0 : index
        %get3A_752 = tpu.vector_load %arg6[%get3A_750, %get3A_751] {strides = array<i32>} : memref<3840x32xf32, #tpu.memory_space<vmem>>, vector<16xf32>,
        %mul3A_753 = vector.broadcast %bitcast_convert_type3A_749 : f32 to vector<16xf32>
        %mul3A_754 = arith.mulf %mul3A_753, %get3A_752 : vector<16xf32>
        %add3A_755 = arith.addf %add3A_736, %mul3A_754 : vector<16xf32>
        %get3A_756 = arith.index_cast %shift_right_arithmetic3A_746 : i32 to index
        %get3A_757 = arith.constant 16 : index
        %get3A_758 = tpu.vector_load %arg6[%get3A_756, %get3A_757] {strides = array<i32>} : memref<3840x32xf32, #tpu.memory_space<vmem>>, vector<16xf32>,
        %mul3A_759 = vector.broadcast %bitcast_convert_type3A_749 : f32 to vector<16xf32>
        %mul3A_760 = arith.mulf %mul3A_759, %get3A_758 : vector<16xf32>
        %add3A_761 = arith.addf %add3A_742, %mul3A_760 : vector<16xf32>
        %swap3A = arith.index_cast %add3A_150 : i32 to index
        %swap3A_762 = arith.constant 0 : index
        %swap3A_763 = tpu.vector_load %arg11[%swap3A, %swap3A_762] {strides = array<i32>} : memref<64x32xf32, #tpu.memory_space<vmem>>, vector<16xf32>,
        tpu.vector_store %arg11[%swap3A, %swap3A_762], %add3A_755 {strides = array<i32>} : memref<64x32xf32, #tpu.memory_space<vmem>>, vector<16xf32>,
        %swap3A_764 = arith.index_cast %add3A_150 : i32 to index
        %swap3A_765 = arith.constant 16 : index
        %swap3A_766 = tpu.vector_load %arg11[%swap3A_764, %swap3A_765] {strides = array<i32>} : memref<64x32xf32, #tpu.memory_space<vmem>>, vector<16xf32>,
        tpu.vector_store %arg11[%swap3A_764, %swap3A_765], %add3A_761 {strides = array<i32>} : memref<64x32xf32, #tpu.memory_space<vmem>>, vector<16xf32>,
        %mul3A_767 = arith.constant 2 : i32
        %mul3A_768 = arith.muli %scan3A_146, %mul3A_767 : i32
        %add3A_769 = arith.constant 1 : i32
        %add3A_770 = arith.addi %mul3A_768, %add3A_769 : i32
        %broadcast_in_dim3A_771 = arith.constant 0.000000e+00 : f32
        %broadcast_in_dim3A_772 = vector.broadcast %broadcast_in_dim3A_771 : f32 to vector<16xf32>
        %broadcast_in_dim3A_773 = arith.constant 0.000000e+00 : f32
        %broadcast_in_dim3A_774 = vector.broadcast %broadcast_in_dim3A_773 : f32 to vector<16xf32>
        %get3A_775 = arith.index_cast %add3A_770 : i32 to index
        %get3A_776 = arith.constant 0 : index
        %get3A_777 = tpu.vector_load %arg9[%get3A_775, %get3A_776] {strides = array<i32>} : memref<64x16xi32, #tpu.memory_space<vmem>>, vector<16xi32>,
        %get3A_778 = arith.index_cast %add3A_770 : i32 to index
        %get3A_779 = arith.constant 0 : index
        %get3A_780 = tpu.vector_load %arg10[%get3A_778, %get3A_779] {strides = array<i32>} : memref<64x16xi32, #tpu.memory_space<vmem>>, vector<16xi32>,
        %slice3A_781 = vector.extract_strided_slice %get3A_777 {offsets = [0], sizes = [1], strides = [1]} : vector<16xi32> to vector<1xi32>
        %squeeze3A_782 = vector.extract %slice3A_781[0] : i32 from vector<1xi32>
        %shift_right_arithmetic3A_783 = arith.constant 16 : i32
        %shift_right_arithmetic3A_784 = arith.shrsi %squeeze3A_782, %shift_right_arithmetic3A_783 : i32
        %shift_left3A_785 = arith.constant 16 : i32
        %shift_left3A_786 = arith.shli %squeeze3A_782, %shift_left3A_785 : i32
        %bitcast_convert_type3A_787 = arith.bitcast %shift_left3A_786 : i32 to f32
        %get3A_788 = arith.index_cast %shift_right_arithmetic3A_784 : i32 to index
        %get3A_789 = arith.constant 0 : index
        %get3A_790 = tpu.vector_load %arg6[%get3A_788, %get3A_789] {strides = array<i32>} : memref<3840x32xf32, #tpu.memory_space<vmem>>, vector<16xf32>,
        %mul3A_791 = vector.broadcast %bitcast_convert_type3A_787 : f32 to vector<16xf32>
        %mul3A_792 = arith.mulf %mul3A_791, %get3A_790 : vector<16xf32>
        %add3A_793 = arith.addf %broadcast_in_dim3A_772, %mul3A_792 : vector<16xf32>
        %get3A_794 = arith.index_cast %shift_right_arithmetic3A_784 : i32 to index
        %get3A_795 = arith.constant 16 : index
        %get3A_796 = tpu.vector_load %arg6[%get3A_794, %get3A_795] {strides = array<i32>} : memref<3840x32xf32, #tpu.memory_space<vmem>>, vector<16xf32>,
        %mul3A_797 = vector.broadcast %bitcast_convert_type3A_787 : f32 to vector<16xf32>
        %mul3A_798 = arith.mulf %mul3A_797, %get3A_796 : vector<16xf32>
        %add3A_799 = arith.addf %broadcast_in_dim3A_774, %mul3A_798 : vector<16xf32>
        %slice3A_800 = vector.extract_strided_slice %get3A_780 {offsets = [0], sizes = [1], strides = [1]} : vector<16xi32> to vector<1xi32>
        %squeeze3A_801 = vector.extract %slice3A_800[0] : i32 from vector<1xi32>
        %shift_right_arithmetic3A_802 = arith.constant 16 : i32
        %shift_right_arithmetic3A_803 = arith.shrsi %squeeze3A_801, %shift_right_arithmetic3A_802 : i32
        %shift_left3A_804 = arith.constant 16 : i32
        %shift_left3A_805 = arith.shli %squeeze3A_801, %shift_left3A_804 : i32
        %bitcast_convert_type3A_806 = arith.bitcast %shift_left3A_805 : i32 to f32
        %get3A_807 = arith.index_cast %shift_right_arithmetic3A_803 : i32 to index
        %get3A_808 = arith.constant 0 : index
        %get3A_809 = tpu.vector_load %arg6[%get3A_807, %get3A_808] {strides = array<i32>} : memref<3840x32xf32, #tpu.memory_space<vmem>>, vector<16xf32>,
        %mul3A_810 = vector.broadcast %bitcast_convert_type3A_806 : f32 to vector<16xf32>
        %mul3A_811 = arith.mulf %mul3A_810, %get3A_809 : vector<16xf32>
        %add3A_812 = arith.addf %add3A_793, %mul3A_811 : vector<16xf32>
        %get3A_813 = arith.index_cast %shift_right_arithmetic3A_803 : i32 to index
        %get3A_814 = arith.constant 16 : index
        %get3A_815 = tpu.vector_load %arg6[%get3A_813, %get3A_814] {strides = array<i32>} : memref<3840x32xf32, #tpu.memory_space<vmem>>, vector<16xf32>,
        %mul3A_816 = vector.broadcast %bitcast_convert_type3A_806 : f32 to vector<16xf32>
        %mul3A_817 = arith.mulf %mul3A_816, %get3A_815 : vector<16xf32>
        %add3A_818 = arith.addf %add3A_799, %mul3A_817 : vector<16xf32>
        %slice3A_819 = vector.extract_strided_slice %get3A_777 {offsets = [1], sizes = [1], strides = [1]} : vector<16xi32> to vector<1xi32>
        %squeeze3A_820 = vector.extract %slice3A_819[0] : i32 from vector<1xi32>
        %shift_right_arithmetic3A_821 = arith.constant 16 : i32
        %shift_right_arithmetic3A_822 = arith.shrsi %squeeze3A_820, %shift_right_arithmetic3A_821 : i32
        %shift_left3A_823 = arith.constant 16 : i32
        %shift_left3A_824 = arith.shli %squeeze3A_820, %shift_left3A_823 : i32
        %bitcast_convert_type3A_825 = arith.bitcast %shift_left3A_824 : i32 to f32
        %get3A_826 = arith.index_cast %shift_right_arithmetic3A_822 : i32 to index
        %get3A_827 = arith.constant 0 : index
        %get3A_828 = tpu.vector_load %arg6[%get3A_826, %get3A_827] {strides = array<i32>} : memref<3840x32xf32, #tpu.memory_space<vmem>>, vector<16xf32>,
        %mul3A_829 = vector.broadcast %bitcast_convert_type3A_825 : f32 to vector<16xf32>
        %mul3A_830 = arith.mulf %mul3A_829, %get3A_828 : vector<16xf32>
        %add3A_831 = arith.addf %add3A_812, %mul3A_830 : vector<16xf32>
        %get3A_832 = arith.index_cast %shift_right_arithmetic3A_822 : i32 to index
        %get3A_833 = arith.constant 16 : index
        %get3A_834 = tpu.vector_load %arg6[%get3A_832, %get3A_833] {strides = array<i32>} : memref<3840x32xf32, #tpu.memory_space<vmem>>, vector<16xf32>,
        %mul3A_835 = vector.broadcast %bitcast_convert_type3A_825 : f32 to vector<16xf32>
        %mul3A_836 = arith.mulf %mul3A_835, %get3A_834 : vector<16xf32>
        %add3A_837 = arith.addf %add3A_818, %mul3A_836 : vector<16xf32>
        %slice3A_838 = vector.extract_strided_slice %get3A_780 {offsets = [1], sizes = [1], strides = [1]} : vector<16xi32> to vector<1xi32>
        %squeeze3A_839 = vector.extract %slice3A_838[0] : i32 from vector<1xi32>
        %shift_right_arithmetic3A_840 = arith.constant 16 : i32
        %shift_right_arithmetic3A_841 = arith.shrsi %squeeze3A_839, %shift_right_arithmetic3A_840 : i32
        %shift_left3A_842 = arith.constant 16 : i32
        %shift_left3A_843 = arith.shli %squeeze3A_839, %shift_left3A_842 : i32
        %bitcast_convert_type3A_844 = arith.bitcast %shift_left3A_843 : i32 to f32
        %get3A_845 = arith.index_cast %shift_right_arithmetic3A_841 : i32 to index
        %get3A_846 = arith.constant 0 : index
        %get3A_847 = tpu.vector_load %arg6[%get3A_845, %get3A_846] {strides = array<i32>} : memref<3840x32xf32, #tpu.memory_space<vmem>>, vector<16xf32>,
        %mul3A_848 = vector.broadcast %bitcast_convert_type3A_844 : f32 to vector<16xf32>
        %mul3A_849 = arith.mulf %mul3A_848, %get3A_847 : vector<16xf32>
        %add3A_850 = arith.addf %add3A_831, %mul3A_849 : vector<16xf32>
        %get3A_851 = arith.index_cast %shift_right_arithmetic3A_841 : i32 to index
        %get3A_852 = arith.constant 16 : index
        %get3A_853 = tpu.vector_load %arg6[%get3A_851, %get3A_852] {strides = array<i32>} : memref<3840x32xf32, #tpu.memory_space<vmem>>, vector<16xf32>,
        %mul3A_854 = vector.broadcast %bitcast_convert_type3A_844 : f32 to vector<16xf32>
        %mul3A_855 = arith.mulf %mul3A_854, %get3A_853 : vector<16xf32>
        %add3A_856 = arith.addf %add3A_837, %mul3A_855 : vector<16xf32>
        %slice3A_857 = vector.extract_strided_slice %get3A_777 {offsets = [2], sizes = [1], strides = [1]} : vector<16xi32> to vector<1xi32>
        %squeeze3A_858 = vector.extract %slice3A_857[0] : i32 from vector<1xi32>
        %shift_right_arithmetic3A_859 = arith.constant 16 : i32
        %shift_right_arithmetic3A_860 = arith.shrsi %squeeze3A_858, %shift_right_arithmetic3A_859 : i32
        %shift_left3A_861 = arith.constant 16 : i32
        %shift_left3A_862 = arith.shli %squeeze3A_858, %shift_left3A_861 : i32
        %bitcast_convert_type3A_863 = arith.bitcast %shift_left3A_862 : i32 to f32
        %get3A_864 = arith.index_cast %shift_right_arithmetic3A_860 : i32 to index
        %get3A_865 = arith.constant 0 : index
        %get3A_866 = tpu.vector_load %arg6[%get3A_864, %get3A_865] {strides = array<i32>} : memref<3840x32xf32, #tpu.memory_space<vmem>>, vector<16xf32>,
        %mul3A_867 = vector.broadcast %bitcast_convert_type3A_863 : f32 to vector<16xf32>
        %mul3A_868 = arith.mulf %mul3A_867, %get3A_866 : vector<16xf32>
        %add3A_869 = arith.addf %add3A_850, %mul3A_868 : vector<16xf32>
        %get3A_870 = arith.index_cast %shift_right_arithmetic3A_860 : i32 to index
        %get3A_871 = arith.constant 16 : index
        %get3A_872 = tpu.vector_load %arg6[%get3A_870, %get3A_871] {strides = array<i32>} : memref<3840x32xf32, #tpu.memory_space<vmem>>, vector<16xf32>,
        %mul3A_873 = vector.broadcast %bitcast_convert_type3A_863 : f32 to vector<16xf32>
        %mul3A_874 = arith.mulf %mul3A_873, %get3A_872 : vector<16xf32>
        %add3A_875 = arith.addf %add3A_856, %mul3A_874 : vector<16xf32>
        %slice3A_876 = vector.extract_strided_slice %get3A_780 {offsets = [2], sizes = [1], strides = [1]} : vector<16xi32> to vector<1xi32>
        %squeeze3A_877 = vector.extract %slice3A_876[0] : i32 from vector<1xi32>
        %shift_right_arithmetic3A_878 = arith.constant 16 : i32
        %shift_right_arithmetic3A_879 = arith.shrsi %squeeze3A_877, %shift_right_arithmetic3A_878 : i32
        %shift_left3A_880 = arith.constant 16 : i32
        %shift_left3A_881 = arith.shli %squeeze3A_877, %shift_left3A_880 : i32
        %bitcast_convert_type3A_882 = arith.bitcast %shift_left3A_881 : i32 to f32
        %get3A_883 = arith.index_cast %shift_right_arithmetic3A_879 : i32 to index
        %get3A_884 = arith.constant 0 : index
        %get3A_885 = tpu.vector_load %arg6[%get3A_883, %get3A_884] {strides = array<i32>} : memref<3840x32xf32, #tpu.memory_space<vmem>>, vector<16xf32>,
        %mul3A_886 = vector.broadcast %bitcast_convert_type3A_882 : f32 to vector<16xf32>
        %mul3A_887 = arith.mulf %mul3A_886, %get3A_885 : vector<16xf32>
        %add3A_888 = arith.addf %add3A_869, %mul3A_887 : vector<16xf32>
        %get3A_889 = arith.index_cast %shift_right_arithmetic3A_879 : i32 to index
        %get3A_890 = arith.constant 16 : index
        %get3A_891 = tpu.vector_load %arg6[%get3A_889, %get3A_890] {strides = array<i32>} : memref<3840x32xf32, #tpu.memory_space<vmem>>, vector<16xf32>,
        %mul3A_892 = vector.broadcast %bitcast_convert_type3A_882 : f32 to vector<16xf32>
        %mul3A_893 = arith.mulf %mul3A_892, %get3A_891 : vector<16xf32>
        %add3A_894 = arith.addf %add3A_875, %mul3A_893 : vector<16xf32>
        %slice3A_895 = vector.extract_strided_slice %get3A_777 {offsets = [3], sizes = [1], strides = [1]} : vector<16xi32> to vector<1xi32>
        %squeeze3A_896 = vector.extract %slice3A_895[0] : i32 from vector<1xi32>
        %shift_right_arithmetic3A_897 = arith.constant 16 : i32
        %shift_right_arithmetic3A_898 = arith.shrsi %squeeze3A_896, %shift_right_arithmetic3A_897 : i32
        %shift_left3A_899 = arith.constant 16 : i32
        %shift_left3A_900 = arith.shli %squeeze3A_896, %shift_left3A_899 : i32
        %bitcast_convert_type3A_901 = arith.bitcast %shift_left3A_900 : i32 to f32
        %get3A_902 = arith.index_cast %shift_right_arithmetic3A_898 : i32 to index
        %get3A_903 = arith.constant 0 : index
        %get3A_904 = tpu.vector_load %arg6[%get3A_902, %get3A_903] {strides = array<i32>} : memref<3840x32xf32, #tpu.memory_space<vmem>>, vector<16xf32>,
        %mul3A_905 = vector.broadcast %bitcast_convert_type3A_901 : f32 to vector<16xf32>
        %mul3A_906 = arith.mulf %mul3A_905, %get3A_904 : vector<16xf32>
        %add3A_907 = arith.addf %add3A_888, %mul3A_906 : vector<16xf32>
        %get3A_908 = arith.index_cast %shift_right_arithmetic3A_898 : i32 to index
        %get3A_909 = arith.constant 16 : index
        %get3A_910 = tpu.vector_load %arg6[%get3A_908, %get3A_909] {strides = array<i32>} : memref<3840x32xf32, #tpu.memory_space<vmem>>, vector<16xf32>,
        %mul3A_911 = vector.broadcast %bitcast_convert_type3A_901 : f32 to vector<16xf32>
        %mul3A_912 = arith.mulf %mul3A_911, %get3A_910 : vector<16xf32>
        %add3A_913 = arith.addf %add3A_894, %mul3A_912 : vector<16xf32>
        %slice3A_914 = vector.extract_strided_slice %get3A_780 {offsets = [3], sizes = [1], strides = [1]} : vector<16xi32> to vector<1xi32>
        %squeeze3A_915 = vector.extract %slice3A_914[0] : i32 from vector<1xi32>
        %shift_right_arithmetic3A_916 = arith.constant 16 : i32
        %shift_right_arithmetic3A_917 = arith.shrsi %squeeze3A_915, %shift_right_arithmetic3A_916 : i32
        %shift_left3A_918 = arith.constant 16 : i32
        %shift_left3A_919 = arith.shli %squeeze3A_915, %shift_left3A_918 : i32
        %bitcast_convert_type3A_920 = arith.bitcast %shift_left3A_919 : i32 to f32
        %get3A_921 = arith.index_cast %shift_right_arithmetic3A_917 : i32 to index
        %get3A_922 = arith.constant 0 : index
        %get3A_923 = tpu.vector_load %arg6[%get3A_921, %get3A_922] {strides = array<i32>} : memref<3840x32xf32, #tpu.memory_space<vmem>>, vector<16xf32>,
        %mul3A_924 = vector.broadcast %bitcast_convert_type3A_920 : f32 to vector<16xf32>
        %mul3A_925 = arith.mulf %mul3A_924, %get3A_923 : vector<16xf32>
        %add3A_926 = arith.addf %add3A_907, %mul3A_925 : vector<16xf32>
        %get3A_927 = arith.index_cast %shift_right_arithmetic3A_917 : i32 to index
        %get3A_928 = arith.constant 16 : index
        %get3A_929 = tpu.vector_load %arg6[%get3A_927, %get3A_928] {strides = array<i32>} : memref<3840x32xf32, #tpu.memory_space<vmem>>, vector<16xf32>,
        %mul3A_930 = vector.broadcast %bitcast_convert_type3A_920 : f32 to vector<16xf32>
        %mul3A_931 = arith.mulf %mul3A_930, %get3A_929 : vector<16xf32>
        %add3A_932 = arith.addf %add3A_913, %mul3A_931 : vector<16xf32>
        %slice3A_933 = vector.extract_strided_slice %get3A_777 {offsets = [4], sizes = [1], strides = [1]} : vector<16xi32> to vector<1xi32>
        %squeeze3A_934 = vector.extract %slice3A_933[0] : i32 from vector<1xi32>
        %shift_right_arithmetic3A_935 = arith.constant 16 : i32
        %shift_right_arithmetic3A_936 = arith.shrsi %squeeze3A_934, %shift_right_arithmetic3A_935 : i32
        %shift_left3A_937 = arith.constant 16 : i32
        %shift_left3A_938 = arith.shli %squeeze3A_934, %shift_left3A_937 : i32
        %bitcast_convert_type3A_939 = arith.bitcast %shift_left3A_938 : i32 to f32
        %get3A_940 = arith.index_cast %shift_right_arithmetic3A_936 : i32 to index
        %get3A_941 = arith.constant 0 : index
        %get3A_942 = tpu.vector_load %arg6[%get3A_940, %get3A_941] {strides = array<i32>} : memref<3840x32xf32, #tpu.memory_space<vmem>>, vector<16xf32>,
        %mul3A_943 = vector.broadcast %bitcast_convert_type3A_939 : f32 to vector<16xf32>
        %mul3A_944 = arith.mulf %mul3A_943, %get3A_942 : vector<16xf32>
        %add3A_945 = arith.addf %add3A_926, %mul3A_944 : vector<16xf32>
        %get3A_946 = arith.index_cast %shift_right_arithmetic3A_936 : i32 to index
        %get3A_947 = arith.constant 16 : index
        %get3A_948 = tpu.vector_load %arg6[%get3A_946, %get3A_947] {strides = array<i32>} : memref<3840x32xf32, #tpu.memory_space<vmem>>, vector<16xf32>,
        %mul3A_949 = vector.broadcast %bitcast_convert_type3A_939 : f32 to vector<16xf32>
        %mul3A_950 = arith.mulf %mul3A_949, %get3A_948 : vector<16xf32>
        %add3A_951 = arith.addf %add3A_932, %mul3A_950 : vector<16xf32>
        %slice3A_952 = vector.extract_strided_slice %get3A_780 {offsets = [4], sizes = [1], strides = [1]} : vector<16xi32> to vector<1xi32>
        %squeeze3A_953 = vector.extract %slice3A_952[0] : i32 from vector<1xi32>
        %shift_right_arithmetic3A_954 = arith.constant 16 : i32
        %shift_right_arithmetic3A_955 = arith.shrsi %squeeze3A_953, %shift_right_arithmetic3A_954 : i32
        %shift_left3A_956 = arith.constant 16 : i32
        %shift_left3A_957 = arith.shli %squeeze3A_953, %shift_left3A_956 : i32
        %bitcast_convert_type3A_958 = arith.bitcast %shift_left3A_957 : i32 to f32
        %get3A_959 = arith.index_cast %shift_right_arithmetic3A_955 : i32 to index
        %get3A_960 = arith.constant 0 : index
        %get3A_961 = tpu.vector_load %arg6[%get3A_959, %get3A_960] {strides = array<i32>} : memref<3840x32xf32, #tpu.memory_space<vmem>>, vector<16xf32>,
        %mul3A_962 = vector.broadcast %bitcast_convert_type3A_958 : f32 to vector<16xf32>
        %mul3A_963 = arith.mulf %mul3A_962, %get3A_961 : vector<16xf32>
        %add3A_964 = arith.addf %add3A_945, %mul3A_963 : vector<16xf32>
        %get3A_965 = arith.index_cast %shift_right_arithmetic3A_955 : i32 to index
        %get3A_966 = arith.constant 16 : index
        %get3A_967 = tpu.vector_load %arg6[%get3A_965, %get3A_966] {strides = array<i32>} : memref<3840x32xf32, #tpu.memory_space<vmem>>, vector<16xf32>,
        %mul3A_968 = vector.broadcast %bitcast_convert_type3A_958 : f32 to vector<16xf32>
        %mul3A_969 = arith.mulf %mul3A_968, %get3A_967 : vector<16xf32>
        %add3A_970 = arith.addf %add3A_951, %mul3A_969 : vector<16xf32>
        %slice3A_971 = vector.extract_strided_slice %get3A_777 {offsets = [5], sizes = [1], strides = [1]} : vector<16xi32> to vector<1xi32>
        %squeeze3A_972 = vector.extract %slice3A_971[0] : i32 from vector<1xi32>
        %shift_right_arithmetic3A_973 = arith.constant 16 : i32
        %shift_right_arithmetic3A_974 = arith.shrsi %squeeze3A_972, %shift_right_arithmetic3A_973 : i32
        %shift_left3A_975 = arith.constant 16 : i32
        %shift_left3A_976 = arith.shli %squeeze3A_972, %shift_left3A_975 : i32
        %bitcast_convert_type3A_977 = arith.bitcast %shift_left3A_976 : i32 to f32
        %get3A_978 = arith.index_cast %shift_right_arithmetic3A_974 : i32 to index
        %get3A_979 = arith.constant 0 : index
        %get3A_980 = tpu.vector_load %arg6[%get3A_978, %get3A_979] {strides = array<i32>} : memref<3840x32xf32, #tpu.memory_space<vmem>>, vector<16xf32>,
        %mul3A_981 = vector.broadcast %bitcast_convert_type3A_977 : f32 to vector<16xf32>
        %mul3A_982 = arith.mulf %mul3A_981, %get3A_980 : vector<16xf32>
        %add3A_983 = arith.addf %add3A_964, %mul3A_982 : vector<16xf32>
        %get3A_984 = arith.index_cast %shift_right_arithmetic3A_974 : i32 to index
        %get3A_985 = arith.constant 16 : index
        %get3A_986 = tpu.vector_load %arg6[%get3A_984, %get3A_985] {strides = array<i32>} : memref<3840x32xf32, #tpu.memory_space<vmem>>, vector<16xf32>,
        %mul3A_987 = vector.broadcast %bitcast_convert_type3A_977 : f32 to vector<16xf32>
        %mul3A_988 = arith.mulf %mul3A_987, %get3A_986 : vector<16xf32>
        %add3A_989 = arith.addf %add3A_970, %mul3A_988 : vector<16xf32>
        %slice3A_990 = vector.extract_strided_slice %get3A_780 {offsets = [5], sizes = [1], strides = [1]} : vector<16xi32> to vector<1xi32>
        %squeeze3A_991 = vector.extract %slice3A_990[0] : i32 from vector<1xi32>
        %shift_right_arithmetic3A_992 = arith.constant 16 : i32
        %shift_right_arithmetic3A_993 = arith.shrsi %squeeze3A_991, %shift_right_arithmetic3A_992 : i32
        %shift_left3A_994 = arith.constant 16 : i32
        %shift_left3A_995 = arith.shli %squeeze3A_991, %shift_left3A_994 : i32
        %bitcast_convert_type3A_996 = arith.bitcast %shift_left3A_995 : i32 to f32
        %get3A_997 = arith.index_cast %shift_right_arithmetic3A_993 : i32 to index
        %get3A_998 = arith.constant 0 : index
        %get3A_999 = tpu.vector_load %arg6[%get3A_997, %get3A_998] {strides = array<i32>} : memref<3840x32xf32, #tpu.memory_space<vmem>>, vector<16xf32>,
        %mul3A_1000 = vector.broadcast %bitcast_convert_type3A_996 : f32 to vector<16xf32>
        %mul3A_1001 = arith.mulf %mul3A_1000, %get3A_999 : vector<16xf32>
        %add3A_1002 = arith.addf %add3A_983, %mul3A_1001 : vector<16xf32>
        %get3A_1003 = arith.index_cast %shift_right_arithmetic3A_993 : i32 to index
        %get3A_1004 = arith.constant 16 : index
        %get3A_1005 = tpu.vector_load %arg6[%get3A_1003, %get3A_1004] {strides = array<i32>} : memref<3840x32xf32, #tpu.memory_space<vmem>>, vector<16xf32>,
        %mul3A_1006 = vector.broadcast %bitcast_convert_type3A_996 : f32 to vector<16xf32>
        %mul3A_1007 = arith.mulf %mul3A_1006, %get3A_1005 : vector<16xf32>
        %add3A_1008 = arith.addf %add3A_989, %mul3A_1007 : vector<16xf32>
        %slice3A_1009 = vector.extract_strided_slice %get3A_777 {offsets = [6], sizes = [1], strides = [1]} : vector<16xi32> to vector<1xi32>
        %squeeze3A_1010 = vector.extract %slice3A_1009[0] : i32 from vector<1xi32>
        %shift_right_arithmetic3A_1011 = arith.constant 16 : i32
        %shift_right_arithmetic3A_1012 = arith.shrsi %squeeze3A_1010, %shift_right_arithmetic3A_1011 : i32
        %shift_left3A_1013 = arith.constant 16 : i32
        %shift_left3A_1014 = arith.shli %squeeze3A_1010, %shift_left3A_1013 : i32
        %bitcast_convert_type3A_1015 = arith.bitcast %shift_left3A_1014 : i32 to f32
        %get3A_1016 = arith.index_cast %shift_right_arithmetic3A_1012 : i32 to index
        %get3A_1017 = arith.constant 0 : index
        %get3A_1018 = tpu.vector_load %arg6[%get3A_1016, %get3A_1017] {strides = array<i32>} : memref<3840x32xf32, #tpu.memory_space<vmem>>, vector<16xf32>,
        %mul3A_1019 = vector.broadcast %bitcast_convert_type3A_1015 : f32 to vector<16xf32>
        %mul3A_1020 = arith.mulf %mul3A_1019, %get3A_1018 : vector<16xf32>
        %add3A_1021 = arith.addf %add3A_1002, %mul3A_1020 : vector<16xf32>
        %get3A_1022 = arith.index_cast %shift_right_arithmetic3A_1012 : i32 to index
        %get3A_1023 = arith.constant 16 : index
        %get3A_1024 = tpu.vector_load %arg6[%get3A_1022, %get3A_1023] {strides = array<i32>} : memref<3840x32xf32, #tpu.memory_space<vmem>>, vector<16xf32>,
        %mul3A_1025 = vector.broadcast %bitcast_convert_type3A_1015 : f32 to vector<16xf32>
        %mul3A_1026 = arith.mulf %mul3A_1025, %get3A_1024 : vector<16xf32>
        %add3A_1027 = arith.addf %add3A_1008, %mul3A_1026 : vector<16xf32>
        %slice3A_1028 = vector.extract_strided_slice %get3A_780 {offsets = [6], sizes = [1], strides = [1]} : vector<16xi32> to vector<1xi32>
        %squeeze3A_1029 = vector.extract %slice3A_1028[0] : i32 from vector<1xi32>
        %shift_right_arithmetic3A_1030 = arith.constant 16 : i32
        %shift_right_arithmetic3A_1031 = arith.shrsi %squeeze3A_1029, %shift_right_arithmetic3A_1030 : i32
        %shift_left3A_1032 = arith.constant 16 : i32
        %shift_left3A_1033 = arith.shli %squeeze3A_1029, %shift_left3A_1032 : i32
        %bitcast_convert_type3A_1034 = arith.bitcast %shift_left3A_1033 : i32 to f32
        %get3A_1035 = arith.index_cast %shift_right_arithmetic3A_1031 : i32 to index
        %get3A_1036 = arith.constant 0 : index
        %get3A_1037 = tpu.vector_load %arg6[%get3A_1035, %get3A_1036] {strides = array<i32>} : memref<3840x32xf32, #tpu.memory_space<vmem>>, vector<16xf32>,
        %mul3A_1038 = vector.broadcast %bitcast_convert_type3A_1034 : f32 to vector<16xf32>
        %mul3A_1039 = arith.mulf %mul3A_1038, %get3A_1037 : vector<16xf32>
        %add3A_1040 = arith.addf %add3A_1021, %mul3A_1039 : vector<16xf32>
        %get3A_1041 = arith.index_cast %shift_right_arithmetic3A_1031 : i32 to index
        %get3A_1042 = arith.constant 16 : index
        %get3A_1043 = tpu.vector_load %arg6[%get3A_1041, %get3A_1042] {strides = array<i32>} : memref<3840x32xf32, #tpu.memory_space<vmem>>, vector<16xf32>,
        %mul3A_1044 = vector.broadcast %bitcast_convert_type3A_1034 : f32 to vector<16xf32>
        %mul3A_1045 = arith.mulf %mul3A_1044, %get3A_1043 : vector<16xf32>
        %add3A_1046 = arith.addf %add3A_1027, %mul3A_1045 : vector<16xf32>
        %slice3A_1047 = vector.extract_strided_slice %get3A_777 {offsets = [7], sizes = [1], strides = [1]} : vector<16xi32> to vector<1xi32>
        %squeeze3A_1048 = vector.extract %slice3A_1047[0] : i32 from vector<1xi32>
        %shift_right_arithmetic3A_1049 = arith.constant 16 : i32
        %shift_right_arithmetic3A_1050 = arith.shrsi %squeeze3A_1048, %shift_right_arithmetic3A_1049 : i32
        %shift_left3A_1051 = arith.constant 16 : i32
        %shift_left3A_1052 = arith.shli %squeeze3A_1048, %shift_left3A_1051 : i32
        %bitcast_convert_type3A_1053 = arith.bitcast %shift_left3A_1052 : i32 to f32
        %get3A_1054 = arith.index_cast %shift_right_arithmetic3A_1050 : i32 to index
        %get3A_1055 = arith.constant 0 : index
        %get3A_1056 = tpu.vector_load %arg6[%get3A_1054, %get3A_1055] {strides = array<i32>} : memref<3840x32xf32, #tpu.memory_space<vmem>>, vector<16xf32>,
        %mul3A_1057 = vector.broadcast %bitcast_convert_type3A_1053 : f32 to vector<16xf32>
        %mul3A_1058 = arith.mulf %mul3A_1057, %get3A_1056 : vector<16xf32>
        %add3A_1059 = arith.addf %add3A_1040, %mul3A_1058 : vector<16xf32>
        %get3A_1060 = arith.index_cast %shift_right_arithmetic3A_1050 : i32 to index
        %get3A_1061 = arith.constant 16 : index
        %get3A_1062 = tpu.vector_load %arg6[%get3A_1060, %get3A_1061] {strides = array<i32>} : memref<3840x32xf32, #tpu.memory_space<vmem>>, vector<16xf32>,
        %mul3A_1063 = vector.broadcast %bitcast_convert_type3A_1053 : f32 to vector<16xf32>
        %mul3A_1064 = arith.mulf %mul3A_1063, %get3A_1062 : vector<16xf32>
        %add3A_1065 = arith.addf %add3A_1046, %mul3A_1064 : vector<16xf32>
        %slice3A_1066 = vector.extract_strided_slice %get3A_780 {offsets = [7], sizes = [1], strides = [1]} : vector<16xi32> to vector<1xi32>
        %squeeze3A_1067 = vector.extract %slice3A_1066[0] : i32 from vector<1xi32>
        %shift_right_arithmetic3A_1068 = arith.constant 16 : i32
        %shift_right_arithmetic3A_1069 = arith.shrsi %squeeze3A_1067, %shift_right_arithmetic3A_1068 : i32
        %shift_left3A_1070 = arith.constant 16 : i32
        %shift_left3A_1071 = arith.shli %squeeze3A_1067, %shift_left3A_1070 : i32
        %bitcast_convert_type3A_1072 = arith.bitcast %shift_left3A_1071 : i32 to f32
        %get3A_1073 = arith.index_cast %shift_right_arithmetic3A_1069 : i32 to index
        %get3A_1074 = arith.constant 0 : index
        %get3A_1075 = tpu.vector_load %arg6[%get3A_1073, %get3A_1074] {strides = array<i32>} : memref<3840x32xf32, #tpu.memory_space<vmem>>, vector<16xf32>,
        %mul3A_1076 = vector.broadcast %bitcast_convert_type3A_1072 : f32 to vector<16xf32>
        %mul3A_1077 = arith.mulf %mul3A_1076, %get3A_1075 : vector<16xf32>
        %add3A_1078 = arith.addf %add3A_1059, %mul3A_1077 : vector<16xf32>
        %get3A_1079 = arith.index_cast %shift_right_arithmetic3A_1069 : i32 to index
        %get3A_1080 = arith.constant 16 : index
        %get3A_1081 = tpu.vector_load %arg6[%get3A_1079, %get3A_1080] {strides = array<i32>} : memref<3840x32xf32, #tpu.memory_space<vmem>>, vector<16xf32>,
        %mul3A_1082 = vector.broadcast %bitcast_convert_type3A_1072 : f32 to vector<16xf32>
        %mul3A_1083 = arith.mulf %mul3A_1082, %get3A_1081 : vector<16xf32>
        %add3A_1084 = arith.addf %add3A_1065, %mul3A_1083 : vector<16xf32>
        %slice3A_1085 = vector.extract_strided_slice %get3A_777 {offsets = [8], sizes = [1], strides = [1]} : vector<16xi32> to vector<1xi32>
        %squeeze3A_1086 = vector.extract %slice3A_1085[0] : i32 from vector<1xi32>
        %shift_right_arithmetic3A_1087 = arith.constant 16 : i32
        %shift_right_arithmetic3A_1088 = arith.shrsi %squeeze3A_1086, %shift_right_arithmetic3A_1087 : i32
        %shift_left3A_1089 = arith.constant 16 : i32
        %shift_left3A_1090 = arith.shli %squeeze3A_1086, %shift_left3A_1089 : i32
        %bitcast_convert_type3A_1091 = arith.bitcast %shift_left3A_1090 : i32 to f32
        %get3A_1092 = arith.index_cast %shift_right_arithmetic3A_1088 : i32 to index
        %get3A_1093 = arith.constant 0 : index
        %get3A_1094 = tpu.vector_load %arg6[%get3A_1092, %get3A_1093] {strides = array<i32>} : memref<3840x32xf32, #tpu.memory_space<vmem>>, vector<16xf32>,
        %mul3A_1095 = vector.broadcast %bitcast_convert_type3A_1091 : f32 to vector<16xf32>
        %mul3A_1096 = arith.mulf %mul3A_1095, %get3A_1094 : vector<16xf32>
        %add3A_1097 = arith.addf %add3A_1078, %mul3A_1096 : vector<16xf32>
        %get3A_1098 = arith.index_cast %shift_right_arithmetic3A_1088 : i32 to index
        %get3A_1099 = arith.constant 16 : index
        %get3A_1100 = tpu.vector_load %arg6[%get3A_1098, %get3A_1099] {strides = array<i32>} : memref<3840x32xf32, #tpu.memory_space<vmem>>, vector<16xf32>,
        %mul3A_1101 = vector.broadcast %bitcast_convert_type3A_1091 : f32 to vector<16xf32>
        %mul3A_1102 = arith.mulf %mul3A_1101, %get3A_1100 : vector<16xf32>
        %add3A_1103 = arith.addf %add3A_1084, %mul3A_1102 : vector<16xf32>
        %slice3A_1104 = vector.extract_strided_slice %get3A_780 {offsets = [8], sizes = [1], strides = [1]} : vector<16xi32> to vector<1xi32>
        %squeeze3A_1105 = vector.extract %slice3A_1104[0] : i32 from vector<1xi32>
        %shift_right_arithmetic3A_1106 = arith.constant 16 : i32
        %shift_right_arithmetic3A_1107 = arith.shrsi %squeeze3A_1105, %shift_right_arithmetic3A_1106 : i32
        %shift_left3A_1108 = arith.constant 16 : i32
        %shift_left3A_1109 = arith.shli %squeeze3A_1105, %shift_left3A_1108 : i32
        %bitcast_convert_type3A_1110 = arith.bitcast %shift_left3A_1109 : i32 to f32
        %get3A_1111 = arith.index_cast %shift_right_arithmetic3A_1107 : i32 to index
        %get3A_1112 = arith.constant 0 : index
        %get3A_1113 = tpu.vector_load %arg6[%get3A_1111, %get3A_1112] {strides = array<i32>} : memref<3840x32xf32, #tpu.memory_space<vmem>>, vector<16xf32>,
        %mul3A_1114 = vector.broadcast %bitcast_convert_type3A_1110 : f32 to vector<16xf32>
        %mul3A_1115 = arith.mulf %mul3A_1114, %get3A_1113 : vector<16xf32>
        %add3A_1116 = arith.addf %add3A_1097, %mul3A_1115 : vector<16xf32>
        %get3A_1117 = arith.index_cast %shift_right_arithmetic3A_1107 : i32 to index
        %get3A_1118 = arith.constant 16 : index
        %get3A_1119 = tpu.vector_load %arg6[%get3A_1117, %get3A_1118] {strides = array<i32>} : memref<3840x32xf32, #tpu.memory_space<vmem>>, vector<16xf32>,
        %mul3A_1120 = vector.broadcast %bitcast_convert_type3A_1110 : f32 to vector<16xf32>
        %mul3A_1121 = arith.mulf %mul3A_1120, %get3A_1119 : vector<16xf32>
        %add3A_1122 = arith.addf %add3A_1103, %mul3A_1121 : vector<16xf32>
        %slice3A_1123 = vector.extract_strided_slice %get3A_777 {offsets = [9], sizes = [1], strides = [1]} : vector<16xi32> to vector<1xi32>
        %squeeze3A_1124 = vector.extract %slice3A_1123[0] : i32 from vector<1xi32>
        %shift_right_arithmetic3A_1125 = arith.constant 16 : i32
        %shift_right_arithmetic3A_1126 = arith.shrsi %squeeze3A_1124, %shift_right_arithmetic3A_1125 : i32
        %shift_left3A_1127 = arith.constant 16 : i32
        %shift_left3A_1128 = arith.shli %squeeze3A_1124, %shift_left3A_1127 : i32
        %bitcast_convert_type3A_1129 = arith.bitcast %shift_left3A_1128 : i32 to f32
        %get3A_1130 = arith.index_cast %shift_right_arithmetic3A_1126 : i32 to index
        %get3A_1131 = arith.constant 0 : index
        %get3A_1132 = tpu.vector_load %arg6[%get3A_1130, %get3A_1131] {strides = array<i32>} : memref<3840x32xf32, #tpu.memory_space<vmem>>, vector<16xf32>,
        %mul3A_1133 = vector.broadcast %bitcast_convert_type3A_1129 : f32 to vector<16xf32>
        %mul3A_1134 = arith.mulf %mul3A_1133, %get3A_1132 : vector<16xf32>
        %add3A_1135 = arith.addf %add3A_1116, %mul3A_1134 : vector<16xf32>
        %get3A_1136 = arith.index_cast %shift_right_arithmetic3A_1126 : i32 to index
        %get3A_1137 = arith.constant 16 : index
        %get3A_1138 = tpu.vector_load %arg6[%get3A_1136, %get3A_1137] {strides = array<i32>} : memref<3840x32xf32, #tpu.memory_space<vmem>>, vector<16xf32>,
        %mul3A_1139 = vector.broadcast %bitcast_convert_type3A_1129 : f32 to vector<16xf32>
        %mul3A_1140 = arith.mulf %mul3A_1139, %get3A_1138 : vector<16xf32>
        %add3A_1141 = arith.addf %add3A_1122, %mul3A_1140 : vector<16xf32>
        %slice3A_1142 = vector.extract_strided_slice %get3A_780 {offsets = [9], sizes = [1], strides = [1]} : vector<16xi32> to vector<1xi32>
        %squeeze3A_1143 = vector.extract %slice3A_1142[0] : i32 from vector<1xi32>
        %shift_right_arithmetic3A_1144 = arith.constant 16 : i32
        %shift_right_arithmetic3A_1145 = arith.shrsi %squeeze3A_1143, %shift_right_arithmetic3A_1144 : i32
        %shift_left3A_1146 = arith.constant 16 : i32
        %shift_left3A_1147 = arith.shli %squeeze3A_1143, %shift_left3A_1146 : i32
        %bitcast_convert_type3A_1148 = arith.bitcast %shift_left3A_1147 : i32 to f32
        %get3A_1149 = arith.index_cast %shift_right_arithmetic3A_1145 : i32 to index
        %get3A_1150 = arith.constant 0 : index
        %get3A_1151 = tpu.vector_load %arg6[%get3A_1149, %get3A_1150] {strides = array<i32>} : memref<3840x32xf32, #tpu.memory_space<vmem>>, vector<16xf32>,
        %mul3A_1152 = vector.broadcast %bitcast_convert_type3A_1148 : f32 to vector<16xf32>
        %mul3A_1153 = arith.mulf %mul3A_1152, %get3A_1151 : vector<16xf32>
        %add3A_1154 = arith.addf %add3A_1135, %mul3A_1153 : vector<16xf32>
        %get3A_1155 = arith.index_cast %shift_right_arithmetic3A_1145 : i32 to index
        %get3A_1156 = arith.constant 16 : index
        %get3A_1157 = tpu.vector_load %arg6[%get3A_1155, %get3A_1156] {strides = array<i32>} : memref<3840x32xf32, #tpu.memory_space<vmem>>, vector<16xf32>,
        %mul3A_1158 = vector.broadcast %bitcast_convert_type3A_1148 : f32 to vector<16xf32>
        %mul3A_1159 = arith.mulf %mul3A_1158, %get3A_1157 : vector<16xf32>
        %add3A_1160 = arith.addf %add3A_1141, %mul3A_1159 : vector<16xf32>
        %slice3A_1161 = vector.extract_strided_slice %get3A_777 {offsets = [10], sizes = [1], strides = [1]} : vector<16xi32> to vector<1xi32>
        %squeeze3A_1162 = vector.extract %slice3A_1161[0] : i32 from vector<1xi32>
        %shift_right_arithmetic3A_1163 = arith.constant 16 : i32
        %shift_right_arithmetic3A_1164 = arith.shrsi %squeeze3A_1162, %shift_right_arithmetic3A_1163 : i32
        %shift_left3A_1165 = arith.constant 16 : i32
        %shift_left3A_1166 = arith.shli %squeeze3A_1162, %shift_left3A_1165 : i32
        %bitcast_convert_type3A_1167 = arith.bitcast %shift_left3A_1166 : i32 to f32
        %get3A_1168 = arith.index_cast %shift_right_arithmetic3A_1164 : i32 to index
        %get3A_1169 = arith.constant 0 : index
        %get3A_1170 = tpu.vector_load %arg6[%get3A_1168, %get3A_1169] {strides = array<i32>} : memref<3840x32xf32, #tpu.memory_space<vmem>>, vector<16xf32>,
        %mul3A_1171 = vector.broadcast %bitcast_convert_type3A_1167 : f32 to vector<16xf32>
        %mul3A_1172 = arith.mulf %mul3A_1171, %get3A_1170 : vector<16xf32>
        %add3A_1173 = arith.addf %add3A_1154, %mul3A_1172 : vector<16xf32>
        %get3A_1174 = arith.index_cast %shift_right_arithmetic3A_1164 : i32 to index
        %get3A_1175 = arith.constant 16 : index
        %get3A_1176 = tpu.vector_load %arg6[%get3A_1174, %get3A_1175] {strides = array<i32>} : memref<3840x32xf32, #tpu.memory_space<vmem>>, vector<16xf32>,
        %mul3A_1177 = vector.broadcast %bitcast_convert_type3A_1167 : f32 to vector<16xf32>
        %mul3A_1178 = arith.mulf %mul3A_1177, %get3A_1176 : vector<16xf32>
        %add3A_1179 = arith.addf %add3A_1160, %mul3A_1178 : vector<16xf32>
        %slice3A_1180 = vector.extract_strided_slice %get3A_780 {offsets = [10], sizes = [1], strides = [1]} : vector<16xi32> to vector<1xi32>
        %squeeze3A_1181 = vector.extract %slice3A_1180[0] : i32 from vector<1xi32>
        %shift_right_arithmetic3A_1182 = arith.constant 16 : i32
        %shift_right_arithmetic3A_1183 = arith.shrsi %squeeze3A_1181, %shift_right_arithmetic3A_1182 : i32
        %shift_left3A_1184 = arith.constant 16 : i32
        %shift_left3A_1185 = arith.shli %squeeze3A_1181, %shift_left3A_1184 : i32
        %bitcast_convert_type3A_1186 = arith.bitcast %shift_left3A_1185 : i32 to f32
        %get3A_1187 = arith.index_cast %shift_right_arithmetic3A_1183 : i32 to index
        %get3A_1188 = arith.constant 0 : index
        %get3A_1189 = tpu.vector_load %arg6[%get3A_1187, %get3A_1188] {strides = array<i32>} : memref<3840x32xf32, #tpu.memory_space<vmem>>, vector<16xf32>,
        %mul3A_1190 = vector.broadcast %bitcast_convert_type3A_1186 : f32 to vector<16xf32>
        %mul3A_1191 = arith.mulf %mul3A_1190, %get3A_1189 : vector<16xf32>
        %add3A_1192 = arith.addf %add3A_1173, %mul3A_1191 : vector<16xf32>
        %get3A_1193 = arith.index_cast %shift_right_arithmetic3A_1183 : i32 to index
        %get3A_1194 = arith.constant 16 : index
        %get3A_1195 = tpu.vector_load %arg6[%get3A_1193, %get3A_1194] {strides = array<i32>} : memref<3840x32xf32, #tpu.memory_space<vmem>>, vector<16xf32>,
        %mul3A_1196 = vector.broadcast %bitcast_convert_type3A_1186 : f32 to vector<16xf32>
        %mul3A_1197 = arith.mulf %mul3A_1196, %get3A_1195 : vector<16xf32>
        %add3A_1198 = arith.addf %add3A_1179, %mul3A_1197 : vector<16xf32>
        %slice3A_1199 = vector.extract_strided_slice %get3A_777 {offsets = [11], sizes = [1], strides = [1]} : vector<16xi32> to vector<1xi32>
        %squeeze3A_1200 = vector.extract %slice3A_1199[0] : i32 from vector<1xi32>
        %shift_right_arithmetic3A_1201 = arith.constant 16 : i32
        %shift_right_arithmetic3A_1202 = arith.shrsi %squeeze3A_1200, %shift_right_arithmetic3A_1201 : i32
        %shift_left3A_1203 = arith.constant 16 : i32
        %shift_left3A_1204 = arith.shli %squeeze3A_1200, %shift_left3A_1203 : i32
        %bitcast_convert_type3A_1205 = arith.bitcast %shift_left3A_1204 : i32 to f32
        %get3A_1206 = arith.index_cast %shift_right_arithmetic3A_1202 : i32 to index
        %get3A_1207 = arith.constant 0 : index
        %get3A_1208 = tpu.vector_load %arg6[%get3A_1206, %get3A_1207] {strides = array<i32>} : memref<3840x32xf32, #tpu.memory_space<vmem>>, vector<16xf32>,
        %mul3A_1209 = vector.broadcast %bitcast_convert_type3A_1205 : f32 to vector<16xf32>
        %mul3A_1210 = arith.mulf %mul3A_1209, %get3A_1208 : vector<16xf32>
        %add3A_1211 = arith.addf %add3A_1192, %mul3A_1210 : vector<16xf32>
        %get3A_1212 = arith.index_cast %shift_right_arithmetic3A_1202 : i32 to index
        %get3A_1213 = arith.constant 16 : index
        %get3A_1214 = tpu.vector_load %arg6[%get3A_1212, %get3A_1213] {strides = array<i32>} : memref<3840x32xf32, #tpu.memory_space<vmem>>, vector<16xf32>,
        %mul3A_1215 = vector.broadcast %bitcast_convert_type3A_1205 : f32 to vector<16xf32>
        %mul3A_1216 = arith.mulf %mul3A_1215, %get3A_1214 : vector<16xf32>
        %add3A_1217 = arith.addf %add3A_1198, %mul3A_1216 : vector<16xf32>
        %slice3A_1218 = vector.extract_strided_slice %get3A_780 {offsets = [11], sizes = [1], strides = [1]} : vector<16xi32> to vector<1xi32>
        %squeeze3A_1219 = vector.extract %slice3A_1218[0] : i32 from vector<1xi32>
        %shift_right_arithmetic3A_1220 = arith.constant 16 : i32
        %shift_right_arithmetic3A_1221 = arith.shrsi %squeeze3A_1219, %shift_right_arithmetic3A_1220 : i32
        %shift_left3A_1222 = arith.constant 16 : i32
        %shift_left3A_1223 = arith.shli %squeeze3A_1219, %shift_left3A_1222 : i32
        %bitcast_convert_type3A_1224 = arith.bitcast %shift_left3A_1223 : i32 to f32
        %get3A_1225 = arith.index_cast %shift_right_arithmetic3A_1221 : i32 to index
        %get3A_1226 = arith.constant 0 : index
        %get3A_1227 = tpu.vector_load %arg6[%get3A_1225, %get3A_1226] {strides = array<i32>} : memref<3840x32xf32, #tpu.memory_space<vmem>>, vector<16xf32>,
        %mul3A_1228 = vector.broadcast %bitcast_convert_type3A_1224 : f32 to vector<16xf32>
        %mul3A_1229 = arith.mulf %mul3A_1228, %get3A_1227 : vector<16xf32>
        %add3A_1230 = arith.addf %add3A_1211, %mul3A_1229 : vector<16xf32>
        %get3A_1231 = arith.index_cast %shift_right_arithmetic3A_1221 : i32 to index
        %get3A_1232 = arith.constant 16 : index
        %get3A_1233 = tpu.vector_load %arg6[%get3A_1231, %get3A_1232] {strides = array<i32>} : memref<3840x32xf32, #tpu.memory_space<vmem>>, vector<16xf32>,
        %mul3A_1234 = vector.broadcast %bitcast_convert_type3A_1224 : f32 to vector<16xf32>
        %mul3A_1235 = arith.mulf %mul3A_1234, %get3A_1233 : vector<16xf32>
        %add3A_1236 = arith.addf %add3A_1217, %mul3A_1235 : vector<16xf32>
        %slice3A_1237 = vector.extract_strided_slice %get3A_777 {offsets = [12], sizes = [1], strides = [1]} : vector<16xi32> to vector<1xi32>
        %squeeze3A_1238 = vector.extract %slice3A_1237[0] : i32 from vector<1xi32>
        %shift_right_arithmetic3A_1239 = arith.constant 16 : i32
        %shift_right_arithmetic3A_1240 = arith.shrsi %squeeze3A_1238, %shift_right_arithmetic3A_1239 : i32
        %shift_left3A_1241 = arith.constant 16 : i32
        %shift_left3A_1242 = arith.shli %squeeze3A_1238, %shift_left3A_1241 : i32
        %bitcast_convert_type3A_1243 = arith.bitcast %shift_left3A_1242 : i32 to f32
        %get3A_1244 = arith.index_cast %shift_right_arithmetic3A_1240 : i32 to index
        %get3A_1245 = arith.constant 0 : index
        %get3A_1246 = tpu.vector_load %arg6[%get3A_1244, %get3A_1245] {strides = array<i32>} : memref<3840x32xf32, #tpu.memory_space<vmem>>, vector<16xf32>,
        %mul3A_1247 = vector.broadcast %bitcast_convert_type3A_1243 : f32 to vector<16xf32>
        %mul3A_1248 = arith.mulf %mul3A_1247, %get3A_1246 : vector<16xf32>
        %add3A_1249 = arith.addf %add3A_1230, %mul3A_1248 : vector<16xf32>
        %get3A_1250 = arith.index_cast %shift_right_arithmetic3A_1240 : i32 to index
        %get3A_1251 = arith.constant 16 : index
        %get3A_1252 = tpu.vector_load %arg6[%get3A_1250, %get3A_1251] {strides = array<i32>} : memref<3840x32xf32, #tpu.memory_space<vmem>>, vector<16xf32>,
        %mul3A_1253 = vector.broadcast %bitcast_convert_type3A_1243 : f32 to vector<16xf32>
        %mul3A_1254 = arith.mulf %mul3A_1253, %get3A_1252 : vector<16xf32>
        %add3A_1255 = arith.addf %add3A_1236, %mul3A_1254 : vector<16xf32>
        %slice3A_1256 = vector.extract_strided_slice %get3A_780 {offsets = [12], sizes = [1], strides = [1]} : vector<16xi32> to vector<1xi32>
        %squeeze3A_1257 = vector.extract %slice3A_1256[0] : i32 from vector<1xi32>
        %shift_right_arithmetic3A_1258 = arith.constant 16 : i32
        %shift_right_arithmetic3A_1259 = arith.shrsi %squeeze3A_1257, %shift_right_arithmetic3A_1258 : i32
        %shift_left3A_1260 = arith.constant 16 : i32
        %shift_left3A_1261 = arith.shli %squeeze3A_1257, %shift_left3A_1260 : i32
        %bitcast_convert_type3A_1262 = arith.bitcast %shift_left3A_1261 : i32 to f32
        %get3A_1263 = arith.index_cast %shift_right_arithmetic3A_1259 : i32 to index
        %get3A_1264 = arith.constant 0 : index
        %get3A_1265 = tpu.vector_load %arg6[%get3A_1263, %get3A_1264] {strides = array<i32>} : memref<3840x32xf32, #tpu.memory_space<vmem>>, vector<16xf32>,
        %mul3A_1266 = vector.broadcast %bitcast_convert_type3A_1262 : f32 to vector<16xf32>
        %mul3A_1267 = arith.mulf %mul3A_1266, %get3A_1265 : vector<16xf32>
        %add3A_1268 = arith.addf %add3A_1249, %mul3A_1267 : vector<16xf32>
        %get3A_1269 = arith.index_cast %shift_right_arithmetic3A_1259 : i32 to index
        %get3A_1270 = arith.constant 16 : index
        %get3A_1271 = tpu.vector_load %arg6[%get3A_1269, %get3A_1270] {strides = array<i32>} : memref<3840x32xf32, #tpu.memory_space<vmem>>, vector<16xf32>,
        %mul3A_1272 = vector.broadcast %bitcast_convert_type3A_1262 : f32 to vector<16xf32>
        %mul3A_1273 = arith.mulf %mul3A_1272, %get3A_1271 : vector<16xf32>
        %add3A_1274 = arith.addf %add3A_1255, %mul3A_1273 : vector<16xf32>
        %slice3A_1275 = vector.extract_strided_slice %get3A_777 {offsets = [13], sizes = [1], strides = [1]} : vector<16xi32> to vector<1xi32>
        %squeeze3A_1276 = vector.extract %slice3A_1275[0] : i32 from vector<1xi32>
        %shift_right_arithmetic3A_1277 = arith.constant 16 : i32
        %shift_right_arithmetic3A_1278 = arith.shrsi %squeeze3A_1276, %shift_right_arithmetic3A_1277 : i32
        %shift_left3A_1279 = arith.constant 16 : i32
        %shift_left3A_1280 = arith.shli %squeeze3A_1276, %shift_left3A_1279 : i32
        %bitcast_convert_type3A_1281 = arith.bitcast %shift_left3A_1280 : i32 to f32
        %get3A_1282 = arith.index_cast %shift_right_arithmetic3A_1278 : i32 to index
        %get3A_1283 = arith.constant 0 : index
        %get3A_1284 = tpu.vector_load %arg6[%get3A_1282, %get3A_1283] {strides = array<i32>} : memref<3840x32xf32, #tpu.memory_space<vmem>>, vector<16xf32>,
        %mul3A_1285 = vector.broadcast %bitcast_convert_type3A_1281 : f32 to vector<16xf32>
        %mul3A_1286 = arith.mulf %mul3A_1285, %get3A_1284 : vector<16xf32>
        %add3A_1287 = arith.addf %add3A_1268, %mul3A_1286 : vector<16xf32>
        %get3A_1288 = arith.index_cast %shift_right_arithmetic3A_1278 : i32 to index
        %get3A_1289 = arith.constant 16 : index
        %get3A_1290 = tpu.vector_load %arg6[%get3A_1288, %get3A_1289] {strides = array<i32>} : memref<3840x32xf32, #tpu.memory_space<vmem>>, vector<16xf32>,
        %mul3A_1291 = vector.broadcast %bitcast_convert_type3A_1281 : f32 to vector<16xf32>
        %mul3A_1292 = arith.mulf %mul3A_1291, %get3A_1290 : vector<16xf32>
        %add3A_1293 = arith.addf %add3A_1274, %mul3A_1292 : vector<16xf32>
        %slice3A_1294 = vector.extract_strided_slice %get3A_780 {offsets = [13], sizes = [1], strides = [1]} : vector<16xi32> to vector<1xi32>
        %squeeze3A_1295 = vector.extract %slice3A_1294[0] : i32 from vector<1xi32>
        %shift_right_arithmetic3A_1296 = arith.constant 16 : i32
        %shift_right_arithmetic3A_1297 = arith.shrsi %squeeze3A_1295, %shift_right_arithmetic3A_1296 : i32
        %shift_left3A_1298 = arith.constant 16 : i32
        %shift_left3A_1299 = arith.shli %squeeze3A_1295, %shift_left3A_1298 : i32
        %bitcast_convert_type3A_1300 = arith.bitcast %shift_left3A_1299 : i32 to f32
        %get3A_1301 = arith.index_cast %shift_right_arithmetic3A_1297 : i32 to index
        %get3A_1302 = arith.constant 0 : index
        %get3A_1303 = tpu.vector_load %arg6[%get3A_1301, %get3A_1302] {strides = array<i32>} : memref<3840x32xf32, #tpu.memory_space<vmem>>, vector<16xf32>,
        %mul3A_1304 = vector.broadcast %bitcast_convert_type3A_1300 : f32 to vector<16xf32>
        %mul3A_1305 = arith.mulf %mul3A_1304, %get3A_1303 : vector<16xf32>
        %add3A_1306 = arith.addf %add3A_1287, %mul3A_1305 : vector<16xf32>
        %get3A_1307 = arith.index_cast %shift_right_arithmetic3A_1297 : i32 to index
        %get3A_1308 = arith.constant 16 : index
        %get3A_1309 = tpu.vector_load %arg6[%get3A_1307, %get3A_1308] {strides = array<i32>} : memref<3840x32xf32, #tpu.memory_space<vmem>>, vector<16xf32>,
        %mul3A_1310 = vector.broadcast %bitcast_convert_type3A_1300 : f32 to vector<16xf32>
        %mul3A_1311 = arith.mulf %mul3A_1310, %get3A_1309 : vector<16xf32>
        %add3A_1312 = arith.addf %add3A_1293, %mul3A_1311 : vector<16xf32>
        %slice3A_1313 = vector.extract_strided_slice %get3A_777 {offsets = [14], sizes = [1], strides = [1]} : vector<16xi32> to vector<1xi32>
        %squeeze3A_1314 = vector.extract %slice3A_1313[0] : i32 from vector<1xi32>
        %shift_right_arithmetic3A_1315 = arith.constant 16 : i32
        %shift_right_arithmetic3A_1316 = arith.shrsi %squeeze3A_1314, %shift_right_arithmetic3A_1315 : i32
        %shift_left3A_1317 = arith.constant 16 : i32
        %shift_left3A_1318 = arith.shli %squeeze3A_1314, %shift_left3A_1317 : i32
        %bitcast_convert_type3A_1319 = arith.bitcast %shift_left3A_1318 : i32 to f32
        %get3A_1320 = arith.index_cast %shift_right_arithmetic3A_1316 : i32 to index
        %get3A_1321 = arith.constant 0 : index
        %get3A_1322 = tpu.vector_load %arg6[%get3A_1320, %get3A_1321] {strides = array<i32>} : memref<3840x32xf32, #tpu.memory_space<vmem>>, vector<16xf32>,
        %mul3A_1323 = vector.broadcast %bitcast_convert_type3A_1319 : f32 to vector<16xf32>
        %mul3A_1324 = arith.mulf %mul3A_1323, %get3A_1322 : vector<16xf32>
        %add3A_1325 = arith.addf %add3A_1306, %mul3A_1324 : vector<16xf32>
        %get3A_1326 = arith.index_cast %shift_right_arithmetic3A_1316 : i32 to index
        %get3A_1327 = arith.constant 16 : index
        %get3A_1328 = tpu.vector_load %arg6[%get3A_1326, %get3A_1327] {strides = array<i32>} : memref<3840x32xf32, #tpu.memory_space<vmem>>, vector<16xf32>,
        %mul3A_1329 = vector.broadcast %bitcast_convert_type3A_1319 : f32 to vector<16xf32>
        %mul3A_1330 = arith.mulf %mul3A_1329, %get3A_1328 : vector<16xf32>
        %add3A_1331 = arith.addf %add3A_1312, %mul3A_1330 : vector<16xf32>
        %slice3A_1332 = vector.extract_strided_slice %get3A_780 {offsets = [14], sizes = [1], strides = [1]} : vector<16xi32> to vector<1xi32>
        %squeeze3A_1333 = vector.extract %slice3A_1332[0] : i32 from vector<1xi32>
        %shift_right_arithmetic3A_1334 = arith.constant 16 : i32
        %shift_right_arithmetic3A_1335 = arith.shrsi %squeeze3A_1333, %shift_right_arithmetic3A_1334 : i32
        %shift_left3A_1336 = arith.constant 16 : i32
        %shift_left3A_1337 = arith.shli %squeeze3A_1333, %shift_left3A_1336 : i32
        %bitcast_convert_type3A_1338 = arith.bitcast %shift_left3A_1337 : i32 to f32
        %get3A_1339 = arith.index_cast %shift_right_arithmetic3A_1335 : i32 to index
        %get3A_1340 = arith.constant 0 : index
        %get3A_1341 = tpu.vector_load %arg6[%get3A_1339, %get3A_1340] {strides = array<i32>} : memref<3840x32xf32, #tpu.memory_space<vmem>>, vector<16xf32>,
        %mul3A_1342 = vector.broadcast %bitcast_convert_type3A_1338 : f32 to vector<16xf32>
        %mul3A_1343 = arith.mulf %mul3A_1342, %get3A_1341 : vector<16xf32>
        %add3A_1344 = arith.addf %add3A_1325, %mul3A_1343 : vector<16xf32>
        %get3A_1345 = arith.index_cast %shift_right_arithmetic3A_1335 : i32 to index
        %get3A_1346 = arith.constant 16 : index
        %get3A_1347 = tpu.vector_load %arg6[%get3A_1345, %get3A_1346] {strides = array<i32>} : memref<3840x32xf32, #tpu.memory_space<vmem>>, vector<16xf32>,
        %mul3A_1348 = vector.broadcast %bitcast_convert_type3A_1338 : f32 to vector<16xf32>
        %mul3A_1349 = arith.mulf %mul3A_1348, %get3A_1347 : vector<16xf32>
        %add3A_1350 = arith.addf %add3A_1331, %mul3A_1349 : vector<16xf32>
        %slice3A_1351 = vector.extract_strided_slice %get3A_777 {offsets = [15], sizes = [1], strides = [1]} : vector<16xi32> to vector<1xi32>
        %squeeze3A_1352 = vector.extract %slice3A_1351[0] : i32 from vector<1xi32>
        %shift_right_arithmetic3A_1353 = arith.constant 16 : i32
        %shift_right_arithmetic3A_1354 = arith.shrsi %squeeze3A_1352, %shift_right_arithmetic3A_1353 : i32
        %shift_left3A_1355 = arith.constant 16 : i32
        %shift_left3A_1356 = arith.shli %squeeze3A_1352, %shift_left3A_1355 : i32
        %bitcast_convert_type3A_1357 = arith.bitcast %shift_left3A_1356 : i32 to f32
        %get3A_1358 = arith.index_cast %shift_right_arithmetic3A_1354 : i32 to index
        %get3A_1359 = arith.constant 0 : index
        %get3A_1360 = tpu.vector_load %arg6[%get3A_1358, %get3A_1359] {strides = array<i32>} : memref<3840x32xf32, #tpu.memory_space<vmem>>, vector<16xf32>,
        %mul3A_1361 = vector.broadcast %bitcast_convert_type3A_1357 : f32 to vector<16xf32>
        %mul3A_1362 = arith.mulf %mul3A_1361, %get3A_1360 : vector<16xf32>
        %add3A_1363 = arith.addf %add3A_1344, %mul3A_1362 : vector<16xf32>
        %get3A_1364 = arith.index_cast %shift_right_arithmetic3A_1354 : i32 to index
        %get3A_1365 = arith.constant 16 : index
        %get3A_1366 = tpu.vector_load %arg6[%get3A_1364, %get3A_1365] {strides = array<i32>} : memref<3840x32xf32, #tpu.memory_space<vmem>>, vector<16xf32>,
        %mul3A_1367 = vector.broadcast %bitcast_convert_type3A_1357 : f32 to vector<16xf32>
        %mul3A_1368 = arith.mulf %mul3A_1367, %get3A_1366 : vector<16xf32>
        %add3A_1369 = arith.addf %add3A_1350, %mul3A_1368 : vector<16xf32>
        %slice3A_1370 = vector.extract_strided_slice %get3A_780 {offsets = [15], sizes = [1], strides = [1]} : vector<16xi32> to vector<1xi32>
        %squeeze3A_1371 = vector.extract %slice3A_1370[0] : i32 from vector<1xi32>
        %shift_right_arithmetic3A_1372 = arith.constant 16 : i32
        %shift_right_arithmetic3A_1373 = arith.shrsi %squeeze3A_1371, %shift_right_arithmetic3A_1372 : i32
        %shift_left3A_1374 = arith.constant 16 : i32
        %shift_left3A_1375 = arith.shli %squeeze3A_1371, %shift_left3A_1374 : i32
        %bitcast_convert_type3A_1376 = arith.bitcast %shift_left3A_1375 : i32 to f32
        %get3A_1377 = arith.index_cast %shift_right_arithmetic3A_1373 : i32 to index
        %get3A_1378 = arith.constant 0 : index
        %get3A_1379 = tpu.vector_load %arg6[%get3A_1377, %get3A_1378] {strides = array<i32>} : memref<3840x32xf32, #tpu.memory_space<vmem>>, vector<16xf32>,
        %mul3A_1380 = vector.broadcast %bitcast_convert_type3A_1376 : f32 to vector<16xf32>
        %mul3A_1381 = arith.mulf %mul3A_1380, %get3A_1379 : vector<16xf32>
        %add3A_1382 = arith.addf %add3A_1363, %mul3A_1381 : vector<16xf32>
        %get3A_1383 = arith.index_cast %shift_right_arithmetic3A_1373 : i32 to index
        %get3A_1384 = arith.constant 16 : index
        %get3A_1385 = tpu.vector_load %arg6[%get3A_1383, %get3A_1384] {strides = array<i32>} : memref<3840x32xf32, #tpu.memory_space<vmem>>, vector<16xf32>,
        %mul3A_1386 = vector.broadcast %bitcast_convert_type3A_1376 : f32 to vector<16xf32>
        %mul3A_1387 = arith.mulf %mul3A_1386, %get3A_1385 : vector<16xf32>
        %add3A_1388 = arith.addf %add3A_1369, %mul3A_1387 : vector<16xf32>
        %swap3A_1389 = arith.index_cast %add3A_770 : i32 to index
        %swap3A_1390 = arith.constant 0 : index
        %swap3A_1391 = tpu.vector_load %arg11[%swap3A_1389, %swap3A_1390] {strides = array<i32>} : memref<64x32xf32, #tpu.memory_space<vmem>>, vector<16xf32>,
        tpu.vector_store %arg11[%swap3A_1389, %swap3A_1390], %add3A_1382 {strides = array<i32>} : memref<64x32xf32, #tpu.memory_space<vmem>>, vector<16xf32>,
        %swap3A_1392 = arith.index_cast %add3A_770 : i32 to index
        %swap3A_1393 = arith.constant 16 : index
        %swap3A_1394 = tpu.vector_load %arg11[%swap3A_1392, %swap3A_1393] {strides = array<i32>} : memref<64x32xf32, #tpu.memory_space<vmem>>, vector<16xf32>,
        tpu.vector_store %arg11[%swap3A_1392, %swap3A_1393], %add3A_1388 {strides = array<i32>} : memref<64x32xf32, #tpu.memory_space<vmem>>, vector<16xf32>,
      }
      %scan3A_143 = arith.constant 32 : i32
      %mul3A_144 = arith.constant 64 : i32
      %mul3A_145 = arith.muli %add3A_70, %mul3A_144 : i32
      "tpu.region"() ({
        %run_scoped3A = tpu.sem_alloc : memref<!tpu.dma_semaphore, #tpu.memory_space<semaphore_mem>>
        %dma_start3A_146 = arith.constant 0 : i32
        %dma_start3A_147 = tpu.memref_slice %arg5[%select_n3A, %select_n3A_30, %mul3A_145, %dma_start3A_146] : memref<4x8x2048x32xf32, #tpu.memory_space<hbm>> -> memref<1x1x64x32xf32, #tpu.memory_space<hbm>>
        %dma_start3A_148 = tpu.memref_squeeze %dma_start3A_147 : memref<1x1x64x32xf32, #tpu.memory_space<hbm>> -> memref<64x32xf32, #tpu.memory_space<hbm>>
        %dma_start3A_149 = arith.constant 0 : i32
        %dma_start3A_150 = tpu.memref_slice %arg5[%select_n3A, %select_n3A_30, %mul3A_145, %dma_start3A_149] : memref<4x8x2048x32xf32, #tpu.memory_space<hbm>> -> memref<1x1x64x32xf32, #tpu.memory_space<hbm>>
        %dma_start3A_151 = tpu.memref_squeeze %dma_start3A_150 : memref<1x1x64x32xf32, #tpu.memory_space<hbm>> -> memref<64x32xf32, #tpu.memory_space<hbm>>
        tpu.enqueue_dma source(%arg11 : memref<64x32xf32, #tpu.memory_space<vmem>>) target(%dma_start3A_151 : memref<64x32xf32, #tpu.memory_space<hbm>>) target_semaphore(%run_scoped3A : memref<!tpu.dma_semaphore, #tpu.memory_space<semaphore_mem>>)
        %dma_wait3A_152 = arith.constant 0 : i32
        %dma_wait3A_153 = tpu.memref_slice %arg5[%select_n3A, %select_n3A_30, %mul3A_145, %dma_wait3A_152] : memref<4x8x2048x32xf32, #tpu.memory_space<hbm>> -> memref<1x1x64x32xf32, #tpu.memory_space<hbm>>
        %dma_wait3A_154 = tpu.memref_squeeze %dma_wait3A_153 : memref<1x1x64x32xf32, #tpu.memory_space<hbm>> -> memref<64x32xf32, #tpu.memory_space<hbm>>
        %dma_wait3A_155 = arith.constant 0 : i32
        %dma_wait3A_156 = tpu.memref_slice %arg5[%select_n3A, %select_n3A_30, %mul3A_145, %dma_wait3A_155] : memref<4x8x2048x32xf32, #tpu.memory_space<hbm>> -> memref<1x1x64x32xf32, #tpu.memory_space<hbm>>
        %dma_wait3A_157 = tpu.memref_squeeze %dma_wait3A_156 : memref<1x1x64x32xf32, #tpu.memory_space<hbm>> -> memref<64x32xf32, #tpu.memory_space<hbm>>
        tpu.wait_dma2 semaphore(%run_scoped3A : memref<!tpu.dma_semaphore, #tpu.memory_space<semaphore_mem>>) src(%arg11 : memref<64x32xf32, #tpu.memory_space<vmem>>) dst(%dma_wait3A_157 : memref<64x32xf32, #tpu.memory_space<hbm>>)
        tpu.yield
      }) : () -> ()
    }
    %scan3A_50 = arith.constant 16 : i32
    %dma_wait3A = arith.constant 1984 : i32
    %dma_wait3A_51 = arith.constant 0 : i32
    %dma_wait3A_52 = tpu.memref_slice %arg3[%select_n3A, %select_n3A_30, %dma_wait3A, %dma_wait3A_51] : memref<4x8x2048x16xi32, #tpu.memory_space<hbm>> -> memref<1x1x64x16xi32, #tpu.memory_space<hbm>>
    %dma_wait3A_53 = tpu.memref_squeeze %dma_wait3A_52 : memref<1x1x64x16xi32, #tpu.memory_space<hbm>> -> memref<64x16xi32, #tpu.memory_space<hbm>>
    %dma_wait3A_54 = arith.constant 1984 : i32
    %dma_wait3A_55 = arith.constant 0 : i32
    %dma_wait3A_56 = tpu.memref_slice %arg3[%select_n3A, %select_n3A_30, %dma_wait3A_54, %dma_wait3A_55] : memref<4x8x2048x16xi32, #tpu.memory_space<hbm>> -> memref<1x1x64x16xi32, #tpu.memory_space<hbm>>
    %dma_wait3A_57 = tpu.memref_squeeze %dma_wait3A_56 : memref<1x1x64x16xi32, #tpu.memory_space<hbm>> -> memref<64x16xi32, #tpu.memory_space<hbm>>
    tpu.wait_dma2 semaphore(%arg12 : memref<!tpu.dma_semaphore, #tpu.memory_space<semaphore_mem>>) src(%dma_wait3A_57 : memref<64x16xi32, #tpu.memory_space<hbm>>) dst(%arg7 : memref<64x16xi32, #tpu.memory_space<vmem>>)
    %dma_wait3A_58 = arith.constant 1984 : i32
    %dma_wait3A_59 = arith.constant 0 : i32
    %dma_wait3A_60 = tpu.memref_slice %arg4[%select_n3A, %select_n3A_30, %dma_wait3A_58, %dma_wait3A_59] : memref<4x8x2048x16xi32, #tpu.memory_space<hbm>> -> memref<1x1x64x16xi32, #tpu.memory_space<hbm>>
    %dma_wait3A_61 = tpu.memref_squeeze %dma_wait3A_60 : memref<1x1x64x16xi32, #tpu.memory_space<hbm>> -> memref<64x16xi32, #tpu.memory_space<hbm>>
    %dma_wait3A_62 = arith.constant 1984 : i32
    %dma_wait3A_63 = arith.constant 0 : i32
    %dma_wait3A_64 = tpu.memref_slice %arg4[%select_n3A, %select_n3A_30, %dma_wait3A_62, %dma_wait3A_63] : memref<4x8x2048x16xi32, #tpu.memory_space<hbm>> -> memref<1x1x64x16xi32, #tpu.memory_space<hbm>>
    %dma_wait3A_65 = tpu.memref_squeeze %dma_wait3A_64 : memref<1x1x64x16xi32, #tpu.memory_space<hbm>> -> memref<64x16xi32, #tpu.memory_space<hbm>>
    tpu.wait_dma2 semaphore(%arg12 : memref<!tpu.dma_semaphore, #tpu.memory_space<semaphore_mem>>) src(%dma_wait3A_65 : memref<64x16xi32, #tpu.memory_space<hbm>>) dst(%arg8 : memref<64x16xi32, #tpu.memory_space<vmem>>)
    return
  }
}

module attributes {stable_mosaic.version = 14 : i64} {
  func.func @_prep_kernel(%arg0: i32, %arg1: i32, %arg2: memref<1x960x256xf32, #tpu.memory_space<vmem>>, %arg3: memref<256x256xf32, #tpu.memory_space<vmem>>, %arg4: memref<1x256xf32, #tpu.memory_space<vmem>>, %arg5: memref<1x512x256xf32, #tpu.memory_space<vmem>>, %arg6: memref<1x512x4xf32, #tpu.memory_space<vmem>>, %arg7: memref<256x128xf32, #tpu.memory_space<vmem>>, %arg8: memref<1x128xf32, #tpu.memory_space<vmem>>, %arg9: memref<256x128xf32, #tpu.memory_space<vmem>>, %arg10: memref<1x128xf32, #tpu.memory_space<vmem>>, %arg11: memref<1x128xf32, #tpu.memory_space<vmem>>, %arg12: memref<1x128xi32, #tpu.memory_space<vmem>>, %arg13: memref<4x128xf32, #tpu.memory_space<vmem>>, %arg14: memref<1x8x960x32xf32, #tpu.memory_space<vmem>>, %arg15: memref<1x512x128xf32, #tpu.memory_space<vmem>>, %arg16: memref<1x512x128xf32, #tpu.memory_space<vmem>>, %arg17: memref<1x8x512x16xi32, #tpu.memory_space<vmem>>, %arg18: memref<1x8x512x16xi32, #tpu.memory_space<vmem>>) attributes {dimension_semantics = [#tpu.dimension_semantics<arbitrary>, #tpu.dimension_semantics<arbitrary>], iteration_bounds = array<i64: 4, 4>, scalar_prefetch = 0 : i64, scratch_operands = 0 : i64, tpu.core_type = #tpu.core_type<tc>, window_params = [{transform_indices = @transform_0, window_bounds = array<i64: 1, 960, 256>}, {pipeline_mode = #tpu.pipeline_mode<synchronous>, transform_indices = @transform_1, window_bounds = array<i64: 256, 256>}, {pipeline_mode = #tpu.pipeline_mode<synchronous>, transform_indices = @transform_2, window_bounds = array<i64: 1, 256>}, {transform_indices = @transform_3, window_bounds = array<i64: 1, 512, 256>}, {transform_indices = @transform_4, window_bounds = array<i64: 1, 512, 4>}, {pipeline_mode = #tpu.pipeline_mode<synchronous>, transform_indices = @transform_5, window_bounds = array<i64: 256, 128>}, {pipeline_mode = #tpu.pipeline_mode<synchronous>, transform_indices = @transform_6, window_bounds = array<i64: 1, 128>}, {pipeline_mode = #tpu.pipeline_mode<synchronous>, transform_indices = @transform_7, window_bounds = array<i64: 256, 128>}, {pipeline_mode = #tpu.pipeline_mode<synchronous>, transform_indices = @transform_8, window_bounds = array<i64: 1, 128>}, {pipeline_mode = #tpu.pipeline_mode<synchronous>, transform_indices = @transform_9, window_bounds = array<i64: 1, 128>}, {pipeline_mode = #tpu.pipeline_mode<synchronous>, transform_indices = @transform_10, window_bounds = array<i64: 1, 128>}, {pipeline_mode = #tpu.pipeline_mode<synchronous>, transform_indices = @transform_11, window_bounds = array<i64: 4, 128>}, {transform_indices = @transform_12, window_bounds = array<i64: 1, 8, 960, 32>}, {transform_indices = @transform_13, window_bounds = array<i64: 1, 512, 128>}, {transform_indices = @transform_14, window_bounds = array<i64: 1, 512, 128>}, {transform_indices = @transform_15, window_bounds = array<i64: 1, 8, 512, 16>}, {transform_indices = @transform_16, window_bounds = array<i64: 1, 8, 512, 16>}]} {
    %get3A = arith.constant 0 : index
    %get3A_0 = arith.constant 0 : index
    %get3A_1 = arith.constant 0 : index
    %get3A_2 = vector.load %arg2[%get3A, %get3A_0, %get3A_1] : memref<1x960x256xf32, #tpu.memory_space<vmem>>, vector<1x960x256xf32>
    %get3A_3 = vector.shape_cast %get3A_2 : vector<1x960x256xf32> to vector<960x256xf32>
    %get3A_4 = arith.constant 0 : index
    %get3A_5 = arith.constant 0 : index
    %get3A_6 = vector.load %arg3[%get3A_4, %get3A_5] : memref<256x256xf32, #tpu.memory_space<vmem>>, vector<256x256xf32>
    %dot_general3A = arith.constant dense<0.000000e+00> : vector<960x256xf32>
    %dot_general3A_7 = tpu.matmul %get3A_3, %get3A_6, %dot_general3A {dimension_numbers = #tpu.dot_dimension_numbers<[1], [0], [0], [1], [0, 0, 1, 1], [], []>, precision = #tpu.contract_precision<fp32>, transpose_lhs_hint = false} : vector<960x256xf32>, vector<256x256xf32>, vector<960x256xf32> -> vector<960x256xf32>
    %get3A_8 = arith.constant 0 : index
    %get3A_9 = arith.constant 0 : index
    %get3A_10 = vector.load %arg4[%get3A_8, %get3A_9] : memref<1x256xf32, #tpu.memory_space<vmem>>, vector<1x256xf32>
    %add3A = vector.broadcast %get3A_10 : vector<1x256xf32> to vector<960x256xf32>
    %add3A_11 = arith.addf %dot_general3A_7, %add3A : vector<960x256xf32>
    %slice3A = vector.extract_strided_slice %add3A_11 {offsets = [0, 0], sizes = [960, 32], strides = [1, 1]} : vector<960x256xf32> to vector<960x32xf32>
    %swap3A = arith.constant 0 : index
    %swap3A_12 = arith.constant 0 : index
    %swap3A_13 = arith.constant 0 : index
    %swap3A_14 = arith.constant 0 : index
    %swap3A_15 = vector.load %arg14[%swap3A, %swap3A_12, %swap3A_13, %swap3A_14] : memref<1x8x960x32xf32, #tpu.memory_space<vmem>>, vector<1x1x960x32xf32>
    %swap3A_16 = vector.shape_cast %swap3A_15 : vector<1x1x960x32xf32> to vector<960x32xf32>
    %swap3A_17 = vector.shape_cast %slice3A : vector<960x32xf32> to vector<1x1x960x32xf32>
    tpu.vector_store %arg14[%swap3A, %swap3A_12, %swap3A_13, %swap3A_14], %swap3A_17 {strides = array<i32>} : memref<1x8x960x32xf32, #tpu.memory_space<vmem>>, vector<1x1x960x32xf32>,
    %slice3A_18 = vector.extract_strided_slice %add3A_11 {offsets = [0, 32], sizes = [960, 32], strides = [1, 1]} : vector<960x256xf32> to vector<960x32xf32>
    %swap3A_19 = arith.constant 0 : index
    %swap3A_20 = arith.constant 1 : index
    %swap3A_21 = arith.constant 0 : index
    %swap3A_22 = arith.constant 0 : index
    %swap3A_23 = vector.load %arg14[%swap3A_19, %swap3A_20, %swap3A_21, %swap3A_22] : memref<1x8x960x32xf32, #tpu.memory_space<vmem>>, vector<1x1x960x32xf32>
    %swap3A_24 = vector.shape_cast %swap3A_23 : vector<1x1x960x32xf32> to vector<960x32xf32>
    %swap3A_25 = vector.shape_cast %slice3A_18 : vector<960x32xf32> to vector<1x1x960x32xf32>
    tpu.vector_store %arg14[%swap3A_19, %swap3A_20, %swap3A_21, %swap3A_22], %swap3A_25 {strides = array<i32>} : memref<1x8x960x32xf32, #tpu.memory_space<vmem>>, vector<1x1x960x32xf32>,
    %slice3A_26 = vector.extract_strided_slice %add3A_11 {offsets = [0, 64], sizes = [960, 32], strides = [1, 1]} : vector<960x256xf32> to vector<960x32xf32>
    %swap3A_27 = arith.constant 0 : index
    %swap3A_28 = arith.constant 2 : index
    %swap3A_29 = arith.constant 0 : index
    %swap3A_30 = arith.constant 0 : index
    %swap3A_31 = vector.load %arg14[%swap3A_27, %swap3A_28, %swap3A_29, %swap3A_30] : memref<1x8x960x32xf32, #tpu.memory_space<vmem>>, vector<1x1x960x32xf32>
    %swap3A_32 = vector.shape_cast %swap3A_31 : vector<1x1x960x32xf32> to vector<960x32xf32>
    %swap3A_33 = vector.shape_cast %slice3A_26 : vector<960x32xf32> to vector<1x1x960x32xf32>
    tpu.vector_store %arg14[%swap3A_27, %swap3A_28, %swap3A_29, %swap3A_30], %swap3A_33 {strides = array<i32>} : memref<1x8x960x32xf32, #tpu.memory_space<vmem>>, vector<1x1x960x32xf32>,
    %slice3A_34 = vector.extract_strided_slice %add3A_11 {offsets = [0, 96], sizes = [960, 32], strides = [1, 1]} : vector<960x256xf32> to vector<960x32xf32>
    %swap3A_35 = arith.constant 0 : index
    %swap3A_36 = arith.constant 3 : index
    %swap3A_37 = arith.constant 0 : index
    %swap3A_38 = arith.constant 0 : index
    %swap3A_39 = vector.load %arg14[%swap3A_35, %swap3A_36, %swap3A_37, %swap3A_38] : memref<1x8x960x32xf32, #tpu.memory_space<vmem>>, vector<1x1x960x32xf32>
    %swap3A_40 = vector.shape_cast %swap3A_39 : vector<1x1x960x32xf32> to vector<960x32xf32>
    %swap3A_41 = vector.shape_cast %slice3A_34 : vector<960x32xf32> to vector<1x1x960x32xf32>
    tpu.vector_store %arg14[%swap3A_35, %swap3A_36, %swap3A_37, %swap3A_38], %swap3A_41 {strides = array<i32>} : memref<1x8x960x32xf32, #tpu.memory_space<vmem>>, vector<1x1x960x32xf32>,
    %slice3A_42 = vector.extract_strided_slice %add3A_11 {offsets = [0, 128], sizes = [960, 32], strides = [1, 1]} : vector<960x256xf32> to vector<960x32xf32>
    %swap3A_43 = arith.constant 0 : index
    %swap3A_44 = arith.constant 4 : index
    %swap3A_45 = arith.constant 0 : index
    %swap3A_46 = arith.constant 0 : index
    %swap3A_47 = vector.load %arg14[%swap3A_43, %swap3A_44, %swap3A_45, %swap3A_46] : memref<1x8x960x32xf32, #tpu.memory_space<vmem>>, vector<1x1x960x32xf32>
    %swap3A_48 = vector.shape_cast %swap3A_47 : vector<1x1x960x32xf32> to vector<960x32xf32>
    %swap3A_49 = vector.shape_cast %slice3A_42 : vector<960x32xf32> to vector<1x1x960x32xf32>
    tpu.vector_store %arg14[%swap3A_43, %swap3A_44, %swap3A_45, %swap3A_46], %swap3A_49 {strides = array<i32>} : memref<1x8x960x32xf32, #tpu.memory_space<vmem>>, vector<1x1x960x32xf32>,
    %slice3A_50 = vector.extract_strided_slice %add3A_11 {offsets = [0, 160], sizes = [960, 32], strides = [1, 1]} : vector<960x256xf32> to vector<960x32xf32>
    %swap3A_51 = arith.constant 0 : index
    %swap3A_52 = arith.constant 5 : index
    %swap3A_53 = arith.constant 0 : index
    %swap3A_54 = arith.constant 0 : index
    %swap3A_55 = vector.load %arg14[%swap3A_51, %swap3A_52, %swap3A_53, %swap3A_54] : memref<1x8x960x32xf32, #tpu.memory_space<vmem>>, vector<1x1x960x32xf32>
    %swap3A_56 = vector.shape_cast %swap3A_55 : vector<1x1x960x32xf32> to vector<960x32xf32>
    %swap3A_57 = vector.shape_cast %slice3A_50 : vector<960x32xf32> to vector<1x1x960x32xf32>
    tpu.vector_store %arg14[%swap3A_51, %swap3A_52, %swap3A_53, %swap3A_54], %swap3A_57 {strides = array<i32>} : memref<1x8x960x32xf32, #tpu.memory_space<vmem>>, vector<1x1x960x32xf32>,
    %slice3A_58 = vector.extract_strided_slice %add3A_11 {offsets = [0, 192], sizes = [960, 32], strides = [1, 1]} : vector<960x256xf32> to vector<960x32xf32>
    %swap3A_59 = arith.constant 0 : index
    %swap3A_60 = arith.constant 6 : index
    %swap3A_61 = arith.constant 0 : index
    %swap3A_62 = arith.constant 0 : index
    %swap3A_63 = vector.load %arg14[%swap3A_59, %swap3A_60, %swap3A_61, %swap3A_62] : memref<1x8x960x32xf32, #tpu.memory_space<vmem>>, vector<1x1x960x32xf32>
    %swap3A_64 = vector.shape_cast %swap3A_63 : vector<1x1x960x32xf32> to vector<960x32xf32>
    %swap3A_65 = vector.shape_cast %slice3A_58 : vector<960x32xf32> to vector<1x1x960x32xf32>
    tpu.vector_store %arg14[%swap3A_59, %swap3A_60, %swap3A_61, %swap3A_62], %swap3A_65 {strides = array<i32>} : memref<1x8x960x32xf32, #tpu.memory_space<vmem>>, vector<1x1x960x32xf32>,
    %slice3A_66 = vector.extract_strided_slice %add3A_11 {offsets = [0, 224], sizes = [960, 32], strides = [1, 1]} : vector<960x256xf32> to vector<960x32xf32>
    %swap3A_67 = arith.constant 0 : index
    %swap3A_68 = arith.constant 7 : index
    %swap3A_69 = arith.constant 0 : index
    %swap3A_70 = arith.constant 0 : index
    %swap3A_71 = vector.load %arg14[%swap3A_67, %swap3A_68, %swap3A_69, %swap3A_70] : memref<1x8x960x32xf32, #tpu.memory_space<vmem>>, vector<1x1x960x32xf32>
    %swap3A_72 = vector.shape_cast %swap3A_71 : vector<1x1x960x32xf32> to vector<960x32xf32>
    %swap3A_73 = vector.shape_cast %slice3A_66 : vector<960x32xf32> to vector<1x1x960x32xf32>
    tpu.vector_store %arg14[%swap3A_67, %swap3A_68, %swap3A_69, %swap3A_70], %swap3A_73 {strides = array<i32>} : memref<1x8x960x32xf32, #tpu.memory_space<vmem>>, vector<1x1x960x32xf32>,
    %get3A_74 = arith.constant 0 : index
    %get3A_75 = arith.constant 0 : index
    %get3A_76 = arith.constant 0 : index
    %get3A_77 = vector.load %arg5[%get3A_74, %get3A_75, %get3A_76] : memref<1x512x256xf32, #tpu.memory_space<vmem>>, vector<1x512x256xf32>
    %get3A_78 = vector.shape_cast %get3A_77 : vector<1x512x256xf32> to vector<512x256xf32>
    %get3A_79 = arith.constant 0 : index
    %get3A_80 = arith.constant 0 : index
    %get3A_81 = vector.load %arg7[%get3A_79, %get3A_80] : memref<256x128xf32, #tpu.memory_space<vmem>>, vector<256x128xf32>
    %dot_general3A_82 = arith.constant dense<0.000000e+00> : vector<512x128xf32>
    %dot_general3A_83 = tpu.matmul %get3A_78, %get3A_81, %dot_general3A_82 {dimension_numbers = #tpu.dot_dimension_numbers<[1], [0], [0], [1], [0, 0, 1, 1], [], []>, precision = #tpu.contract_precision<fp32>, transpose_lhs_hint = false} : vector<512x256xf32>, vector<256x128xf32>, vector<512x128xf32> -> vector<512x128xf32>
    %get3A_84 = arith.constant 0 : index
    %get3A_85 = arith.constant 0 : index
    %get3A_86 = vector.load %arg8[%get3A_84, %get3A_85] : memref<1x128xf32, #tpu.memory_space<vmem>>, vector<1x128xf32>
    %add3A_87 = vector.broadcast %get3A_86 : vector<1x128xf32> to vector<512x128xf32>
    %add3A_88 = arith.addf %dot_general3A_83, %add3A_87 : vector<512x128xf32>
    %get3A_89 = arith.constant 0 : index
    %get3A_90 = arith.constant 0 : index
    %get3A_91 = vector.load %arg9[%get3A_89, %get3A_90] : memref<256x128xf32, #tpu.memory_space<vmem>>, vector<256x128xf32>
    %dot_general3A_92 = arith.constant dense<0.000000e+00> : vector<512x128xf32>
    %dot_general3A_93 = tpu.matmul %get3A_78, %get3A_91, %dot_general3A_92 {dimension_numbers = #tpu.dot_dimension_numbers<[1], [0], [0], [1], [0, 0, 1, 1], [], []>, precision = #tpu.contract_precision<fp32>, transpose_lhs_hint = false} : vector<512x256xf32>, vector<256x128xf32>, vector<512x128xf32> -> vector<512x128xf32>
    %get3A_94 = arith.constant 0 : index
    %get3A_95 = arith.constant 0 : index
    %get3A_96 = vector.load %arg10[%get3A_94, %get3A_95] : memref<1x128xf32, #tpu.memory_space<vmem>>, vector<1x128xf32>
    %add3A_97 = vector.broadcast %get3A_96 : vector<1x128xf32> to vector<512x128xf32>
    %add3A_98 = arith.addf %dot_general3A_93, %add3A_97 : vector<512x128xf32>
    %reshape3A = vector.shape_cast %add3A_98 : vector<512x128xf32> to vector<512x8x16xf32>
    %reduce_max3A = arith.constant dense<0xFF800000> : vector<512x8xf32>
    %reduce_max3A_99 = vector.multi_reduction <maximumf>, %reshape3A, %reduce_max3A [2] : vector<512x8x16xf32> to vector<512x8xf32>
    %broadcast_in_dim3A = vector.shape_cast %reduce_max3A_99 : vector<512x8xf32> to vector<512x8x1xf32>
    %sub3A = vector.broadcast %broadcast_in_dim3A : vector<512x8x1xf32> to vector<512x8x16xf32>
    %sub3A_100 = arith.subf %reshape3A, %sub3A : vector<512x8x16xf32>
    %exp3A = math.exp %sub3A_100 : vector<512x8x16xf32>
    %reduce_sum3A = arith.constant dense<0.000000e+00> : vector<512x8xf32>
    %reduce_sum3A_101 = vector.multi_reduction <add>, %exp3A, %reduce_sum3A [2] : vector<512x8x16xf32> to vector<512x8xf32>
    %broadcast_in_dim3A_102 = vector.shape_cast %reduce_sum3A_101 : vector<512x8xf32> to vector<512x8x1xf32>
    %div3A = arith.constant 1.000000e+00 : f32
    %div3A_103 = vector.broadcast %div3A : f32 to vector<512x8x1xf32>
    %div3A_104 = arith.divf %div3A_103, %broadcast_in_dim3A_102 : vector<512x8x1xf32>
    %mul3A = vector.broadcast %div3A_104 : vector<512x8x1xf32> to vector<512x8x16xf32>
    %mul3A_105 = arith.mulf %exp3A, %mul3A : vector<512x8x16xf32>
    %reshape3A_106 = vector.shape_cast %mul3A_105 : vector<512x8x16xf32> to vector<512x128xf32>
    %swap3A_107 = arith.constant 0 : index
    %swap3A_108 = arith.constant 0 : index
    %swap3A_109 = arith.constant 0 : index
    %swap3A_110 = vector.load %arg16[%swap3A_107, %swap3A_108, %swap3A_109] : memref<1x512x128xf32, #tpu.memory_space<vmem>>, vector<1x512x128xf32>
    %swap3A_111 = vector.shape_cast %swap3A_110 : vector<1x512x128xf32> to vector<512x128xf32>
    %swap3A_112 = vector.shape_cast %reshape3A_106 : vector<512x128xf32> to vector<1x512x128xf32>
    tpu.vector_store %arg16[%swap3A_107, %swap3A_108, %swap3A_109], %swap3A_112 {strides = array<i32>} : memref<1x512x128xf32, #tpu.memory_space<vmem>>, vector<1x512x128xf32>,
    %get3A_113 = arith.constant 0 : index
    %get3A_114 = arith.constant 0 : index
    %get3A_115 = vector.load %arg11[%get3A_113, %get3A_114] : memref<1x128xf32, #tpu.memory_space<vmem>>, vector<1x128xf32>
    %get3A_116 = arith.constant 0 : index
    %get3A_117 = arith.constant 0 : index
    %get3A_118 = arith.constant 0 : index
    %get3A_119 = vector.load %arg6[%get3A_116, %get3A_117, %get3A_118] : memref<1x512x4xf32, #tpu.memory_space<vmem>>, vector<1x512x4xf32>
    %get3A_120 = vector.shape_cast %get3A_119 : vector<1x512x4xf32> to vector<512x4xf32>
    %get3A_121 = arith.constant 0 : index
    %get3A_122 = arith.constant 0 : index
    %get3A_123 = vector.load %arg13[%get3A_121, %get3A_122] : memref<4x128xf32, #tpu.memory_space<vmem>>, vector<4x128xf32>
    %dot_general3A_124 = arith.constant dense<0.000000e+00> : vector<512x128xf32>
    %dot_general3A_125 = tpu.matmul %get3A_120, %get3A_123, %dot_general3A_124 {dimension_numbers = #tpu.dot_dimension_numbers<[1], [0], [0], [1], [0, 0, 1, 1], [], []>, precision = #tpu.contract_precision<fp32>, transpose_lhs_hint = false} : vector<512x4xf32>, vector<4x128xf32>, vector<512x128xf32> -> vector<512x128xf32>
    %div3A_126 = vector.broadcast %get3A_115 : vector<1x128xf32> to vector<512x128xf32>
    %div3A_127 = arith.divf %add3A_88, %div3A_126 : vector<512x128xf32>
    %add3A_128 = arith.addf %dot_general3A_125, %div3A_127 : vector<512x128xf32>
    %swap3A_129 = arith.constant 0 : index
    %swap3A_130 = arith.constant 0 : index
    %swap3A_131 = arith.constant 0 : index
    %swap3A_132 = vector.load %arg15[%swap3A_129, %swap3A_130, %swap3A_131] : memref<1x512x128xf32, #tpu.memory_space<vmem>>, vector<1x512x128xf32>
    %swap3A_133 = vector.shape_cast %swap3A_132 : vector<1x512x128xf32> to vector<512x128xf32>
    %swap3A_134 = vector.shape_cast %add3A_128 : vector<512x128xf32> to vector<1x512x128xf32>
    tpu.vector_store %arg15[%swap3A_129, %swap3A_130, %swap3A_131], %swap3A_134 {strides = array<i32>} : memref<1x512x128xf32, #tpu.memory_space<vmem>>, vector<1x512x128xf32>,
    %mul3A_135 = arith.constant 2.000000e+00 : f32
    %mul3A_136 = vector.broadcast %mul3A_135 : f32 to vector<512x128xf32>
    %mul3A_137 = arith.mulf %mul3A_136, %add3A_128 : vector<512x128xf32>
    %sub3A_138 = arith.constant 1.000000e+00 : f32
    %sub3A_139 = vector.broadcast %sub3A_138 : f32 to vector<512x128xf32>
    %sub3A_140 = arith.subf %mul3A_137, %sub3A_139 : vector<512x128xf32>
    %add3A_141 = arith.constant 1.000000e+00 : f32
    %add3A_142 = vector.broadcast %add3A_141 : f32 to vector<512x128xf32>
    %add3A_143 = arith.addf %sub3A_140, %add3A_142 : vector<512x128xf32>
    %mul3A_144 = vector.broadcast %get3A_115 : vector<1x128xf32> to vector<512x128xf32>
    %mul3A_145 = arith.mulf %add3A_143, %mul3A_144 : vector<512x128xf32>
    %sub3A_146 = arith.constant 1.000000e+00 : f32
    %sub3A_147 = vector.broadcast %sub3A_146 : f32 to vector<512x128xf32>
    %sub3A_148 = arith.subf %mul3A_145, %sub3A_147 : vector<512x128xf32>
    %mul3A_149 = arith.constant 5.000000e-01 : f32
    %mul3A_150 = vector.broadcast %mul3A_149 : f32 to vector<512x128xf32>
    %mul3A_151 = arith.mulf %sub3A_148, %mul3A_150 : vector<512x128xf32>
    %floor3A = math.floor %mul3A_151 : vector<512x128xf32>
    %sub3A_152 = arith.subf %mul3A_151, %floor3A : vector<512x128xf32>
    %sub3A_153 = arith.constant 1.000000e+00 : f32
    %sub3A_154 = vector.broadcast %sub3A_153 : f32 to vector<512x128xf32>
    %sub3A_155 = arith.subf %sub3A_154, %sub3A_152 : vector<512x128xf32>
    %convert_element_type3A = arith.fptosi %floor3A : vector<512x128xf32> to vector<512x128xi32>
    %add3A_156 = arith.constant 1 : i32
    %add3A_157 = vector.broadcast %add3A_156 : i32 to vector<512x128xi32>
    %add3A_158 = arith.addi %convert_element_type3A, %add3A_157 : vector<512x128xi32>
    %convert_element_type3A_159 = arith.fptosi %get3A_115 : vector<1x128xf32> to vector<1x128xi32>
    %get3A_160 = arith.constant 0 : index
    %get3A_161 = arith.constant 0 : index
    %get3A_162 = vector.load %arg12[%get3A_160, %get3A_161] : memref<1x128xi32, #tpu.memory_space<vmem>>, vector<1x128xi32>
    %ge3A = arith.constant 0 : i32
    %ge3A_163 = vector.broadcast %ge3A : i32 to vector<512x128xi32>
    %ge3A_164 = arith.cmpi sge, %convert_element_type3A, %ge3A_163 : vector<512x128xi32>
    %lt3A = vector.broadcast %convert_element_type3A_159 : vector<1x128xi32> to vector<512x128xi32>
    %lt3A_165 = arith.cmpi slt, %convert_element_type3A, %lt3A : vector<512x128xi32>
    %and3A = arith.andi %ge3A_164, %lt3A_165 : vector<512x128xi1>
    %convert_element_type3A_166 = arith.extui %and3A : vector<512x128xi1> to vector<512x128xi32>
    %convert_element_type3A_167 = arith.sitofp %convert_element_type3A_166 : vector<512x128xi32> to vector<512x128xf32>
    %ge3A_168 = arith.constant 0 : i32
    %ge3A_169 = vector.broadcast %ge3A_168 : i32 to vector<512x128xi32>
    %ge3A_170 = arith.cmpi sge, %add3A_158, %ge3A_169 : vector<512x128xi32>
    %lt3A_171 = vector.broadcast %convert_element_type3A_159 : vector<1x128xi32> to vector<512x128xi32>
    %lt3A_172 = arith.cmpi slt, %add3A_158, %lt3A_171 : vector<512x128xi32>
    %and3A_173 = arith.andi %ge3A_170, %lt3A_172 : vector<512x128xi1>
    %convert_element_type3A_174 = arith.extui %and3A_173 : vector<512x128xi1> to vector<512x128xi32>
    %convert_element_type3A_175 = arith.sitofp %convert_element_type3A_174 : vector<512x128xi32> to vector<512x128xf32>
    %sub3A_176 = arith.constant 1 : i32
    %sub3A_177 = vector.broadcast %sub3A_176 : i32 to vector<1x128xi32>
    %sub3A_178 = arith.subi %convert_element_type3A_159, %sub3A_177 : vector<1x128xi32>
    %jit3A = arith.constant 0 : i32
    %max3A = vector.broadcast %jit3A : i32 to vector<512x128xi32>
    %max3A_179 = arith.maxsi %max3A, %convert_element_type3A : vector<512x128xi32>
    %min3A = vector.broadcast %sub3A_178 : vector<1x128xi32> to vector<512x128xi32>
    %min3A_180 = arith.minsi %min3A, %max3A_179 : vector<512x128xi32>
    %add3A_181 = vector.broadcast %get3A_162 : vector<1x128xi32> to vector<512x128xi32>
    %add3A_182 = arith.addi %min3A_180, %add3A_181 : vector<512x128xi32>
    %sub3A_183 = arith.constant 1 : i32
    %sub3A_184 = vector.broadcast %sub3A_183 : i32 to vector<1x128xi32>
    %sub3A_185 = arith.subi %convert_element_type3A_159, %sub3A_184 : vector<1x128xi32>
    %jit3A_186 = arith.constant 0 : i32
    %max3A_187 = vector.broadcast %jit3A_186 : i32 to vector<512x128xi32>
    %max3A_188 = arith.maxsi %max3A_187, %add3A_158 : vector<512x128xi32>
    %min3A_189 = vector.broadcast %sub3A_185 : vector<1x128xi32> to vector<512x128xi32>
    %min3A_190 = arith.minsi %min3A_189, %max3A_188 : vector<512x128xi32>
    %add3A_191 = vector.broadcast %get3A_162 : vector<1x128xi32> to vector<512x128xi32>
    %add3A_192 = arith.addi %min3A_190, %add3A_191 : vector<512x128xi32>
    %mul3A_193 = arith.mulf %reshape3A_106, %sub3A_155 : vector<512x128xf32>
    %mul3A_194 = arith.mulf %mul3A_193, %convert_element_type3A_167 : vector<512x128xf32>
    %mul3A_195 = arith.mulf %reshape3A_106, %sub3A_152 : vector<512x128xf32>
    %mul3A_196 = arith.mulf %mul3A_195, %convert_element_type3A_175 : vector<512x128xf32>
    %bitcast_convert_type3A = tpu.bitcast %mul3A_194 : vector<512x128xf32> -> vector<512x128xi32>
    %add3A_197 = arith.constant 32768 : i32
    %add3A_198 = vector.broadcast %add3A_197 : i32 to vector<512x128xi32>
    %add3A_199 = arith.addi %bitcast_convert_type3A, %add3A_198 : vector<512x128xi32>
    %shift_right_arithmetic3A = arith.constant 16 : i32
    %shift_right_arithmetic3A_200 = vector.broadcast %shift_right_arithmetic3A : i32 to vector<512x128xi32>
    %shift_right_arithmetic3A_201 = arith.shrsi %add3A_199, %shift_right_arithmetic3A_200 : vector<512x128xi32>
    %bitcast_convert_type3A_202 = tpu.bitcast %mul3A_196 : vector<512x128xf32> -> vector<512x128xi32>
    %add3A_203 = arith.constant 32768 : i32
    %add3A_204 = vector.broadcast %add3A_203 : i32 to vector<512x128xi32>
    %add3A_205 = arith.addi %bitcast_convert_type3A_202, %add3A_204 : vector<512x128xi32>
    %shift_right_arithmetic3A_206 = arith.constant 16 : i32
    %shift_right_arithmetic3A_207 = vector.broadcast %shift_right_arithmetic3A_206 : i32 to vector<512x128xi32>
    %shift_right_arithmetic3A_208 = arith.shrsi %add3A_205, %shift_right_arithmetic3A_207 : vector<512x128xi32>
    %shift_left3A = arith.constant 16 : i32
    %shift_left3A_209 = vector.broadcast %shift_left3A : i32 to vector<512x128xi32>
    %shift_left3A_210 = arith.shli %add3A_182, %shift_left3A_209 : vector<512x128xi32>
    %and3A_211 = arith.constant 65535 : i32
    %and3A_212 = vector.broadcast %and3A_211 : i32 to vector<512x128xi32>
    %and3A_213 = arith.andi %shift_right_arithmetic3A_201, %and3A_212 : vector<512x128xi32>
    %or3A = arith.ori %shift_left3A_210, %and3A_213 : vector<512x128xi32>
    %shift_left3A_214 = arith.constant 16 : i32
    %shift_left3A_215 = vector.broadcast %shift_left3A_214 : i32 to vector<512x128xi32>
    %shift_left3A_216 = arith.shli %add3A_192, %shift_left3A_215 : vector<512x128xi32>
    %and3A_217 = arith.constant 65535 : i32
    %and3A_218 = vector.broadcast %and3A_217 : i32 to vector<512x128xi32>
    %and3A_219 = arith.andi %shift_right_arithmetic3A_208, %and3A_218 : vector<512x128xi32>
    %or3A_220 = arith.ori %shift_left3A_216, %and3A_219 : vector<512x128xi32>
    %slice3A_221 = vector.extract_strided_slice %or3A {offsets = [0, 0], sizes = [512, 16], strides = [1, 1]} : vector<512x128xi32> to vector<512x16xi32>
    %swap3A_222 = arith.constant 0 : index
    %swap3A_223 = arith.constant 0 : index
    %swap3A_224 = arith.constant 0 : index
    %swap3A_225 = arith.constant 0 : index
    %swap3A_226 = vector.load %arg17[%swap3A_222, %swap3A_223, %swap3A_224, %swap3A_225] : memref<1x8x512x16xi32, #tpu.memory_space<vmem>>, vector<1x1x512x16xi32>
    %swap3A_227 = vector.shape_cast %swap3A_226 : vector<1x1x512x16xi32> to vector<512x16xi32>
    %swap3A_228 = vector.shape_cast %slice3A_221 : vector<512x16xi32> to vector<1x1x512x16xi32>
    tpu.vector_store %arg17[%swap3A_222, %swap3A_223, %swap3A_224, %swap3A_225], %swap3A_228 {strides = array<i32>} : memref<1x8x512x16xi32, #tpu.memory_space<vmem>>, vector<1x1x512x16xi32>,
    %slice3A_229 = vector.extract_strided_slice %or3A_220 {offsets = [0, 0], sizes = [512, 16], strides = [1, 1]} : vector<512x128xi32> to vector<512x16xi32>
    %swap3A_230 = arith.constant 0 : index
    %swap3A_231 = arith.constant 0 : index
    %swap3A_232 = arith.constant 0 : index
    %swap3A_233 = arith.constant 0 : index
    %swap3A_234 = vector.load %arg18[%swap3A_230, %swap3A_231, %swap3A_232, %swap3A_233] : memref<1x8x512x16xi32, #tpu.memory_space<vmem>>, vector<1x1x512x16xi32>
    %swap3A_235 = vector.shape_cast %swap3A_234 : vector<1x1x512x16xi32> to vector<512x16xi32>
    %swap3A_236 = vector.shape_cast %slice3A_229 : vector<512x16xi32> to vector<1x1x512x16xi32>
    tpu.vector_store %arg18[%swap3A_230, %swap3A_231, %swap3A_232, %swap3A_233], %swap3A_236 {strides = array<i32>} : memref<1x8x512x16xi32, #tpu.memory_space<vmem>>, vector<1x1x512x16xi32>,
    %slice3A_237 = vector.extract_strided_slice %or3A {offsets = [0, 16], sizes = [512, 16], strides = [1, 1]} : vector<512x128xi32> to vector<512x16xi32>
    %swap3A_238 = arith.constant 0 : index
    %swap3A_239 = arith.constant 1 : index
    %swap3A_240 = arith.constant 0 : index
    %swap3A_241 = arith.constant 0 : index
    %swap3A_242 = vector.load %arg17[%swap3A_238, %swap3A_239, %swap3A_240, %swap3A_241] : memref<1x8x512x16xi32, #tpu.memory_space<vmem>>, vector<1x1x512x16xi32>
    %swap3A_243 = vector.shape_cast %swap3A_242 : vector<1x1x512x16xi32> to vector<512x16xi32>
    %swap3A_244 = vector.shape_cast %slice3A_237 : vector<512x16xi32> to vector<1x1x512x16xi32>
    tpu.vector_store %arg17[%swap3A_238, %swap3A_239, %swap3A_240, %swap3A_241], %swap3A_244 {strides = array<i32>} : memref<1x8x512x16xi32, #tpu.memory_space<vmem>>, vector<1x1x512x16xi32>,
    %slice3A_245 = vector.extract_strided_slice %or3A_220 {offsets = [0, 16], sizes = [512, 16], strides = [1, 1]} : vector<512x128xi32> to vector<512x16xi32>
    %swap3A_246 = arith.constant 0 : index
    %swap3A_247 = arith.constant 1 : index
    %swap3A_248 = arith.constant 0 : index
    %swap3A_249 = arith.constant 0 : index
    %swap3A_250 = vector.load %arg18[%swap3A_246, %swap3A_247, %swap3A_248, %swap3A_249] : memref<1x8x512x16xi32, #tpu.memory_space<vmem>>, vector<1x1x512x16xi32>
    %swap3A_251 = vector.shape_cast %swap3A_250 : vector<1x1x512x16xi32> to vector<512x16xi32>
    %swap3A_252 = vector.shape_cast %slice3A_245 : vector<512x16xi32> to vector<1x1x512x16xi32>
    tpu.vector_store %arg18[%swap3A_246, %swap3A_247, %swap3A_248, %swap3A_249], %swap3A_252 {strides = array<i32>} : memref<1x8x512x16xi32, #tpu.memory_space<vmem>>, vector<1x1x512x16xi32>,
    %slice3A_253 = vector.extract_strided_slice %or3A {offsets = [0, 32], sizes = [512, 16], strides = [1, 1]} : vector<512x128xi32> to vector<512x16xi32>
    %swap3A_254 = arith.constant 0 : index
    %swap3A_255 = arith.constant 2 : index
    %swap3A_256 = arith.constant 0 : index
    %swap3A_257 = arith.constant 0 : index
    %swap3A_258 = vector.load %arg17[%swap3A_254, %swap3A_255, %swap3A_256, %swap3A_257] : memref<1x8x512x16xi32, #tpu.memory_space<vmem>>, vector<1x1x512x16xi32>
    %swap3A_259 = vector.shape_cast %swap3A_258 : vector<1x1x512x16xi32> to vector<512x16xi32>
    %swap3A_260 = vector.shape_cast %slice3A_253 : vector<512x16xi32> to vector<1x1x512x16xi32>
    tpu.vector_store %arg17[%swap3A_254, %swap3A_255, %swap3A_256, %swap3A_257], %swap3A_260 {strides = array<i32>} : memref<1x8x512x16xi32, #tpu.memory_space<vmem>>, vector<1x1x512x16xi32>,
    %slice3A_261 = vector.extract_strided_slice %or3A_220 {offsets = [0, 32], sizes = [512, 16], strides = [1, 1]} : vector<512x128xi32> to vector<512x16xi32>
    %swap3A_262 = arith.constant 0 : index
    %swap3A_263 = arith.constant 2 : index
    %swap3A_264 = arith.constant 0 : index
    %swap3A_265 = arith.constant 0 : index
    %swap3A_266 = vector.load %arg18[%swap3A_262, %swap3A_263, %swap3A_264, %swap3A_265] : memref<1x8x512x16xi32, #tpu.memory_space<vmem>>, vector<1x1x512x16xi32>
    %swap3A_267 = vector.shape_cast %swap3A_266 : vector<1x1x512x16xi32> to vector<512x16xi32>
    %swap3A_268 = vector.shape_cast %slice3A_261 : vector<512x16xi32> to vector<1x1x512x16xi32>
    tpu.vector_store %arg18[%swap3A_262, %swap3A_263, %swap3A_264, %swap3A_265], %swap3A_268 {strides = array<i32>} : memref<1x8x512x16xi32, #tpu.memory_space<vmem>>, vector<1x1x512x16xi32>,
    %slice3A_269 = vector.extract_strided_slice %or3A {offsets = [0, 48], sizes = [512, 16], strides = [1, 1]} : vector<512x128xi32> to vector<512x16xi32>
    %swap3A_270 = arith.constant 0 : index
    %swap3A_271 = arith.constant 3 : index
    %swap3A_272 = arith.constant 0 : index
    %swap3A_273 = arith.constant 0 : index
    %swap3A_274 = vector.load %arg17[%swap3A_270, %swap3A_271, %swap3A_272, %swap3A_273] : memref<1x8x512x16xi32, #tpu.memory_space<vmem>>, vector<1x1x512x16xi32>
    %swap3A_275 = vector.shape_cast %swap3A_274 : vector<1x1x512x16xi32> to vector<512x16xi32>
    %swap3A_276 = vector.shape_cast %slice3A_269 : vector<512x16xi32> to vector<1x1x512x16xi32>
    tpu.vector_store %arg17[%swap3A_270, %swap3A_271, %swap3A_272, %swap3A_273], %swap3A_276 {strides = array<i32>} : memref<1x8x512x16xi32, #tpu.memory_space<vmem>>, vector<1x1x512x16xi32>,
    %slice3A_277 = vector.extract_strided_slice %or3A_220 {offsets = [0, 48], sizes = [512, 16], strides = [1, 1]} : vector<512x128xi32> to vector<512x16xi32>
    %swap3A_278 = arith.constant 0 : index
    %swap3A_279 = arith.constant 3 : index
    %swap3A_280 = arith.constant 0 : index
    %swap3A_281 = arith.constant 0 : index
    %swap3A_282 = vector.load %arg18[%swap3A_278, %swap3A_279, %swap3A_280, %swap3A_281] : memref<1x8x512x16xi32, #tpu.memory_space<vmem>>, vector<1x1x512x16xi32>
    %swap3A_283 = vector.shape_cast %swap3A_282 : vector<1x1x512x16xi32> to vector<512x16xi32>
    %swap3A_284 = vector.shape_cast %slice3A_277 : vector<512x16xi32> to vector<1x1x512x16xi32>
    tpu.vector_store %arg18[%swap3A_278, %swap3A_279, %swap3A_280, %swap3A_281], %swap3A_284 {strides = array<i32>} : memref<1x8x512x16xi32, #tpu.memory_space<vmem>>, vector<1x1x512x16xi32>,
    %slice3A_285 = vector.extract_strided_slice %or3A {offsets = [0, 64], sizes = [512, 16], strides = [1, 1]} : vector<512x128xi32> to vector<512x16xi32>
    %swap3A_286 = arith.constant 0 : index
    %swap3A_287 = arith.constant 4 : index
    %swap3A_288 = arith.constant 0 : index
    %swap3A_289 = arith.constant 0 : index
    %swap3A_290 = vector.load %arg17[%swap3A_286, %swap3A_287, %swap3A_288, %swap3A_289] : memref<1x8x512x16xi32, #tpu.memory_space<vmem>>, vector<1x1x512x16xi32>
    %swap3A_291 = vector.shape_cast %swap3A_290 : vector<1x1x512x16xi32> to vector<512x16xi32>
    %swap3A_292 = vector.shape_cast %slice3A_285 : vector<512x16xi32> to vector<1x1x512x16xi32>
    tpu.vector_store %arg17[%swap3A_286, %swap3A_287, %swap3A_288, %swap3A_289], %swap3A_292 {strides = array<i32>} : memref<1x8x512x16xi32, #tpu.memory_space<vmem>>, vector<1x1x512x16xi32>,
    %slice3A_293 = vector.extract_strided_slice %or3A_220 {offsets = [0, 64], sizes = [512, 16], strides = [1, 1]} : vector<512x128xi32> to vector<512x16xi32>
    %swap3A_294 = arith.constant 0 : index
    %swap3A_295 = arith.constant 4 : index
    %swap3A_296 = arith.constant 0 : index
    %swap3A_297 = arith.constant 0 : index
    %swap3A_298 = vector.load %arg18[%swap3A_294, %swap3A_295, %swap3A_296, %swap3A_297] : memref<1x8x512x16xi32, #tpu.memory_space<vmem>>, vector<1x1x512x16xi32>
    %swap3A_299 = vector.shape_cast %swap3A_298 : vector<1x1x512x16xi32> to vector<512x16xi32>
    %swap3A_300 = vector.shape_cast %slice3A_293 : vector<512x16xi32> to vector<1x1x512x16xi32>
    tpu.vector_store %arg18[%swap3A_294, %swap3A_295, %swap3A_296, %swap3A_297], %swap3A_300 {strides = array<i32>} : memref<1x8x512x16xi32, #tpu.memory_space<vmem>>, vector<1x1x512x16xi32>,
    %slice3A_301 = vector.extract_strided_slice %or3A {offsets = [0, 80], sizes = [512, 16], strides = [1, 1]} : vector<512x128xi32> to vector<512x16xi32>
    %swap3A_302 = arith.constant 0 : index
    %swap3A_303 = arith.constant 5 : index
    %swap3A_304 = arith.constant 0 : index
    %swap3A_305 = arith.constant 0 : index
    %swap3A_306 = vector.load %arg17[%swap3A_302, %swap3A_303, %swap3A_304, %swap3A_305] : memref<1x8x512x16xi32, #tpu.memory_space<vmem>>, vector<1x1x512x16xi32>
    %swap3A_307 = vector.shape_cast %swap3A_306 : vector<1x1x512x16xi32> to vector<512x16xi32>
    %swap3A_308 = vector.shape_cast %slice3A_301 : vector<512x16xi32> to vector<1x1x512x16xi32>
    tpu.vector_store %arg17[%swap3A_302, %swap3A_303, %swap3A_304, %swap3A_305], %swap3A_308 {strides = array<i32>} : memref<1x8x512x16xi32, #tpu.memory_space<vmem>>, vector<1x1x512x16xi32>,
    %slice3A_309 = vector.extract_strided_slice %or3A_220 {offsets = [0, 80], sizes = [512, 16], strides = [1, 1]} : vector<512x128xi32> to vector<512x16xi32>
    %swap3A_310 = arith.constant 0 : index
    %swap3A_311 = arith.constant 5 : index
    %swap3A_312 = arith.constant 0 : index
    %swap3A_313 = arith.constant 0 : index
    %swap3A_314 = vector.load %arg18[%swap3A_310, %swap3A_311, %swap3A_312, %swap3A_313] : memref<1x8x512x16xi32, #tpu.memory_space<vmem>>, vector<1x1x512x16xi32>
    %swap3A_315 = vector.shape_cast %swap3A_314 : vector<1x1x512x16xi32> to vector<512x16xi32>
    %swap3A_316 = vector.shape_cast %slice3A_309 : vector<512x16xi32> to vector<1x1x512x16xi32>
    tpu.vector_store %arg18[%swap3A_310, %swap3A_311, %swap3A_312, %swap3A_313], %swap3A_316 {strides = array<i32>} : memref<1x8x512x16xi32, #tpu.memory_space<vmem>>, vector<1x1x512x16xi32>,
    %slice3A_317 = vector.extract_strided_slice %or3A {offsets = [0, 96], sizes = [512, 16], strides = [1, 1]} : vector<512x128xi32> to vector<512x16xi32>
    %swap3A_318 = arith.constant 0 : index
    %swap3A_319 = arith.constant 6 : index
    %swap3A_320 = arith.constant 0 : index
    %swap3A_321 = arith.constant 0 : index
    %swap3A_322 = vector.load %arg17[%swap3A_318, %swap3A_319, %swap3A_320, %swap3A_321] : memref<1x8x512x16xi32, #tpu.memory_space<vmem>>, vector<1x1x512x16xi32>
    %swap3A_323 = vector.shape_cast %swap3A_322 : vector<1x1x512x16xi32> to vector<512x16xi32>
    %swap3A_324 = vector.shape_cast %slice3A_317 : vector<512x16xi32> to vector<1x1x512x16xi32>
    tpu.vector_store %arg17[%swap3A_318, %swap3A_319, %swap3A_320, %swap3A_321], %swap3A_324 {strides = array<i32>} : memref<1x8x512x16xi32, #tpu.memory_space<vmem>>, vector<1x1x512x16xi32>,
    %slice3A_325 = vector.extract_strided_slice %or3A_220 {offsets = [0, 96], sizes = [512, 16], strides = [1, 1]} : vector<512x128xi32> to vector<512x16xi32>
    %swap3A_326 = arith.constant 0 : index
    %swap3A_327 = arith.constant 6 : index
    %swap3A_328 = arith.constant 0 : index
    %swap3A_329 = arith.constant 0 : index
    %swap3A_330 = vector.load %arg18[%swap3A_326, %swap3A_327, %swap3A_328, %swap3A_329] : memref<1x8x512x16xi32, #tpu.memory_space<vmem>>, vector<1x1x512x16xi32>
    %swap3A_331 = vector.shape_cast %swap3A_330 : vector<1x1x512x16xi32> to vector<512x16xi32>
    %swap3A_332 = vector.shape_cast %slice3A_325 : vector<512x16xi32> to vector<1x1x512x16xi32>
    tpu.vector_store %arg18[%swap3A_326, %swap3A_327, %swap3A_328, %swap3A_329], %swap3A_332 {strides = array<i32>} : memref<1x8x512x16xi32, #tpu.memory_space<vmem>>, vector<1x1x512x16xi32>,
    %slice3A_333 = vector.extract_strided_slice %or3A {offsets = [0, 112], sizes = [512, 16], strides = [1, 1]} : vector<512x128xi32> to vector<512x16xi32>
    %swap3A_334 = arith.constant 0 : index
    %swap3A_335 = arith.constant 7 : index
    %swap3A_336 = arith.constant 0 : index
    %swap3A_337 = arith.constant 0 : index
    %swap3A_338 = vector.load %arg17[%swap3A_334, %swap3A_335, %swap3A_336, %swap3A_337] : memref<1x8x512x16xi32, #tpu.memory_space<vmem>>, vector<1x1x512x16xi32>
    %swap3A_339 = vector.shape_cast %swap3A_338 : vector<1x1x512x16xi32> to vector<512x16xi32>
    %swap3A_340 = vector.shape_cast %slice3A_333 : vector<512x16xi32> to vector<1x1x512x16xi32>
    tpu.vector_store %arg17[%swap3A_334, %swap3A_335, %swap3A_336, %swap3A_337], %swap3A_340 {strides = array<i32>} : memref<1x8x512x16xi32, #tpu.memory_space<vmem>>, vector<1x1x512x16xi32>,
    %slice3A_341 = vector.extract_strided_slice %or3A_220 {offsets = [0, 112], sizes = [512, 16], strides = [1, 1]} : vector<512x128xi32> to vector<512x16xi32>
    %swap3A_342 = arith.constant 0 : index
    %swap3A_343 = arith.constant 7 : index
    %swap3A_344 = arith.constant 0 : index
    %swap3A_345 = arith.constant 0 : index
    %swap3A_346 = vector.load %arg18[%swap3A_342, %swap3A_343, %swap3A_344, %swap3A_345] : memref<1x8x512x16xi32, #tpu.memory_space<vmem>>, vector<1x1x512x16xi32>
    %swap3A_347 = vector.shape_cast %swap3A_346 : vector<1x1x512x16xi32> to vector<512x16xi32>
    %swap3A_348 = vector.shape_cast %slice3A_341 : vector<512x16xi32> to vector<1x1x512x16xi32>
    tpu.vector_store %arg18[%swap3A_342, %swap3A_343, %swap3A_344, %swap3A_345], %swap3A_348 {strides = array<i32>} : memref<1x8x512x16xi32, #tpu.memory_space<vmem>>, vector<1x1x512x16xi32>,
    return
  }
  func.func @transform_0(%arg0: i32, %arg1: i32) -> (i32, i32, i32) {
    %c0_i32 = arith.constant 0 : i32
    %c0_i32_0 = arith.constant 0 : i32
    return %arg0, %arg1, %c0_i32 : i32, i32, i32
  }
  func.func @transform_1(%arg0: i32, %arg1: i32) -> (i32, i32) {
    %c0_i32 = arith.constant 0 : i32
    %c0_i32_0 = arith.constant 0 : i32
    %c0_i32_1 = arith.constant 0 : i32
    return %c0_i32, %c0_i32_0 : i32, i32
  }
  func.func @transform_2(%arg0: i32, %arg1: i32) -> (i32, i32) {
    %c0_i32 = arith.constant 0 : i32
    %c0_i32_0 = arith.constant 0 : i32
    %c0_i32_1 = arith.constant 0 : i32
    return %c0_i32, %c0_i32_0 : i32, i32
  }
  func.func @transform_3(%arg0: i32, %arg1: i32) -> (i32, i32, i32) {
    %c0_i32 = arith.constant 0 : i32
    %c0_i32_0 = arith.constant 0 : i32
    return %arg0, %arg1, %c0_i32 : i32, i32, i32
  }
  func.func @transform_4(%arg0: i32, %arg1: i32) -> (i32, i32, i32) {
    %c0_i32 = arith.constant 0 : i32
    %c0_i32_0 = arith.constant 0 : i32
    return %arg0, %arg1, %c0_i32 : i32, i32, i32
  }
  func.func @transform_5(%arg0: i32, %arg1: i32) -> (i32, i32) {
    %c0_i32 = arith.constant 0 : i32
    %c0_i32_0 = arith.constant 0 : i32
    %c0_i32_1 = arith.constant 0 : i32
    return %c0_i32, %c0_i32_0 : i32, i32
  }
  func.func @transform_6(%arg0: i32, %arg1: i32) -> (i32, i32) {
    %c0_i32 = arith.constant 0 : i32
    %c0_i32_0 = arith.constant 0 : i32
    %c0_i32_1 = arith.constant 0 : i32
    return %c0_i32, %c0_i32_0 : i32, i32
  }
  func.func @transform_7(%arg0: i32, %arg1: i32) -> (i32, i32) {
    %c0_i32 = arith.constant 0 : i32
    %c0_i32_0 = arith.constant 0 : i32
    %c0_i32_1 = arith.constant 0 : i32
    return %c0_i32, %c0_i32_0 : i32, i32
  }
  func.func @transform_8(%arg0: i32, %arg1: i32) -> (i32, i32) {
    %c0_i32 = arith.constant 0 : i32
    %c0_i32_0 = arith.constant 0 : i32
    %c0_i32_1 = arith.constant 0 : i32
    return %c0_i32, %c0_i32_0 : i32, i32
  }
  func.func @transform_9(%arg0: i32, %arg1: i32) -> (i32, i32) {
    %c0_i32 = arith.constant 0 : i32
    %c0_i32_0 = arith.constant 0 : i32
    %c0_i32_1 = arith.constant 0 : i32
    return %c0_i32, %c0_i32_0 : i32, i32
  }
  func.func @transform_10(%arg0: i32, %arg1: i32) -> (i32, i32) {
    %c0_i32 = arith.constant 0 : i32
    %c0_i32_0 = arith.constant 0 : i32
    %c0_i32_1 = arith.constant 0 : i32
    return %c0_i32, %c0_i32_0 : i32, i32
  }
  func.func @transform_11(%arg0: i32, %arg1: i32) -> (i32, i32) {
    %c0_i32 = arith.constant 0 : i32
    %c0_i32_0 = arith.constant 0 : i32
    %c0_i32_1 = arith.constant 0 : i32
    return %c0_i32, %c0_i32_0 : i32, i32
  }
  func.func @transform_12(%arg0: i32, %arg1: i32) -> (i32, i32, i32, i32) {
    %c0_i32 = arith.constant 0 : i32
    %c0_i32_0 = arith.constant 0 : i32
    %c0_i32_1 = arith.constant 0 : i32
    return %arg0, %c0_i32, %arg1, %c0_i32_0 : i32, i32, i32, i32
  }
  func.func @transform_13(%arg0: i32, %arg1: i32) -> (i32, i32, i32) {
    %c0_i32 = arith.constant 0 : i32
    %c0_i32_0 = arith.constant 0 : i32
    return %arg0, %arg1, %c0_i32 : i32, i32, i32
  }
  func.func @transform_14(%arg0: i32, %arg1: i32) -> (i32, i32, i32) {
    %c0_i32 = arith.constant 0 : i32
    %c0_i32_0 = arith.constant 0 : i32
    return %arg0, %arg1, %c0_i32 : i32, i32, i32
  }
  func.func @transform_15(%arg0: i32, %arg1: i32) -> (i32, i32, i32, i32) {
    %c0_i32 = arith.constant 0 : i32
    %c0_i32_0 = arith.constant 0 : i32
    %c0_i32_1 = arith.constant 0 : i32
    return %arg0, %c0_i32, %arg1, %c0_i32_0 : i32, i32, i32, i32
  }
  func.func @transform_16(%arg0: i32, %arg1: i32) -> (i32, i32, i32, i32) {
    %c0_i32 = arith.constant 0 : i32
    %c0_i32_0 = arith.constant 0 : i32
    %c0_i32_1 = arith.constant 0 : i32
    return %arg0, %c0_i32, %arg1, %c0_i32_0 : i32, i32, i32, i32
  }
}

module attributes {stable_mosaic.version = 14 : i64} {
  func.func @_out_kernel(%arg0: i32, %arg1: i32, %arg2: memref<1x8x512x32xf32, #tpu.memory_space<vmem>>, %arg3: memref<256x256xf32, #tpu.memory_space<vmem>>, %arg4: memref<1x256xf32, #tpu.memory_space<vmem>>, %arg5: memref<1x512x256xf32, #tpu.memory_space<vmem>>) attributes {dimension_semantics = [#tpu.dimension_semantics<arbitrary>, #tpu.dimension_semantics<arbitrary>], iteration_bounds = array<i64: 4, 4>, scalar_prefetch = 0 : i64, scratch_operands = 0 : i64, tpu.core_type = #tpu.core_type<tc>, window_params = [{transform_indices = @transform_0, window_bounds = array<i64: 1, 8, 512, 32>}, {pipeline_mode = #tpu.pipeline_mode<synchronous>, transform_indices = @transform_1, window_bounds = array<i64: 256, 256>}, {pipeline_mode = #tpu.pipeline_mode<synchronous>, transform_indices = @transform_2, window_bounds = array<i64: 1, 256>}, {transform_indices = @transform_3, window_bounds = array<i64: 1, 512, 256>}]} {
    %get3A = arith.constant 0 : index
    %get3A_0 = arith.constant 0 : index
    %get3A_1 = arith.constant 0 : index
    %get3A_2 = arith.constant 0 : index
    %get3A_3 = vector.load %arg2[%get3A, %get3A_0, %get3A_1, %get3A_2] : memref<1x8x512x32xf32, #tpu.memory_space<vmem>>, vector<1x1x512x32xf32>
    %get3A_4 = vector.shape_cast %get3A_3 : vector<1x1x512x32xf32> to vector<512x32xf32>
    %get3A_5 = arith.constant 0 : index
    %get3A_6 = arith.constant 1 : index
    %get3A_7 = arith.constant 0 : index
    %get3A_8 = arith.constant 0 : index
    %get3A_9 = vector.load %arg2[%get3A_5, %get3A_6, %get3A_7, %get3A_8] : memref<1x8x512x32xf32, #tpu.memory_space<vmem>>, vector<1x1x512x32xf32>
    %get3A_10 = vector.shape_cast %get3A_9 : vector<1x1x512x32xf32> to vector<512x32xf32>
    %get3A_11 = arith.constant 0 : index
    %get3A_12 = arith.constant 2 : index
    %get3A_13 = arith.constant 0 : index
    %get3A_14 = arith.constant 0 : index
    %get3A_15 = vector.load %arg2[%get3A_11, %get3A_12, %get3A_13, %get3A_14] : memref<1x8x512x32xf32, #tpu.memory_space<vmem>>, vector<1x1x512x32xf32>
    %get3A_16 = vector.shape_cast %get3A_15 : vector<1x1x512x32xf32> to vector<512x32xf32>
    %get3A_17 = arith.constant 0 : index
    %get3A_18 = arith.constant 3 : index
    %get3A_19 = arith.constant 0 : index
    %get3A_20 = arith.constant 0 : index
    %get3A_21 = vector.load %arg2[%get3A_17, %get3A_18, %get3A_19, %get3A_20] : memref<1x8x512x32xf32, #tpu.memory_space<vmem>>, vector<1x1x512x32xf32>
    %get3A_22 = vector.shape_cast %get3A_21 : vector<1x1x512x32xf32> to vector<512x32xf32>
    %get3A_23 = arith.constant 0 : index
    %get3A_24 = arith.constant 4 : index
    %get3A_25 = arith.constant 0 : index
    %get3A_26 = arith.constant 0 : index
    %get3A_27 = vector.load %arg2[%get3A_23, %get3A_24, %get3A_25, %get3A_26] : memref<1x8x512x32xf32, #tpu.memory_space<vmem>>, vector<1x1x512x32xf32>
    %get3A_28 = vector.shape_cast %get3A_27 : vector<1x1x512x32xf32> to vector<512x32xf32>
    %get3A_29 = arith.constant 0 : index
    %get3A_30 = arith.constant 5 : index
    %get3A_31 = arith.constant 0 : index
    %get3A_32 = arith.constant 0 : index
    %get3A_33 = vector.load %arg2[%get3A_29, %get3A_30, %get3A_31, %get3A_32] : memref<1x8x512x32xf32, #tpu.memory_space<vmem>>, vector<1x1x512x32xf32>
    %get3A_34 = vector.shape_cast %get3A_33 : vector<1x1x512x32xf32> to vector<512x32xf32>
    %get3A_35 = arith.constant 0 : index
    %get3A_36 = arith.constant 6 : index
    %get3A_37 = arith.constant 0 : index
    %get3A_38 = arith.constant 0 : index
    %get3A_39 = vector.load %arg2[%get3A_35, %get3A_36, %get3A_37, %get3A_38] : memref<1x8x512x32xf32, #tpu.memory_space<vmem>>, vector<1x1x512x32xf32>
    %get3A_40 = vector.shape_cast %get3A_39 : vector<1x1x512x32xf32> to vector<512x32xf32>
    %get3A_41 = arith.constant 0 : index
    %get3A_42 = arith.constant 7 : index
    %get3A_43 = arith.constant 0 : index
    %get3A_44 = arith.constant 0 : index
    %get3A_45 = vector.load %arg2[%get3A_41, %get3A_42, %get3A_43, %get3A_44] : memref<1x8x512x32xf32, #tpu.memory_space<vmem>>, vector<1x1x512x32xf32>
    %get3A_46 = vector.shape_cast %get3A_45 : vector<1x1x512x32xf32> to vector<512x32xf32>
    %concatenate3A = tpu.concatenate %get3A_4, %get3A_10, %get3A_16, %get3A_22, %get3A_28, %get3A_34, %get3A_40, %get3A_46 in 1 : vector<512x32xf32>, vector<512x32xf32>, vector<512x32xf32>, vector<512x32xf32>, vector<512x32xf32>, vector<512x32xf32>, vector<512x32xf32>, vector<512x32xf32> -> vector<512x256xf32>
    %get3A_47 = arith.constant 0 : index
    %get3A_48 = arith.constant 0 : index
    %get3A_49 = vector.load %arg3[%get3A_47, %get3A_48] : memref<256x256xf32, #tpu.memory_space<vmem>>, vector<256x256xf32>
    %dot_general3A = arith.constant dense<0.000000e+00> : vector<512x256xf32>
    %dot_general3A_50 = tpu.matmul %concatenate3A, %get3A_49, %dot_general3A {dimension_numbers = #tpu.dot_dimension_numbers<[1], [0], [0], [1], [0, 0, 1, 1], [], []>, precision = #tpu.contract_precision<fp32>, transpose_lhs_hint = false} : vector<512x256xf32>, vector<256x256xf32>, vector<512x256xf32> -> vector<512x256xf32>
    %get3A_51 = arith.constant 0 : index
    %get3A_52 = arith.constant 0 : index
    %get3A_53 = vector.load %arg4[%get3A_51, %get3A_52] : memref<1x256xf32, #tpu.memory_space<vmem>>, vector<1x256xf32>
    %add3A = vector.broadcast %get3A_53 : vector<1x256xf32> to vector<512x256xf32>
    %add3A_54 = arith.addf %dot_general3A_50, %add3A : vector<512x256xf32>
    %swap3A = arith.constant 0 : index
    %swap3A_55 = arith.constant 0 : index
    %swap3A_56 = arith.constant 0 : index
    %swap3A_57 = vector.load %arg5[%swap3A, %swap3A_55, %swap3A_56] : memref<1x512x256xf32, #tpu.memory_space<vmem>>, vector<1x512x256xf32>
    %swap3A_58 = vector.shape_cast %swap3A_57 : vector<1x512x256xf32> to vector<512x256xf32>
    %swap3A_59 = vector.shape_cast %add3A_54 : vector<512x256xf32> to vector<1x512x256xf32>
    tpu.vector_store %arg5[%swap3A, %swap3A_55, %swap3A_56], %swap3A_59 {strides = array<i32>} : memref<1x512x256xf32, #tpu.memory_space<vmem>>, vector<1x512x256xf32>,
    return
  }
  func.func @transform_0(%arg0: i32, %arg1: i32) -> (i32, i32, i32, i32) {
    %c0_i32 = arith.constant 0 : i32
    %c0_i32_0 = arith.constant 0 : i32
    %c0_i32_1 = arith.constant 0 : i32
    return %arg0, %c0_i32, %arg1, %c0_i32_0 : i32, i32, i32, i32
  }
  func.func @transform_1(%arg0: i32, %arg1: i32) -> (i32, i32) {
    %c0_i32 = arith.constant 0 : i32
    %c0_i32_0 = arith.constant 0 : i32
    %c0_i32_1 = arith.constant 0 : i32
    return %c0_i32, %c0_i32_0 : i32, i32
  }
  func.func @transform_2(%arg0: i32, %arg1: i32) -> (i32, i32) {
    %c0_i32 = arith.constant 0 : i32
    %c0_i32_0 = arith.constant 0 : i32
    %c0_i32_1 = arith.constant 0 : i32
    return %c0_i32, %c0_i32_0 : i32, i32
  }
  func.func @transform_3(%arg0: i32, %arg1: i32) -> (i32, i32, i32) {
    %c0_i32 = arith.constant 0 : i32
    %c0_i32_0 = arith.constant 0 : i32
    return %arg0, %arg1, %c0_i32 : i32, i32, i32
  }
}

</mosaic_0001>

<sc_bundles>
// kernel: kernel.5.cloned.1.call-start
scs
__scs_entry_jumppad:
0x0: {  	(pc) =	sbr.rel $0x88, $3  }
0x1: {  	(tag) =	ssettag $0x0;
	lr =	simm.s32 $0x1  }
0x2: {  	[smem:$0x3F96] =	sst lr;
	_ =	strace $0xD0000000  }
0x3: {  	_ = 	snop  }
0x4: {  	_ = 	snop  }
0x5: {  	_ = 	snop  }
0x6: {  	_ = 	snop  }
0x7: {  	_ = 	snop  }
__scs_overlays_trampoline_lowered:
0x8: {  	[smem:$0x3FA5] =	sst s0  }
0x9: {  	[smem:$0x3FA6] =	sst s1  }
0xa: {  	[smem:$0x3FA7] =	sst s2  }
0xb: {  	[smem:$0x3FA8] =	sst s3  }
0xc: {  	[smem:$0x3FA9] =	sst s4  }
0xd: {  	[smem:$0x3FAA] =	sst s5  }
0xe: {  	[smem:$0x3FAB] =	sst s6  }
0xf: {  	[smem:$0x3FAC] =	sst s7  }
0x10: {  	[smem:$0x3FAD] =	sst s8  }
0x11: {  	[smem:$0x3FAE] =	sst s9;
	s0 =	simm.s32 @!p0 $0x0  }
0x12: {  	s1 =	sld [smem:$0x3F94];
	s0 =	simm.s32 @p0 $0x1  }
0x13: {  	[smem:$0x3FAF] =	sst s0;
	s0 =	simm.s32 @!p1 $0x0  }
0x14: {  	s2 =	sld [smem:$0x3F93];
	s0 =	simm.s32 @p1 $0x1  }
0x15: {  	[smem:$0x3FB0] =	sst s0;
	s0 =	simm.s32 @!p2 $0x0  }
0x16: {  	s3 =	sld [smem:$0x3FDB];
	s0 =	simm.s32 @p2 $0x1  }
0x17: {  	s4 =	simm.s32 $0x1BF5;
	[smem:$0x3FB2] =	sst s0  }
0x18: {  	s0 =	sld [smem:$0x3F95];
	_ =	swait.ge [sflag:s4], $0x0  }
0x19: {  	s7 =	sld [smem:$0x3F96]  }
0x1a: {  	s8 =	sadd.s32 $0xFFFFE003, lr  }
0x1b: {  	s9 =	sadd.s32 $0xFFFFFEF7, lr;
	s5 =	simm.s32 $0xFFFFFFFF;
	p2 =	slt.u32 s8, $0xFFFFF086  }
0x1c: {  	p1 =	slt.u32 s9, $0xF7A;
	s5 =	simm.s32 @!p2 $0x0  }
0x1d: {  	s5 =	simm.s32 @p1 $0x1;
	p0 =	seq.s32 s7, s2  }
0x1e: {  	s7 =	smul.u32 @!p0 $0xF7A, s2;
	p2 =	seq.s32 @!p0 s5, $0x0  }
0x1f: {  	s9 =	smul.u32 $0xF7A, s1;
	s8 =	simm.s32 @!p0 $0x1BF5;
	p2 =	por !p2, p0  }
0x20: {  	[sflag:s8] =	ssyncset.s32 @!p0 $0xFFFFF086;
	s6 =	sadd.s32 @!p0 s3, s7;
	s7 =	simm.s32 @!p0 $0x108  }
0x21: {  	s3 =	sadd.s32 s3, s9;
	s6 =	sadd.s32 @!p0 $0x88, s6;
	s7 =	simm.s32 @p2 $0x1082  }
0x22: {  	[simem:s7], [sflag:s8] =	dma.local @!p0 [hbm:s6], $0xF7A  }
0x23: {  	s9 =	sor.u32 $0xD0000000, s2;
	s6 =	simm.s32 $0x108;
	_ =	swait.ge @!p0 [sflag:s8], $0x0  }
0x24: {  	s3 =	sadd.s32 $0x88, s3;
	s6 =	simm.s32 @!p1 $0x1082;
	[sflag:s4] =	ssyncset.s32 $0xFFFFF086  }
0x25: {  	[simem:s6], [sflag:s4] =	dma.local [hbm:s3], $0xF7A  }
0x26: {  	[smem:$0x3F96] =	sst s1;
	(tag) =	ssettag s2;
	_ =	strace s9  }
0x27: {  	s1 =	sld [smem:$0x3FA6]  }
0x28: {  	s2 =	sld [smem:$0x3FA7]  }
0x29: {  	s4 =	sld [smem:$0x3FA9]  }
0x2a: {  	p0 =	seq.s32 s5, $0x0;
	s5 =	sld [smem:$0x3FAA]  }
0x2b: {  	s6 =	sld [smem:$0x3FAB]  }
0x2c: {  	s7 =	sld [smem:$0x3FAC]  }
0x2d: {  	s3 =	simm.s32 $0x108;
	s8 =	sld [smem:$0x3FAD]  }
0x2e: {  	s3 =	simm.s32 @!p0 $0x1082;
	s9 =	sld [smem:$0x3FAE]  }
0x2f: {  	lr =	sadd.s32 s0, s3;
	s0 =	sld [smem:$0x3FA5]  }
0x30: {  	s3 =	sld [smem:$0x3FA8]  }
0x31: {  	[smem:$0x3FB1] =	sst s10  }
0x32: {  	s10 =	sld [smem:$0x3FAF];
	_ =	sdelay $0x3  }
0x33: {  	p0 =	seq.s32 s10, $0x1;
	s10 =	sld [smem:$0x3FB1];
	_ =	sdelay $0x3  }
0x34: {  	[smem:$0x3FB1] =	sst s10  }
0x35: {  	s10 =	sld [smem:$0x3FB0];
	_ =	sdelay $0x3  }
0x36: {  	p1 =	seq.s32 s10, $0x1;
	s10 =	sld [smem:$0x3FB1];
	_ =	sdelay $0x3  }
0x37: {  	[smem:$0x3FB1] =	sst s10  }
0x38: {  	s10 =	sld [smem:$0x3FB2]  }
0x39: {  	_ = 	snop;
	(pc) =	sbr.ind lr, $3  }
0x3a: {  	_ = 	snop  }
0x3b: {  	_ = 	snop  }
0x3c: {  	p2 =	seq.s32 s10, $0x1;
	s10 =	sld [smem:$0x3FB1]  }
0x3d: {  	_ =	shalt  }
0x3e: {  	_ =	shalt  }
0x3f: {  	_ =	shalt  }
0x40: {  	_ =	shalt  }
0x41: {  	_ =	shalt  }
0x42: {  	_ =	shalt  }
0x43: {  	_ =	shalt  }
0x44: {  	_ =	shalt  }
0x45: {  	_ =	shalt  }
0x46: {  	_ =	shalt  }
0x47: {  	_ =	shalt  }
0x48: {  	_ =	shalt  }
0x49: {  	_ =	shalt  }
0x4a: {  	_ =	shalt  }
0x4b: {  	_ =	shalt  }
0x4c: {  	_ =	shalt  }
0x4d: {  	_ =	shalt  }
0x4e: {  	_ =	shalt  }
0x4f: {  	_ =	shalt  }
0x50: {  	_ =	shalt  }
0x51: {  	_ =	shalt  }
0x52: {  	_ =	shalt  }
0x53: {  	_ =	shalt  }
0x54: {  	_ =	shalt  }
0x55: {  	_ =	shalt  }
0x56: {  	_ =	shalt  }
0x57: {  	_ =	shalt  }
0x58: {  	_ =	shalt  }
0x59: {  	_ =	shalt  }
0x5a: {  	_ =	shalt  }
0x5b: {  	_ =	shalt  }
0x5c: {  	_ =	shalt  }
0x5d: {  	_ =	shalt  }
0x5e: {  	_ =	shalt  }
0x5f: {  	_ =	shalt  }
0x60: {  	_ =	shalt  }
0x61: {  	_ =	shalt  }
0x62: {  	_ =	shalt  }
0x63: {  	_ =	shalt  }
0x64: {  	_ =	shalt  }
0x65: {  	_ =	shalt  }
0x66: {  	_ =	shalt  }
0x67: {  	_ =	shalt  }
0x68: {  	_ =	shalt  }
0x69: {  	_ =	shalt  }
0x6a: {  	_ =	shalt  }
0x6b: {  	_ =	shalt  }
0x6c: {  	_ =	shalt  }
0x6d: {  	_ =	shalt  }
0x6e: {  	_ =	shalt  }
0x6f: {  	_ =	shalt  }
0x70: {  	_ =	shalt  }
0x71: {  	_ =	shalt  }
0x72: {  	_ =	shalt  }
0x73: {  	_ =	shalt  }
0x74: {  	_ =	shalt  }
0x75: {  	_ =	shalt  }
0x76: {  	_ =	shalt  }
0x77: {  	_ =	shalt  }
0x78: {  	_ =	shalt  }
0x79: {  	_ =	shalt  }
0x7a: {  	_ =	shalt  }
0x7b: {  	_ =	shalt  }
0x7c: {  	_ =	shalt  }
0x7d: {  	_ =	shalt  }
0x7e: {  	_ =	shalt  }
0x7f: {  	_ =	shalt  }
0x80: {  	_ =	shalt  }
0x81: {  	_ =	shalt  }
0x82: {  	_ =	shalt  }
0x83: {  	_ =	shalt  }
0x84: {  	_ =	shalt  }
0x85: {  	_ =	shalt  }
0x86: {  	_ =	shalt  }
0x87: {  	_ =	shalt  }
.Lfunc_end0:
.L_simem_size_0:
called_computation_lowered:
.L_overlay_start_0:
0x88: {  	s2 =	sld [smem:$0x3FD9]  }
0x89: {  	s3 =	sld [smem:$0x3FFE];
	_ =	sdelay $0x1  }
0x8a: {  	s1 =	srdreg.scid  }
0x8b: {  	s0 =	sand.u32 $0x1, s1  }
0x8c: {  	s14 =	sshll.u32 s0, $0xA;
	s2 =	sadd.s32 s3, s2  }
0x8d: {  	s2 =	sadd.s32 s2, s14  }
0x8e: {  	[smem:$0x3FBD] =	sst s2  }
0x8f: {  	_ = 	snop  }
0x90: {  	s2 =	sld [smem:$0x3FD0];
	_ =	sdelay $0x2  }
0x91: {  	s15 =	simm.s32 $0xA;
	s4 =	simm.s32 $0x10  }
0x92: {  	[smem:s4], [sflag:s15] =	dma.local [hbm:s2], $0x1  }
0x93: {  	_ =	swait.eq [sflag:s15], $0x1  }
0x94: {  	[sflag:s15] =	ssyncset.done $0x0  }
0x95: {  	[sflag:s15] =	ssyncadd.s32 $0xFFFFFFFF  }
0x96: {  	s16 =	sld [smem:$0x10];
	(tm) =	ssettm $0x1  }
0x97: {  	s17 =	sld [smem:$0x3FFB];
	_ =	sdelay $0x3  }
0x98: {  	_ =	strace s17  }
0x99: {  	s3 =	sld [smem:$0x3FFC];
	_ =	sdelay $0x3  }
0x9a: {  	_ =	strace s3  }
0x9b: {  	s3 =	sld [smem:$0x3FFD];
	_ =	sdelay $0x3  }
0x9c: {  	_ =	strace s3  }
0x9d: {  	_ =	strace $0x8FFFFFFF  }
0x9e: {  	s18 =	sld [smem:$0x3FDB];
	_ =	sdelay $0x1  }
0x9f: {  	s19 =	simm.s32 $_scs_section_size  }
0xa0: {  	s5 =	simm.s32 $_size__tile_overlayer_lowered;
	s6 =	simm.s32 $_tile_overlayer_lowered  }
0xa1: {  	s22 =	simm.s32 $0x1BFF;
	s21 =	sshll.u32 s6, $0x1;
	s3 =	sadd.s32 s19, s18  }
0xa2: {  	s7 =	simm.s32 $0x0;
	s20 =	sshll.u32 s5, $0x1;
	s5 =	sadd.s32 s21, s3  }
0xa3: {  	[timem:s7], [sflag:s22] =	dma.local [hbm:s5], s20  }
0xa4: {  	_ =	swait.ge [sflag:s22], s20  }
0xa5: {  	s4 =	ssub.s32 $0x0, s20;
	[sflag:s22] =	ssyncset.done $0x0  }
0xa6: {  	[sflag:s22] =	ssyncadd.s32 s4;
	_ =	sdelay $0x1  }
0xa7: {  	s23 =	simm.s32 $0x1B8B  }
0xa8: {  	_ =	swait.ge [sflag:s23], $0x1  }
0xa9: {  	[sflag:s23] =	ssyncset.done $0x0  }
0xaa: {  	s25 =	simm.s32 $0x1B8E;
	s24 =	sld [smem:$0x3FFE];
	[sflag:s23] =	ssyncadd.s32 $0xFFFFFFFF  }
0xab: {  	s26 =	simm.s32 $execute0_lowered;
	[smem:$0x3FD2] =	sst s25  }
0xac: {  	s5 =	sshll.u32 s26, $0x1;
	_ =	strace $0x80000046;
	[dreg:$0x1] =	wrdreg $0xFFFFFFFF  }
0xad: {  	s28 =	simm.s32 $_size_execute0_lowered;
	s3 =	sadd.s32 s3, s5;
	[dreg:$0x0] =	wrdreg $0x0  }
0xae: {  	s5 =	sshll.u32 s28, $0x1;
	[dreg:$0x2] =	wrdreg s3  }
0xaf: {  	[dreg:$0x3] =	wrdreg s5  }
0xb0: {  	[dreg:$0x4] =	wrdreg $0xC0  }
0xb1: {  	_ =	task [dreg:s7], $0x5FFFF  }
0xb2: {  	[dreg:$0x1] =	wrdreg $0xFFFFFFFF  }
0xb3: {  	[dreg:$0x0] =	wrdreg $0x60  }
0xb4: {  	[dreg:$0x2] =	wrdreg s24  }
0xb5: {  	[dreg:$0x3] =	wrdreg s16  }
0xb6: {  	[dreg:$0x4] =	wrdreg $0x9  }
0xb7: {  	_ =	task.clear_ibuf [dreg:s7], $0x5FFFF;
	_ =	strace $0x90000046  }
0xb8: {  	s29 =	simm.s32 $0x9;
	_ =	strace $0x80000048  }
0xb9: {  	_ =	swait.ge [sflag:s29], $0x1  }
0xba: {  	[sflag:s29] =	ssyncadd.s32 $0xFFFFFFFF  }
0xbb: {  	_ =	strace $0x90000048  }
0xbc: {  	_ =	sfence  }
0xbd: {  	s30 =	sld [smem:$0x0];
	_ =	sdelay $0x2  }
0xbe: {  	s31 =	sshll.u32 s1, $0xD;
	s1 =	sshrl.u32 s1, $0x2  }
0xbf: {  	s3 =	sand.u32 $0x4000, s31;
	s1 =	sadd.s32 s1, s30  }
0xc0: {  	s0 =	sor.u32 s3, s0;
	s1 =	sshll.u32 s1, $0x11  }
0xc1: {  	s0 =	sor.u32 s1, s0  }
0xc2: {  	s0 =	sadd.s32 $0x8F2B, s0  }
0xc3: {  	[sflag:s0] =	ssyncadd.remote.s32 $0x1  }
0xc4: {  	_ =	sfence.sel $0xFFFF  }
0xc5: {  	[dreg:$0x0] =	wrdreg $0xFFFFFFFF;
	(pc) =	sbr.abs _section_cstart, $3  }
0xc6: {  	[dreg:$0x1] =	wrdreg $0xFFFFFFFF  }
0xc7: {  	_ =	task.clear_ibuf [dreg:s7], $0x2FFFF;
	_ =	strace $0x9FFFFFFF  }
0xc8: {  	(tm) =	ssettm $0x7FFFFFFF  }
0xc9: {  	_ =	shalt  }
tec
execute0_lowered:
.L_overlay_start_1:
0x0: {  	(tag) =	ssettag $0x1  }
0x1: {  	s0 =	stileid.u32;
	s1 =	srdreg.scid  }
0x2: {  	s6 =	rddreg [dreg:$0x0];
	s3 =	simm.s32 $0x0;
	s13 =	simm.s32 $0x3  }
0x3: {  	s14 =	simm.s32 $0x1E000;
	s15 =	simm.s32 $0x1E400;
	s16 =	simm.s32 $0x1E800  }
0x4: {  	s17 =	simm.s32 $0x1EC00;
	s18 =	simm.s32 $0x1;
	s19 =	simm.s32 $0x1F000  }
0x5: {  	s20 =	simm.s32 $0x2;
	s21 =	simm.s32 $0x0;
	s2 =	sshll.u32 s0, $0x1  }
0x6: {  	s5 =	sand.u32 $0x1, s1;
	s10 =	sshrl.u32 s0, $0x2;
	s1 =	rddreg [dreg:$0x2]  }
0x7: {  	[smem:$0x7FF] =	sst s3;
	s29 =	sand.u32 $0x6, s2;
	s4 =	smul.u32 $0xF0000, s10  }
0x8: {  	s2 =	rddreg [dreg:$0x1];
	_ =	strace $0x80000047;
	s8 =	sshll.u32 s10, $0x12  }
0x9: {  	s12 =	ssub.s32 $0x2, s5;
	s10 =	sshll.u32 s10, $0x13;
	s11 =	sor.u32 s5, s29  }
0xa: {  	s31 =	sshrl.u32 s12, $0x1;
	s7 =	smul.u32 $0x1E000, s11;
	s9 =	sshll.u32 s11, $0xF  }
0xb: {  	s12 =	ssub.s32 s12, s31;
	s11 =	sshll.u32 s11, $0x10;
	s5 =	sor.u32 s8, s9  }
0xc: {  	s10 =	sor.u32 s10, s11;
	s12 =	smax.u32 s12, $0x1;
	s4 =	sadd.s32 s4, s7  }
0xd: {  	s9 =	sshrl.u32 s5, $0x3;
	s11 =	sor.u32 $0x800, s5;
	s4 =	sshrl.u32 s4, $0x3  }
0xe: {  	s30 =	sadd.s32 s4, s6;
	s4 =	sadd.s32 $0x21800, s6;
	s6 =	sadd.s32 $0x1800, s6  }
0xf: {  	s7 =	sadd.s32 $0x3E1800, s30;
	s8 =	sadd.s32 s4, s9;
	s9 =	sadd.s32 s6, s9  }
.LBB2_1:
0x10: {  	[tilespmem:s3], [sflag:$0x3] =	stream.linear.gather [hbm4b:s7+s3], $0x1E000, $0x38;
	[tilespmem:$0x1F800] =	vst v63  }
0x11: {  	_ =	swait.ge [sflag:s13], $0x1E000  }
0x12: {  	[sflag:s13] =	ssyncset.done $0x0  }
0x13: {  	[sflag:s13] =	ssyncadd.s32 $0xFFFE2000  }
0x14: {  	[tilespmem:s14], [sflag:$0x1] =	stream.linear.gather [hbm4b:s8+s3], $0x400, $0x38;
	[tilespmem:$0x1F800] =	vst v63  }
0x15: {  	s22 =	simm.s32 $0x0  }
0x16: {  	[tilespmem:s15], [sflag:$0x1] =	stream.linear.gather [hbm4b:s9+s3], $0x400, $0x38;
	[tilespmem:$0x1F800] =	vst v63  }
.LBB2_2:
0x17: {  	s23 =	sshll.u32 s22, $0x7  }
0x18: {  	s23 =	sor.u32 $0x40, s23  }
0x19: {  	s24 =	sshll.u32 s23, $0x4  }
0x1a: {  	s24 =	sadd.s32 s5, s24  }
0x1b: {  	s25 =	sshrl.u32 s24, $0x3  }
0x1c: {  	s24 =	simm.s32 $0x0;
	s26 =	sadd.s32 s4, s25  }
0x1d: {  	[tilespmem:s16], [sflag:$0x2] =	stream.linear.gather [hbm4b:s26+s24], $0x400, $0x38;
	[tilespmem:$0x1F800] =	vst v63  }
0x1e: {  	s25 =	sadd.s32 s6, s25  }
0x1f: {  	[tilespmem:s17], [sflag:$0x2] =	stream.linear.gather [hbm4b:s25+s24], $0x400, $0x38;
	[tilespmem:$0x1F800] =	vst v63  }
0x20: {  	_ =	swait.ge [sflag:s18], $0x400  }
0x21: {  	[sflag:s18] =	ssyncset.done $0x0  }
0x22: {  	[sflag:s18] =	ssyncadd.s32 $0xFFFFFC00  }
0x23: {  	_ =	swait.ge [sflag:s18], $0x400  }
0x24: {  	[sflag:s18] =	ssyncset.done $0x0  }
0x25: {  	s25 =	simm.s32 $0x1F020;
	[sflag:s18] =	ssyncadd.s32 $0xFFFFFC00  }
.LBB2_3:
0x26: {  	s26 =	sshra.s32 s24, $0x2  }
0x27: {  	v1 =	vld [tilespmem:s26+$0x1E000];
	_ =	sdelay $0x1  }
0x28: {  	v0 =	vld [tilespmem:s26+$0x1E400];
	_ =	sdelay $0x2  }
0x29: {  	(v2sf) =	vpush v1, $0x0;
	_ =	sdelay $0x1  }
0x2a: {  	(v2sf) =	vpush v0, $0x0;
	_ =	sdelay $0x1  }
0x2b: {  	(v2sf) =	vpush v1, $0x1;
	_ =	sdelay $0x1  }
0x2c: {  	(v2sf) =	vpush v0, $0x1;
	_ =	sdelay $0x1  }
0x2d: {  	(v2sf) =	vpush v1, $0x2;
	_ =	sdelay $0x1  }
0x2e: {  	(v2sf) =	vpush v0, $0x2;
	_ =	sdelay $0x1  }
0x2f: {  	(v2sf) =	vpush v1, $0x3;
	_ =	sdelay $0x1  }
0x30: {  	(v2sf) =	vpush v0, $0x3  }
0x31: {  	(v2sf) =	vpush v1, $0x4;
	s28 =	spop (v2sf)  }
0x32: {  	s29 =	sshra.s32 s28, $0xB  }
0x33: {  	(v2sf) =	vpush v0, $0x4;
	s30 =	spop (v2sf);
	s29 =	sand.u32 $0xFFFFFFE0, s29  }
0x34: {  	(v2sf) =	vpush v1, $0x5;
	s28 =	sshll.u32 s28, $0x10;
	s31 =	sshra.s32 s30, $0xB;
	v2 =	vld [tilespmem:s29+$0x0]  }
0x35: {  	v3 =	vmov s28;
	v4 =	vld [tilespmem:s29+$0x10];
	s28 =	sand.u32 $0xFFFFFFE0, s31;
	s29 =	spop (v2sf)  }
0x36: {  	s30 =	sshll.u32 s30, $0x10;
	v5 =	vld [tilespmem:s28+$0x0];
	s31 =	sshra.s32 s29, $0xB  }
0x37: {  	(v2sf) =	vpush v0, $0x5;
	v6 =	vmov s30;
	v7 =	vld [tilespmem:s28+$0x10];
	s30 =	spop (v2sf);
	s28 =	sand.u32 $0xFFFFFFE0, s31  }
0x38: {  	s29 =	sshll.u32 s29, $0x10;
	s31 =	sshra.s32 s30, $0xB;
	v8 =	vld [tilespmem:s28+$0x0]  }
0x39: {  	v23 =	vmov s29;
	s29 =	spop (v2sf);
	v9 =	vld [tilespmem:s28+$0x10];
	s28 =	sand.u32 $0xFFFFFFE0, s31  }
0x3a: {  	s30 =	sshll.u32 s30, $0x10;
	s31 =	sshra.s32 s29, $0xB;
	v10 =	vld [tilespmem:s28+$0x0]  }
0x3b: {  	v3 =	vbroadcast v3, $0x0;
	v26 =	vmov s30;
	s30 =	spop (v2sf);
	v27 =	vld [tilespmem:s28+$0x10];
	s28 =	sand.u32 $0xFFFFFFE0, s31  }
0x3c: {  	v6 =	vbroadcast v6, $0x0;
	s29 =	sshll.u32 s29, $0x10;
	(v2sf) =	vpush v1, $0x6;
	s31 =	sshra.s32 s30, $0xB;
	v11 =	vld [tilespmem:s28+$0x0]  }
0x3d: {  	v30 =	vmov s29;
	s29 =	spop (v2sf);
	s30 =	sshll.u32 s30, $0x10;
	(v2sf) =	vpush v0, $0x6;
	v2 =	vmul.f32 v3, v2;
	v31 =	vld [tilespmem:s28+$0x10];
	s28 =	sand.u32 $0xFFFFFFE0, s31  }
0x3e: {  	v3 =	vmul.f32 v3, v4;
	s31 =	sshra.s32 s29, $0xB;
	v35 =	vmov s30;
	v22 =	vmul.f32 v6, v5;
	v32 =	vld [tilespmem:s28+$0x0]  }
0x3f: {  	s30 =	spop (v2sf);
	s29 =	sshll.u32 s29, $0x10;
	(v2sf) =	vpush v1, $0x7;
	v5 =	vbroadcast v23, $0x0;
	v24 =	vmul.f32 v6, v7;
	v36 =	vld [tilespmem:s28+$0x10];
	s28 =	sand.u32 $0xFFFFFFE0, s31  }
0x40: {  	v7 =	vbroadcast v26, $0x0;
	s31 =	sshra.s32 s30, $0xB;
	v40 =	vmov s29;
	s29 =	spop (v2sf);
	(v2sf) =	vpush v0, $0x7;
	v37 =	vld [tilespmem:s28+$0x0]  }
0x41: {  	v6 =	vbroadcast v30, $0x0;
	s30 =	sshll.u32 s30, $0x10;
	v2 =	vadd.f32 $0.0e+00, v2;
	v3 =	vadd.f32 $0.0e+00, v3;
	v41 =	vld [tilespmem:s28+$0x10];
	s28 =	sand.u32 $0xFFFFFFE0, s31  }
0x42: {  	s31 =	sshra.s32 s29, $0xB;
	v45 =	vmov s30;
	s30 =	spop (v2sf);
	s29 =	sshll.u32 s29, $0x10;
	(v2sf) =	vpush v1, $0x8;
	v25 =	vmul.f32 v8, v5;
	v42 =	vld [tilespmem:s28+$0x0]  }
0x43: {  	v28 =	vmul.f32 v9, v5;
	v46 =	vld [tilespmem:s28+$0x10];
	s28 =	sand.u32 $0xFFFFFFE0, s31;
	v50 =	vmov s29;
	s29 =	spop (v2sf);
	(v2sf) =	vpush v0, $0x8  }
0x44: {  	s31 =	sshra.s32 s30, $0xB;
	s30 =	sshll.u32 s30, $0x10;
	v2 =	vadd.f32 v22, v2;
	v3 =	vadd.f32 v24, v3;
	v29 =	vmul.f32 v10, v7;
	v47 =	vld [tilespmem:s28+$0x0]  }
0x45: {  	v33 =	vmul.f32 v27, v7;
	v7 =	vbroadcast v35, $0x0;
	v51 =	vld [tilespmem:s28+$0x10];
	s28 =	sand.u32 $0xFFFFFFE0, s31;
	v55 =	vmov s30  }
0x46: {  	s31 =	sshra.s32 s29, $0xB;
	s30 =	spop (v2sf);
	s29 =	sshll.u32 s29, $0x10;
	(v2sf) =	vpush v1, $0x9;
	v34 =	vmul.f32 v11, v6;
	v38 =	vmul.f32 v31, v6  }
0x47: {  	v6 =	vbroadcast v40, $0x0;
	v52 =	vld [tilespmem:s28+$0x0];
	v60 =	vmov s29;
	(v2sf) =	vpush v0, $0x9  }
0x48: {  	v56 =	vld [tilespmem:s28+$0x10];
	s28 =	sand.u32 $0xFFFFFFE0, s31;
	s31 =	sshra.s32 s30, $0xB;
	s30 =	sshll.u32 s30, $0x10;
	v2 =	vadd.f32 v2, v25;
	v3 =	vadd.f32 v28, v3;
	v39 =	vmul.f32 v32, v7  }
0x49: {  	v43 =	vmul.f32 v36, v7;
	v7 =	vbroadcast v45, $0x0;
	v13 =	vmov s30  }
0x4a: {  	v57 =	vld [tilespmem:s28+$0x0];
	v44 =	vmul.f32 v37, v6;
	v48 =	vmul.f32 v41, v6;
	v2 =	vadd.f32 v29, v2  }
0x4b: {  	v61 =	vld [tilespmem:s28+$0x10];
	s28 =	sand.u32 $0xFFFFFFE0, s31;
	v6 =	vbroadcast v50, $0x0;
	v3 =	vadd.f32 v33, v3;
	v49 =	vmul.f32 v42, v7  }
0x4c: {  	v62 =	vld [tilespmem:s28+$0x0];
	v53 =	vmul.f32 v46, v7;
	v7 =	vbroadcast v55, $0x0;
	v2 =	vadd.f32 v34, v2  }
0x4d: {  	v54 =	vmul.f32 v47, v6;
	v58 =	vmul.f32 v51, v6;
	v3 =	vadd.f32 v38, v3  }
0x4e: {  	v14 =	vld [tilespmem:s28+$0x10];
	v6 =	vbroadcast v60, $0x0;
	v59 =	vmul.f32 v52, v7;
	v2 =	vadd.f32 v39, v2;
	s29 =	spop (v2sf)  }
0x4f: {  	v63 =	vmul.f32 v56, v7;
	v7 =	vbroadcast v13, $0x0;
	v3 =	vadd.f32 v43, v3;
	s31 =	sshra.s32 s29, $0xB  }
0x50: {  	v12 =	vmul.f32 v57, v6;
	v2 =	vadd.f32 v44, v2;
	s30 =	spop (v2sf);
	s28 =	sand.u32 $0xFFFFFFE0, s31  }
0x51: {  	v16 =	vmul.f32 v61, v6;
	v17 =	vmul.f32 v62, v7;
	v3 =	vadd.f32 v48, v3;
	s29 =	sshll.u32 s29, $0x10;
	s31 =	sshra.s32 s30, $0xB;
	v15 =	vld [tilespmem:s28+$0x0]  }
0x52: {  	(v2sf) =	vpush v1, $0xA;
	v18 =	vmov s29;
	s29 =	spop (v2sf);
	v2 =	vadd.f32 v49, v2;
	v19 =	vld [tilespmem:s28+$0x10];
	s28 =	sand.u32 $0xFFFFFFE0, s31  }
0x53: {  	v21 =	vmul.f32 v14, v7;
	(v2sf) =	vpush v0, $0xA;
	s30 =	sshll.u32 s30, $0x10;
	v3 =	vadd.f32 v53, v3;
	s31 =	sshra.s32 s29, $0xB;
	v20 =	vld [tilespmem:s28+$0x0]  }
0x54: {  	(v2sf) =	vpush v1, $0xB;
	v23 =	vmov s30;
	s30 =	spop (v2sf);
	v24 =	vld [tilespmem:s28+$0x10];
	s28 =	sand.u32 $0xFFFFFFE0, s31;
	v2 =	vadd.f32 v54, v2  }
0x55: {  	v6 =	vbroadcast v18, $0x0;
	s29 =	sshll.u32 s29, $0x10;
	(v2sf) =	vpush v0, $0xB;
	s31 =	sshra.s32 s30, $0xB;
	v3 =	vadd.f32 v58, v3;
	v26 =	vld [tilespmem:s28+$0x0]  }
0x56: {  	v25 =	vbroadcast v23, $0x0;
	v29 =	vmov s29;
	s29 =	spop (v2sf);
	s30 =	sshll.u32 s30, $0x10;
	v30 =	vld [tilespmem:s28+$0x10];
	s28 =	sand.u32 $0xFFFFFFE0, s31;
	v2 =	vadd.f32 v59, v2  }
0x57: {  	(v2sf) =	vpush v1, $0xC;
	s31 =	sshra.s32 s29, $0xB;
	v33 =	vmov s30;
	v31 =	vld [tilespmem:s28+$0x0];
	v3 =	vadd.f32 v63, v3  }
0x58: {  	v9 =	vbroadcast v29, $0x0;
	s30 =	spop (v2sf);
	s29 =	sshll.u32 s29, $0x10;
	v34 =	vld [tilespmem:s28+$0x10];
	s28 =	sand.u32 $0xFFFFFFE0, s31;
	v35 =	vbroadcast v33, $0x0;
	v2 =	vadd.f32 v12, v2  }
0x59: {  	s31 =	sshra.s32 s30, $0xB;
	v39 =	vmov s29;
	s29 =	spop (v2sf);
	(v2sf) =	vpush v0, $0xC;
	s30 =	sshll.u32 s30, $0x10;
	v3 =	vadd.f32 v16, v3  }
0x5a: {  	v43 =	vmov s30;
	v22 =	vmul.f32 v15, v6;
	v2 =	vadd.f32 v17, v2  }
0x5b: {  	v36 =	vld [tilespmem:s28+$0x0];
	(v2sf) =	vpush v1, $0xD;
	v27 =	vmul.f32 v19, v6;
	v3 =	vadd.f32 v21, v3  }
0x5c: {  	v40 =	vld [tilespmem:s28+$0x10];
	s28 =	sand.u32 $0xFFFFFFE0, s31;
	s31 =	sshra.s32 s29, $0xB;
	v45 =	vbroadcast v43, $0x0;
	v28 =	vmul.f32 v20, v25;
	v2 =	vadd.f32 v22, v2  }
0x5d: {  	s29 =	sshll.u32 s29, $0x10;
	v41 =	vld [tilespmem:s28+$0x0];
	s31 =	sand.u32 $0xFFFFFFE0, s31;
	(v2sf) =	vpush v0, $0xD;
	v4 =	vmul.f32 v24, v25;
	v3 =	vadd.f32 v27, v3  }
0x5e: {  	s30 =	spop (v2sf);
	v50 =	vmov s29;
	v46 =	vld [tilespmem:s31+$0x0];
	v32 =	vmul.f32 v26, v9;
	v2 =	vadd.f32 v28, v2  }
0x5f: {  	v47 =	vld [tilespmem:s31+$0x10];
	s31 =	sshra.s32 s30, $0xB;
	v10 =	vbroadcast v50, $0x0;
	v37 =	vmul.f32 v30, v9;
	v3 =	vadd.f32 v4, v3  }
0x60: {  	v44 =	vld [tilespmem:s28+$0x10];
	s30 =	sshll.u32 s30, $0x10;
	v9 =	vbroadcast v39, $0x0;
	s28 =	sand.u32 $0xFFFFFFE0, s31;
	v38 =	vmul.f32 v31, v35;
	v2 =	vadd.f32 v32, v2  }
0x61: {  	v53 =	vmov s30;
	v51 =	vld [tilespmem:s28+$0x0];
	v4 =	vmul.f32 v34, v35;
	v3 =	vadd.f32 v37, v3  }
0x62: {  	v56 =	vbroadcast v53, $0x0;
	v42 =	vmul.f32 v36, v9;
	s29 =	spop (v2sf);
	v2 =	vadd.f32 v38, v2  }
0x63: {  	v52 =	vld [tilespmem:s28+$0x10];
	v48 =	vmul.f32 v40, v9;
	(v2sf) =	vpush v1, $0xE;
	s31 =	sshra.s32 s29, $0xB;
	v3 =	vadd.f32 v4, v3  }
0x64: {  	v49 =	vmul.f32 v41, v45;
	v6 =	vmul.f32 v46, v10;
	s28 =	sand.u32 $0xFFFFFFE0, s31;
	s31 =	spop (v2sf);
	v2 =	vadd.f32 v42, v2  }
0x65: {  	(v2sf) =	vpush v0, $0xE;
	v54 =	vld [tilespmem:s28+$0x0];
	s30 =	sshra.s32 s31, $0xB;
	v4 =	vmul.f32 v44, v45;
	v3 =	vadd.f32 v48, v3  }
0x66: {  	v55 =	vmul.f32 v47, v10;
	s29 =	sshll.u32 s29, $0x10;
	v61 =	vmul.f32 v51, v56;
	v57 =	vld [tilespmem:s28+$0x10];
	s28 =	sand.u32 $0xFFFFFFE0, s30;
	s30 =	spop (v2sf);
	v2 =	vadd.f32 v49, v2  }
0x67: {  	v58 =	vmov s29;
	(v2sf) =	vpush v1, $0xF;
	v59 =	vld [tilespmem:s28+$0x0];
	s29 =	sshra.s32 s30, $0xB;
	v3 =	vadd.f32 v4, v3  }
0x68: {  	v5 =	vmul.f32 v52, v56;
	v62 =	vbroadcast v58, $0x0;
	s31 =	sshll.u32 s31, $0x10;
	v63 =	vld [tilespmem:s28+$0x10];
	s28 =	sand.u32 $0xFFFFFFE0, s29;
	s29 =	spop (v2sf);
	v2 =	vadd.f32 v6, v2  }
0x69: {  	v12 =	vmov s31;
	(v2sf) =	vpush v0, $0xF;
	v13 =	vld [tilespmem:s28+$0x0];
	s31 =	sshra.s32 s29, $0xB;
	v60 =	vadd.f32 v55, v3  }
0x6a: {  	v16 =	vbroadcast v12, $0x0;
	s30 =	sshll.u32 s30, $0x10;
	v17 =	vld [tilespmem:s28+$0x10];
	v15 =	vmul.f32 v54, v62;
	s28 =	sand.u32 $0xFFFFFFE0, s31;
	s31 =	spop (v2sf);
	v14 =	vadd.f32 v61, v2  }
0x6b: {  	v18 =	vmov s30;
	v4 =	vmul.f32 v57, v62;
	v19 =	vld [tilespmem:s28+$0x0];
	s30 =	sshra.s32 s31, $0xB;
	v1 =	vadd.f32 v5, v60  }
0x6c: {  	s29 =	sshll.u32 s29, $0x10;
	v21 =	vld [tilespmem:s28+$0x10];
	v20 =	vmul.f32 v59, v16;
	s28 =	sand.u32 $0xFFFFFFE0, s30;
	s30 =	spop (v2sf);
	v5 =	vbroadcast v18, $0x0;
	v0 =	vadd.f32 v15, v14  }
0x6d: {  	v22 =	vmov s29;
	v3 =	vmul.f32 v63, v16;
	v23 =	vld [tilespmem:s28+$0x0];
	s29 =	sshra.s32 s30, $0xB;
	v1 =	vadd.f32 v4, v1  }
0x6e: {  	s31 =	sshll.u32 s31, $0x10;
	v25 =	vld [tilespmem:s28+$0x10];
	s28 =	sand.u32 $0xFFFFFFE0, s29;
	s29 =	spop (v2sf);
	v24 =	vmul.f32 v13, v5;
	v4 =	vbroadcast v22, $0x0;
	v0 =	vadd.f32 v20, v0  }
0x6f: {  	v27 =	vmov s31;
	v28 =	vld [tilespmem:s28+$0x0];
	s31 =	sshra.s32 s29, $0xB;
	v26 =	vmul.f32 v17, v5;
	v1 =	vadd.f32 v3, v1  }
0x70: {  	s30 =	sshll.u32 s30, $0x10;
	v30 =	vld [tilespmem:s28+$0x10];
	v5 =	vbroadcast v27, $0x0;
	s28 =	sand.u32 $0xFFFFFFE0, s31;
	s31 =	spop (v2sf);
	v29 =	vmul.f32 v19, v4;
	v0 =	vadd.f32 v24, v0  }
0x71: {  	v32 =	vmov s30;
	v33 =	vld [tilespmem:s28+$0x0];
	s30 =	sshra.s32 s31, $0xB;
	v31 =	vmul.f32 v21, v4;
	v1 =	vadd.f32 v26, v1  }
0x72: {  	s29 =	sshll.u32 s29, $0x10;
	v35 =	vld [tilespmem:s28+$0x10];
	v34 =	vmul.f32 v23, v5;
	v4 =	vbroadcast v32, $0x0;
	s28 =	sand.u32 $0xFFFFFFE0, s30;
	s30 =	spop (v2sf);
	v0 =	vadd.f32 v29, v0  }
0x73: {  	v37 =	vmov s29;
	v36 =	vmul.f32 v25, v5;
	v38 =	vld [tilespmem:s28+$0x0];
	s29 =	sshra.s32 s30, $0xB;
	v1 =	vadd.f32 v31, v1  }
0x74: {  	s31 =	sshll.u32 s31, $0x10;
	v5 =	vbroadcast v37, $0x0;
	v40 =	vld [tilespmem:s28+$0x10];
	v39 =	vmul.f32 v28, v4;
	s28 =	sand.u32 $0xFFFFFFE0, s29;
	s29 =	spop (v2sf);
	v0 =	vadd.f32 v34, v0  }
0x75: {  	v42 =	vmov s31;
	v41 =	vmul.f32 v30, v4;
	v43 =	vld [tilespmem:s28+$0x0];
	s31 =	sshra.s32 s29, $0xB;
	v1 =	vadd.f32 v36, v1  }
0x76: {  	s30 =	sshll.u32 s30, $0x10;
	v4 =	vbroadcast v42, $0x0;
	v45 =	vld [tilespmem:s28+$0x10];
	v44 =	vmul.f32 v33, v5;
	s28 =	sand.u32 $0xFFFFFFE0, s31;
	s31 =	spop (v2sf);
	v0 =	vadd.f32 v39, v0  }
0x77: {  	v47 =	vmov s30;
	v46 =	vmul.f32 v35, v5;
	v48 =	vld [tilespmem:s28+$0x0];
	s30 =	sshra.s32 s31, $0xB;
	v1 =	vadd.f32 v41, v1  }
0x78: {  	s29 =	sshll.u32 s29, $0x10;
	v5 =	vbroadcast v47, $0x0;
	v50 =	vld [tilespmem:s28+$0x10];
	v49 =	vmul.f32 v38, v4;
	s28 =	sand.u32 $0xFFFFFFE0, s30;
	s30 =	spop (v2sf);
	v0 =	vadd.f32 v44, v0  }
0x79: {  	v52 =	vmov s29;
	v51 =	vmul.f32 v40, v4;
	v53 =	vld [tilespmem:s28+$0x0];
	s29 =	sshra.s32 s30, $0xB;
	v1 =	vadd.f32 v46, v1  }
0x7a: {  	s31 =	sshll.u32 s31, $0x10;
	v4 =	vbroadcast v52, $0x0;
	v54 =	vld [tilespmem:s28+$0x10];
	v55 =	vmul.f32 v43, v5;
	s29 =	sand.u32 $0xFFFFFFE0, s29;
	v0 =	vadd.f32 v49, v0  }
0x7b: {  	v57 =	vmov s31;
	v56 =	vmul.f32 v45, v5;
	v58 =	vld [tilespmem:s29+$0x0];
	v1 =	vadd.f32 v51, v1  }
0x7c: {  	s30 =	sshll.u32 s30, $0x10;
	v5 =	vbroadcast v57, $0x0;
	v60 =	vld [tilespmem:s29+$0x10];
	v59 =	vmul.f32 v48, v4;
	v0 =	vadd.f32 v55, v0  }
0x7d: {  	v62 =	vmov s30;
	v61 =	vmul.f32 v50, v4;
	v1 =	vadd.f32 v56, v1  }
0x7e: {  	v4 =	vbroadcast v62, $0x0;
	v63 =	vmul.f32 v53, v5;
	v0 =	vadd.f32 v59, v0  }
0x7f: {  	v7 =	vmul.f32 v54, v5;
	v1 =	vadd.f32 v61, v1  }
0x80: {  	v9 =	vmul.f32 v58, v4;
	v0 =	vadd.f32 v63, v0  }
0x81: {  	v10 =	vmul.f32 v60, v4;
	v1 =	vadd.f32 v7, v1  }
0x82: {  	v0 =	vadd.f32 v9, v0  }
0x83: {  	v1 =	vadd.f32 v10, v1  }
0x84: {  	[tilespmem:s25+$0xFFFFFFE0] =	vst v0  }
0x85: {  	[tilespmem:s25+$0xFFFFFFF0] =	vst v1  }
0x86: {  	v1 =	vld [tilespmem:s26+$0x1E010];
	_ =	sdelay $0x1  }
0x87: {  	v0 =	vld [tilespmem:s26+$0x1E410];
	_ =	sdelay $0x2  }
0x88: {  	(v2sf) =	vpush v1, $0x0;
	_ =	sdelay $0x1  }
0x89: {  	(v2sf) =	vpush v0, $0x0;
	_ =	sdelay $0x1  }
0x8a: {  	(v2sf) =	vpush v1, $0x1;
	_ =	sdelay $0x1  }
0x8b: {  	(v2sf) =	vpush v0, $0x1;
	_ =	sdelay $0x1  }
0x8c: {  	(v2sf) =	vpush v1, $0x2;
	_ =	sdelay $0x1  }
0x8d: {  	(v2sf) =	vpush v0, $0x2;
	_ =	sdelay $0x1  }
0x8e: {  	(v2sf) =	vpush v1, $0x3;
	_ =	sdelay $0x2  }
0x8f: {  	s31 =	spop (v2sf)  }
0x90: {  	s30 =	sshra.s32 s31, $0xB  }
0x91: {  	s29 =	spop (v2sf);
	(v2sf) =	vpush v0, $0x3;
	s28 =	sand.u32 $0xFFFFFFE0, s30  }
0x92: {  	v11 =	vld [tilespmem:s28+$0x0]  }
0x93: {  	s26 =	sshll.u32 s31, $0x10;
	s31 =	sshra.s32 s29, $0xB;
	v13 =	vld [tilespmem:s28+$0x10];
	s28 =	spop (v2sf);
	(v2sf) =	vpush v1, $0x4  }
0x94: {  	v12 =	vmov s26;
	s29 =	sshll.u32 s29, $0x10;
	s26 =	sand.u32 $0xFFFFFFE0, s31  }
0x95: {  	v15 =	vmov s29;
	v14 =	vld [tilespmem:s26+$0x0];
	s31 =	sshra.s32 s28, $0xB;
	s29 =	spop (v2sf);
	(v2sf) =	vpush v0, $0x4  }
0x96: {  	v16 =	vld [tilespmem:s26+$0x10];
	s28 =	sshll.u32 s28, $0x10;
	s26 =	sand.u32 $0xFFFFFFE0, s31  }
0x97: {  	s31 =	sshra.s32 s29, $0xB;
	v19 =	vmov s28;
	s28 =	spop (v2sf);
	(v2sf) =	vpush v1, $0x5;
	v17 =	vld [tilespmem:s26+$0x0]  }
0x98: {  	v3 =	vbroadcast v12, $0x0;
	s29 =	sshll.u32 s29, $0x10;
	v20 =	vld [tilespmem:s26+$0x10];
	s26 =	sand.u32 $0xFFFFFFE0, s31  }
0x99: {  	v6 =	vbroadcast v15, $0x0;
	s31 =	sshra.s32 s28, $0xB;
	v24 =	vmov s29;
	s29 =	spop (v2sf);
	s28 =	sshll.u32 s28, $0x10;
	(v2sf) =	vpush v0, $0x5;
	v21 =	vld [tilespmem:s26+$0x0]  }
0x9a: {  	v5 =	vbroadcast v19, $0x0;
	v25 =	vld [tilespmem:s26+$0x10];
	s26 =	sand.u32 $0xFFFFFFE0, s31;
	v7 =	vbroadcast v24, $0x0;
	v29 =	vmov s28  }
0x9b: {  	s31 =	sshra.s32 s29, $0xB;
	s28 =	spop (v2sf);
	s29 =	sshll.u32 s29, $0x10;
	(v2sf) =	vpush v1, $0x6;
	v2 =	vmul.f32 v3, v11;
	v3 =	vmul.f32 v3, v13  }
0x9c: {  	v26 =	vld [tilespmem:s26+$0x0];
	v34 =	vmov s29;
	v18 =	vmul.f32 v6, v14;
	v22 =	vmul.f32 v6, v16  }
0x9d: {  	v30 =	vld [tilespmem:s26+$0x10];
	s26 =	sand.u32 $0xFFFFFFE0, s31;
	s31 =	sshra.s32 s28, $0xB;
	s28 =	sshll.u32 s28, $0x10;
	v6 =	vbroadcast v29, $0x0;
	v2 =	vadd.f32 $0.0e+00, v2;
	v3 =	vadd.f32 $0.0e+00, v3  }
0x9e: {  	v31 =	vld [tilespmem:s26+$0x0];
	v39 =	vmov s28;
	v23 =	vmul.f32 v17, v5;
	v27 =	vmul.f32 v20, v5  }
0x9f: {  	v35 =	vld [tilespmem:s26+$0x10];
	s26 =	sand.u32 $0xFFFFFFE0, s31;
	v2 =	vadd.f32 v18, v2;
	v3 =	vadd.f32 v22, v3;
	v28 =	vmul.f32 v21, v7  }
0xa0: {  	v36 =	vld [tilespmem:s26+$0x0];
	v32 =	vmul.f32 v25, v7;
	v7 =	vbroadcast v34, $0x0;
	s29 =	spop (v2sf);
	(v2sf) =	vpush v0, $0x6  }
0xa1: {  	v40 =	vld [tilespmem:s26+$0x10];
	v33 =	vmul.f32 v26, v6;
	v2 =	vadd.f32 v2, v23;
	v3 =	vadd.f32 v27, v3  }
0xa2: {  	v37 =	vmul.f32 v30, v6;
	v6 =	vbroadcast v39, $0x0;
	s31 =	sshra.s32 s29, $0xB;
	s28 =	spop (v2sf);
	(v2sf) =	vpush v1, $0x7  }
0xa3: {  	v38 =	vmul.f32 v31, v7;
	v2 =	vadd.f32 v28, v2;
	v3 =	vadd.f32 v32, v3;
	s29 =	sshll.u32 s29, $0x10;
	s26 =	sand.u32 $0xFFFFFFE0, s31  }
0xa4: {  	v42 =	vmul.f32 v35, v7;
	v44 =	vmov s29;
	v41 =	vld [tilespmem:s26+$0x0];
	s31 =	sshra.s32 s28, $0xB;
	s29 =	spop (v2sf);
	(v2sf) =	vpush v0, $0x7  }
0xa5: {  	v43 =	vmul.f32 v36, v6;
	v2 =	vadd.f32 v33, v2;
	v3 =	vadd.f32 v37, v3;
	v45 =	vld [tilespmem:s26+$0x10];
	s28 =	sshll.u32 s28, $0x10;
	s26 =	sand.u32 $0xFFFFFFE0, s31  }
0xa6: {  	v47 =	vmul.f32 v40, v6;
	s31 =	sshra.s32 s29, $0xB;
	v49 =	vmov s28;
	s28 =	spop (v2sf);
	(v2sf) =	vpush v1, $0x8;
	v46 =	vld [tilespmem:s26+$0x0]  }
0xa7: {  	v7 =	vbroadcast v44, $0x0;
	v2 =	vadd.f32 v38, v2;
	v3 =	vadd.f32 v42, v3;
	s29 =	sshll.u32 s29, $0x10;
	v50 =	vld [tilespmem:s26+$0x10];
	s26 =	sand.u32 $0xFFFFFFE0, s31  }
0xa8: {  	v6 =	vbroadcast v49, $0x0;
	s31 =	sshra.s32 s28, $0xB;
	v54 =	vmov s29;
	s29 =	spop (v2sf);
	s28 =	sshll.u32 s28, $0x10;
	(v2sf) =	vpush v0, $0x8;
	v51 =	vld [tilespmem:s26+$0x0]  }
0xa9: {  	v2 =	vadd.f32 v43, v2;
	v3 =	vadd.f32 v47, v3;
	v55 =	vld [tilespmem:s26+$0x10];
	s26 =	sand.u32 $0xFFFFFFE0, s31;
	s31 =	sshra.s32 s29, $0xB;
	v59 =	vmov s28;
	s29 =	sshll.u32 s29, $0x10  }
0xaa: {  	s28 =	spop (v2sf);
	(v2sf) =	vpush v1, $0x9;
	v56 =	vld [tilespmem:s26+$0x0];
	v12 =	vmov s29;
	v48 =	vmul.f32 v41, v7  }
0xab: {  	v60 =	vld [tilespmem:s26+$0x10];
	s26 =	sand.u32 $0xFFFFFFE0, s31;
	s31 =	sshra.s32 s28, $0xB;
	s28 =	sshll.u32 s28, $0x10;
	(v2sf) =	vpush v0, $0x9;
	v52 =	vmul.f32 v45, v7;
	v7 =	vbroadcast v54, $0x0  }
0xac: {  	v61 =	vld [tilespmem:s26+$0x0];
	v17 =	vmov s28;
	v2 =	vadd.f32 v48, v2;
	v53 =	vmul.f32 v46, v6  }
0xad: {  	v13 =	vld [tilespmem:s26+$0x10];
	s26 =	sand.u32 $0xFFFFFFE0, s31;
	v3 =	vadd.f32 v52, v3;
	v57 =	vmul.f32 v50, v6;
	v6 =	vbroadcast v59, $0x0  }
0xae: {  	v14 =	vld [tilespmem:s26+$0x0];
	v58 =	vmul.f32 v51, v7;
	v62 =	vmul.f32 v55, v7;
	v2 =	vadd.f32 v53, v2  }
0xaf: {  	v18 =	vld [tilespmem:s26+$0x10];
	v7 =	vbroadcast v12, $0x0;
	v3 =	vadd.f32 v57, v3;
	v63 =	vmul.f32 v56, v6;
	s29 =	spop (v2sf)  }
0xb0: {  	v15 =	vmul.f32 v60, v6;
	v2 =	vadd.f32 v58, v2;
	(v2sf) =	vpush v1, $0xA;
	s31 =	sshra.s32 s29, $0xB  }
0xb1: {  	v6 =	vbroadcast v17, $0x0;
	v16 =	vmul.f32 v61, v7;
	v3 =	vadd.f32 v62, v3;
	s26 =	sand.u32 $0xFFFFFFE0, s31;
	s28 =	spop (v2sf)  }
0xb2: {  	v20 =	vmul.f32 v13, v7;
	v2 =	vadd.f32 v63, v2;
	s29 =	sshll.u32 s29, $0x10;
	(v2sf) =	vpush v0, $0xA;
	v19 =	vld [tilespmem:s26+$0x0];
	s31 =	sshra.s32 s28, $0xB  }
0xb3: {  	v21 =	vmul.f32 v14, v6;
	v3 =	vadd.f32 v15, v3;
	v22 =	vmov s29;
	v23 =	vld [tilespmem:s26+$0x10];
	s29 =	spop (v2sf);
	s26 =	sand.u32 $0xFFFFFFE0, s31  }
0xb4: {  	v26 =	vmul.f32 v18, v6;
	(v2sf) =	vpush v1, $0xB;
	v2 =	vadd.f32 v16, v2;
	s28 =	sshll.u32 s28, $0x10;
	s31 =	sshra.s32 s29, $0xB;
	v25 =	vld [tilespmem:s26+$0x0]  }
0xb5: {  	v3 =	vadd.f32 v20, v3;
	(v2sf) =	vpush v0, $0xB;
	v28 =	vmov s28;
	s28 =	spop (v2sf);
	v29 =	vld [tilespmem:s26+$0x10];
	s26 =	sand.u32 $0xFFFFFFE0, s31  }
0xb6: {  	v24 =	vbroadcast v22, $0x0;
	s29 =	sshll.u32 s29, $0x10;
	(v2sf) =	vpush v1, $0xC;
	v2 =	vadd.f32 v21, v2;
	s31 =	sshra.s32 s28, $0xB;
	v30 =	vld [tilespmem:s26+$0x0]  }
0xb7: {  	v9 =	vbroadcast v28, $0x0;
	v3 =	vadd.f32 v26, v3;
	v32 =	vmov s29;
	s29 =	spop (v2sf);
	s28 =	sshll.u32 s28, $0x10;
	v33 =	vld [tilespmem:s26+$0x10];
	s26 =	sand.u32 $0xFFFFFFE0, s31  }
0xb8: {  	(v2sf) =	vpush v0, $0xC;
	v34 =	vbroadcast v32, $0x0;
	s31 =	sshra.s32 s29, $0xB;
	v38 =	vmov s28;
	s29 =	sshll.u32 s29, $0x10;
	v35 =	vld [tilespmem:s26+$0x0]  }
0xb9: {  	s28 =	spop (v2sf);
	(v2sf) =	vpush v1, $0xD;
	v39 =	vld [tilespmem:s26+$0x10];
	s26 =	sand.u32 $0xFFFFFFE0, s31;
	v42 =	vmov s29;
	v27 =	vmul.f32 v19, v24  }
0xba: {  	s31 =	sshra.s32 s28, $0xB;
	s29 =	spop (v2sf);
	s28 =	sshll.u32 s28, $0x10;
	(v2sf) =	vpush v0, $0xD;
	v4 =	vmul.f32 v23, v24;
	v44 =	vbroadcast v42, $0x0  }
0xbb: {  	v40 =	vld [tilespmem:s26+$0x0];
	v49 =	vmov s28;
	v2 =	vadd.f32 v27, v2;
	v31 =	vmul.f32 v25, v9  }
0xbc: {  	v43 =	vld [tilespmem:s26+$0x10];
	s31 =	sand.u32 $0xFFFFFFE0, s31;
	(v2sf) =	vpush v1, $0xE;
	v3 =	vadd.f32 v4, v3;
	v36 =	vmul.f32 v29, v9  }
0xbd: {  	s30 =	sshra.s32 s29, $0xB;
	v45 =	vld [tilespmem:s31+$0x0];
	v9 =	vbroadcast v38, $0x0;
	v37 =	vmul.f32 v30, v34;
	v2 =	vadd.f32 v31, v2  }
0xbe: {  	s29 =	sshll.u32 s29, $0x10;
	v46 =	vld [tilespmem:s31+$0x10];
	s26 =	sand.u32 $0xFFFFFFE0, s30;
	v10 =	vbroadcast v49, $0x0;
	v4 =	vmul.f32 v33, v34;
	v3 =	vadd.f32 v36, v3  }
0xbf: {  	v52 =	vmov s29;
	v50 =	vld [tilespmem:s26+$0x0];
	v41 =	vmul.f32 v35, v9;
	v2 =	vadd.f32 v37, v2;
	s28 =	spop (v2sf)  }
0xc0: {  	(v2sf) =	vpush v0, $0xE;
	v51 =	vld [tilespmem:s26+$0x10];
	v47 =	vmul.f32 v39, v9;
	v3 =	vadd.f32 v4, v3;
	s31 =	sshra.s32 s28, $0xB  }
0xc1: {  	v55 =	vbroadcast v52, $0x0;
	v48 =	vmul.f32 v40, v44;
	v2 =	vadd.f32 v41, v2;
	s30 =	spop (v2sf);
	s26 =	sand.u32 $0xFFFFFFE0, s31  }
0xc2: {  	(v2sf) =	vpush v1, $0xF;
	v4 =	vmul.f32 v43, v44;
	v3 =	vadd.f32 v47, v3;
	s31 =	sshra.s32 s30, $0xB;
	v53 =	vld [tilespmem:s26+$0x0]  }
0xc3: {  	v6 =	vmul.f32 v45, v10;
	v54 =	vmul.f32 v46, v10;
	s28 =	sshll.u32 s28, $0x10;
	s29 =	spop (v2sf);
	v2 =	vadd.f32 v48, v2;
	v56 =	vld [tilespmem:s26+$0x10];
	s26 =	sand.u32 $0xFFFFFFE0, s31  }
0xc4: {  	v60 =	vmul.f32 v50, v55;
	v57 =	vmov s28;
	v3 =	vadd.f32 v4, v3;
	s31 =	sshra.s32 s29, $0xB;
	v58 =	vld [tilespmem:s26+$0x0]  }
0xc5: {  	v5 =	vmul.f32 v51, v55;
	s30 =	sshll.u32 s30, $0x10;
	v61 =	vbroadcast v57, $0x0;
	s28 =	spop (v2sf);
	v62 =	vld [tilespmem:s26+$0x10];
	s26 =	sand.u32 $0xFFFFFFE0, s31;
	v2 =	vadd.f32 v6, v2  }
0xc6: {  	(v2sf) =	vpush v0, $0xF;
	v63 =	vmov s30;
	s31 =	sshra.s32 s28, $0xB;
	v59 =	vadd.f32 v54, v3;
	v12 =	vld [tilespmem:s26+$0x0]  }
0xc7: {  	s29 =	sshll.u32 s29, $0x10;
	v7 =	vbroadcast v63, $0x0;
	v13 =	vld [tilespmem:s26+$0x10];
	s26 =	spop (v2sf);
	s30 =	sand.u32 $0xFFFFFFE0, s31;
	v2 =	vadd.f32 v60, v2;
	v14 =	vmul.f32 v53, v61  }
0xc8: {  	v15 =	vmov s29;
	v16 =	vld [tilespmem:s30+$0x0];
	s31 =	sshra.s32 s26, $0xB;
	v1 =	vadd.f32 v5, v59;
	v4 =	vmul.f32 v56, v61  }
0xc9: {  	s28 =	sshll.u32 s28, $0x10;
	v17 =	vld [tilespmem:s30+$0x10];
	s30 =	spop (v2sf);
	v5 =	vbroadcast v15, $0x0;
	s29 =	sand.u32 $0xFFFFFFE0, s31;
	v18 =	vmul.f32 v58, v7;
	v2 =	vadd.f32 v14, v2  }
0xca: {  	v20 =	vmov s28;
	s31 =	sshra.s32 s30, $0xB;
	v21 =	vld [tilespmem:s29+$0x0];
	v19 =	vmul.f32 v62, v7;
	v1 =	vadd.f32 v4, v1  }
0xcb: {  	v6 =	vbroadcast v20, $0x0;
	s26 =	sshll.u32 s26, $0x10;
	v22 =	vld [tilespmem:s29+$0x10];
	s29 =	spop (v2sf);
	s28 =	sand.u32 $0xFFFFFFE0, s31;
	v23 =	vmul.f32 v12, v5;
	v2 =	vadd.f32 v18, v2  }
0xcc: {  	v24 =	vmov s26;
	v25 =	vld [tilespmem:s28+$0x0];
	s31 =	sshra.s32 s29, $0xB;
	v0 =	vmul.f32 v13, v5;
	v1 =	vadd.f32 v19, v1  }
0xcd: {  	s30 =	sshll.u32 s30, $0x10;
	v26 =	vld [tilespmem:s28+$0x10];
	s28 =	spop (v2sf);
	v4 =	vbroadcast v24, $0x0;
	s26 =	sand.u32 $0xFFFFFFE0, s31;
	v27 =	vmul.f32 v16, v6;
	v2 =	vadd.f32 v23, v2  }
0xce: {  	v29 =	vmov s30;
	s31 =	sshra.s32 s28, $0xB;
	v28 =	vmul.f32 v17, v6;
	v30 =	vld [tilespmem:s26+$0x0];
	v0 =	vadd.f32 v0, v1  }
0xcf: {  	s29 =	sshll.u32 s29, $0x10;
	v31 =	vld [tilespmem:s26+$0x10];
	s26 =	spop (v2sf);
	v6 =	vbroadcast v29, $0x0;
	s30 =	sand.u32 $0xFFFFFFE0, s31;
	v32 =	vmul.f32 v21, v4;
	v2 =	vadd.f32 v27, v2  }
0xd0: {  	v34 =	vmov s29;
	v35 =	vld [tilespmem:s30+$0x0];
	s31 =	sshra.s32 s26, $0xB;
	v33 =	vmul.f32 v22, v4;
	v0 =	vadd.f32 v28, v0  }
0xd1: {  	s28 =	sshll.u32 s28, $0x10;
	v36 =	vld [tilespmem:s30+$0x10];
	s30 =	spop (v2sf);
	v4 =	vbroadcast v34, $0x0;
	s29 =	sand.u32 $0xFFFFFFE0, s31;
	v37 =	vmul.f32 v25, v6;
	v2 =	vadd.f32 v32, v2  }
0xd2: {  	v39 =	vmov s28;
	s31 =	sshra.s32 s30, $0xB;
	v38 =	vmul.f32 v26, v6;
	v40 =	vld [tilespmem:s29+$0x0];
	v0 =	vadd.f32 v33, v0  }
0xd3: {  	v5 =	vbroadcast v39, $0x0;
	s26 =	sshll.u32 s26, $0x10;
	v41 =	vld [tilespmem:s29+$0x10];
	s29 =	spop (v2sf);
	s28 =	sand.u32 $0xFFFFFFE0, s31;
	v42 =	vmul.f32 v30, v4;
	v2 =	vadd.f32 v37, v2  }
0xd4: {  	v44 =	vmov s26;
	v45 =	vld [tilespmem:s28+$0x0];
	s31 =	sshra.s32 s29, $0xB;
	v43 =	vmul.f32 v31, v4;
	v0 =	vadd.f32 v38, v0  }
0xd5: {  	s30 =	sshll.u32 s30, $0x10;
	v47 =	vld [tilespmem:s28+$0x10];
	v4 =	vbroadcast v44, $0x0;
	s26 =	sand.u32 $0xFFFFFFE0, s31;
	s28 =	spop (v2sf);
	v46 =	vmul.f32 v35, v5;
	v2 =	vadd.f32 v42, v2  }
0xd6: {  	v49 =	vmov s30;
	v48 =	vmul.f32 v36, v5;
	v50 =	vld [tilespmem:s26+$0x0];
	s30 =	sshra.s32 s28, $0xB;
	v0 =	vadd.f32 v43, v0  }
0xd7: {  	s31 =	sshll.u32 s29, $0x10;
	v51 =	vld [tilespmem:s26+$0x10];
	v5 =	vbroadcast v49, $0x0;
	s30 =	sand.u32 $0xFFFFFFE0, s30;
	v52 =	vmul.f32 v40, v4;
	v2 =	vadd.f32 v46, v2  }
0xd8: {  	v54 =	vmov s31;
	v53 =	vmul.f32 v41, v4;
	v55 =	vld [tilespmem:s30+$0x0];
	v0 =	vadd.f32 v48, v0  }
0xd9: {  	s31 =	sshll.u32 s28, $0x10;
	v4 =	vbroadcast v54, $0x0;
	v57 =	vld [tilespmem:s30+$0x10];
	v56 =	vmul.f32 v45, v5;
	v2 =	vadd.f32 v52, v2  }
0xda: {  	v59 =	vmov s31;
	v58 =	vmul.f32 v47, v5;
	v0 =	vadd.f32 v53, v0  }
0xdb: {  	v5 =	vbroadcast v59, $0x0;
	v60 =	vmul.f32 v50, v4;
	v2 =	vadd.f32 v56, v2  }
0xdc: {  	v61 =	vmul.f32 v51, v4;
	v0 =	vadd.f32 v58, v0  }
0xdd: {  	p0 =	sne.s32 s24, $0xF80;
	v62 =	vmul.f32 v55, v5;
	v2 =	vadd.f32 v60, v2  }
.Ltmp0:
0xde: {  	v63 =	vmul.f32 v57, v5;
	v0 =	vadd.f32 v61, v0;
	(pc) =	sbr.rel @p0 .LBB2_3-.Ltmp0, $4  }
0xdf: {  	v2 =	vadd.f32 v62, v2  }
0xe0: {  	v0 =	vadd.f32 v63, v0  }
0xe1: {  	[tilespmem:s25+$0x0] =	vst v2  }
0xe2: {  	s24 =	sadd.s32 $0x80, s24;
	[tilespmem:s25+$0x10] =	vst v0;
	s25 =	sadd.s32 $0x40, s25  }
0xe3: {  	s24 =	sshll.u32 s22, $0xC  }
0xe4: {  	s25 =	sshll.u32 s22, $0x1;
	s24 =	sadd.s32 s10, s24  }
0xe5: {  	s25 =	smin.u32 s25, $0x1D;
	s24 =	sshrl.u32 s24, $0x3  }
0xe6: {  	s25 =	sshll.u32 s25, $0xA;
	s26 =	sadd.s32 s2, s24;
	s24 =	simm.s32 $0x0  }
0xe7: {  	[hbm4b:s26+s24] =	stream.linear.scatter [tilespmem:s19], [sflag:$0x3], $0x800, $0x38;
	[tilespmem:$0x1F800] =	vst v63  }
0xe8: {  	s25 =	sadd.s32 s25, s11;
	_ =	swait.ge [sflag:s13], $0x800  }
0xe9: {  	s25 =	sshrl.u32 s25, $0x3;
	[sflag:s13] =	ssyncset.done $0x0  }
0xea: {  	s31 =	sadd.s32 s4, s25;
	[sflag:s13] =	ssyncadd.s32 $0xFFFFF800  }
0xeb: {  	[tilespmem:s14], [sflag:$0x1] =	stream.linear.gather [hbm4b:s31+s24], $0x400, $0x38;
	[tilespmem:$0x1F800] =	vst v63  }
0xec: {  	s25 =	sadd.s32 s6, s25  }
0xed: {  	[tilespmem:s15], [sflag:$0x1] =	stream.linear.gather [hbm4b:s25+s24], $0x400, $0x38;
	[tilespmem:$0x1F800] =	vst v63  }
0xee: {  	_ =	swait.ge [sflag:s20], $0x400  }
0xef: {  	[sflag:s20] =	ssyncset.done $0x0  }
0xf0: {  	[sflag:s20] =	ssyncadd.s32 $0xFFFFFC00  }
0xf1: {  	_ =	swait.ge [sflag:s20], $0x400  }
0xf2: {  	[sflag:s20] =	ssyncset.done $0x0  }
0xf3: {  	s25 =	simm.s32 $0x1F020;
	[sflag:s20] =	ssyncadd.s32 $0xFFFFFC00  }
.LBB2_5:
0xf4: {  	s26 =	sshra.s32 s24, $0x2  }
0xf5: {  	v1 =	vld [tilespmem:s26+$0x1E800];
	_ =	sdelay $0x1  }
0xf6: {  	v0 =	vld [tilespmem:s26+$0x1EC00];
	_ =	sdelay $0x2  }
0xf7: {  	(v2sf) =	vpush v1, $0x0;
	_ =	sdelay $0x1  }
0xf8: {  	(v2sf) =	vpush v0, $0x0;
	_ =	sdelay $0x1  }
0xf9: {  	(v2sf) =	vpush v1, $0x1;
	_ =	sdelay $0x1  }
0xfa: {  	(v2sf) =	vpush v0, $0x1;
	_ =	sdelay $0x1  }
0xfb: {  	(v2sf) =	vpush v1, $0x2;
	_ =	sdelay $0x1  }
0xfc: {  	(v2sf) =	vpush v0, $0x2;
	_ =	sdelay $0x1  }
0xfd: {  	(v2sf) =	vpush v1, $0x3;
	_ =	sdelay $0x1  }
0xfe: {  	(v2sf) =	vpush v0, $0x3  }
0xff: {  	(v2sf) =	vpush v1, $0x4;
	s28 =	spop (v2sf)  }
0x100: {  	s29 =	sshra.s32 s28, $0xB  }
0x101: {  	(v2sf) =	vpush v0, $0x4;
	s30 =	spop (v2sf);
	s29 =	sand.u32 $0xFFFFFFE0, s29  }
0x102: {  	(v2sf) =	vpush v1, $0x5;
	s28 =	sshll.u32 s28, $0x10;
	s31 =	sshra.s32 s30, $0xB;
	v2 =	vld [tilespmem:s29+$0x0]  }
0x103: {  	v3 =	vmov s28;
	v4 =	vld [tilespmem:s29+$0x10];
	s28 =	sand.u32 $0xFFFFFFE0, s31;
	s29 =	spop (v2sf)  }
0x104: {  	s30 =	sshll.u32 s30, $0x10;
	v5 =	vld [tilespmem:s28+$0x0];
	s31 =	sshra.s32 s29, $0xB  }
0x105: {  	(v2sf) =	vpush v0, $0x5;
	v6 =	vmov s30;
	v7 =	vld [tilespmem:s28+$0x10];
	s30 =	spop (v2sf);
	s28 =	sand.u32 $0xFFFFFFE0, s31  }
0x106: {  	s29 =	sshll.u32 s29, $0x10;
	s31 =	sshra.s32 s30, $0xB;
	v8 =	vld [tilespmem:s28+$0x0]  }
0x107: {  	v23 =	vmov s29;
	s29 =	spop (v2sf);
	v9 =	vld [tilespmem:s28+$0x10];
	s28 =	sand.u32 $0xFFFFFFE0, s31  }
0x108: {  	s30 =	sshll.u32 s30, $0x10;
	s31 =	sshra.s32 s29, $0xB;
	v10 =	vld [tilespmem:s28+$0x0]  }
0x109: {  	v3 =	vbroadcast v3, $0x0;
	v26 =	vmov s30;
	s30 =	spop (v2sf);
	v27 =	vld [tilespmem:s28+$0x10];
	s28 =	sand.u32 $0xFFFFFFE0, s31  }
0x10a: {  	v6 =	vbroadcast v6, $0x0;
	s29 =	sshll.u32 s29, $0x10;
	(v2sf) =	vpush v1, $0x6;
	s31 =	sshra.s32 s30, $0xB;
	v11 =	vld [tilespmem:s28+$0x0]  }
0x10b: {  	v30 =	vmov s29;
	s29 =	spop (v2sf);
	s30 =	sshll.u32 s30, $0x10;
	(v2sf) =	vpush v0, $0x6;
	v2 =	vmul.f32 v3, v2;
	v31 =	vld [tilespmem:s28+$0x10];
	s28 =	sand.u32 $0xFFFFFFE0, s31  }
0x10c: {  	v3 =	vmul.f32 v3, v4;
	s31 =	sshra.s32 s29, $0xB;
	v35 =	vmov s30;
	v22 =	vmul.f32 v6, v5;
	v32 =	vld [tilespmem:s28+$0x0]  }
0x10d: {  	s30 =	spop (v2sf);
	s29 =	sshll.u32 s29, $0x10;
	(v2sf) =	vpush v1, $0x7;
	v5 =	vbroadcast v23, $0x0;
	v24 =	vmul.f32 v6, v7;
	v36 =	vld [tilespmem:s28+$0x10];
	s28 =	sand.u32 $0xFFFFFFE0, s31  }
0x10e: {  	v7 =	vbroadcast v26, $0x0;
	s31 =	sshra.s32 s30, $0xB;
	v40 =	vmov s29;
	s29 =	spop (v2sf);
	(v2sf) =	vpush v0, $0x7;
	v37 =	vld [tilespmem:s28+$0x0]  }
0x10f: {  	v6 =	vbroadcast v30, $0x0;
	s30 =	sshll.u32 s30, $0x10;
	v2 =	vadd.f32 $0.0e+00, v2;
	v3 =	vadd.f32 $0.0e+00, v3;
	v41 =	vld [tilespmem:s28+$0x10];
	s28 =	sand.u32 $0xFFFFFFE0, s31  }
0x110: {  	s31 =	sshra.s32 s29, $0xB;
	v45 =	vmov s30;
	s30 =	spop (v2sf);
	s29 =	sshll.u32 s29, $0x10;
	(v2sf) =	vpush v1, $0x8;
	v25 =	vmul.f32 v8, v5;
	v42 =	vld [tilespmem:s28+$0x0]  }
0x111: {  	v28 =	vmul.f32 v9, v5;
	v46 =	vld [tilespmem:s28+$0x10];
	s28 =	sand.u32 $0xFFFFFFE0, s31;
	v50 =	vmov s29;
	s29 =	spop (v2sf);
	(v2sf) =	vpush v0, $0x8  }
0x112: {  	s31 =	sshra.s32 s30, $0xB;
	s30 =	sshll.u32 s30, $0x10;
	v2 =	vadd.f32 v22, v2;
	v3 =	vadd.f32 v24, v3;
	v29 =	vmul.f32 v10, v7;
	v47 =	vld [tilespmem:s28+$0x0]  }
0x113: {  	v33 =	vmul.f32 v27, v7;
	v7 =	vbroadcast v35, $0x0;
	v51 =	vld [tilespmem:s28+$0x10];
	s28 =	sand.u32 $0xFFFFFFE0, s31;
	v55 =	vmov s30  }
0x114: {  	s31 =	sshra.s32 s29, $0xB;
	s30 =	spop (v2sf);
	s29 =	sshll.u32 s29, $0x10;
	(v2sf) =	vpush v1, $0x9;
	v34 =	vmul.f32 v11, v6;
	v38 =	vmul.f32 v31, v6  }
0x115: {  	v6 =	vbroadcast v40, $0x0;
	v52 =	vld [tilespmem:s28+$0x0];
	v60 =	vmov s29;
	(v2sf) =	vpush v0, $0x9  }
0x116: {  	v56 =	vld [tilespmem:s28+$0x10];
	s28 =	sand.u32 $0xFFFFFFE0, s31;
	s31 =	sshra.s32 s30, $0xB;
	s30 =	sshll.u32 s30, $0x10;
	v2 =	vadd.f32 v2, v25;
	v3 =	vadd.f32 v28, v3;
	v39 =	vmul.f32 v32, v7  }
0x117: {  	v43 =	vmul.f32 v36, v7;
	v7 =	vbroadcast v45, $0x0;
	v13 =	vmov s30  }
0x118: {  	v57 =	vld [tilespmem:s28+$0x0];
	v44 =	vmul.f32 v37, v6;
	v48 =	vmul.f32 v41, v6;
	v2 =	vadd.f32 v29, v2  }
0x119: {  	v61 =	vld [tilespmem:s28+$0x10];
	s28 =	sand.u32 $0xFFFFFFE0, s31;
	v6 =	vbroadcast v50, $0x0;
	v3 =	vadd.f32 v33, v3;
	v49 =	vmul.f32 v42, v7  }
0x11a: {  	v62 =	vld [tilespmem:s28+$0x0];
	v53 =	vmul.f32 v46, v7;
	v7 =	vbroadcast v55, $0x0;
	v2 =	vadd.f32 v34, v2  }
0x11b: {  	v54 =	vmul.f32 v47, v6;
	v58 =	vmul.f32 v51, v6;
	v3 =	vadd.f32 v38, v3  }
0x11c: {  	v14 =	vld [tilespmem:s28+$0x10];
	v6 =	vbroadcast v60, $0x0;
	v59 =	vmul.f32 v52, v7;
	v2 =	vadd.f32 v39, v2;
	s29 =	spop (v2sf)  }
0x11d: {  	v63 =	vmul.f32 v56, v7;
	v7 =	vbroadcast v13, $0x0;
	v3 =	vadd.f32 v43, v3;
	s31 =	sshra.s32 s29, $0xB  }
0x11e: {  	v12 =	vmul.f32 v57, v6;
	v2 =	vadd.f32 v44, v2;
	s30 =	spop (v2sf);
	s28 =	sand.u32 $0xFFFFFFE0, s31  }
0x11f: {  	v16 =	vmul.f32 v61, v6;
	v17 =	vmul.f32 v62, v7;
	v3 =	vadd.f32 v48, v3;
	s29 =	sshll.u32 s29, $0x10;
	s31 =	sshra.s32 s30, $0xB;
	v15 =	vld [tilespmem:s28+$0x0]  }
0x120: {  	(v2sf) =	vpush v1, $0xA;
	v18 =	vmov s29;
	s29 =	spop (v2sf);
	v2 =	vadd.f32 v49, v2;
	v19 =	vld [tilespmem:s28+$0x10];
	s28 =	sand.u32 $0xFFFFFFE0, s31  }
0x121: {  	v21 =	vmul.f32 v14, v7;
	(v2sf) =	vpush v0, $0xA;
	s30 =	sshll.u32 s30, $0x10;
	v3 =	vadd.f32 v53, v3;
	s31 =	sshra.s32 s29, $0xB;
	v20 =	vld [tilespmem:s28+$0x0]  }
0x122: {  	(v2sf) =	vpush v1, $0xB;
	v23 =	vmov s30;
	s30 =	spop (v2sf);
	v24 =	vld [tilespmem:s28+$0x10];
	s28 =	sand.u32 $0xFFFFFFE0, s31;
	v2 =	vadd.f32 v54, v2  }
0x123: {  	v6 =	vbroadcast v18, $0x0;
	s29 =	sshll.u32 s29, $0x10;
	(v2sf) =	vpush v0, $0xB;
	s31 =	sshra.s32 s30, $0xB;
	v3 =	vadd.f32 v58, v3;
	v26 =	vld [tilespmem:s28+$0x0]  }
0x124: {  	v25 =	vbroadcast v23, $0x0;
	v29 =	vmov s29;
	s29 =	spop (v2sf);
	s30 =	sshll.u32 s30, $0x10;
	v30 =	vld [tilespmem:s28+$0x10];
	s28 =	sand.u32 $0xFFFFFFE0, s31;
	v2 =	vadd.f32 v59, v2  }
0x125: {  	(v2sf) =	vpush v1, $0xC;
	s31 =	sshra.s32 s29, $0xB;
	v33 =	vmov s30;
	v31 =	vld [tilespmem:s28+$0x0];
	v3 =	vadd.f32 v63, v3  }
0x126: {  	v9 =	vbroadcast v29, $0x0;
	s30 =	spop (v2sf);
	s29 =	sshll.u32 s29, $0x10;
	v34 =	vld [tilespmem:s28+$0x10];
	s28 =	sand.u32 $0xFFFFFFE0, s31;
	v35 =	vbroadcast v33, $0x0;
	v2 =	vadd.f32 v12, v2  }
0x127: {  	s31 =	sshra.s32 s30, $0xB;
	v39 =	vmov s29;
	s29 =	spop (v2sf);
	(v2sf) =	vpush v0, $0xC;
	s30 =	sshll.u32 s30, $0x10;
	v3 =	vadd.f32 v16, v3  }
0x128: {  	v43 =	vmov s30;
	v22 =	vmul.f32 v15, v6;
	v2 =	vadd.f32 v17, v2  }
0x129: {  	v36 =	vld [tilespmem:s28+$0x0];
	(v2sf) =	vpush v1, $0xD;
	v27 =	vmul.f32 v19, v6;
	v3 =	vadd.f32 v21, v3  }
0x12a: {  	v40 =	vld [tilespmem:s28+$0x10];
	s28 =	sand.u32 $0xFFFFFFE0, s31;
	s31 =	sshra.s32 s29, $0xB;
	v45 =	vbroadcast v43, $0x0;
	v28 =	vmul.f32 v20, v25;
	v2 =	vadd.f32 v22, v2  }
0x12b: {  	s29 =	sshll.u32 s29, $0x10;
	v41 =	vld [tilespmem:s28+$0x0];
	s31 =	sand.u32 $0xFFFFFFE0, s31;
	(v2sf) =	vpush v0, $0xD;
	v4 =	vmul.f32 v24, v25;
	v3 =	vadd.f32 v27, v3  }
0x12c: {  	s30 =	spop (v2sf);
	v50 =	vmov s29;
	v46 =	vld [tilespmem:s31+$0x0];
	v32 =	vmul.f32 v26, v9;
	v2 =	vadd.f32 v28, v2  }
0x12d: {  	v47 =	vld [tilespmem:s31+$0x10];
	s31 =	sshra.s32 s30, $0xB;
	v10 =	vbroadcast v50, $0x0;
	v37 =	vmul.f32 v30, v9;
	v3 =	vadd.f32 v4, v3  }
0x12e: {  	v44 =	vld [tilespmem:s28+$0x10];
	s30 =	sshll.u32 s30, $0x10;
	v9 =	vbroadcast v39, $0x0;
	s28 =	sand.u32 $0xFFFFFFE0, s31;
	v38 =	vmul.f32 v31, v35;
	v2 =	vadd.f32 v32, v2  }
0x12f: {  	v53 =	vmov s30;
	v51 =	vld [tilespmem:s28+$0x0];
	v4 =	vmul.f32 v34, v35;
	v3 =	vadd.f32 v37, v3  }
0x130: {  	v56 =	vbroadcast v53, $0x0;
	v42 =	vmul.f32 v36, v9;
	s29 =	spop (v2sf);
	v2 =	vadd.f32 v38, v2  }
0x131: {  	v52 =	vld [tilespmem:s28+$0x10];
	v48 =	vmul.f32 v40, v9;
	(v2sf) =	vpush v1, $0xE;
	s31 =	sshra.s32 s29, $0xB;
	v3 =	vadd.f32 v4, v3  }
0x132: {  	v49 =	vmul.f32 v41, v45;
	v6 =	vmul.f32 v46, v10;
	s28 =	sand.u32 $0xFFFFFFE0, s31;
	s31 =	spop (v2sf);
	v2 =	vadd.f32 v42, v2  }
0x133: {  	(v2sf) =	vpush v0, $0xE;
	v54 =	vld [tilespmem:s28+$0x0];
	s30 =	sshra.s32 s31, $0xB;
	v4 =	vmul.f32 v44, v45;
	v3 =	vadd.f32 v48, v3  }
0x134: {  	v55 =	vmul.f32 v47, v10;
	s29 =	sshll.u32 s29, $0x10;
	v61 =	vmul.f32 v51, v56;
	v57 =	vld [tilespmem:s28+$0x10];
	s28 =	sand.u32 $0xFFFFFFE0, s30;
	s30 =	spop (v2sf);
	v2 =	vadd.f32 v49, v2  }
0x135: {  	v58 =	vmov s29;
	(v2sf) =	vpush v1, $0xF;
	v59 =	vld [tilespmem:s28+$0x0];
	s29 =	sshra.s32 s30, $0xB;
	v3 =	vadd.f32 v4, v3  }
0x136: {  	v5 =	vmul.f32 v52, v56;
	v62 =	vbroadcast v58, $0x0;
	s31 =	sshll.u32 s31, $0x10;
	v63 =	vld [tilespmem:s28+$0x10];
	s28 =	sand.u32 $0xFFFFFFE0, s29;
	s29 =	spop (v2sf);
	v2 =	vadd.f32 v6, v2  }
0x137: {  	v12 =	vmov s31;
	(v2sf) =	vpush v0, $0xF;
	v13 =	vld [tilespmem:s28+$0x0];
	s31 =	sshra.s32 s29, $0xB;
	v60 =	vadd.f32 v55, v3  }
0x138: {  	v16 =	vbroadcast v12, $0x0;
	s30 =	sshll.u32 s30, $0x10;
	v17 =	vld [tilespmem:s28+$0x10];
	v15 =	vmul.f32 v54, v62;
	s28 =	sand.u32 $0xFFFFFFE0, s31;
	s31 =	spop (v2sf);
	v14 =	vadd.f32 v61, v2  }
0x139: {  	v18 =	vmov s30;
	v4 =	vmul.f32 v57, v62;
	v19 =	vld [tilespmem:s28+$0x0];
	s30 =	sshra.s32 s31, $0xB;
	v1 =	vadd.f32 v5, v60  }
0x13a: {  	s29 =	sshll.u32 s29, $0x10;
	v21 =	vld [tilespmem:s28+$0x10];
	v20 =	vmul.f32 v59, v16;
	s28 =	sand.u32 $0xFFFFFFE0, s30;
	s30 =	spop (v2sf);
	v5 =	vbroadcast v18, $0x0;
	v0 =	vadd.f32 v15, v14  }
0x13b: {  	v22 =	vmov s29;
	v3 =	vmul.f32 v63, v16;
	v23 =	vld [tilespmem:s28+$0x0];
	s29 =	sshra.s32 s30, $0xB;
	v1 =	vadd.f32 v4, v1  }
0x13c: {  	s31 =	sshll.u32 s31, $0x10;
	v25 =	vld [tilespmem:s28+$0x10];
	s28 =	sand.u32 $0xFFFFFFE0, s29;
	s29 =	spop (v2sf);
	v24 =	vmul.f32 v13, v5;
	v4 =	vbroadcast v22, $0x0;
	v0 =	vadd.f32 v20, v0  }
0x13d: {  	v27 =	vmov s31;
	v28 =	vld [tilespmem:s28+$0x0];
	s31 =	sshra.s32 s29, $0xB;
	v26 =	vmul.f32 v17, v5;
	v1 =	vadd.f32 v3, v1  }
0x13e: {  	s30 =	sshll.u32 s30, $0x10;
	v30 =	vld [tilespmem:s28+$0x10];
	v5 =	vbroadcast v27, $0x0;
	s28 =	sand.u32 $0xFFFFFFE0, s31;
	s31 =	spop (v2sf);
	v29 =	vmul.f32 v19, v4;
	v0 =	vadd.f32 v24, v0  }
0x13f: {  	v32 =	vmov s30;
	v33 =	vld [tilespmem:s28+$0x0];
	s30 =	sshra.s32 s31, $0xB;
	v31 =	vmul.f32 v21, v4;
	v1 =	vadd.f32 v26, v1  }
0x140: {  	s29 =	sshll.u32 s29, $0x10;
	v35 =	vld [tilespmem:s28+$0x10];
	v34 =	vmul.f32 v23, v5;
	v4 =	vbroadcast v32, $0x0;
	s28 =	sand.u32 $0xFFFFFFE0, s30;
	s30 =	spop (v2sf);
	v0 =	vadd.f32 v29, v0  }
0x141: {  	v37 =	vmov s29;
	v36 =	vmul.f32 v25, v5;
	v38 =	vld [tilespmem:s28+$0x0];
	s29 =	sshra.s32 s30, $0xB;
	v1 =	vadd.f32 v31, v1  }
0x142: {  	s31 =	sshll.u32 s31, $0x10;
	v5 =	vbroadcast v37, $0x0;
	v40 =	vld [tilespmem:s28+$0x10];
	v39 =	vmul.f32 v28, v4;
	s28 =	sand.u32 $0xFFFFFFE0, s29;
	s29 =	spop (v2sf);
	v0 =	vadd.f32 v34, v0  }
0x143: {  	v42 =	vmov s31;
	v41 =	vmul.f32 v30, v4;
	v43 =	vld [tilespmem:s28+$0x0];
	s31 =	sshra.s32 s29, $0xB;
	v1 =	vadd.f32 v36, v1  }
0x144: {  	s30 =	sshll.u32 s30, $0x10;
	v4 =	vbroadcast v42, $0x0;
	v45 =	vld [tilespmem:s28+$0x10];
	v44 =	vmul.f32 v33, v5;
	s28 =	sand.u32 $0xFFFFFFE0, s31;
	s31 =	spop (v2sf);
	v0 =	vadd.f32 v39, v0  }
0x145: {  	v47 =	vmov s30;
	v46 =	vmul.f32 v35, v5;
	v48 =	vld [tilespmem:s28+$0x0];
	s30 =	sshra.s32 s31, $0xB;
	v1 =	vadd.f32 v41, v1  }
0x146: {  	s29 =	sshll.u32 s29, $0x10;
	v5 =	vbroadcast v47, $0x0;
	v50 =	vld [tilespmem:s28+$0x10];
	v49 =	vmul.f32 v38, v4;
	s28 =	sand.u32 $0xFFFFFFE0, s30;
	s30 =	spop (v2sf);
	v0 =	vadd.f32 v44, v0  }
0x147: {  	v52 =	vmov s29;
	v51 =	vmul.f32 v40, v4;
	v53 =	vld [tilespmem:s28+$0x0];
	s29 =	sshra.s32 s30, $0xB;
	v1 =	vadd.f32 v46, v1  }
0x148: {  	s31 =	sshll.u32 s31, $0x10;
	v4 =	vbroadcast v52, $0x0;
	v54 =	vld [tilespmem:s28+$0x10];
	v55 =	vmul.f32 v43, v5;
	s29 =	sand.u32 $0xFFFFFFE0, s29;
	v0 =	vadd.f32 v49, v0  }
0x149: {  	v57 =	vmov s31;
	v56 =	vmul.f32 v45, v5;
	v58 =	vld [tilespmem:s29+$0x0];
	v1 =	vadd.f32 v51, v1  }
0x14a: {  	s30 =	sshll.u32 s30, $0x10;
	v5 =	vbroadcast v57, $0x0;
	v60 =	vld [tilespmem:s29+$0x10];
	v59 =	vmul.f32 v48, v4;
	v0 =	vadd.f32 v55, v0  }
0x14b: {  	v62 =	vmov s30;
	v61 =	vmul.f32 v50, v4;
	v1 =	vadd.f32 v56, v1  }
0x14c: {  	v4 =	vbroadcast v62, $0x0;
	v63 =	vmul.f32 v53, v5;
	v0 =	vadd.f32 v59, v0  }
0x14d: {  	v7 =	vmul.f32 v54, v5;
	v1 =	vadd.f32 v61, v1  }
0x14e: {  	v9 =	vmul.f32 v58, v4;
	v0 =	vadd.f32 v63, v0  }
0x14f: {  	v10 =	vmul.f32 v60, v4;
	v1 =	vadd.f32 v7, v1  }
0x150: {  	v0 =	vadd.f32 v9, v0  }
0x151: {  	v1 =	vadd.f32 v10, v1  }
0x152: {  	[tilespmem:s25+$0xFFFFFFE0] =	vst v0  }
0x153: {  	[tilespmem:s25+$0xFFFFFFF0] =	vst v1  }
0x154: {  	v1 =	vld [tilespmem:s26+$0x1E810];
	_ =	sdelay $0x1  }
0x155: {  	v0 =	vld [tilespmem:s26+$0x1EC10];
	_ =	sdelay $0x2  }
0x156: {  	(v2sf) =	vpush v1, $0x0;
	_ =	sdelay $0x1  }
0x157: {  	(v2sf) =	vpush v0, $0x0;
	_ =	sdelay $0x1  }
0x158: {  	(v2sf) =	vpush v1, $0x1;
	_ =	sdelay $0x1  }
0x159: {  	(v2sf) =	vpush v0, $0x1;
	_ =	sdelay $0x1  }
0x15a: {  	(v2sf) =	vpush v1, $0x2;
	_ =	sdelay $0x1  }
0x15b: {  	(v2sf) =	vpush v0, $0x2;
	_ =	sdelay $0x1  }
0x15c: {  	(v2sf) =	vpush v1, $0x3;
	_ =	sdelay $0x2  }
0x15d: {  	s31 =	spop (v2sf)  }
0x15e: {  	s30 =	sshra.s32 s31, $0xB  }
0x15f: {  	s29 =	spop (v2sf);
	(v2sf) =	vpush v0, $0x3;
	s28 =	sand.u32 $0xFFFFFFE0, s30  }
0x160: {  	v11 =	vld [tilespmem:s28+$0x0]  }
0x161: {  	s26 =	sshll.u32 s31, $0x10;
	s31 =	sshra.s32 s29, $0xB;
	v13 =	vld [tilespmem:s28+$0x10];
	s28 =	spop (v2sf);
	(v2sf) =	vpush v1, $0x4  }
0x162: {  	v12 =	vmov s26;
	s29 =	sshll.u32 s29, $0x10;
	s26 =	sand.u32 $0xFFFFFFE0, s31  }
0x163: {  	v15 =	vmov s29;
	v14 =	vld [tilespmem:s26+$0x0];
	s31 =	sshra.s32 s28, $0xB;
	s29 =	spop (v2sf);
	(v2sf) =	vpush v0, $0x4  }
0x164: {  	v16 =	vld [tilespmem:s26+$0x10];
	s28 =	sshll.u32 s28, $0x10;
	s26 =	sand.u32 $0xFFFFFFE0, s31  }
0x165: {  	s31 =	sshra.s32 s29, $0xB;
	v19 =	vmov s28;
	s28 =	spop (v2sf);
	(v2sf) =	vpush v1, $0x5;
	v17 =	vld [tilespmem:s26+$0x0]  }
0x166: {  	v3 =	vbroadcast v12, $0x0;
	s29 =	sshll.u32 s29, $0x10;
	v20 =	vld [tilespmem:s26+$0x10];
	s26 =	sand.u32 $0xFFFFFFE0, s31  }
0x167: {  	v6 =	vbroadcast v15, $0x0;
	s31 =	sshra.s32 s28, $0xB;
	v24 =	vmov s29;
	s29 =	spop (v2sf);
	s28 =	sshll.u32 s28, $0x10;
	(v2sf) =	vpush v0, $0x5;
	v21 =	vld [tilespmem:s26+$0x0]  }
0x168: {  	v5 =	vbroadcast v19, $0x0;
	v25 =	vld [tilespmem:s26+$0x10];
	s26 =	sand.u32 $0xFFFFFFE0, s31;
	v7 =	vbroadcast v24, $0x0;
	v29 =	vmov s28  }
0x169: {  	s31 =	sshra.s32 s29, $0xB;
	s28 =	spop (v2sf);
	s29 =	sshll.u32 s29, $0x10;
	(v2sf) =	vpush v1, $0x6;
	v2 =	vmul.f32 v3, v11;
	v3 =	vmul.f32 v3, v13  }
0x16a: {  	v26 =	vld [tilespmem:s26+$0x0];
	v34 =	vmov s29;
	v18 =	vmul.f32 v6, v14;
	v22 =	vmul.f32 v6, v16  }
0x16b: {  	v30 =	vld [tilespmem:s26+$0x10];
	s26 =	sand.u32 $0xFFFFFFE0, s31;
	s31 =	sshra.s32 s28, $0xB;
	s28 =	sshll.u32 s28, $0x10;
	v6 =	vbroadcast v29, $0x0;
	v2 =	vadd.f32 $0.0e+00, v2;
	v3 =	vadd.f32 $0.0e+00, v3  }
0x16c: {  	v31 =	vld [tilespmem:s26+$0x0];
	v39 =	vmov s28;
	v23 =	vmul.f32 v17, v5;
	v27 =	vmul.f32 v20, v5  }
0x16d: {  	v35 =	vld [tilespmem:s26+$0x10];
	s26 =	sand.u32 $0xFFFFFFE0, s31;
	v2 =	vadd.f32 v18, v2;
	v3 =	vadd.f32 v22, v3;
	v28 =	vmul.f32 v21, v7  }
0x16e: {  	v36 =	vld [tilespmem:s26+$0x0];
	v32 =	vmul.f32 v25, v7;
	v7 =	vbroadcast v34, $0x0;
	s29 =	spop (v2sf);
	(v2sf) =	vpush v0, $0x6  }
0x16f: {  	v40 =	vld [tilespmem:s26+$0x10];
	v33 =	vmul.f32 v26, v6;
	v2 =	vadd.f32 v2, v23;
	v3 =	vadd.f32 v27, v3  }
0x170: {  	v37 =	vmul.f32 v30, v6;
	v6 =	vbroadcast v39, $0x0;
	s31 =	sshra.s32 s29, $0xB;
	s28 =	spop (v2sf);
	(v2sf) =	vpush v1, $0x7  }
0x171: {  	v38 =	vmul.f32 v31, v7;
	v2 =	vadd.f32 v28, v2;
	v3 =	vadd.f32 v32, v3;
	s29 =	sshll.u32 s29, $0x10;
	s26 =	sand.u32 $0xFFFFFFE0, s31  }
0x172: {  	v42 =	vmul.f32 v35, v7;
	v44 =	vmov s29;
	v41 =	vld [tilespmem:s26+$0x0];
	s31 =	sshra.s32 s28, $0xB;
	s29 =	spop (v2sf);
	(v2sf) =	vpush v0, $0x7  }
0x173: {  	v43 =	vmul.f32 v36, v6;
	v2 =	vadd.f32 v33, v2;
	v3 =	vadd.f32 v37, v3;
	v45 =	vld [tilespmem:s26+$0x10];
	s28 =	sshll.u32 s28, $0x10;
	s26 =	sand.u32 $0xFFFFFFE0, s31  }
0x174: {  	v47 =	vmul.f32 v40, v6;
	s31 =	sshra.s32 s29, $0xB;
	v49 =	vmov s28;
	s28 =	spop (v2sf);
	(v2sf) =	vpush v1, $0x8;
	v46 =	vld [tilespmem:s26+$0x0]  }
0x175: {  	v7 =	vbroadcast v44, $0x0;
	v2 =	vadd.f32 v38, v2;
	v3 =	vadd.f32 v42, v3;
	s29 =	sshll.u32 s29, $0x10;
	v50 =	vld [tilespmem:s26+$0x10];
	s26 =	sand.u32 $0xFFFFFFE0, s31  }
0x176: {  	v6 =	vbroadcast v49, $0x0;
	s31 =	sshra.s32 s28, $0xB;
	v54 =	vmov s29;
	s29 =	spop (v2sf);
	s28 =	sshll.u32 s28, $0x10;
	(v2sf) =	vpush v0, $0x8;
	v51 =	vld [tilespmem:s26+$0x0]  }
0x177: {  	v2 =	vadd.f32 v43, v2;
	v3 =	vadd.f32 v47, v3;
	v55 =	vld [tilespmem:s26+$0x10];
	s26 =	sand.u32 $0xFFFFFFE0, s31;
	s31 =	sshra.s32 s29, $0xB;
	v59 =	vmov s28;
	s29 =	sshll.u32 s29, $0x10  }
0x178: {  	s28 =	spop (v2sf);
	(v2sf) =	vpush v1, $0x9;
	v56 =	vld [tilespmem:s26+$0x0];
	v12 =	vmov s29;
	v48 =	vmul.f32 v41, v7  }
0x179: {  	v60 =	vld [tilespmem:s26+$0x10];
	s26 =	sand.u32 $0xFFFFFFE0, s31;
	s31 =	sshra.s32 s28, $0xB;
	s28 =	sshll.u32 s28, $0x10;
	(v2sf) =	vpush v0, $0x9;
	v52 =	vmul.f32 v45, v7;
	v7 =	vbroadcast v54, $0x0  }
0x17a: {  	v61 =	vld [tilespmem:s26+$0x0];
	v17 =	vmov s28;
	v2 =	vadd.f32 v48, v2;
	v53 =	vmul.f32 v46, v6  }
0x17b: {  	v13 =	vld [tilespmem:s26+$0x10];
	s26 =	sand.u32 $0xFFFFFFE0, s31;
	v3 =	vadd.f32 v52, v3;
	v57 =	vmul.f32 v50, v6;
	v6 =	vbroadcast v59, $0x0  }
0x17c: {  	v14 =	vld [tilespmem:s26+$0x0];
	v58 =	vmul.f32 v51, v7;
	v62 =	vmul.f32 v55, v7;
	v2 =	vadd.f32 v53, v2  }
0x17d: {  	v18 =	vld [tilespmem:s26+$0x10];
	v7 =	vbroadcast v12, $0x0;
	v3 =	vadd.f32 v57, v3;
	v63 =	vmul.f32 v56, v6;
	s29 =	spop (v2sf)  }
0x17e: {  	v15 =	vmul.f32 v60, v6;
	v2 =	vadd.f32 v58, v2;
	(v2sf) =	vpush v1, $0xA;
	s31 =	sshra.s32 s29, $0xB  }
0x17f: {  	v6 =	vbroadcast v17, $0x0;
	v16 =	vmul.f32 v61, v7;
	v3 =	vadd.f32 v62, v3;
	s26 =	sand.u32 $0xFFFFFFE0, s31;
	s28 =	spop (v2sf)  }
0x180: {  	v20 =	vmul.f32 v13, v7;
	v2 =	vadd.f32 v63, v2;
	s29 =	sshll.u32 s29, $0x10;
	(v2sf) =	vpush v0, $0xA;
	v19 =	vld [tilespmem:s26+$0x0];
	s31 =	sshra.s32 s28, $0xB  }
0x181: {  	v21 =	vmul.f32 v14, v6;
	v3 =	vadd.f32 v15, v3;
	v22 =	vmov s29;
	v23 =	vld [tilespmem:s26+$0x10];
	s29 =	spop (v2sf);
	s26 =	sand.u32 $0xFFFFFFE0, s31  }
0x182: {  	v26 =	vmul.f32 v18, v6;
	(v2sf) =	vpush v1, $0xB;
	v2 =	vadd.f32 v16, v2;
	s28 =	sshll.u32 s28, $0x10;
	s31 =	sshra.s32 s29, $0xB;
	v25 =	vld [tilespmem:s26+$0x0]  }
0x183: {  	v3 =	vadd.f32 v20, v3;
	(v2sf) =	vpush v0, $0xB;
	v28 =	vmov s28;
	s28 =	spop (v2sf);
	v29 =	vld [tilespmem:s26+$0x10];
	s26 =	sand.u32 $0xFFFFFFE0, s31  }
0x184: {  	v24 =	vbroadcast v22, $0x0;
	s29 =	sshll.u32 s29, $0x10;
	(v2sf) =	vpush v1, $0xC;
	v2 =	vadd.f32 v21, v2;
	s31 =	sshra.s32 s28, $0xB;
	v30 =	vld [tilespmem:s26+$0x0]  }
0x185: {  	v9 =	vbroadcast v28, $0x0;
	v3 =	vadd.f32 v26, v3;
	v32 =	vmov s29;
	s29 =	spop (v2sf);
	s28 =	sshll.u32 s28, $0x10;
	v33 =	vld [tilespmem:s26+$0x10];
	s26 =	sand.u32 $0xFFFFFFE0, s31  }
0x186: {  	(v2sf) =	vpush v0, $0xC;
	v34 =	vbroadcast v32, $0x0;
	s31 =	sshra.s32 s29, $0xB;
	v38 =	vmov s28;
	s29 =	sshll.u32 s29, $0x10;
	v35 =	vld [tilespmem:s26+$0x0]  }
0x187: {  	s28 =	spop (v2sf);
	(v2sf) =	vpush v1, $0xD;
	v39 =	vld [tilespmem:s26+$0x10];
	s26 =	sand.u32 $0xFFFFFFE0, s31;
	v42 =	vmov s29;
	v27 =	vmul.f32 v19, v24  }
0x188: {  	s31 =	sshra.s32 s28, $0xB;
	s29 =	spop (v2sf);
	s28 =	sshll.u32 s28, $0x10;
	(v2sf) =	vpush v0, $0xD;
	v4 =	vmul.f32 v23, v24;
	v44 =	vbroadcast v42, $0x0  }
0x189: {  	v40 =	vld [tilespmem:s26+$0x0];
	v49 =	vmov s28;
	v2 =	vadd.f32 v27, v2;
	v31 =	vmul.f32 v25, v9  }
0x18a: {  	v43 =	vld [tilespmem:s26+$0x10];
	s31 =	sand.u32 $0xFFFFFFE0, s31;
	(v2sf) =	vpush v1, $0xE;
	v3 =	vadd.f32 v4, v3;
	v36 =	vmul.f32 v29, v9  }
0x18b: {  	s30 =	sshra.s32 s29, $0xB;
	v45 =	vld [tilespmem:s31+$0x0];
	v9 =	vbroadcast v38, $0x0;
	v37 =	vmul.f32 v30, v34;
	v2 =	vadd.f32 v31, v2  }
0x18c: {  	s29 =	sshll.u32 s29, $0x10;
	v46 =	vld [tilespmem:s31+$0x10];
	s26 =	sand.u32 $0xFFFFFFE0, s30;
	v10 =	vbroadcast v49, $0x0;
	v4 =	vmul.f32 v33, v34;
	v3 =	vadd.f32 v36, v3  }
0x18d: {  	v52 =	vmov s29;
	v50 =	vld [tilespmem:s26+$0x0];
	v41 =	vmul.f32 v35, v9;
	v2 =	vadd.f32 v37, v2;
	s28 =	spop (v2sf)  }
0x18e: {  	(v2sf) =	vpush v0, $0xE;
	v51 =	vld [tilespmem:s26+$0x10];
	v47 =	vmul.f32 v39, v9;
	v3 =	vadd.f32 v4, v3;
	s31 =	sshra.s32 s28, $0xB  }
0x18f: {  	v55 =	vbroadcast v52, $0x0;
	v48 =	vmul.f32 v40, v44;
	v2 =	vadd.f32 v41, v2;
	s30 =	spop (v2sf);
	s26 =	sand.u32 $0xFFFFFFE0, s31  }
0x190: {  	(v2sf) =	vpush v1, $0xF;
	v4 =	vmul.f32 v43, v44;
	v3 =	vadd.f32 v47, v3;
	s31 =	sshra.s32 s30, $0xB;
	v53 =	vld [tilespmem:s26+$0x0]  }
0x191: {  	v6 =	vmul.f32 v45, v10;
	v54 =	vmul.f32 v46, v10;
	s28 =	sshll.u32 s28, $0x10;
	s29 =	spop (v2sf);
	v2 =	vadd.f32 v48, v2;
	v56 =	vld [tilespmem:s26+$0x10];
	s26 =	sand.u32 $0xFFFFFFE0, s31  }
0x192: {  	v60 =	vmul.f32 v50, v55;
	v57 =	vmov s28;
	v3 =	vadd.f32 v4, v3;
	s31 =	sshra.s32 s29, $0xB;
	v58 =	vld [tilespmem:s26+$0x0]  }
0x193: {  	v5 =	vmul.f32 v51, v55;
	s30 =	sshll.u32 s30, $0x10;
	v61 =	vbroadcast v57, $0x0;
	s28 =	spop (v2sf);
	v62 =	vld [tilespmem:s26+$0x10];
	s26 =	sand.u32 $0xFFFFFFE0, s31;
	v2 =	vadd.f32 v6, v2  }
0x194: {  	(v2sf) =	vpush v0, $0xF;
	v63 =	vmov s30;
	s31 =	sshra.s32 s28, $0xB;
	v59 =	vadd.f32 v54, v3;
	v12 =	vld [tilespmem:s26+$0x0]  }
0x195: {  	s29 =	sshll.u32 s29, $0x10;
	v7 =	vbroadcast v63, $0x0;
	v13 =	vld [tilespmem:s26+$0x10];
	s26 =	spop (v2sf);
	s30 =	sand.u32 $0xFFFFFFE0, s31;
	v2 =	vadd.f32 v60, v2;
	v14 =	vmul.f32 v53, v61  }
0x196: {  	v15 =	vmov s29;
	v16 =	vld [tilespmem:s30+$0x0];
	s31 =	sshra.s32 s26, $0xB;
	v1 =	vadd.f32 v5, v59;
	v4 =	vmul.f32 v56, v61  }
0x197: {  	s28 =	sshll.u32 s28, $0x10;
	v17 =	vld [tilespmem:s30+$0x10];
	s30 =	spop (v2sf);
	v5 =	vbroadcast v15, $0x0;
	s29 =	sand.u32 $0xFFFFFFE0, s31;
	v18 =	vmul.f32 v58, v7;
	v2 =	vadd.f32 v14, v2  }
0x198: {  	v20 =	vmov s28;
	s31 =	sshra.s32 s30, $0xB;
	v21 =	vld [tilespmem:s29+$0x0];
	v19 =	vmul.f32 v62, v7;
	v1 =	vadd.f32 v4, v1  }
0x199: {  	v6 =	vbroadcast v20, $0x0;
	s26 =	sshll.u32 s26, $0x10;
	v22 =	vld [tilespmem:s29+$0x10];
	s29 =	spop (v2sf);
	s28 =	sand.u32 $0xFFFFFFE0, s31;
	v23 =	vmul.f32 v12, v5;
	v2 =	vadd.f32 v18, v2  }
0x19a: {  	v24 =	vmov s26;
	v25 =	vld [tilespmem:s28+$0x0];
	s31 =	sshra.s32 s29, $0xB;
	v0 =	vmul.f32 v13, v5;
	v1 =	vadd.f32 v19, v1  }
0x19b: {  	s30 =	sshll.u32 s30, $0x10;
	v26 =	vld [tilespmem:s28+$0x10];
	s28 =	spop (v2sf);
	v4 =	vbroadcast v24, $0x0;
	s26 =	sand.u32 $0xFFFFFFE0, s31;
	v27 =	vmul.f32 v16, v6;
	v2 =	vadd.f32 v23, v2  }
0x19c: {  	v29 =	vmov s30;
	s31 =	sshra.s32 s28, $0xB;
	v28 =	vmul.f32 v17, v6;
	v30 =	vld [tilespmem:s26+$0x0];
	v0 =	vadd.f32 v0, v1  }
0x19d: {  	s29 =	sshll.u32 s29, $0x10;
	v31 =	vld [tilespmem:s26+$0x10];
	s26 =	spop (v2sf);
	v6 =	vbroadcast v29, $0x0;
	s30 =	sand.u32 $0xFFFFFFE0, s31;
	v32 =	vmul.f32 v21, v4;
	v2 =	vadd.f32 v27, v2  }
0x19e: {  	v34 =	vmov s29;
	v35 =	vld [tilespmem:s30+$0x0];
	s31 =	sshra.s32 s26, $0xB;
	v33 =	vmul.f32 v22, v4;
	v0 =	vadd.f32 v28, v0  }
0x19f: {  	s28 =	sshll.u32 s28, $0x10;
	v36 =	vld [tilespmem:s30+$0x10];
	s30 =	spop (v2sf);
	v4 =	vbroadcast v34, $0x0;
	s29 =	sand.u32 $0xFFFFFFE0, s31;
	v37 =	vmul.f32 v25, v6;
	v2 =	vadd.f32 v32, v2  }
0x1a0: {  	v39 =	vmov s28;
	s31 =	sshra.s32 s30, $0xB;
	v38 =	vmul.f32 v26, v6;
	v40 =	vld [tilespmem:s29+$0x0];
	v0 =	vadd.f32 v33, v0  }
0x1a1: {  	v5 =	vbroadcast v39, $0x0;
	s26 =	sshll.u32 s26, $0x10;
	v41 =	vld [tilespmem:s29+$0x10];
	s29 =	spop (v2sf);
	s28 =	sand.u32 $0xFFFFFFE0, s31;
	v42 =	vmul.f32 v30, v4;
	v2 =	vadd.f32 v37, v2  }
0x1a2: {  	v44 =	vmov s26;
	v45 =	vld [tilespmem:s28+$0x0];
	s31 =	sshra.s32 s29, $0xB;
	v43 =	vmul.f32 v31, v4;
	v0 =	vadd.f32 v38, v0  }
0x1a3: {  	s30 =	sshll.u32 s30, $0x10;
	v47 =	vld [tilespmem:s28+$0x10];
	v4 =	vbroadcast v44, $0x0;
	s26 =	sand.u32 $0xFFFFFFE0, s31;
	s28 =	spop (v2sf);
	v46 =	vmul.f32 v35, v5;
	v2 =	vadd.f32 v42, v2  }
0x1a4: {  	v49 =	vmov s30;
	v48 =	vmul.f32 v36, v5;
	v50 =	vld [tilespmem:s26+$0x0];
	s30 =	sshra.s32 s28, $0xB;
	v0 =	vadd.f32 v43, v0  }
0x1a5: {  	s31 =	sshll.u32 s29, $0x10;
	v51 =	vld [tilespmem:s26+$0x10];
	v5 =	vbroadcast v49, $0x0;
	s30 =	sand.u32 $0xFFFFFFE0, s30;
	v52 =	vmul.f32 v40, v4;
	v2 =	vadd.f32 v46, v2  }
0x1a6: {  	v54 =	vmov s31;
	v53 =	vmul.f32 v41, v4;
	v55 =	vld [tilespmem:s30+$0x0];
	v0 =	vadd.f32 v48, v0  }
0x1a7: {  	s31 =	sshll.u32 s28, $0x10;
	v4 =	vbroadcast v54, $0x0;
	v57 =	vld [tilespmem:s30+$0x10];
	v56 =	vmul.f32 v45, v5;
	v2 =	vadd.f32 v52, v2  }
0x1a8: {  	v59 =	vmov s31;
	v58 =	vmul.f32 v47, v5;
	v0 =	vadd.f32 v53, v0  }
0x1a9: {  	v5 =	vbroadcast v59, $0x0;
	v60 =	vmul.f32 v50, v4;
	v2 =	vadd.f32 v56, v2  }
0x1aa: {  	v61 =	vmul.f32 v51, v4;
	v0 =	vadd.f32 v58, v0  }
0x1ab: {  	p0 =	sne.s32 s24, $0xF80;
	v62 =	vmul.f32 v55, v5;
	v2 =	vadd.f32 v60, v2  }
.Ltmp1:
0x1ac: {  	v63 =	vmul.f32 v57, v5;
	v0 =	vadd.f32 v61, v0;
	(pc) =	sbr.rel @p0 .LBB2_5-.Ltmp1, $4  }
0x1ad: {  	v2 =	vadd.f32 v62, v2  }
0x1ae: {  	v0 =	vadd.f32 v63, v0  }
0x1af: {  	[tilespmem:s25+$0x0] =	vst v2  }
0x1b0: {  	s24 =	sadd.s32 $0x80, s24;
	[tilespmem:s25+$0x10] =	vst v0;
	s25 =	sadd.s32 $0x40, s25  }
0x1b1: {  	s23 =	sshll.u32 s23, $0x5  }
0x1b2: {  	s22 =	sadd.s32 $0x1, s22;
	s23 =	sadd.s32 s10, s23  }
0x1b3: {  	p0 =	sne.s32 s22, $0x10;
	s23 =	sshrl.u32 s23, $0x3  }
.Ltmp2:
0x1b4: {  	s23 =	sadd.s32 s2, s23;
	(pc) =	sbr.rel @p0 .LBB2_2-.Ltmp2, $4  }
0x1b5: {  	[hbm4b:s23+s3] =	stream.linear.scatter [tilespmem:s19], [sflag:$0x3], $0x800, $0x38;
	[tilespmem:$0x1F800] =	vst v63  }
0x1b6: {  	_ =	swait.ge [sflag:s13], $0x800  }
0x1b7: {  	[sflag:s13] =	ssyncset.done $0x0  }
0x1b8: {  	[sflag:s13] =	ssyncadd.s32 $0xFFFFF800  }
0x1b9: {  	s21 =	sadd.s32 $0x1, s21  }
0x1ba: {  	_ =	swait.ge [sflag:s18], $0x400;
	p0 =	sne.s32 s21, s12  }
.Ltmp3:
0x1bb: {  	[sflag:s18] =	ssyncset.done $0x0;
	(pc) =	sbr.rel @p0 .LBB2_1-.Ltmp3, $4  }
0x1bc: {  	[sflag:s18] =	ssyncadd.s32 $0xFFFFFC00  }
0x1bd: {  	_ =	swait.ge [sflag:s18], $0x400  }
0x1be: {  	[sflag:s18] =	ssyncset.done $0x0  }
0x1bf: {  	[sflag:s18] =	ssyncadd.s32 $0xFFFFFC00  }
0x1c0: {  	_ =	sfence.sel $0x180000  }
0x1c1: {  	[bflag:$0x0] =	sbarrier.arrive $0xFFFF  }
0x1c2: {  	p0 =	sne.s32 s0, $0x0;
	_ =	strace $0x90000047  }
0x1c3: {  	s0 =	sadd.s32 @!p0 $0x100000, s1;
	[bflag:$0x2] =	sbarrier.arrive $0xFFFF  }
0x1c4: {  	[sflag:s0] =	ssyncadd.tile.s32 @!p0 $0x1;
	_ =	shalt  }
.Lfunc_end2:
_tile_overlayer_lowered:
.L_overlay_start_2:
0x1c5: {  	(tag) =	ssettag $0x2  }
0x1c6: {  	s0 =	rddreg [dreg:$0x0];
	s2 =	stileid.u32  }
0x1c7: {  	s1 =	rddreg [dreg:$0x1];
	p0 =	sne.s32 s2, $0x0  }
0x1c8: {  	s3 =	rddreg [dreg:$0x2];
	[bflag:$0x3] =	sbarrier.arrive $0xFFFF;
	s2 =	simm.s32 @!p0 $0x1C03  }
0x1c9: {  	[timem:s3], [sflag:s2] =	dma.local @!p0 [hbm:s0], s1  }
0x1ca: {  	s0 =	simm.s32 @!p0 $0x3  }
0x1cb: {  	_ =	swait.ge @!p0 [sflag:s0], s1  }
0x1cc: {  	s1 =	ssub.s32 @!p0 $0x0, s1;
	[sflag:s0] =	ssyncset.done @!p0 $0x0  }
0x1cd: {  	[sflag:s0] =	ssyncadd.s32 @!p0 s1  }
0x1ce: {  	[bflag:$0x3] =	sbarrier.arrive $0xFFFF  }
0x1cf: {  	_ =	shalt  }

</sc_bundles>
